<compile_context>
chip_gen: v7x
topology: tpu7x:2x2x1
jax: 0.10.2.dev20260603
libtpu: 0.0.44.dev20260713+nightly
codegen_flags: <defaults>
</compile_context>

<pallas_src>
import functools

import jax
import jax.numpy as jnp
from jax import lax
from jax.experimental import pallas as pl
from jax.experimental.pallas import tpu as pltpu
from jax.experimental.pallas import tpu_sc as plsc

_TP = 8
_CHUNK = 6400
_LANES = 16


def kernel(x, table):
    B, L = x.shape
    V, E = table.shape
    n_chunks = B // _TP
    N = B * L
    M = n_chunks * L

    info = plsc.get_sparse_core_info()
    rows_per_worker = 2
    chunks_per_t = M // _CHUNK
    n_chunk = N // _CHUNK

    idx = (
        x.astype(jnp.int32)
        .reshape(n_chunks, _TP, L)
        .transpose(1, 0, 2)
        .reshape(N)
    )

    table_t = jnp.swapaxes(table, 0, 1)

    mesh = plsc.VectorSubcoreMesh(core_axis_name="c", subcore_axis_name="s")

    @functools.partial(
        pl.kernel,
        mesh=mesh,
        out_type=jax.ShapeDtypeStruct((_TP, E, M), table.dtype),
        scratch_types=[
            pltpu.VMEM((V,), table.dtype),
            pltpu.VMEM((2, _CHUNK), jnp.int32),
            pltpu.VMEM((2, _CHUNK), table.dtype),
            pltpu.SemaphoreType.DMA,
            pltpu.SemaphoreType.DMA,
            pltpu.SemaphoreType.DMA,
            pltpu.SemaphoreType.DMA,
        ],
        compiler_params=pltpu.CompilerParams(needs_layout_passes=False),
    )
    def gather_kernel(
        tab_hbm, idx_hbm, out_hbm, row_v, idx_v, out_v, i0, i1, w0, w1
    ):
        isem = (i0, i1)
        wsem = (w0, w1)
        cid = lax.axis_index("c")
        sid = lax.axis_index("s")
        wid = sid * info.num_cores + cid

        def gather_chunk(b):
            @pl.loop(0, _CHUNK, step=16 * _LANES)
            def _(o):
                for k in range(16):
                    sl = pl.ds(o + k * _LANES, _LANES)
                    out_v[b, sl] = plsc.load_gather(row_v, [idx_v[b, sl]])

        def fire_idx(c, b):
            return pltpu.async_copy(
                idx_hbm.at[pl.ds(c * _CHUNK, _CHUNK)], idx_v.at[b], isem[b]
            )

        def wait_idx(b):
            pltpu.make_async_copy(
                idx_hbm.at[pl.ds(0, _CHUNK)], idx_v.at[b], isem[b]
            ).wait()

        def wait_out(b):
            pltpu.make_async_copy(
                out_v.at[b], out_hbm.at[0, 0, pl.ds(0, _CHUNK)], wsem[b]
            ).wait()

        def fire_out(c, b, e):
            t = c // chunks_per_t
            m0 = (c % chunks_per_t) * _CHUNK
            pltpu.async_copy(
                out_v.at[b],
                out_hbm.at[t, e, pl.ds(m0, _CHUNK)],
                wsem[b],
            )

        for e_i in range(rows_per_worker):
            e = wid * rows_per_worker + e_i
            pltpu.sync_copy(tab_hbm.at[e], row_v)
            fire_idx(0, 0)
            fire_idx(1, 1)
            for b in range(2):
                wait_idx(b)
                gather_chunk(b)
                fire_idx(b + 2, b)
                fire_out(b, b, e)

            @pl.loop(2, n_chunk - 2, step=2)
            def _(c0):
                for b in range(2):
                    c = c0 + b
                    wait_idx(b)
                    wait_out(b)
                    gather_chunk(b)
                    fire_idx(c + 2, b)
                    fire_out(c, b, e)

            for b in range(2):
                c = n_chunk - 2 + b
                wait_idx(b)
                wait_out(b)
                gather_chunk(b)
                fire_out(c, b, e)
            wait_out(0)
            wait_out(1)

    out_t = gather_kernel(table_t, idx)
    return jnp.transpose(out_t, (0, 2, 1))

# --- scband reference (transcript-rebuilt; emitter-appended) ---
"""Pipeline reference for scband-column-parallel-embedding-71339406786651 (READ-ONLY COPY).

The authoritative reference and input builder live on the scoring server;
editing this copy changes nothing except your own understanding.
"""

import jax, jax.numpy as jnp
import numpy as np

VOCAB_SIZE = 100000
EMBED_SIZE = 64
TP_SIZE = 8  # tp_group.size()


def setup_inputs(seed: int = 0) -> dict:
    key = jax.random.key(seed)
    k_idx, k_tab = jax.random.split(key)
    x = jax.random.randint(k_idx, (4096, 50), 0, VOCAB_SIZE, dtype=jnp.int64 if jax.config.jax_enable_x64 else jnp.int32)
    table = jax.random.normal(k_tab, (VOCAB_SIZE, EMBED_SIZE), dtype=jnp.float32)
    return {"x": x, "table": table}


def reference(x, table):
    # x: int[B, L] token indices; table: float32[vocab, embed]
    emb = jnp.take(table, x, axis=0)  # [B, L, E]  (nn.Embedding lookup)
    B, L, E = emb.shape
    tp = TP_SIZE
    n_chunks = B // tp
    # torch.split(emb, tp) along dim 0 -> n_chunks chunks of [tp, L, E];
    # torch.cat(chunks, dim=1) -> [tp, n_chunks * L, E]
    out = emb.reshape(n_chunks, tp, L, E).transpose(1, 0, 2, 3).reshape(tp, n_chunks * L, E)
    return out

if __name__ == "__main__":
    import jax
    _d = setup_inputs()
    print(jax.jit(kernel)(*tuple(_d.values())))

</pallas_src>

<mosaic_0001>
#map = affine_map<(d0, d1) -> (0, 0)>
#map1 = affine_map<(d0, d1) -> (0)>
#map2 = affine_map<(d0, d1) -> (0, 0, 0)>
module attributes {stable_mosaic.version = 14 : i64} {
  func.func @gather_kernel(%arg0: i32, %arg1: i32, %arg2: memref<64x100000xf32, #tpu.memory_space<hbm>>, %arg3: memref<204800xi32, #tpu.memory_space<hbm>>, %arg4: memref<8x64x25600xf32, #tpu.memory_space<hbm>>, %arg5: memref<100000xf32, #tpu.memory_space<vmem>>, %arg6: memref<2x6400xi32, #tpu.memory_space<vmem>>, %arg7: memref<2x6400xf32, #tpu.memory_space<vmem>>, %arg8: memref<!tpu.dma_semaphore, #tpu.memory_space<semaphore_mem>>, %arg9: memref<!tpu.dma_semaphore, #tpu.memory_space<semaphore_mem>>, %arg10: memref<!tpu.dma_semaphore, #tpu.memory_space<semaphore_mem>>, %arg11: memref<!tpu.dma_semaphore, #tpu.memory_space<semaphore_mem>>) attributes {dimension_semantics = [#tpu.dimension_semantics<core_parallel>, #tpu.dimension_semantics<subcore_parallel>], iteration_bounds = array<i64: 2, 16>, scalar_prefetch = 0 : i64, scratch_operands = 7 : i64, tpu.core_type = #tpu.core_type<sc_vector_subcore>, window_params = [{transform_indices = #map}, {transform_indices = #map1}, {transform_indices = #map2}]} {
    %mul3A = arith.constant 2 : i32
    %mul3A_0 = arith.muli %arg1, %mul3A : i32
    %add3A = arith.addi %mul3A_0, %arg0 : i32
    %mul3A_1 = arith.constant 2 : i32
    %mul3A_2 = arith.muli %add3A, %mul3A_1 : i32
    %add3A_3 = arith.constant 0 : i32
    %add3A_4 = arith.addi %mul3A_2, %add3A_3 : i32
    "tpu.region"() ({
      %run_scoped3A = tpu.sem_alloc : memref<!tpu.dma_semaphore, #tpu.memory_space<semaphore_mem>>
      %dma_start3A_464 = arith.constant 0 : i32
      %dma_start3A_465 = tpu.memref_slice %arg2[%add3A_4, %dma_start3A_464] : memref<64x100000xf32, #tpu.memory_space<hbm>> -> memref<1x100000xf32, #tpu.memory_space<hbm>>
      %dma_start3A_466 = tpu.memref_squeeze %dma_start3A_465 : memref<1x100000xf32, #tpu.memory_space<hbm>> -> memref<100000xf32, #tpu.memory_space<hbm>>
      %dma_start3A_467 = arith.constant 0 : i32
      %dma_start3A_468 = tpu.memref_slice %arg2[%add3A_4, %dma_start3A_467] : memref<64x100000xf32, #tpu.memory_space<hbm>> -> memref<1x100000xf32, #tpu.memory_space<hbm>>
      %dma_start3A_469 = tpu.memref_squeeze %dma_start3A_468 : memref<1x100000xf32, #tpu.memory_space<hbm>> -> memref<100000xf32, #tpu.memory_space<hbm>>
      tpu.enqueue_dma source(%dma_start3A_469 : memref<100000xf32, #tpu.memory_space<hbm>>) target(%arg5 : memref<100000xf32, #tpu.memory_space<vmem>>) target_semaphore(%run_scoped3A : memref<!tpu.dma_semaphore, #tpu.memory_space<semaphore_mem>>)
      %dma_wait3A_470 = arith.constant 0 : i32
      %dma_wait3A_471 = tpu.memref_slice %arg2[%add3A_4, %dma_wait3A_470] : memref<64x100000xf32, #tpu.memory_space<hbm>> -> memref<1x100000xf32, #tpu.memory_space<hbm>>
      %dma_wait3A_472 = tpu.memref_squeeze %dma_wait3A_471 : memref<1x100000xf32, #tpu.memory_space<hbm>> -> memref<100000xf32, #tpu.memory_space<hbm>>
      %dma_wait3A_473 = arith.constant 0 : i32
      %dma_wait3A_474 = tpu.memref_slice %arg2[%add3A_4, %dma_wait3A_473] : memref<64x100000xf32, #tpu.memory_space<hbm>> -> memref<1x100000xf32, #tpu.memory_space<hbm>>
      %dma_wait3A_475 = tpu.memref_squeeze %dma_wait3A_474 : memref<1x100000xf32, #tpu.memory_space<hbm>> -> memref<100000xf32, #tpu.memory_space<hbm>>
      tpu.wait_dma2 semaphore(%run_scoped3A : memref<!tpu.dma_semaphore, #tpu.memory_space<semaphore_mem>>) src(%dma_wait3A_475 : memref<100000xf32, #tpu.memory_space<hbm>>) dst(%arg5 : memref<100000xf32, #tpu.memory_space<vmem>>)
      tpu.yield
    }) : () -> ()
    %dma_start3A = arith.constant 0 : i32
    %dma_start3A_5 = arith.constant 0 : i32
    %dma_start3A_6 = tpu.memref_slice %arg6[%dma_start3A, %dma_start3A_5] : memref<2x6400xi32, #tpu.memory_space<vmem>> -> memref<1x6400xi32, #tpu.memory_space<vmem>>
    %dma_start3A_7 = tpu.memref_squeeze %dma_start3A_6 : memref<1x6400xi32, #tpu.memory_space<vmem>> -> memref<6400xi32, #tpu.memory_space<vmem>>
    %dma_start3A_8 = arith.constant 0 : i32
    %dma_start3A_9 = tpu.memref_slice %arg3[%dma_start3A_8] : memref<204800xi32, #tpu.memory_space<hbm>> -> memref<6400xi32, #tpu.memory_space<hbm>>
    %dma_start3A_10 = arith.constant 0 : i32
    %dma_start3A_11 = tpu.memref_slice %arg6[%dma_start3A, %dma_start3A_10] : memref<2x6400xi32, #tpu.memory_space<vmem>> -> memref<1x6400xi32, #tpu.memory_space<vmem>>
    %dma_start3A_12 = tpu.memref_squeeze %dma_start3A_11 : memref<1x6400xi32, #tpu.memory_space<vmem>> -> memref<6400xi32, #tpu.memory_space<vmem>>
    %dma_start3A_13 = arith.constant 0 : i32
    %dma_start3A_14 = tpu.memref_slice %arg3[%dma_start3A_13] : memref<204800xi32, #tpu.memory_space<hbm>> -> memref<6400xi32, #tpu.memory_space<hbm>>
    tpu.enqueue_dma source(%dma_start3A_14 : memref<6400xi32, #tpu.memory_space<hbm>>) target(%dma_start3A_12 : memref<6400xi32, #tpu.memory_space<vmem>>) target_semaphore(%arg8 : memref<!tpu.dma_semaphore, #tpu.memory_space<semaphore_mem>>)
    %dma_start3A_15 = arith.constant 1 : i32
    %dma_start3A_16 = arith.constant 0 : i32
    %dma_start3A_17 = tpu.memref_slice %arg6[%dma_start3A_15, %dma_start3A_16] : memref<2x6400xi32, #tpu.memory_space<vmem>> -> memref<1x6400xi32, #tpu.memory_space<vmem>>
    %dma_start3A_18 = tpu.memref_squeeze %dma_start3A_17 : memref<1x6400xi32, #tpu.memory_space<vmem>> -> memref<6400xi32, #tpu.memory_space<vmem>>
    %dma_start3A_19 = arith.constant 6400 : i32
    %dma_start3A_20 = tpu.memref_slice %arg3[%dma_start3A_19] : memref<204800xi32, #tpu.memory_space<hbm>> -> memref<6400xi32, #tpu.memory_space<hbm>>
    %dma_start3A_21 = arith.constant 0 : i32
    %dma_start3A_22 = tpu.memref_slice %arg6[%dma_start3A_15, %dma_start3A_21] : memref<2x6400xi32, #tpu.memory_space<vmem>> -> memref<1x6400xi32, #tpu.memory_space<vmem>>
    %dma_start3A_23 = tpu.memref_squeeze %dma_start3A_22 : memref<1x6400xi32, #tpu.memory_space<vmem>> -> memref<6400xi32, #tpu.memory_space<vmem>>
    %dma_start3A_24 = arith.constant 6400 : i32
    %dma_start3A_25 = tpu.memref_slice %arg3[%dma_start3A_24] : memref<204800xi32, #tpu.memory_space<hbm>> -> memref<6400xi32, #tpu.memory_space<hbm>>
    tpu.enqueue_dma source(%dma_start3A_25 : memref<6400xi32, #tpu.memory_space<hbm>>) target(%dma_start3A_23 : memref<6400xi32, #tpu.memory_space<vmem>>) target_semaphore(%arg9 : memref<!tpu.dma_semaphore, #tpu.memory_space<semaphore_mem>>)
    %dma_wait3A = arith.constant 0 : i32
    %dma_wait3A_26 = arith.constant 0 : i32
    %dma_wait3A_27 = tpu.memref_slice %arg6[%dma_wait3A, %dma_wait3A_26] : memref<2x6400xi32, #tpu.memory_space<vmem>> -> memref<1x6400xi32, #tpu.memory_space<vmem>>
    %dma_wait3A_28 = tpu.memref_squeeze %dma_wait3A_27 : memref<1x6400xi32, #tpu.memory_space<vmem>> -> memref<6400xi32, #tpu.memory_space<vmem>>
    %dma_wait3A_29 = arith.constant 0 : i32
    %dma_wait3A_30 = tpu.memref_slice %arg3[%dma_wait3A_29] : memref<204800xi32, #tpu.memory_space<hbm>> -> memref<6400xi32, #tpu.memory_space<hbm>>
    %dma_wait3A_31 = arith.constant 0 : i32
    %dma_wait3A_32 = tpu.memref_slice %arg6[%dma_wait3A, %dma_wait3A_31] : memref<2x6400xi32, #tpu.memory_space<vmem>> -> memref<1x6400xi32, #tpu.memory_space<vmem>>
    %dma_wait3A_33 = tpu.memref_squeeze %dma_wait3A_32 : memref<1x6400xi32, #tpu.memory_space<vmem>> -> memref<6400xi32, #tpu.memory_space<vmem>>
    %dma_wait3A_34 = arith.constant 0 : i32
    %dma_wait3A_35 = tpu.memref_slice %arg3[%dma_wait3A_34] : memref<204800xi32, #tpu.memory_space<hbm>> -> memref<6400xi32, #tpu.memory_space<hbm>>
    tpu.wait_dma2 semaphore(%arg8 : memref<!tpu.dma_semaphore, #tpu.memory_space<semaphore_mem>>) src(%dma_wait3A_35 : memref<6400xi32, #tpu.memory_space<hbm>>) dst(%dma_wait3A_33 : memref<6400xi32, #tpu.memory_space<vmem>>)
    %scan3A = arith.constant 0 : i32
    %scan3A_36 = arith.constant 25 : i32
    %scan3A_37 = arith.addi %scan3A, %scan3A_36 : i32
    %scan3A_38 = arith.constant 1 : i32
    scf.for %scan3A_464 = %scan3A to %scan3A_37 step %scan3A_38  : i32 {
      %mul3A_465 = arith.constant 256 : i32
      %mul3A_466 = arith.muli %scan3A_464, %mul3A_465 : i32
      %add3A_467 = arith.constant 0 : i32
      %add3A_468 = arith.addi %add3A_467, %mul3A_466 : i32
      %add3A_469 = arith.constant 0 : i32
      %add3A_470 = arith.addi %add3A_468, %add3A_469 : i32
      %get3A = arith.constant 0 : i32
      %get3A_471 = arith.index_cast %get3A : i32 to index
      %get3A_472 = arith.index_cast %add3A_470 : i32 to index
      %get3A_473 = tpu.vector_load %arg6[%get3A_471, %get3A_472] {strides = array<i32>} : memref<2x6400xi32, #tpu.memory_space<vmem>>, vector<16xi32>,
      %gather3A = tpu.vector_load_idx %arg5[%get3A_473] : memref<100000xf32, #tpu.memory_space<vmem>>[vector<16xi32>], vector<16xf32>,
      %swap3A = arith.constant 0 : i32
      %swap3A_474 = arith.index_cast %swap3A : i32 to index
      %swap3A_475 = arith.index_cast %add3A_470 : i32 to index
      %swap3A_476 = tpu.vector_load %arg7[%swap3A_474, %swap3A_475] {strides = array<i32>} : memref<2x6400xf32, #tpu.memory_space<vmem>>, vector<16xf32>,
      tpu.vector_store %arg7[%swap3A_474, %swap3A_475], %gather3A {strides = array<i32>} : memref<2x6400xf32, #tpu.memory_space<vmem>>, vector<16xf32>,
      %add3A_477 = arith.constant 16 : i32
      %add3A_478 = arith.addi %add3A_468, %add3A_477 : i32
      %get3A_479 = arith.constant 0 : i32
      %get3A_480 = arith.index_cast %get3A_479 : i32 to index
      %get3A_481 = arith.index_cast %add3A_478 : i32 to index
      %get3A_482 = tpu.vector_load %arg6[%get3A_480, %get3A_481] {strides = array<i32>} : memref<2x6400xi32, #tpu.memory_space<vmem>>, vector<16xi32>,
      %gather3A_483 = tpu.vector_load_idx %arg5[%get3A_482] : memref<100000xf32, #tpu.memory_space<vmem>>[vector<16xi32>], vector<16xf32>,
      %swap3A_484 = arith.constant 0 : i32
      %swap3A_485 = arith.index_cast %swap3A_484 : i32 to index
      %swap3A_486 = arith.index_cast %add3A_478 : i32 to index
      %swap3A_487 = tpu.vector_load %arg7[%swap3A_485, %swap3A_486] {strides = array<i32>} : memref<2x6400xf32, #tpu.memory_space<vmem>>, vector<16xf32>,
      tpu.vector_store %arg7[%swap3A_485, %swap3A_486], %gather3A_483 {strides = array<i32>} : memref<2x6400xf32, #tpu.memory_space<vmem>>, vector<16xf32>,
      %add3A_488 = arith.constant 32 : i32
      %add3A_489 = arith.addi %add3A_468, %add3A_488 : i32
      %get3A_490 = arith.constant 0 : i32
      %get3A_491 = arith.index_cast %get3A_490 : i32 to index
      %get3A_492 = arith.index_cast %add3A_489 : i32 to index
      %get3A_493 = tpu.vector_load %arg6[%get3A_491, %get3A_492] {strides = array<i32>} : memref<2x6400xi32, #tpu.memory_space<vmem>>, vector<16xi32>,
      %gather3A_494 = tpu.vector_load_idx %arg5[%get3A_493] : memref<100000xf32, #tpu.memory_space<vmem>>[vector<16xi32>], vector<16xf32>,
      %swap3A_495 = arith.constant 0 : i32
      %swap3A_496 = arith.index_cast %swap3A_495 : i32 to index
      %swap3A_497 = arith.index_cast %add3A_489 : i32 to index
      %swap3A_498 = tpu.vector_load %arg7[%swap3A_496, %swap3A_497] {strides = array<i32>} : memref<2x6400xf32, #tpu.memory_space<vmem>>, vector<16xf32>,
      tpu.vector_store %arg7[%swap3A_496, %swap3A_497], %gather3A_494 {strides = array<i32>} : memref<2x6400xf32, #tpu.memory_space<vmem>>, vector<16xf32>,
      %add3A_499 = arith.constant 48 : i32
      %add3A_500 = arith.addi %add3A_468, %add3A_499 : i32
      %get3A_501 = arith.constant 0 : i32
      %get3A_502 = arith.index_cast %get3A_501 : i32 to index
      %get3A_503 = arith.index_cast %add3A_500 : i32 to index
      %get3A_504 = tpu.vector_load %arg6[%get3A_502, %get3A_503] {strides = array<i32>} : memref<2x6400xi32, #tpu.memory_space<vmem>>, vector<16xi32>,
      %gather3A_505 = tpu.vector_load_idx %arg5[%get3A_504] : memref<100000xf32, #tpu.memory_space<vmem>>[vector<16xi32>], vector<16xf32>,
      %swap3A_506 = arith.constant 0 : i32
      %swap3A_507 = arith.index_cast %swap3A_506 : i32 to index
      %swap3A_508 = arith.index_cast %add3A_500 : i32 to index
      %swap3A_509 = tpu.vector_load %arg7[%swap3A_507, %swap3A_508] {strides = array<i32>} : memref<2x6400xf32, #tpu.memory_space<vmem>>, vector<16xf32>,
      tpu.vector_store %arg7[%swap3A_507, %swap3A_508], %gather3A_505 {strides = array<i32>} : memref<2x6400xf32, #tpu.memory_space<vmem>>, vector<16xf32>,
      %add3A_510 = arith.constant 64 : i32
      %add3A_511 = arith.addi %add3A_468, %add3A_510 : i32
      %get3A_512 = arith.constant 0 : i32
      %get3A_513 = arith.index_cast %get3A_512 : i32 to index
      %get3A_514 = arith.index_cast %add3A_511 : i32 to index
      %get3A_515 = tpu.vector_load %arg6[%get3A_513, %get3A_514] {strides = array<i32>} : memref<2x6400xi32, #tpu.memory_space<vmem>>, vector<16xi32>,
      %gather3A_516 = tpu.vector_load_idx %arg5[%get3A_515] : memref<100000xf32, #tpu.memory_space<vmem>>[vector<16xi32>], vector<16xf32>,
      %swap3A_517 = arith.constant 0 : i32
      %swap3A_518 = arith.index_cast %swap3A_517 : i32 to index
      %swap3A_519 = arith.index_cast %add3A_511 : i32 to index
      %swap3A_520 = tpu.vector_load %arg7[%swap3A_518, %swap3A_519] {strides = array<i32>} : memref<2x6400xf32, #tpu.memory_space<vmem>>, vector<16xf32>,
      tpu.vector_store %arg7[%swap3A_518, %swap3A_519], %gather3A_516 {strides = array<i32>} : memref<2x6400xf32, #tpu.memory_space<vmem>>, vector<16xf32>,
      %add3A_521 = arith.constant 80 : i32
      %add3A_522 = arith.addi %add3A_468, %add3A_521 : i32
      %get3A_523 = arith.constant 0 : i32
      %get3A_524 = arith.index_cast %get3A_523 : i32 to index
      %get3A_525 = arith.index_cast %add3A_522 : i32 to index
      %get3A_526 = tpu.vector_load %arg6[%get3A_524, %get3A_525] {strides = array<i32>} : memref<2x6400xi32, #tpu.memory_space<vmem>>, vector<16xi32>,
      %gather3A_527 = tpu.vector_load_idx %arg5[%get3A_526] : memref<100000xf32, #tpu.memory_space<vmem>>[vector<16xi32>], vector<16xf32>,
      %swap3A_528 = arith.constant 0 : i32
      %swap3A_529 = arith.index_cast %swap3A_528 : i32 to index
      %swap3A_530 = arith.index_cast %add3A_522 : i32 to index
      %swap3A_531 = tpu.vector_load %arg7[%swap3A_529, %swap3A_530] {strides = array<i32>} : memref<2x6400xf32, #tpu.memory_space<vmem>>, vector<16xf32>,
      tpu.vector_store %arg7[%swap3A_529, %swap3A_530], %gather3A_527 {strides = array<i32>} : memref<2x6400xf32, #tpu.memory_space<vmem>>, vector<16xf32>,
      %add3A_532 = arith.constant 96 : i32
      %add3A_533 = arith.addi %add3A_468, %add3A_532 : i32
      %get3A_534 = arith.constant 0 : i32
      %get3A_535 = arith.index_cast %get3A_534 : i32 to index
      %get3A_536 = arith.index_cast %add3A_533 : i32 to index
      %get3A_537 = tpu.vector_load %arg6[%get3A_535, %get3A_536] {strides = array<i32>} : memref<2x6400xi32, #tpu.memory_space<vmem>>, vector<16xi32>,
      %gather3A_538 = tpu.vector_load_idx %arg5[%get3A_537] : memref<100000xf32, #tpu.memory_space<vmem>>[vector<16xi32>], vector<16xf32>,
      %swap3A_539 = arith.constant 0 : i32
      %swap3A_540 = arith.index_cast %swap3A_539 : i32 to index
      %swap3A_541 = arith.index_cast %add3A_533 : i32 to index
      %swap3A_542 = tpu.vector_load %arg7[%swap3A_540, %swap3A_541] {strides = array<i32>} : memref<2x6400xf32, #tpu.memory_space<vmem>>, vector<16xf32>,
      tpu.vector_store %arg7[%swap3A_540, %swap3A_541], %gather3A_538 {strides = array<i32>} : memref<2x6400xf32, #tpu.memory_space<vmem>>, vector<16xf32>,
      %add3A_543 = arith.constant 112 : i32
      %add3A_544 = arith.addi %add3A_468, %add3A_543 : i32
      %get3A_545 = arith.constant 0 : i32
      %get3A_546 = arith.index_cast %get3A_545 : i32 to index
      %get3A_547 = arith.index_cast %add3A_544 : i32 to index
      %get3A_548 = tpu.vector_load %arg6[%get3A_546, %get3A_547] {strides = array<i32>} : memref<2x6400xi32, #tpu.memory_space<vmem>>, vector<16xi32>,
      %gather3A_549 = tpu.vector_load_idx %arg5[%get3A_548] : memref<100000xf32, #tpu.memory_space<vmem>>[vector<16xi32>], vector<16xf32>,
      %swap3A_550 = arith.constant 0 : i32
      %swap3A_551 = arith.index_cast %swap3A_550 : i32 to index
      %swap3A_552 = arith.index_cast %add3A_544 : i32 to index
      %swap3A_553 = tpu.vector_load %arg7[%swap3A_551, %swap3A_552] {strides = array<i32>} : memref<2x6400xf32, #tpu.memory_space<vmem>>, vector<16xf32>,
      tpu.vector_store %arg7[%swap3A_551, %swap3A_552], %gather3A_549 {strides = array<i32>} : memref<2x6400xf32, #tpu.memory_space<vmem>>, vector<16xf32>,
      %add3A_554 = arith.constant 128 : i32
      %add3A_555 = arith.addi %add3A_468, %add3A_554 : i32
      %get3A_556 = arith.constant 0 : i32
      %get3A_557 = arith.index_cast %get3A_556 : i32 to index
      %get3A_558 = arith.index_cast %add3A_555 : i32 to index
      %get3A_559 = tpu.vector_load %arg6[%get3A_557, %get3A_558] {strides = array<i32>} : memref<2x6400xi32, #tpu.memory_space<vmem>>, vector<16xi32>,
      %gather3A_560 = tpu.vector_load_idx %arg5[%get3A_559] : memref<100000xf32, #tpu.memory_space<vmem>>[vector<16xi32>], vector<16xf32>,
      %swap3A_561 = arith.constant 0 : i32
      %swap3A_562 = arith.index_cast %swap3A_561 : i32 to index
      %swap3A_563 = arith.index_cast %add3A_555 : i32 to index
      %swap3A_564 = tpu.vector_load %arg7[%swap3A_562, %swap3A_563] {strides = array<i32>} : memref<2x6400xf32, #tpu.memory_space<vmem>>, vector<16xf32>,
      tpu.vector_store %arg7[%swap3A_562, %swap3A_563], %gather3A_560 {strides = array<i32>} : memref<2x6400xf32, #tpu.memory_space<vmem>>, vector<16xf32>,
      %add3A_565 = arith.constant 144 : i32
      %add3A_566 = arith.addi %add3A_468, %add3A_565 : i32
      %get3A_567 = arith.constant 0 : i32
      %get3A_568 = arith.index_cast %get3A_567 : i32 to index
      %get3A_569 = arith.index_cast %add3A_566 : i32 to index
      %get3A_570 = tpu.vector_load %arg6[%get3A_568, %get3A_569] {strides = array<i32>} : memref<2x6400xi32, #tpu.memory_space<vmem>>, vector<16xi32>,
      %gather3A_571 = tpu.vector_load_idx %arg5[%get3A_570] : memref<100000xf32, #tpu.memory_space<vmem>>[vector<16xi32>], vector<16xf32>,
      %swap3A_572 = arith.constant 0 : i32
      %swap3A_573 = arith.index_cast %swap3A_572 : i32 to index
      %swap3A_574 = arith.index_cast %add3A_566 : i32 to index
      %swap3A_575 = tpu.vector_load %arg7[%swap3A_573, %swap3A_574] {strides = array<i32>} : memref<2x6400xf32, #tpu.memory_space<vmem>>, vector<16xf32>,
      tpu.vector_store %arg7[%swap3A_573, %swap3A_574], %gather3A_571 {strides = array<i32>} : memref<2x6400xf32, #tpu.memory_space<vmem>>, vector<16xf32>,
      %add3A_576 = arith.constant 160 : i32
      %add3A_577 = arith.addi %add3A_468, %add3A_576 : i32
      %get3A_578 = arith.constant 0 : i32
      %get3A_579 = arith.index_cast %get3A_578 : i32 to index
      %get3A_580 = arith.index_cast %add3A_577 : i32 to index
      %get3A_581 = tpu.vector_load %arg6[%get3A_579, %get3A_580] {strides = array<i32>} : memref<2x6400xi32, #tpu.memory_space<vmem>>, vector<16xi32>,
      %gather3A_582 = tpu.vector_load_idx %arg5[%get3A_581] : memref<100000xf32, #tpu.memory_space<vmem>>[vector<16xi32>], vector<16xf32>,
      %swap3A_583 = arith.constant 0 : i32
      %swap3A_584 = arith.index_cast %swap3A_583 : i32 to index
      %swap3A_585 = arith.index_cast %add3A_577 : i32 to index
      %swap3A_586 = tpu.vector_load %arg7[%swap3A_584, %swap3A_585] {strides = array<i32>} : memref<2x6400xf32, #tpu.memory_space<vmem>>, vector<16xf32>,
      tpu.vector_store %arg7[%swap3A_584, %swap3A_585], %gather3A_582 {strides = array<i32>} : memref<2x6400xf32, #tpu.memory_space<vmem>>, vector<16xf32>,
      %add3A_587 = arith.constant 176 : i32
      %add3A_588 = arith.addi %add3A_468, %add3A_587 : i32
      %get3A_589 = arith.constant 0 : i32
      %get3A_590 = arith.index_cast %get3A_589 : i32 to index
      %get3A_591 = arith.index_cast %add3A_588 : i32 to index
      %get3A_592 = tpu.vector_load %arg6[%get3A_590, %get3A_591] {strides = array<i32>} : memref<2x6400xi32, #tpu.memory_space<vmem>>, vector<16xi32>,
      %gather3A_593 = tpu.vector_load_idx %arg5[%get3A_592] : memref<100000xf32, #tpu.memory_space<vmem>>[vector<16xi32>], vector<16xf32>,
      %swap3A_594 = arith.constant 0 : i32
      %swap3A_595 = arith.index_cast %swap3A_594 : i32 to index
      %swap3A_596 = arith.index_cast %add3A_588 : i32 to index
      %swap3A_597 = tpu.vector_load %arg7[%swap3A_595, %swap3A_596] {strides = array<i32>} : memref<2x6400xf32, #tpu.memory_space<vmem>>, vector<16xf32>,
      tpu.vector_store %arg7[%swap3A_595, %swap3A_596], %gather3A_593 {strides = array<i32>} : memref<2x6400xf32, #tpu.memory_space<vmem>>, vector<16xf32>,
      %add3A_598 = arith.constant 192 : i32
      %add3A_599 = arith.addi %add3A_468, %add3A_598 : i32
      %get3A_600 = arith.constant 0 : i32
      %get3A_601 = arith.index_cast %get3A_600 : i32 to index
      %get3A_602 = arith.index_cast %add3A_599 : i32 to index
      %get3A_603 = tpu.vector_load %arg6[%get3A_601, %get3A_602] {strides = array<i32>} : memref<2x6400xi32, #tpu.memory_space<vmem>>, vector<16xi32>,
      %gather3A_604 = tpu.vector_load_idx %arg5[%get3A_603] : memref<100000xf32, #tpu.memory_space<vmem>>[vector<16xi32>], vector<16xf32>,
      %swap3A_605 = arith.constant 0 : i32
      %swap3A_606 = arith.index_cast %swap3A_605 : i32 to index
      %swap3A_607 = arith.index_cast %add3A_599 : i32 to index
      %swap3A_608 = tpu.vector_load %arg7[%swap3A_606, %swap3A_607] {strides = array<i32>} : memref<2x6400xf32, #tpu.memory_space<vmem>>, vector<16xf32>,
      tpu.vector_store %arg7[%swap3A_606, %swap3A_607], %gather3A_604 {strides = array<i32>} : memref<2x6400xf32, #tpu.memory_space<vmem>>, vector<16xf32>,
      %add3A_609 = arith.constant 208 : i32
      %add3A_610 = arith.addi %add3A_468, %add3A_609 : i32
      %get3A_611 = arith.constant 0 : i32
      %get3A_612 = arith.index_cast %get3A_611 : i32 to index
      %get3A_613 = arith.index_cast %add3A_610 : i32 to index
      %get3A_614 = tpu.vector_load %arg6[%get3A_612, %get3A_613] {strides = array<i32>} : memref<2x6400xi32, #tpu.memory_space<vmem>>, vector<16xi32>,
      %gather3A_615 = tpu.vector_load_idx %arg5[%get3A_614] : memref<100000xf32, #tpu.memory_space<vmem>>[vector<16xi32>], vector<16xf32>,
      %swap3A_616 = arith.constant 0 : i32
      %swap3A_617 = arith.index_cast %swap3A_616 : i32 to index
      %swap3A_618 = arith.index_cast %add3A_610 : i32 to index
      %swap3A_619 = tpu.vector_load %arg7[%swap3A_617, %swap3A_618] {strides = array<i32>} : memref<2x6400xf32, #tpu.memory_space<vmem>>, vector<16xf32>,
      tpu.vector_store %arg7[%swap3A_617, %swap3A_618], %gather3A_615 {strides = array<i32>} : memref<2x6400xf32, #tpu.memory_space<vmem>>, vector<16xf32>,
      %add3A_620 = arith.constant 224 : i32
      %add3A_621 = arith.addi %add3A_468, %add3A_620 : i32
      %get3A_622 = arith.constant 0 : i32
      %get3A_623 = arith.index_cast %get3A_622 : i32 to index
      %get3A_624 = arith.index_cast %add3A_621 : i32 to index
      %get3A_625 = tpu.vector_load %arg6[%get3A_623, %get3A_624] {strides = array<i32>} : memref<2x6400xi32, #tpu.memory_space<vmem>>, vector<16xi32>,
      %gather3A_626 = tpu.vector_load_idx %arg5[%get3A_625] : memref<100000xf32, #tpu.memory_space<vmem>>[vector<16xi32>], vector<16xf32>,
      %swap3A_627 = arith.constant 0 : i32
      %swap3A_628 = arith.index_cast %swap3A_627 : i32 to index
      %swap3A_629 = arith.index_cast %add3A_621 : i32 to index
      %swap3A_630 = tpu.vector_load %arg7[%swap3A_628, %swap3A_629] {strides = array<i32>} : memref<2x6400xf32, #tpu.memory_space<vmem>>, vector<16xf32>,
      tpu.vector_store %arg7[%swap3A_628, %swap3A_629], %gather3A_626 {strides = array<i32>} : memref<2x6400xf32, #tpu.memory_space<vmem>>, vector<16xf32>,
      %add3A_631 = arith.constant 240 : i32
      %add3A_632 = arith.addi %add3A_468, %add3A_631 : i32
      %get3A_633 = arith.constant 0 : i32
      %get3A_634 = arith.index_cast %get3A_633 : i32 to index
      %get3A_635 = arith.index_cast %add3A_632 : i32 to index
      %get3A_636 = tpu.vector_load %arg6[%get3A_634, %get3A_635] {strides = array<i32>} : memref<2x6400xi32, #tpu.memory_space<vmem>>, vector<16xi32>,
      %gather3A_637 = tpu.vector_load_idx %arg5[%get3A_636] : memref<100000xf32, #tpu.memory_space<vmem>>[vector<16xi32>], vector<16xf32>,
      %swap3A_638 = arith.constant 0 : i32
      %swap3A_639 = arith.index_cast %swap3A_638 : i32 to index
      %swap3A_640 = arith.index_cast %add3A_632 : i32 to index
      %swap3A_641 = tpu.vector_load %arg7[%swap3A_639, %swap3A_640] {strides = array<i32>} : memref<2x6400xf32, #tpu.memory_space<vmem>>, vector<16xf32>,
      tpu.vector_store %arg7[%swap3A_639, %swap3A_640], %gather3A_637 {strides = array<i32>} : memref<2x6400xf32, #tpu.memory_space<vmem>>, vector<16xf32>,
    }
    %scan3A_39 = arith.constant 25 : i32
    %dma_start3A_40 = arith.constant 0 : i32
    %dma_start3A_41 = arith.constant 0 : i32
    %dma_start3A_42 = tpu.memref_slice %arg6[%dma_start3A_40, %dma_start3A_41] : memref<2x6400xi32, #tpu.memory_space<vmem>> -> memref<1x6400xi32, #tpu.memory_space<vmem>>
    %dma_start3A_43 = tpu.memref_squeeze %dma_start3A_42 : memref<1x6400xi32, #tpu.memory_space<vmem>> -> memref<6400xi32, #tpu.memory_space<vmem>>
    %dma_start3A_44 = arith.constant 12800 : i32
    %dma_start3A_45 = tpu.memref_slice %arg3[%dma_start3A_44] : memref<204800xi32, #tpu.memory_space<hbm>> -> memref<6400xi32, #tpu.memory_space<hbm>>
    %dma_start3A_46 = arith.constant 0 : i32
    %dma_start3A_47 = tpu.memref_slice %arg6[%dma_start3A_40, %dma_start3A_46] : memref<2x6400xi32, #tpu.memory_space<vmem>> -> memref<1x6400xi32, #tpu.memory_space<vmem>>
    %dma_start3A_48 = tpu.memref_squeeze %dma_start3A_47 : memref<1x6400xi32, #tpu.memory_space<vmem>> -> memref<6400xi32, #tpu.memory_space<vmem>>
    %dma_start3A_49 = arith.constant 12800 : i32
    %dma_start3A_50 = tpu.memref_slice %arg3[%dma_start3A_49] : memref<204800xi32, #tpu.memory_space<hbm>> -> memref<6400xi32, #tpu.memory_space<hbm>>
    tpu.enqueue_dma source(%dma_start3A_50 : memref<6400xi32, #tpu.memory_space<hbm>>) target(%dma_start3A_48 : memref<6400xi32, #tpu.memory_space<vmem>>) target_semaphore(%arg8 : memref<!tpu.dma_semaphore, #tpu.memory_space<semaphore_mem>>)
    %dma_start3A_51 = arith.constant 0 : i32
    %dma_start3A_52 = arith.constant 0 : i32
    %dma_start3A_53 = arith.constant 0 : i32
    %dma_start3A_54 = tpu.memref_slice %arg7[%dma_start3A_51, %dma_start3A_53] : memref<2x6400xf32, #tpu.memory_space<vmem>> -> memref<1x6400xf32, #tpu.memory_space<vmem>>
    %dma_start3A_55 = tpu.memref_squeeze %dma_start3A_54 : memref<1x6400xf32, #tpu.memory_space<vmem>> -> memref<6400xf32, #tpu.memory_space<vmem>>
    %dma_start3A_56 = arith.constant 0 : i32
    %dma_start3A_57 = tpu.memref_slice %arg4[%dma_start3A_52, %add3A_4, %dma_start3A_56] : memref<8x64x25600xf32, #tpu.memory_space<hbm>> -> memref<1x1x6400xf32, #tpu.memory_space<hbm>>
    %dma_start3A_58 = tpu.memref_squeeze %dma_start3A_57 : memref<1x1x6400xf32, #tpu.memory_space<hbm>> -> memref<6400xf32, #tpu.memory_space<hbm>>
    %dma_start3A_59 = arith.constant 0 : i32
    %dma_start3A_60 = tpu.memref_slice %arg4[%dma_start3A_52, %add3A_4, %dma_start3A_59] : memref<8x64x25600xf32, #tpu.memory_space<hbm>> -> memref<1x1x6400xf32, #tpu.memory_space<hbm>>
    %dma_start3A_61 = tpu.memref_squeeze %dma_start3A_60 : memref<1x1x6400xf32, #tpu.memory_space<hbm>> -> memref<6400xf32, #tpu.memory_space<hbm>>
    %dma_start3A_62 = arith.constant 0 : i32
    %dma_start3A_63 = tpu.memref_slice %arg7[%dma_start3A_51, %dma_start3A_62] : memref<2x6400xf32, #tpu.memory_space<vmem>> -> memref<1x6400xf32, #tpu.memory_space<vmem>>
    %dma_start3A_64 = tpu.memref_squeeze %dma_start3A_63 : memref<1x6400xf32, #tpu.memory_space<vmem>> -> memref<6400xf32, #tpu.memory_space<vmem>>
    tpu.enqueue_dma source(%dma_start3A_64 : memref<6400xf32, #tpu.memory_space<vmem>>) target(%dma_start3A_61 : memref<6400xf32, #tpu.memory_space<hbm>>) target_semaphore(%arg10 : memref<!tpu.dma_semaphore, #tpu.memory_space<semaphore_mem>>)
    %dma_wait3A_65 = arith.constant 1 : i32
    %dma_wait3A_66 = arith.constant 0 : i32
    %dma_wait3A_67 = tpu.memref_slice %arg6[%dma_wait3A_65, %dma_wait3A_66] : memref<2x6400xi32, #tpu.memory_space<vmem>> -> memref<1x6400xi32, #tpu.memory_space<vmem>>
    %dma_wait3A_68 = tpu.memref_squeeze %dma_wait3A_67 : memref<1x6400xi32, #tpu.memory_space<vmem>> -> memref<6400xi32, #tpu.memory_space<vmem>>
    %dma_wait3A_69 = arith.constant 0 : i32
    %dma_wait3A_70 = tpu.memref_slice %arg3[%dma_wait3A_69] : memref<204800xi32, #tpu.memory_space<hbm>> -> memref<6400xi32, #tpu.memory_space<hbm>>
    %dma_wait3A_71 = arith.constant 0 : i32
    %dma_wait3A_72 = tpu.memref_slice %arg6[%dma_wait3A_65, %dma_wait3A_71] : memref<2x6400xi32, #tpu.memory_space<vmem>> -> memref<1x6400xi32, #tpu.memory_space<vmem>>
    %dma_wait3A_73 = tpu.memref_squeeze %dma_wait3A_72 : memref<1x6400xi32, #tpu.memory_space<vmem>> -> memref<6400xi32, #tpu.memory_space<vmem>>
    %dma_wait3A_74 = arith.constant 0 : i32
    %dma_wait3A_75 = tpu.memref_slice %arg3[%dma_wait3A_74] : memref<204800xi32, #tpu.memory_space<hbm>> -> memref<6400xi32, #tpu.memory_space<hbm>>
    tpu.wait_dma2 semaphore(%arg9 : memref<!tpu.dma_semaphore, #tpu.memory_space<semaphore_mem>>) src(%dma_wait3A_75 : memref<6400xi32, #tpu.memory_space<hbm>>) dst(%dma_wait3A_73 : memref<6400xi32, #tpu.memory_space<vmem>>)
    %scan3A_76 = arith.constant 0 : i32
    %scan3A_77 = arith.constant 25 : i32
    %scan3A_78 = arith.addi %scan3A_76, %scan3A_77 : i32
    %scan3A_79 = arith.constant 1 : i32
    scf.for %scan3A_464 = %scan3A_76 to %scan3A_78 step %scan3A_79  : i32 {
      %mul3A_465 = arith.constant 256 : i32
      %mul3A_466 = arith.muli %scan3A_464, %mul3A_465 : i32
      %add3A_467 = arith.constant 0 : i32
      %add3A_468 = arith.addi %add3A_467, %mul3A_466 : i32
      %add3A_469 = arith.constant 0 : i32
      %add3A_470 = arith.addi %add3A_468, %add3A_469 : i32
      %get3A = arith.constant 1 : i32
      %get3A_471 = arith.index_cast %get3A : i32 to index
      %get3A_472 = arith.index_cast %add3A_470 : i32 to index
      %get3A_473 = tpu.vector_load %arg6[%get3A_471, %get3A_472] {strides = array<i32>} : memref<2x6400xi32, #tpu.memory_space<vmem>>, vector<16xi32>,
      %gather3A = tpu.vector_load_idx %arg5[%get3A_473] : memref<100000xf32, #tpu.memory_space<vmem>>[vector<16xi32>], vector<16xf32>,
      %swap3A = arith.constant 1 : i32
      %swap3A_474 = arith.index_cast %swap3A : i32 to index
      %swap3A_475 = arith.index_cast %add3A_470 : i32 to index
      %swap3A_476 = tpu.vector_load %arg7[%swap3A_474, %swap3A_475] {strides = array<i32>} : memref<2x6400xf32, #tpu.memory_space<vmem>>, vector<16xf32>,
      tpu.vector_store %arg7[%swap3A_474, %swap3A_475], %gather3A {strides = array<i32>} : memref<2x6400xf32, #tpu.memory_space<vmem>>, vector<16xf32>,
      %add3A_477 = arith.constant 16 : i32
      %add3A_478 = arith.addi %add3A_468, %add3A_477 : i32
      %get3A_479 = arith.constant 1 : i32
      %get3A_480 = arith.index_cast %get3A_479 : i32 to index
      %get3A_481 = arith.index_cast %add3A_478 : i32 to index
      %get3A_482 = tpu.vector_load %arg6[%get3A_480, %get3A_481] {strides = array<i32>} : memref<2x6400xi32, #tpu.memory_space<vmem>>, vector<16xi32>,
      %gather3A_483 = tpu.vector_load_idx %arg5[%get3A_482] : memref<100000xf32, #tpu.memory_space<vmem>>[vector<16xi32>], vector<16xf32>,
      %swap3A_484 = arith.constant 1 : i32
      %swap3A_485 = arith.index_cast %swap3A_484 : i32 to index
      %swap3A_486 = arith.index_cast %add3A_478 : i32 to index
      %swap3A_487 = tpu.vector_load %arg7[%swap3A_485, %swap3A_486] {strides = array<i32>} : memref<2x6400xf32, #tpu.memory_space<vmem>>, vector<16xf32>,
      tpu.vector_store %arg7[%swap3A_485, %swap3A_486], %gather3A_483 {strides = array<i32>} : memref<2x6400xf32, #tpu.memory_space<vmem>>, vector<16xf32>,
      %add3A_488 = arith.constant 32 : i32
      %add3A_489 = arith.addi %add3A_468, %add3A_488 : i32
      %get3A_490 = arith.constant 1 : i32
      %get3A_491 = arith.index_cast %get3A_490 : i32 to index
      %get3A_492 = arith.index_cast %add3A_489 : i32 to index
      %get3A_493 = tpu.vector_load %arg6[%get3A_491, %get3A_492] {strides = array<i32>} : memref<2x6400xi32, #tpu.memory_space<vmem>>, vector<16xi32>,
      %gather3A_494 = tpu.vector_load_idx %arg5[%get3A_493] : memref<100000xf32, #tpu.memory_space<vmem>>[vector<16xi32>], vector<16xf32>,
      %swap3A_495 = arith.constant 1 : i32
      %swap3A_496 = arith.index_cast %swap3A_495 : i32 to index
      %swap3A_497 = arith.index_cast %add3A_489 : i32 to index
      %swap3A_498 = tpu.vector_load %arg7[%swap3A_496, %swap3A_497] {strides = array<i32>} : memref<2x6400xf32, #tpu.memory_space<vmem>>, vector<16xf32>,
      tpu.vector_store %arg7[%swap3A_496, %swap3A_497], %gather3A_494 {strides = array<i32>} : memref<2x6400xf32, #tpu.memory_space<vmem>>, vector<16xf32>,
      %add3A_499 = arith.constant 48 : i32
      %add3A_500 = arith.addi %add3A_468, %add3A_499 : i32
      %get3A_501 = arith.constant 1 : i32
      %get3A_502 = arith.index_cast %get3A_501 : i32 to index
      %get3A_503 = arith.index_cast %add3A_500 : i32 to index
      %get3A_504 = tpu.vector_load %arg6[%get3A_502, %get3A_503] {strides = array<i32>} : memref<2x6400xi32, #tpu.memory_space<vmem>>, vector<16xi32>,
      %gather3A_505 = tpu.vector_load_idx %arg5[%get3A_504] : memref<100000xf32, #tpu.memory_space<vmem>>[vector<16xi32>], vector<16xf32>,
      %swap3A_506 = arith.constant 1 : i32
      %swap3A_507 = arith.index_cast %swap3A_506 : i32 to index
      %swap3A_508 = arith.index_cast %add3A_500 : i32 to index
      %swap3A_509 = tpu.vector_load %arg7[%swap3A_507, %swap3A_508] {strides = array<i32>} : memref<2x6400xf32, #tpu.memory_space<vmem>>, vector<16xf32>,
      tpu.vector_store %arg7[%swap3A_507, %swap3A_508], %gather3A_505 {strides = array<i32>} : memref<2x6400xf32, #tpu.memory_space<vmem>>, vector<16xf32>,
      %add3A_510 = arith.constant 64 : i32
      %add3A_511 = arith.addi %add3A_468, %add3A_510 : i32
      %get3A_512 = arith.constant 1 : i32
      %get3A_513 = arith.index_cast %get3A_512 : i32 to index
      %get3A_514 = arith.index_cast %add3A_511 : i32 to index
      %get3A_515 = tpu.vector_load %arg6[%get3A_513, %get3A_514] {strides = array<i32>} : memref<2x6400xi32, #tpu.memory_space<vmem>>, vector<16xi32>,
      %gather3A_516 = tpu.vector_load_idx %arg5[%get3A_515] : memref<100000xf32, #tpu.memory_space<vmem>>[vector<16xi32>], vector<16xf32>,
      %swap3A_517 = arith.constant 1 : i32
      %swap3A_518 = arith.index_cast %swap3A_517 : i32 to index
      %swap3A_519 = arith.index_cast %add3A_511 : i32 to index
      %swap3A_520 = tpu.vector_load %arg7[%swap3A_518, %swap3A_519] {strides = array<i32>} : memref<2x6400xf32, #tpu.memory_space<vmem>>, vector<16xf32>,
      tpu.vector_store %arg7[%swap3A_518, %swap3A_519], %gather3A_516 {strides = array<i32>} : memref<2x6400xf32, #tpu.memory_space<vmem>>, vector<16xf32>,
      %add3A_521 = arith.constant 80 : i32
      %add3A_522 = arith.addi %add3A_468, %add3A_521 : i32
      %get3A_523 = arith.constant 1 : i32
      %get3A_524 = arith.index_cast %get3A_523 : i32 to index
      %get3A_525 = arith.index_cast %add3A_522 : i32 to index
      %get3A_526 = tpu.vector_load %arg6[%get3A_524, %get3A_525] {strides = array<i32>} : memref<2x6400xi32, #tpu.memory_space<vmem>>, vector<16xi32>,
      %gather3A_527 = tpu.vector_load_idx %arg5[%get3A_526] : memref<100000xf32, #tpu.memory_space<vmem>>[vector<16xi32>], vector<16xf32>,
      %swap3A_528 = arith.constant 1 : i32
      %swap3A_529 = arith.index_cast %swap3A_528 : i32 to index
      %swap3A_530 = arith.index_cast %add3A_522 : i32 to index
      %swap3A_531 = tpu.vector_load %arg7[%swap3A_529, %swap3A_530] {strides = array<i32>} : memref<2x6400xf32, #tpu.memory_space<vmem>>, vector<16xf32>,
      tpu.vector_store %arg7[%swap3A_529, %swap3A_530], %gather3A_527 {strides = array<i32>} : memref<2x6400xf32, #tpu.memory_space<vmem>>, vector<16xf32>,
      %add3A_532 = arith.constant 96 : i32
      %add3A_533 = arith.addi %add3A_468, %add3A_532 : i32
      %get3A_534 = arith.constant 1 : i32
      %get3A_535 = arith.index_cast %get3A_534 : i32 to index
      %get3A_536 = arith.index_cast %add3A_533 : i32 to index
      %get3A_537 = tpu.vector_load %arg6[%get3A_535, %get3A_536] {strides = array<i32>} : memref<2x6400xi32, #tpu.memory_space<vmem>>, vector<16xi32>,
      %gather3A_538 = tpu.vector_load_idx %arg5[%get3A_537] : memref<100000xf32, #tpu.memory_space<vmem>>[vector<16xi32>], vector<16xf32>,
      %swap3A_539 = arith.constant 1 : i32
      %swap3A_540 = arith.index_cast %swap3A_539 : i32 to index
      %swap3A_541 = arith.index_cast %add3A_533 : i32 to index
      %swap3A_542 = tpu.vector_load %arg7[%swap3A_540, %swap3A_541] {strides = array<i32>} : memref<2x6400xf32, #tpu.memory_space<vmem>>, vector<16xf32>,
      tpu.vector_store %arg7[%swap3A_540, %swap3A_541], %gather3A_538 {strides = array<i32>} : memref<2x6400xf32, #tpu.memory_space<vmem>>, vector<16xf32>,
      %add3A_543 = arith.constant 112 : i32
      %add3A_544 = arith.addi %add3A_468, %add3A_543 : i32
      %get3A_545 = arith.constant 1 : i32
      %get3A_546 = arith.index_cast %get3A_545 : i32 to index
      %get3A_547 = arith.index_cast %add3A_544 : i32 to index
      %get3A_548 = tpu.vector_load %arg6[%get3A_546, %get3A_547] {strides = array<i32>} : memref<2x6400xi32, #tpu.memory_space<vmem>>, vector<16xi32>,
      %gather3A_549 = tpu.vector_load_idx %arg5[%get3A_548] : memref<100000xf32, #tpu.memory_space<vmem>>[vector<16xi32>], vector<16xf32>,
      %swap3A_550 = arith.constant 1 : i32
      %swap3A_551 = arith.index_cast %swap3A_550 : i32 to index
      %swap3A_552 = arith.index_cast %add3A_544 : i32 to index
      %swap3A_553 = tpu.vector_load %arg7[%swap3A_551, %swap3A_552] {strides = array<i32>} : memref<2x6400xf32, #tpu.memory_space<vmem>>, vector<16xf32>,
      tpu.vector_store %arg7[%swap3A_551, %swap3A_552], %gather3A_549 {strides = array<i32>} : memref<2x6400xf32, #tpu.memory_space<vmem>>, vector<16xf32>,
      %add3A_554 = arith.constant 128 : i32
      %add3A_555 = arith.addi %add3A_468, %add3A_554 : i32
      %get3A_556 = arith.constant 1 : i32
      %get3A_557 = arith.index_cast %get3A_556 : i32 to index
      %get3A_558 = arith.index_cast %add3A_555 : i32 to index
      %get3A_559 = tpu.vector_load %arg6[%get3A_557, %get3A_558] {strides = array<i32>} : memref<2x6400xi32, #tpu.memory_space<vmem>>, vector<16xi32>,
      %gather3A_560 = tpu.vector_load_idx %arg5[%get3A_559] : memref<100000xf32, #tpu.memory_space<vmem>>[vector<16xi32>], vector<16xf32>,
      %swap3A_561 = arith.constant 1 : i32
      %swap3A_562 = arith.index_cast %swap3A_561 : i32 to index
      %swap3A_563 = arith.index_cast %add3A_555 : i32 to index
      %swap3A_564 = tpu.vector_load %arg7[%swap3A_562, %swap3A_563] {strides = array<i32>} : memref<2x6400xf32, #tpu.memory_space<vmem>>, vector<16xf32>,
      tpu.vector_store %arg7[%swap3A_562, %swap3A_563], %gather3A_560 {strides = array<i32>} : memref<2x6400xf32, #tpu.memory_space<vmem>>, vector<16xf32>,
      %add3A_565 = arith.constant 144 : i32
      %add3A_566 = arith.addi %add3A_468, %add3A_565 : i32
      %get3A_567 = arith.constant 1 : i32
      %get3A_568 = arith.index_cast %get3A_567 : i32 to index
      %get3A_569 = arith.index_cast %add3A_566 : i32 to index
      %get3A_570 = tpu.vector_load %arg6[%get3A_568, %get3A_569] {strides = array<i32>} : memref<2x6400xi32, #tpu.memory_space<vmem>>, vector<16xi32>,
      %gather3A_571 = tpu.vector_load_idx %arg5[%get3A_570] : memref<100000xf32, #tpu.memory_space<vmem>>[vector<16xi32>], vector<16xf32>,
      %swap3A_572 = arith.constant 1 : i32
      %swap3A_573 = arith.index_cast %swap3A_572 : i32 to index
      %swap3A_574 = arith.index_cast %add3A_566 : i32 to index
      %swap3A_575 = tpu.vector_load %arg7[%swap3A_573, %swap3A_574] {strides = array<i32>} : memref<2x6400xf32, #tpu.memory_space<vmem>>, vector<16xf32>,
      tpu.vector_store %arg7[%swap3A_573, %swap3A_574], %gather3A_571 {strides = array<i32>} : memref<2x6400xf32, #tpu.memory_space<vmem>>, vector<16xf32>,
      %add3A_576 = arith.constant 160 : i32
      %add3A_577 = arith.addi %add3A_468, %add3A_576 : i32
      %get3A_578 = arith.constant 1 : i32
      %get3A_579 = arith.index_cast %get3A_578 : i32 to index
      %get3A_580 = arith.index_cast %add3A_577 : i32 to index
      %get3A_581 = tpu.vector_load %arg6[%get3A_579, %get3A_580] {strides = array<i32>} : memref<2x6400xi32, #tpu.memory_space<vmem>>, vector<16xi32>,
      %gather3A_582 = tpu.vector_load_idx %arg5[%get3A_581] : memref<100000xf32, #tpu.memory_space<vmem>>[vector<16xi32>], vector<16xf32>,
      %swap3A_583 = arith.constant 1 : i32
      %swap3A_584 = arith.index_cast %swap3A_583 : i32 to index
      %swap3A_585 = arith.index_cast %add3A_577 : i32 to index
      %swap3A_586 = tpu.vector_load %arg7[%swap3A_584, %swap3A_585] {strides = array<i32>} : memref<2x6400xf32, #tpu.memory_space<vmem>>, vector<16xf32>,
      tpu.vector_store %arg7[%swap3A_584, %swap3A_585], %gather3A_582 {strides = array<i32>} : memref<2x6400xf32, #tpu.memory_space<vmem>>, vector<16xf32>,
      %add3A_587 = arith.constant 176 : i32
      %add3A_588 = arith.addi %add3A_468, %add3A_587 : i32
      %get3A_589 = arith.constant 1 : i32
      %get3A_590 = arith.index_cast %get3A_589 : i32 to index
      %get3A_591 = arith.index_cast %add3A_588 : i32 to index
      %get3A_592 = tpu.vector_load %arg6[%get3A_590, %get3A_591] {strides = array<i32>} : memref<2x6400xi32, #tpu.memory_space<vmem>>, vector<16xi32>,
      %gather3A_593 = tpu.vector_load_idx %arg5[%get3A_592] : memref<100000xf32, #tpu.memory_space<vmem>>[vector<16xi32>], vector<16xf32>,
      %swap3A_594 = arith.constant 1 : i32
      %swap3A_595 = arith.index_cast %swap3A_594 : i32 to index
      %swap3A_596 = arith.index_cast %add3A_588 : i32 to index
      %swap3A_597 = tpu.vector_load %arg7[%swap3A_595, %swap3A_596] {strides = array<i32>} : memref<2x6400xf32, #tpu.memory_space<vmem>>, vector<16xf32>,
      tpu.vector_store %arg7[%swap3A_595, %swap3A_596], %gather3A_593 {strides = array<i32>} : memref<2x6400xf32, #tpu.memory_space<vmem>>, vector<16xf32>,
      %add3A_598 = arith.constant 192 : i32
      %add3A_599 = arith.addi %add3A_468, %add3A_598 : i32
      %get3A_600 = arith.constant 1 : i32
      %get3A_601 = arith.index_cast %get3A_600 : i32 to index
      %get3A_602 = arith.index_cast %add3A_599 : i32 to index
      %get3A_603 = tpu.vector_load %arg6[%get3A_601, %get3A_602] {strides = array<i32>} : memref<2x6400xi32, #tpu.memory_space<vmem>>, vector<16xi32>,
      %gather3A_604 = tpu.vector_load_idx %arg5[%get3A_603] : memref<100000xf32, #tpu.memory_space<vmem>>[vector<16xi32>], vector<16xf32>,
      %swap3A_605 = arith.constant 1 : i32
      %swap3A_606 = arith.index_cast %swap3A_605 : i32 to index
      %swap3A_607 = arith.index_cast %add3A_599 : i32 to index
      %swap3A_608 = tpu.vector_load %arg7[%swap3A_606, %swap3A_607] {strides = array<i32>} : memref<2x6400xf32, #tpu.memory_space<vmem>>, vector<16xf32>,
      tpu.vector_store %arg7[%swap3A_606, %swap3A_607], %gather3A_604 {strides = array<i32>} : memref<2x6400xf32, #tpu.memory_space<vmem>>, vector<16xf32>,
      %add3A_609 = arith.constant 208 : i32
      %add3A_610 = arith.addi %add3A_468, %add3A_609 : i32
      %get3A_611 = arith.constant 1 : i32
      %get3A_612 = arith.index_cast %get3A_611 : i32 to index
      %get3A_613 = arith.index_cast %add3A_610 : i32 to index
      %get3A_614 = tpu.vector_load %arg6[%get3A_612, %get3A_613] {strides = array<i32>} : memref<2x6400xi32, #tpu.memory_space<vmem>>, vector<16xi32>,
      %gather3A_615 = tpu.vector_load_idx %arg5[%get3A_614] : memref<100000xf32, #tpu.memory_space<vmem>>[vector<16xi32>], vector<16xf32>,
      %swap3A_616 = arith.constant 1 : i32
      %swap3A_617 = arith.index_cast %swap3A_616 : i32 to index
      %swap3A_618 = arith.index_cast %add3A_610 : i32 to index
      %swap3A_619 = tpu.vector_load %arg7[%swap3A_617, %swap3A_618] {strides = array<i32>} : memref<2x6400xf32, #tpu.memory_space<vmem>>, vector<16xf32>,
      tpu.vector_store %arg7[%swap3A_617, %swap3A_618], %gather3A_615 {strides = array<i32>} : memref<2x6400xf32, #tpu.memory_space<vmem>>, vector<16xf32>,
      %add3A_620 = arith.constant 224 : i32
      %add3A_621 = arith.addi %add3A_468, %add3A_620 : i32
      %get3A_622 = arith.constant 1 : i32
      %get3A_623 = arith.index_cast %get3A_622 : i32 to index
      %get3A_624 = arith.index_cast %add3A_621 : i32 to index
      %get3A_625 = tpu.vector_load %arg6[%get3A_623, %get3A_624] {strides = array<i32>} : memref<2x6400xi32, #tpu.memory_space<vmem>>, vector<16xi32>,
      %gather3A_626 = tpu.vector_load_idx %arg5[%get3A_625] : memref<100000xf32, #tpu.memory_space<vmem>>[vector<16xi32>], vector<16xf32>,
      %swap3A_627 = arith.constant 1 : i32
      %swap3A_628 = arith.index_cast %swap3A_627 : i32 to index
      %swap3A_629 = arith.index_cast %add3A_621 : i32 to index
      %swap3A_630 = tpu.vector_load %arg7[%swap3A_628, %swap3A_629] {strides = array<i32>} : memref<2x6400xf32, #tpu.memory_space<vmem>>, vector<16xf32>,
      tpu.vector_store %arg7[%swap3A_628, %swap3A_629], %gather3A_626 {strides = array<i32>} : memref<2x6400xf32, #tpu.memory_space<vmem>>, vector<16xf32>,
      %add3A_631 = arith.constant 240 : i32
      %add3A_632 = arith.addi %add3A_468, %add3A_631 : i32
      %get3A_633 = arith.constant 1 : i32
      %get3A_634 = arith.index_cast %get3A_633 : i32 to index
      %get3A_635 = arith.index_cast %add3A_632 : i32 to index
      %get3A_636 = tpu.vector_load %arg6[%get3A_634, %get3A_635] {strides = array<i32>} : memref<2x6400xi32, #tpu.memory_space<vmem>>, vector<16xi32>,
      %gather3A_637 = tpu.vector_load_idx %arg5[%get3A_636] : memref<100000xf32, #tpu.memory_space<vmem>>[vector<16xi32>], vector<16xf32>,
      %swap3A_638 = arith.constant 1 : i32
      %swap3A_639 = arith.index_cast %swap3A_638 : i32 to index
      %swap3A_640 = arith.index_cast %add3A_632 : i32 to index
      %swap3A_641 = tpu.vector_load %arg7[%swap3A_639, %swap3A_640] {strides = array<i32>} : memref<2x6400xf32, #tpu.memory_space<vmem>>, vector<16xf32>,
      tpu.vector_store %arg7[%swap3A_639, %swap3A_640], %gather3A_637 {strides = array<i32>} : memref<2x6400xf32, #tpu.memory_space<vmem>>, vector<16xf32>,
    }
    %scan3A_80 = arith.constant 25 : i32
    %dma_start3A_81 = arith.constant 1 : i32
    %dma_start3A_82 = arith.constant 0 : i32
    %dma_start3A_83 = tpu.memref_slice %arg6[%dma_start3A_81, %dma_start3A_82] : memref<2x6400xi32, #tpu.memory_space<vmem>> -> memref<1x6400xi32, #tpu.memory_space<vmem>>
    %dma_start3A_84 = tpu.memref_squeeze %dma_start3A_83 : memref<1x6400xi32, #tpu.memory_space<vmem>> -> memref<6400xi32, #tpu.memory_space<vmem>>
    %dma_start3A_85 = arith.constant 19200 : i32
    %dma_start3A_86 = tpu.memref_slice %arg3[%dma_start3A_85] : memref<204800xi32, #tpu.memory_space<hbm>> -> memref<6400xi32, #tpu.memory_space<hbm>>
    %dma_start3A_87 = arith.constant 0 : i32
    %dma_start3A_88 = tpu.memref_slice %arg6[%dma_start3A_81, %dma_start3A_87] : memref<2x6400xi32, #tpu.memory_space<vmem>> -> memref<1x6400xi32, #tpu.memory_space<vmem>>
    %dma_start3A_89 = tpu.memref_squeeze %dma_start3A_88 : memref<1x6400xi32, #tpu.memory_space<vmem>> -> memref<6400xi32, #tpu.memory_space<vmem>>
    %dma_start3A_90 = arith.constant 19200 : i32
    %dma_start3A_91 = tpu.memref_slice %arg3[%dma_start3A_90] : memref<204800xi32, #tpu.memory_space<hbm>> -> memref<6400xi32, #tpu.memory_space<hbm>>
    tpu.enqueue_dma source(%dma_start3A_91 : memref<6400xi32, #tpu.memory_space<hbm>>) target(%dma_start3A_89 : memref<6400xi32, #tpu.memory_space<vmem>>) target_semaphore(%arg9 : memref<!tpu.dma_semaphore, #tpu.memory_space<semaphore_mem>>)
    %dma_start3A_92 = arith.constant 1 : i32
    %dma_start3A_93 = arith.constant 0 : i32
    %dma_start3A_94 = arith.constant 0 : i32
    %dma_start3A_95 = tpu.memref_slice %arg7[%dma_start3A_92, %dma_start3A_94] : memref<2x6400xf32, #tpu.memory_space<vmem>> -> memref<1x6400xf32, #tpu.memory_space<vmem>>
    %dma_start3A_96 = tpu.memref_squeeze %dma_start3A_95 : memref<1x6400xf32, #tpu.memory_space<vmem>> -> memref<6400xf32, #tpu.memory_space<vmem>>
    %dma_start3A_97 = arith.constant 6400 : i32
    %dma_start3A_98 = tpu.memref_slice %arg4[%dma_start3A_93, %add3A_4, %dma_start3A_97] : memref<8x64x25600xf32, #tpu.memory_space<hbm>> -> memref<1x1x6400xf32, #tpu.memory_space<hbm>>
    %dma_start3A_99 = tpu.memref_squeeze %dma_start3A_98 : memref<1x1x6400xf32, #tpu.memory_space<hbm>> -> memref<6400xf32, #tpu.memory_space<hbm>>
    %dma_start3A_100 = arith.constant 6400 : i32
    %dma_start3A_101 = tpu.memref_slice %arg4[%dma_start3A_93, %add3A_4, %dma_start3A_100] : memref<8x64x25600xf32, #tpu.memory_space<hbm>> -> memref<1x1x6400xf32, #tpu.memory_space<hbm>>
    %dma_start3A_102 = tpu.memref_squeeze %dma_start3A_101 : memref<1x1x6400xf32, #tpu.memory_space<hbm>> -> memref<6400xf32, #tpu.memory_space<hbm>>
    %dma_start3A_103 = arith.constant 0 : i32
    %dma_start3A_104 = tpu.memref_slice %arg7[%dma_start3A_92, %dma_start3A_103] : memref<2x6400xf32, #tpu.memory_space<vmem>> -> memref<1x6400xf32, #tpu.memory_space<vmem>>
    %dma_start3A_105 = tpu.memref_squeeze %dma_start3A_104 : memref<1x6400xf32, #tpu.memory_space<vmem>> -> memref<6400xf32, #tpu.memory_space<vmem>>
    tpu.enqueue_dma source(%dma_start3A_105 : memref<6400xf32, #tpu.memory_space<vmem>>) target(%dma_start3A_102 : memref<6400xf32, #tpu.memory_space<hbm>>) target_semaphore(%arg11 : memref<!tpu.dma_semaphore, #tpu.memory_space<semaphore_mem>>)
    %scan3A_106 = arith.constant 0 : i32
    %scan3A_107 = arith.constant 14 : i32
    %scan3A_108 = arith.addi %scan3A_106, %scan3A_107 : i32
    %scan3A_109 = arith.constant 1 : i32
    scf.for %scan3A_464 = %scan3A_106 to %scan3A_108 step %scan3A_109  : i32 {
      %mul3A_465 = arith.constant 2 : i32
      %mul3A_466 = arith.muli %scan3A_464, %mul3A_465 : i32
      %add3A_467 = arith.constant 2 : i32
      %add3A_468 = arith.addi %add3A_467, %mul3A_466 : i32
      %add3A_469 = arith.constant 0 : i32
      %add3A_470 = arith.addi %add3A_468, %add3A_469 : i32
      %dma_wait3A_471 = arith.constant 0 : i32
      %dma_wait3A_472 = arith.constant 0 : i32
      %dma_wait3A_473 = tpu.memref_slice %arg6[%dma_wait3A_471, %dma_wait3A_472] : memref<2x6400xi32, #tpu.memory_space<vmem>> -> memref<1x6400xi32, #tpu.memory_space<vmem>>
      %dma_wait3A_474 = tpu.memref_squeeze %dma_wait3A_473 : memref<1x6400xi32, #tpu.memory_space<vmem>> -> memref<6400xi32, #tpu.memory_space<vmem>>
      %dma_wait3A_475 = arith.constant 0 : i32
      %dma_wait3A_476 = tpu.memref_slice %arg3[%dma_wait3A_475] : memref<204800xi32, #tpu.memory_space<hbm>> -> memref<6400xi32, #tpu.memory_space<hbm>>
      %dma_wait3A_477 = arith.constant 0 : i32
      %dma_wait3A_478 = tpu.memref_slice %arg6[%dma_wait3A_471, %dma_wait3A_477] : memref<2x6400xi32, #tpu.memory_space<vmem>> -> memref<1x6400xi32, #tpu.memory_space<vmem>>
      %dma_wait3A_479 = tpu.memref_squeeze %dma_wait3A_478 : memref<1x6400xi32, #tpu.memory_space<vmem>> -> memref<6400xi32, #tpu.memory_space<vmem>>
      %dma_wait3A_480 = arith.constant 0 : i32
      %dma_wait3A_481 = tpu.memref_slice %arg3[%dma_wait3A_480] : memref<204800xi32, #tpu.memory_space<hbm>> -> memref<6400xi32, #tpu.memory_space<hbm>>
      tpu.wait_dma2 semaphore(%arg8 : memref<!tpu.dma_semaphore, #tpu.memory_space<semaphore_mem>>) src(%dma_wait3A_481 : memref<6400xi32, #tpu.memory_space<hbm>>) dst(%dma_wait3A_479 : memref<6400xi32, #tpu.memory_space<vmem>>)
      %dma_wait3A_482 = arith.constant 0 : i32
      %dma_wait3A_483 = arith.constant 0 : i32
      %dma_wait3A_484 = arith.constant 0 : i32
      %dma_wait3A_485 = arith.constant 0 : i32
      %dma_wait3A_486 = tpu.memref_slice %arg7[%dma_wait3A_482, %dma_wait3A_485] : memref<2x6400xf32, #tpu.memory_space<vmem>> -> memref<1x6400xf32, #tpu.memory_space<vmem>>
      %dma_wait3A_487 = tpu.memref_squeeze %dma_wait3A_486 : memref<1x6400xf32, #tpu.memory_space<vmem>> -> memref<6400xf32, #tpu.memory_space<vmem>>
      %dma_wait3A_488 = arith.constant 0 : i32
      %dma_wait3A_489 = tpu.memref_slice %arg4[%dma_wait3A_483, %dma_wait3A_484, %dma_wait3A_488] : memref<8x64x25600xf32, #tpu.memory_space<hbm>> -> memref<1x1x6400xf32, #tpu.memory_space<hbm>>
      %dma_wait3A_490 = tpu.memref_squeeze %dma_wait3A_489 : memref<1x1x6400xf32, #tpu.memory_space<hbm>> -> memref<6400xf32, #tpu.memory_space<hbm>>
      %dma_wait3A_491 = arith.constant 0 : i32
      %dma_wait3A_492 = tpu.memref_slice %arg4[%dma_wait3A_483, %dma_wait3A_484, %dma_wait3A_491] : memref<8x64x25600xf32, #tpu.memory_space<hbm>> -> memref<1x1x6400xf32, #tpu.memory_space<hbm>>
      %dma_wait3A_493 = tpu.memref_squeeze %dma_wait3A_492 : memref<1x1x6400xf32, #tpu.memory_space<hbm>> -> memref<6400xf32, #tpu.memory_space<hbm>>
      %dma_wait3A_494 = arith.constant 0 : i32
      %dma_wait3A_495 = tpu.memref_slice %arg7[%dma_wait3A_482, %dma_wait3A_494] : memref<2x6400xf32, #tpu.memory_space<vmem>> -> memref<1x6400xf32, #tpu.memory_space<vmem>>
      %dma_wait3A_496 = tpu.memref_squeeze %dma_wait3A_495 : memref<1x6400xf32, #tpu.memory_space<vmem>> -> memref<6400xf32, #tpu.memory_space<vmem>>
      tpu.wait_dma2 semaphore(%arg10 : memref<!tpu.dma_semaphore, #tpu.memory_space<semaphore_mem>>) src(%dma_wait3A_496 : memref<6400xf32, #tpu.memory_space<vmem>>) dst(%dma_wait3A_493 : memref<6400xf32, #tpu.memory_space<hbm>>)
      %scan3A_497 = arith.constant 0 : i32
      %scan3A_498 = arith.constant 25 : i32
      %scan3A_499 = arith.addi %scan3A_497, %scan3A_498 : i32
      %scan3A_500 = arith.constant 1 : i32
      scf.for %scan3A_657 = %scan3A_497 to %scan3A_499 step %scan3A_500  : i32 {
        %mul3A_658 = arith.constant 256 : i32
        %mul3A_659 = arith.muli %scan3A_657, %mul3A_658 : i32
        %add3A_660 = arith.constant 0 : i32
        %add3A_661 = arith.addi %add3A_660, %mul3A_659 : i32
        %add3A_662 = arith.constant 0 : i32
        %add3A_663 = arith.addi %add3A_661, %add3A_662 : i32
        %get3A = arith.constant 0 : i32
        %get3A_664 = arith.index_cast %get3A : i32 to index
        %get3A_665 = arith.index_cast %add3A_663 : i32 to index
        %get3A_666 = tpu.vector_load %arg6[%get3A_664, %get3A_665] {strides = array<i32>} : memref<2x6400xi32, #tpu.memory_space<vmem>>, vector<16xi32>,
        %gather3A = tpu.vector_load_idx %arg5[%get3A_666] : memref<100000xf32, #tpu.memory_space<vmem>>[vector<16xi32>], vector<16xf32>,
        %swap3A = arith.constant 0 : i32
        %swap3A_667 = arith.index_cast %swap3A : i32 to index
        %swap3A_668 = arith.index_cast %add3A_663 : i32 to index
        %swap3A_669 = tpu.vector_load %arg7[%swap3A_667, %swap3A_668] {strides = array<i32>} : memref<2x6400xf32, #tpu.memory_space<vmem>>, vector<16xf32>,
        tpu.vector_store %arg7[%swap3A_667, %swap3A_668], %gather3A {strides = array<i32>} : memref<2x6400xf32, #tpu.memory_space<vmem>>, vector<16xf32>,
        %add3A_670 = arith.constant 16 : i32
        %add3A_671 = arith.addi %add3A_661, %add3A_670 : i32
        %get3A_672 = arith.constant 0 : i32
        %get3A_673 = arith.index_cast %get3A_672 : i32 to index
        %get3A_674 = arith.index_cast %add3A_671 : i32 to index
        %get3A_675 = tpu.vector_load %arg6[%get3A_673, %get3A_674] {strides = array<i32>} : memref<2x6400xi32, #tpu.memory_space<vmem>>, vector<16xi32>,
        %gather3A_676 = tpu.vector_load_idx %arg5[%get3A_675] : memref<100000xf32, #tpu.memory_space<vmem>>[vector<16xi32>], vector<16xf32>,
        %swap3A_677 = arith.constant 0 : i32
        %swap3A_678 = arith.index_cast %swap3A_677 : i32 to index
        %swap3A_679 = arith.index_cast %add3A_671 : i32 to index
        %swap3A_680 = tpu.vector_load %arg7[%swap3A_678, %swap3A_679] {strides = array<i32>} : memref<2x6400xf32, #tpu.memory_space<vmem>>, vector<16xf32>,
        tpu.vector_store %arg7[%swap3A_678, %swap3A_679], %gather3A_676 {strides = array<i32>} : memref<2x6400xf32, #tpu.memory_space<vmem>>, vector<16xf32>,
        %add3A_681 = arith.constant 32 : i32
        %add3A_682 = arith.addi %add3A_661, %add3A_681 : i32
        %get3A_683 = arith.constant 0 : i32
        %get3A_684 = arith.index_cast %get3A_683 : i32 to index
        %get3A_685 = arith.index_cast %add3A_682 : i32 to index
        %get3A_686 = tpu.vector_load %arg6[%get3A_684, %get3A_685] {strides = array<i32>} : memref<2x6400xi32, #tpu.memory_space<vmem>>, vector<16xi32>,
        %gather3A_687 = tpu.vector_load_idx %arg5[%get3A_686] : memref<100000xf32, #tpu.memory_space<vmem>>[vector<16xi32>], vector<16xf32>,
        %swap3A_688 = arith.constant 0 : i32
        %swap3A_689 = arith.index_cast %swap3A_688 : i32 to index
        %swap3A_690 = arith.index_cast %add3A_682 : i32 to index
        %swap3A_691 = tpu.vector_load %arg7[%swap3A_689, %swap3A_690] {strides = array<i32>} : memref<2x6400xf32, #tpu.memory_space<vmem>>, vector<16xf32>,
        tpu.vector_store %arg7[%swap3A_689, %swap3A_690], %gather3A_687 {strides = array<i32>} : memref<2x6400xf32, #tpu.memory_space<vmem>>, vector<16xf32>,
        %add3A_692 = arith.constant 48 : i32
        %add3A_693 = arith.addi %add3A_661, %add3A_692 : i32
        %get3A_694 = arith.constant 0 : i32
        %get3A_695 = arith.index_cast %get3A_694 : i32 to index
        %get3A_696 = arith.index_cast %add3A_693 : i32 to index
        %get3A_697 = tpu.vector_load %arg6[%get3A_695, %get3A_696] {strides = array<i32>} : memref<2x6400xi32, #tpu.memory_space<vmem>>, vector<16xi32>,
        %gather3A_698 = tpu.vector_load_idx %arg5[%get3A_697] : memref<100000xf32, #tpu.memory_space<vmem>>[vector<16xi32>], vector<16xf32>,
        %swap3A_699 = arith.constant 0 : i32
        %swap3A_700 = arith.index_cast %swap3A_699 : i32 to index
        %swap3A_701 = arith.index_cast %add3A_693 : i32 to index
        %swap3A_702 = tpu.vector_load %arg7[%swap3A_700, %swap3A_701] {strides = array<i32>} : memref<2x6400xf32, #tpu.memory_space<vmem>>, vector<16xf32>,
        tpu.vector_store %arg7[%swap3A_700, %swap3A_701], %gather3A_698 {strides = array<i32>} : memref<2x6400xf32, #tpu.memory_space<vmem>>, vector<16xf32>,
        %add3A_703 = arith.constant 64 : i32
        %add3A_704 = arith.addi %add3A_661, %add3A_703 : i32
        %get3A_705 = arith.constant 0 : i32
        %get3A_706 = arith.index_cast %get3A_705 : i32 to index
        %get3A_707 = arith.index_cast %add3A_704 : i32 to index
        %get3A_708 = tpu.vector_load %arg6[%get3A_706, %get3A_707] {strides = array<i32>} : memref<2x6400xi32, #tpu.memory_space<vmem>>, vector<16xi32>,
        %gather3A_709 = tpu.vector_load_idx %arg5[%get3A_708] : memref<100000xf32, #tpu.memory_space<vmem>>[vector<16xi32>], vector<16xf32>,
        %swap3A_710 = arith.constant 0 : i32
        %swap3A_711 = arith.index_cast %swap3A_710 : i32 to index
        %swap3A_712 = arith.index_cast %add3A_704 : i32 to index
        %swap3A_713 = tpu.vector_load %arg7[%swap3A_711, %swap3A_712] {strides = array<i32>} : memref<2x6400xf32, #tpu.memory_space<vmem>>, vector<16xf32>,
        tpu.vector_store %arg7[%swap3A_711, %swap3A_712], %gather3A_709 {strides = array<i32>} : memref<2x6400xf32, #tpu.memory_space<vmem>>, vector<16xf32>,
        %add3A_714 = arith.constant 80 : i32
        %add3A_715 = arith.addi %add3A_661, %add3A_714 : i32
        %get3A_716 = arith.constant 0 : i32
        %get3A_717 = arith.index_cast %get3A_716 : i32 to index
        %get3A_718 = arith.index_cast %add3A_715 : i32 to index
        %get3A_719 = tpu.vector_load %arg6[%get3A_717, %get3A_718] {strides = array<i32>} : memref<2x6400xi32, #tpu.memory_space<vmem>>, vector<16xi32>,
        %gather3A_720 = tpu.vector_load_idx %arg5[%get3A_719] : memref<100000xf32, #tpu.memory_space<vmem>>[vector<16xi32>], vector<16xf32>,
        %swap3A_721 = arith.constant 0 : i32
        %swap3A_722 = arith.index_cast %swap3A_721 : i32 to index
        %swap3A_723 = arith.index_cast %add3A_715 : i32 to index
        %swap3A_724 = tpu.vector_load %arg7[%swap3A_722, %swap3A_723] {strides = array<i32>} : memref<2x6400xf32, #tpu.memory_space<vmem>>, vector<16xf32>,
        tpu.vector_store %arg7[%swap3A_722, %swap3A_723], %gather3A_720 {strides = array<i32>} : memref<2x6400xf32, #tpu.memory_space<vmem>>, vector<16xf32>,
        %add3A_725 = arith.constant 96 : i32
        %add3A_726 = arith.addi %add3A_661, %add3A_725 : i32
        %get3A_727 = arith.constant 0 : i32
        %get3A_728 = arith.index_cast %get3A_727 : i32 to index
        %get3A_729 = arith.index_cast %add3A_726 : i32 to index
        %get3A_730 = tpu.vector_load %arg6[%get3A_728, %get3A_729] {strides = array<i32>} : memref<2x6400xi32, #tpu.memory_space<vmem>>, vector<16xi32>,
        %gather3A_731 = tpu.vector_load_idx %arg5[%get3A_730] : memref<100000xf32, #tpu.memory_space<vmem>>[vector<16xi32>], vector<16xf32>,
        %swap3A_732 = arith.constant 0 : i32
        %swap3A_733 = arith.index_cast %swap3A_732 : i32 to index
        %swap3A_734 = arith.index_cast %add3A_726 : i32 to index
        %swap3A_735 = tpu.vector_load %arg7[%swap3A_733, %swap3A_734] {strides = array<i32>} : memref<2x6400xf32, #tpu.memory_space<vmem>>, vector<16xf32>,
        tpu.vector_store %arg7[%swap3A_733, %swap3A_734], %gather3A_731 {strides = array<i32>} : memref<2x6400xf32, #tpu.memory_space<vmem>>, vector<16xf32>,
        %add3A_736 = arith.constant 112 : i32
        %add3A_737 = arith.addi %add3A_661, %add3A_736 : i32
        %get3A_738 = arith.constant 0 : i32
        %get3A_739 = arith.index_cast %get3A_738 : i32 to index
        %get3A_740 = arith.index_cast %add3A_737 : i32 to index
        %get3A_741 = tpu.vector_load %arg6[%get3A_739, %get3A_740] {strides = array<i32>} : memref<2x6400xi32, #tpu.memory_space<vmem>>, vector<16xi32>,
        %gather3A_742 = tpu.vector_load_idx %arg5[%get3A_741] : memref<100000xf32, #tpu.memory_space<vmem>>[vector<16xi32>], vector<16xf32>,
        %swap3A_743 = arith.constant 0 : i32
        %swap3A_744 = arith.index_cast %swap3A_743 : i32 to index
        %swap3A_745 = arith.index_cast %add3A_737 : i32 to index
        %swap3A_746 = tpu.vector_load %arg7[%swap3A_744, %swap3A_745] {strides = array<i32>} : memref<2x6400xf32, #tpu.memory_space<vmem>>, vector<16xf32>,
        tpu.vector_store %arg7[%swap3A_744, %swap3A_745], %gather3A_742 {strides = array<i32>} : memref<2x6400xf32, #tpu.memory_space<vmem>>, vector<16xf32>,
        %add3A_747 = arith.constant 128 : i32
        %add3A_748 = arith.addi %add3A_661, %add3A_747 : i32
        %get3A_749 = arith.constant 0 : i32
        %get3A_750 = arith.index_cast %get3A_749 : i32 to index
        %get3A_751 = arith.index_cast %add3A_748 : i32 to index
        %get3A_752 = tpu.vector_load %arg6[%get3A_750, %get3A_751] {strides = array<i32>} : memref<2x6400xi32, #tpu.memory_space<vmem>>, vector<16xi32>,
        %gather3A_753 = tpu.vector_load_idx %arg5[%get3A_752] : memref<100000xf32, #tpu.memory_space<vmem>>[vector<16xi32>], vector<16xf32>,
        %swap3A_754 = arith.constant 0 : i32
        %swap3A_755 = arith.index_cast %swap3A_754 : i32 to index
        %swap3A_756 = arith.index_cast %add3A_748 : i32 to index
        %swap3A_757 = tpu.vector_load %arg7[%swap3A_755, %swap3A_756] {strides = array<i32>} : memref<2x6400xf32, #tpu.memory_space<vmem>>, vector<16xf32>,
        tpu.vector_store %arg7[%swap3A_755, %swap3A_756], %gather3A_753 {strides = array<i32>} : memref<2x6400xf32, #tpu.memory_space<vmem>>, vector<16xf32>,
        %add3A_758 = arith.constant 144 : i32
        %add3A_759 = arith.addi %add3A_661, %add3A_758 : i32
        %get3A_760 = arith.constant 0 : i32
        %get3A_761 = arith.index_cast %get3A_760 : i32 to index
        %get3A_762 = arith.index_cast %add3A_759 : i32 to index
        %get3A_763 = tpu.vector_load %arg6[%get3A_761, %get3A_762] {strides = array<i32>} : memref<2x6400xi32, #tpu.memory_space<vmem>>, vector<16xi32>,
        %gather3A_764 = tpu.vector_load_idx %arg5[%get3A_763] : memref<100000xf32, #tpu.memory_space<vmem>>[vector<16xi32>], vector<16xf32>,
        %swap3A_765 = arith.constant 0 : i32
        %swap3A_766 = arith.index_cast %swap3A_765 : i32 to index
        %swap3A_767 = arith.index_cast %add3A_759 : i32 to index
        %swap3A_768 = tpu.vector_load %arg7[%swap3A_766, %swap3A_767] {strides = array<i32>} : memref<2x6400xf32, #tpu.memory_space<vmem>>, vector<16xf32>,
        tpu.vector_store %arg7[%swap3A_766, %swap3A_767], %gather3A_764 {strides = array<i32>} : memref<2x6400xf32, #tpu.memory_space<vmem>>, vector<16xf32>,
        %add3A_769 = arith.constant 160 : i32
        %add3A_770 = arith.addi %add3A_661, %add3A_769 : i32
        %get3A_771 = arith.constant 0 : i32
        %get3A_772 = arith.index_cast %get3A_771 : i32 to index
        %get3A_773 = arith.index_cast %add3A_770 : i32 to index
        %get3A_774 = tpu.vector_load %arg6[%get3A_772, %get3A_773] {strides = array<i32>} : memref<2x6400xi32, #tpu.memory_space<vmem>>, vector<16xi32>,
        %gather3A_775 = tpu.vector_load_idx %arg5[%get3A_774] : memref<100000xf32, #tpu.memory_space<vmem>>[vector<16xi32>], vector<16xf32>,
        %swap3A_776 = arith.constant 0 : i32
        %swap3A_777 = arith.index_cast %swap3A_776 : i32 to index
        %swap3A_778 = arith.index_cast %add3A_770 : i32 to index
        %swap3A_779 = tpu.vector_load %arg7[%swap3A_777, %swap3A_778] {strides = array<i32>} : memref<2x6400xf32, #tpu.memory_space<vmem>>, vector<16xf32>,
        tpu.vector_store %arg7[%swap3A_777, %swap3A_778], %gather3A_775 {strides = array<i32>} : memref<2x6400xf32, #tpu.memory_space<vmem>>, vector<16xf32>,
        %add3A_780 = arith.constant 176 : i32
        %add3A_781 = arith.addi %add3A_661, %add3A_780 : i32
        %get3A_782 = arith.constant 0 : i32
        %get3A_783 = arith.index_cast %get3A_782 : i32 to index
        %get3A_784 = arith.index_cast %add3A_781 : i32 to index
        %get3A_785 = tpu.vector_load %arg6[%get3A_783, %get3A_784] {strides = array<i32>} : memref<2x6400xi32, #tpu.memory_space<vmem>>, vector<16xi32>,
        %gather3A_786 = tpu.vector_load_idx %arg5[%get3A_785] : memref<100000xf32, #tpu.memory_space<vmem>>[vector<16xi32>], vector<16xf32>,
        %swap3A_787 = arith.constant 0 : i32
        %swap3A_788 = arith.index_cast %swap3A_787 : i32 to index
        %swap3A_789 = arith.index_cast %add3A_781 : i32 to index
        %swap3A_790 = tpu.vector_load %arg7[%swap3A_788, %swap3A_789] {strides = array<i32>} : memref<2x6400xf32, #tpu.memory_space<vmem>>, vector<16xf32>,
        tpu.vector_store %arg7[%swap3A_788, %swap3A_789], %gather3A_786 {strides = array<i32>} : memref<2x6400xf32, #tpu.memory_space<vmem>>, vector<16xf32>,
        %add3A_791 = arith.constant 192 : i32
        %add3A_792 = arith.addi %add3A_661, %add3A_791 : i32
        %get3A_793 = arith.constant 0 : i32
        %get3A_794 = arith.index_cast %get3A_793 : i32 to index
        %get3A_795 = arith.index_cast %add3A_792 : i32 to index
        %get3A_796 = tpu.vector_load %arg6[%get3A_794, %get3A_795] {strides = array<i32>} : memref<2x6400xi32, #tpu.memory_space<vmem>>, vector<16xi32>,
        %gather3A_797 = tpu.vector_load_idx %arg5[%get3A_796] : memref<100000xf32, #tpu.memory_space<vmem>>[vector<16xi32>], vector<16xf32>,
        %swap3A_798 = arith.constant 0 : i32
        %swap3A_799 = arith.index_cast %swap3A_798 : i32 to index
        %swap3A_800 = arith.index_cast %add3A_792 : i32 to index
        %swap3A_801 = tpu.vector_load %arg7[%swap3A_799, %swap3A_800] {strides = array<i32>} : memref<2x6400xf32, #tpu.memory_space<vmem>>, vector<16xf32>,
        tpu.vector_store %arg7[%swap3A_799, %swap3A_800], %gather3A_797 {strides = array<i32>} : memref<2x6400xf32, #tpu.memory_space<vmem>>, vector<16xf32>,
        %add3A_802 = arith.constant 208 : i32
        %add3A_803 = arith.addi %add3A_661, %add3A_802 : i32
        %get3A_804 = arith.constant 0 : i32
        %get3A_805 = arith.index_cast %get3A_804 : i32 to index
        %get3A_806 = arith.index_cast %add3A_803 : i32 to index
        %get3A_807 = tpu.vector_load %arg6[%get3A_805, %get3A_806] {strides = array<i32>} : memref<2x6400xi32, #tpu.memory_space<vmem>>, vector<16xi32>,
        %gather3A_808 = tpu.vector_load_idx %arg5[%get3A_807] : memref<100000xf32, #tpu.memory_space<vmem>>[vector<16xi32>], vector<16xf32>,
        %swap3A_809 = arith.constant 0 : i32
        %swap3A_810 = arith.index_cast %swap3A_809 : i32 to index
        %swap3A_811 = arith.index_cast %add3A_803 : i32 to index
        %swap3A_812 = tpu.vector_load %arg7[%swap3A_810, %swap3A_811] {strides = array<i32>} : memref<2x6400xf32, #tpu.memory_space<vmem>>, vector<16xf32>,
        tpu.vector_store %arg7[%swap3A_810, %swap3A_811], %gather3A_808 {strides = array<i32>} : memref<2x6400xf32, #tpu.memory_space<vmem>>, vector<16xf32>,
        %add3A_813 = arith.constant 224 : i32
        %add3A_814 = arith.addi %add3A_661, %add3A_813 : i32
        %get3A_815 = arith.constant 0 : i32
        %get3A_816 = arith.index_cast %get3A_815 : i32 to index
        %get3A_817 = arith.index_cast %add3A_814 : i32 to index
        %get3A_818 = tpu.vector_load %arg6[%get3A_816, %get3A_817] {strides = array<i32>} : memref<2x6400xi32, #tpu.memory_space<vmem>>, vector<16xi32>,
        %gather3A_819 = tpu.vector_load_idx %arg5[%get3A_818] : memref<100000xf32, #tpu.memory_space<vmem>>[vector<16xi32>], vector<16xf32>,
        %swap3A_820 = arith.constant 0 : i32
        %swap3A_821 = arith.index_cast %swap3A_820 : i32 to index
        %swap3A_822 = arith.index_cast %add3A_814 : i32 to index
        %swap3A_823 = tpu.vector_load %arg7[%swap3A_821, %swap3A_822] {strides = array<i32>} : memref<2x6400xf32, #tpu.memory_space<vmem>>, vector<16xf32>,
        tpu.vector_store %arg7[%swap3A_821, %swap3A_822], %gather3A_819 {strides = array<i32>} : memref<2x6400xf32, #tpu.memory_space<vmem>>, vector<16xf32>,
        %add3A_824 = arith.constant 240 : i32
        %add3A_825 = arith.addi %add3A_661, %add3A_824 : i32
        %get3A_826 = arith.constant 0 : i32
        %get3A_827 = arith.index_cast %get3A_826 : i32 to index
        %get3A_828 = arith.index_cast %add3A_825 : i32 to index
        %get3A_829 = tpu.vector_load %arg6[%get3A_827, %get3A_828] {strides = array<i32>} : memref<2x6400xi32, #tpu.memory_space<vmem>>, vector<16xi32>,
        %gather3A_830 = tpu.vector_load_idx %arg5[%get3A_829] : memref<100000xf32, #tpu.memory_space<vmem>>[vector<16xi32>], vector<16xf32>,
        %swap3A_831 = arith.constant 0 : i32
        %swap3A_832 = arith.index_cast %swap3A_831 : i32 to index
        %swap3A_833 = arith.index_cast %add3A_825 : i32 to index
        %swap3A_834 = tpu.vector_load %arg7[%swap3A_832, %swap3A_833] {strides = array<i32>} : memref<2x6400xf32, #tpu.memory_space<vmem>>, vector<16xf32>,
        tpu.vector_store %arg7[%swap3A_832, %swap3A_833], %gather3A_830 {strides = array<i32>} : memref<2x6400xf32, #tpu.memory_space<vmem>>, vector<16xf32>,
      }
      %scan3A_501 = arith.constant 25 : i32
      %add3A_502 = arith.constant 2 : i32
      %add3A_503 = arith.addi %add3A_470, %add3A_502 : i32
      %mul3A_504 = arith.constant 6400 : i32
      %mul3A_505 = arith.muli %add3A_503, %mul3A_504 : i32
      %dma_start3A_506 = arith.constant 0 : i32
      %dma_start3A_507 = arith.constant 0 : i32
      %dma_start3A_508 = tpu.memref_slice %arg6[%dma_start3A_506, %dma_start3A_507] : memref<2x6400xi32, #tpu.memory_space<vmem>> -> memref<1x6400xi32, #tpu.memory_space<vmem>>
      %dma_start3A_509 = tpu.memref_squeeze %dma_start3A_508 : memref<1x6400xi32, #tpu.memory_space<vmem>> -> memref<6400xi32, #tpu.memory_space<vmem>>
      %dma_start3A_510 = tpu.memref_slice %arg3[%mul3A_505] : memref<204800xi32, #tpu.memory_space<hbm>> -> memref<6400xi32, #tpu.memory_space<hbm>>
      %dma_start3A_511 = arith.constant 0 : i32
      %dma_start3A_512 = tpu.memref_slice %arg6[%dma_start3A_506, %dma_start3A_511] : memref<2x6400xi32, #tpu.memory_space<vmem>> -> memref<1x6400xi32, #tpu.memory_space<vmem>>
      %dma_start3A_513 = tpu.memref_squeeze %dma_start3A_512 : memref<1x6400xi32, #tpu.memory_space<vmem>> -> memref<6400xi32, #tpu.memory_space<vmem>>
      %dma_start3A_514 = tpu.memref_slice %arg3[%mul3A_505] : memref<204800xi32, #tpu.memory_space<hbm>> -> memref<6400xi32, #tpu.memory_space<hbm>>
      tpu.enqueue_dma source(%dma_start3A_514 : memref<6400xi32, #tpu.memory_space<hbm>>) target(%dma_start3A_513 : memref<6400xi32, #tpu.memory_space<vmem>>) target_semaphore(%arg8 : memref<!tpu.dma_semaphore, #tpu.memory_space<semaphore_mem>>)
      %jit3A = arith.constant 4 : i32
      %div3A = arith.divsi %add3A_470, %jit3A : i32
      %sign3A = arith.constant 0 : i32
      %sign3A_515 = arith.cmpi sgt, %add3A_470, %sign3A : i32
      %sign3A_516 = arith.extui %sign3A_515 : i1 to i32
      %sign3A_517 = arith.constant 0 : i32
      %sign3A_518 = arith.cmpi slt, %add3A_470, %sign3A_517 : i32
      %sign3A_519 = arith.extui %sign3A_518 : i1 to i32
      %sign3A_520 = arith.subi %sign3A_516, %sign3A_519 : i32
      %sign3A_521 = arith.constant 0 : i32
      %sign3A_522 = arith.cmpi sgt, %jit3A, %sign3A_521 : i32
      %sign3A_523 = arith.extui %sign3A_522 : i1 to i32
      %sign3A_524 = arith.constant 0 : i32
      %sign3A_525 = arith.cmpi slt, %jit3A, %sign3A_524 : i32
      %sign3A_526 = arith.extui %sign3A_525 : i1 to i32
      %sign3A_527 = arith.subi %sign3A_523, %sign3A_526 : i32
      %ne3A = arith.cmpi ne, %sign3A_520, %sign3A_527 : i32
      %rem3A = arith.remsi %add3A_470, %jit3A : i32
      %ne3A_528 = arith.constant 0 : i32
      %ne3A_529 = arith.cmpi ne, %rem3A, %ne3A_528 : i32
      %and3A = arith.andi %ne3A, %ne3A_529 : i1
      %sub3A = arith.constant 1 : i32
      %sub3A_530 = arith.subi %div3A, %sub3A : i32
      %select_n3A = arith.select %and3A, %sub3A_530, %div3A : i32
      %jit3A_531 = arith.constant 4 : i32
      %eq3A = arith.constant 0 : i32
      %eq3A_532 = arith.cmpi eq, %jit3A_531, %eq3A : i32
      %jit3A_533 = arith.constant 1 : i32
      %select_n3A_534 = arith.select %eq3A_532, %jit3A_533, %jit3A_531 : i32
      %rem3A_535 = arith.remsi %add3A_470, %select_n3A_534 : i32
      %ne3A_536 = arith.constant 0 : i32
      %ne3A_537 = arith.cmpi ne, %rem3A_535, %ne3A_536 : i32
      %lt3A = arith.constant 0 : i32
      %lt3A_538 = arith.cmpi slt, %rem3A_535, %lt3A : i32
      %lt3A_539 = arith.constant 0 : i32
      %lt3A_540 = arith.cmpi slt, %select_n3A_534, %lt3A_539 : i32
      %ne3A_541 = arith.xori %lt3A_538, %lt3A_540 : i1
      %and3A_542 = arith.andi %ne3A_541, %ne3A_537 : i1
      %add3A_543 = arith.addi %rem3A_535, %select_n3A_534 : i32
      %select_n3A_544 = arith.select %and3A_542, %add3A_543, %rem3A_535 : i32
      %mul3A_545 = arith.constant 6400 : i32
      %mul3A_546 = arith.muli %select_n3A_544, %mul3A_545 : i32
      %dma_start3A_547 = arith.constant 0 : i32
      %dma_start3A_548 = arith.constant 0 : i32
      %dma_start3A_549 = tpu.memref_slice %arg7[%dma_start3A_547, %dma_start3A_548] : memref<2x6400xf32, #tpu.memory_space<vmem>> -> memref<1x6400xf32, #tpu.memory_space<vmem>>
      %dma_start3A_550 = tpu.memref_squeeze %dma_start3A_549 : memref<1x6400xf32, #tpu.memory_space<vmem>> -> memref<6400xf32, #tpu.memory_space<vmem>>
      %dma_start3A_551 = tpu.memref_slice %arg4[%select_n3A, %add3A_4, %mul3A_546] : memref<8x64x25600xf32, #tpu.memory_space<hbm>> -> memref<1x1x6400xf32, #tpu.memory_space<hbm>>
      %dma_start3A_552 = tpu.memref_squeeze %dma_start3A_551 : memref<1x1x6400xf32, #tpu.memory_space<hbm>> -> memref<6400xf32, #tpu.memory_space<hbm>>
      %dma_start3A_553 = tpu.memref_slice %arg4[%select_n3A, %add3A_4, %mul3A_546] : memref<8x64x25600xf32, #tpu.memory_space<hbm>> -> memref<1x1x6400xf32, #tpu.memory_space<hbm>>
      %dma_start3A_554 = tpu.memref_squeeze %dma_start3A_553 : memref<1x1x6400xf32, #tpu.memory_space<hbm>> -> memref<6400xf32, #tpu.memory_space<hbm>>
      %dma_start3A_555 = arith.constant 0 : i32
      %dma_start3A_556 = tpu.memref_slice %arg7[%dma_start3A_547, %dma_start3A_555] : memref<2x6400xf32, #tpu.memory_space<vmem>> -> memref<1x6400xf32, #tpu.memory_space<vmem>>
      %dma_start3A_557 = tpu.memref_squeeze %dma_start3A_556 : memref<1x6400xf32, #tpu.memory_space<vmem>> -> memref<6400xf32, #tpu.memory_space<vmem>>
      tpu.enqueue_dma source(%dma_start3A_557 : memref<6400xf32, #tpu.memory_space<vmem>>) target(%dma_start3A_554 : memref<6400xf32, #tpu.memory_space<hbm>>) target_semaphore(%arg10 : memref<!tpu.dma_semaphore, #tpu.memory_space<semaphore_mem>>)
      %add3A_558 = arith.constant 1 : i32
      %add3A_559 = arith.addi %add3A_468, %add3A_558 : i32
      %dma_wait3A_560 = arith.constant 1 : i32
      %dma_wait3A_561 = arith.constant 0 : i32
      %dma_wait3A_562 = tpu.memref_slice %arg6[%dma_wait3A_560, %dma_wait3A_561] : memref<2x6400xi32, #tpu.memory_space<vmem>> -> memref<1x6400xi32, #tpu.memory_space<vmem>>
      %dma_wait3A_563 = tpu.memref_squeeze %dma_wait3A_562 : memref<1x6400xi32, #tpu.memory_space<vmem>> -> memref<6400xi32, #tpu.memory_space<vmem>>
      %dma_wait3A_564 = arith.constant 0 : i32
      %dma_wait3A_565 = tpu.memref_slice %arg3[%dma_wait3A_564] : memref<204800xi32, #tpu.memory_space<hbm>> -> memref<6400xi32, #tpu.memory_space<hbm>>
      %dma_wait3A_566 = arith.constant 0 : i32
      %dma_wait3A_567 = tpu.memref_slice %arg6[%dma_wait3A_560, %dma_wait3A_566] : memref<2x6400xi32, #tpu.memory_space<vmem>> -> memref<1x6400xi32, #tpu.memory_space<vmem>>
      %dma_wait3A_568 = tpu.memref_squeeze %dma_wait3A_567 : memref<1x6400xi32, #tpu.memory_space<vmem>> -> memref<6400xi32, #tpu.memory_space<vmem>>
      %dma_wait3A_569 = arith.constant 0 : i32
      %dma_wait3A_570 = tpu.memref_slice %arg3[%dma_wait3A_569] : memref<204800xi32, #tpu.memory_space<hbm>> -> memref<6400xi32, #tpu.memory_space<hbm>>
      tpu.wait_dma2 semaphore(%arg9 : memref<!tpu.dma_semaphore, #tpu.memory_space<semaphore_mem>>) src(%dma_wait3A_570 : memref<6400xi32, #tpu.memory_space<hbm>>) dst(%dma_wait3A_568 : memref<6400xi32, #tpu.memory_space<vmem>>)
      %dma_wait3A_571 = arith.constant 1 : i32
      %dma_wait3A_572 = arith.constant 0 : i32
      %dma_wait3A_573 = arith.constant 0 : i32
      %dma_wait3A_574 = arith.constant 0 : i32
      %dma_wait3A_575 = tpu.memref_slice %arg7[%dma_wait3A_571, %dma_wait3A_574] : memref<2x6400xf32, #tpu.memory_space<vmem>> -> memref<1x6400xf32, #tpu.memory_space<vmem>>
      %dma_wait3A_576 = tpu.memref_squeeze %dma_wait3A_575 : memref<1x6400xf32, #tpu.memory_space<vmem>> -> memref<6400xf32, #tpu.memory_space<vmem>>
      %dma_wait3A_577 = arith.constant 0 : i32
      %dma_wait3A_578 = tpu.memref_slice %arg4[%dma_wait3A_572, %dma_wait3A_573, %dma_wait3A_577] : memref<8x64x25600xf32, #tpu.memory_space<hbm>> -> memref<1x1x6400xf32, #tpu.memory_space<hbm>>
      %dma_wait3A_579 = tpu.memref_squeeze %dma_wait3A_578 : memref<1x1x6400xf32, #tpu.memory_space<hbm>> -> memref<6400xf32, #tpu.memory_space<hbm>>
      %dma_wait3A_580 = arith.constant 0 : i32
      %dma_wait3A_581 = tpu.memref_slice %arg4[%dma_wait3A_572, %dma_wait3A_573, %dma_wait3A_580] : memref<8x64x25600xf32, #tpu.memory_space<hbm>> -> memref<1x1x6400xf32, #tpu.memory_space<hbm>>
      %dma_wait3A_582 = tpu.memref_squeeze %dma_wait3A_581 : memref<1x1x6400xf32, #tpu.memory_space<hbm>> -> memref<6400xf32, #tpu.memory_space<hbm>>
      %dma_wait3A_583 = arith.constant 0 : i32
      %dma_wait3A_584 = tpu.memref_slice %arg7[%dma_wait3A_571, %dma_wait3A_583] : memref<2x6400xf32, #tpu.memory_space<vmem>> -> memref<1x6400xf32, #tpu.memory_space<vmem>>
      %dma_wait3A_585 = tpu.memref_squeeze %dma_wait3A_584 : memref<1x6400xf32, #tpu.memory_space<vmem>> -> memref<6400xf32, #tpu.memory_space<vmem>>
      tpu.wait_dma2 semaphore(%arg11 : memref<!tpu.dma_semaphore, #tpu.memory_space<semaphore_mem>>) src(%dma_wait3A_585 : memref<6400xf32, #tpu.memory_space<vmem>>) dst(%dma_wait3A_582 : memref<6400xf32, #tpu.memory_space<hbm>>)
      %scan3A_586 = arith.constant 0 : i32
      %scan3A_587 = arith.constant 25 : i32
      %scan3A_588 = arith.addi %scan3A_586, %scan3A_587 : i32
      %scan3A_589 = arith.constant 1 : i32
      scf.for %scan3A_657 = %scan3A_586 to %scan3A_588 step %scan3A_589  : i32 {
        %mul3A_658 = arith.constant 256 : i32
        %mul3A_659 = arith.muli %scan3A_657, %mul3A_658 : i32
        %add3A_660 = arith.constant 0 : i32
        %add3A_661 = arith.addi %add3A_660, %mul3A_659 : i32
        %add3A_662 = arith.constant 0 : i32
        %add3A_663 = arith.addi %add3A_661, %add3A_662 : i32
        %get3A = arith.constant 1 : i32
        %get3A_664 = arith.index_cast %get3A : i32 to index
        %get3A_665 = arith.index_cast %add3A_663 : i32 to index
        %get3A_666 = tpu.vector_load %arg6[%get3A_664, %get3A_665] {strides = array<i32>} : memref<2x6400xi32, #tpu.memory_space<vmem>>, vector<16xi32>,
        %gather3A = tpu.vector_load_idx %arg5[%get3A_666] : memref<100000xf32, #tpu.memory_space<vmem>>[vector<16xi32>], vector<16xf32>,
        %swap3A = arith.constant 1 : i32
        %swap3A_667 = arith.index_cast %swap3A : i32 to index
        %swap3A_668 = arith.index_cast %add3A_663 : i32 to index
        %swap3A_669 = tpu.vector_load %arg7[%swap3A_667, %swap3A_668] {strides = array<i32>} : memref<2x6400xf32, #tpu.memory_space<vmem>>, vector<16xf32>,
        tpu.vector_store %arg7[%swap3A_667, %swap3A_668], %gather3A {strides = array<i32>} : memref<2x6400xf32, #tpu.memory_space<vmem>>, vector<16xf32>,
        %add3A_670 = arith.constant 16 : i32
        %add3A_671 = arith.addi %add3A_661, %add3A_670 : i32
        %get3A_672 = arith.constant 1 : i32
        %get3A_673 = arith.index_cast %get3A_672 : i32 to index
        %get3A_674 = arith.index_cast %add3A_671 : i32 to index
        %get3A_675 = tpu.vector_load %arg6[%get3A_673, %get3A_674] {strides = array<i32>} : memref<2x6400xi32, #tpu.memory_space<vmem>>, vector<16xi32>,
        %gather3A_676 = tpu.vector_load_idx %arg5[%get3A_675] : memref<100000xf32, #tpu.memory_space<vmem>>[vector<16xi32>], vector<16xf32>,
        %swap3A_677 = arith.constant 1 : i32
        %swap3A_678 = arith.index_cast %swap3A_677 : i32 to index
        %swap3A_679 = arith.index_cast %add3A_671 : i32 to index
        %swap3A_680 = tpu.vector_load %arg7[%swap3A_678, %swap3A_679] {strides = array<i32>} : memref<2x6400xf32, #tpu.memory_space<vmem>>, vector<16xf32>,
        tpu.vector_store %arg7[%swap3A_678, %swap3A_679], %gather3A_676 {strides = array<i32>} : memref<2x6400xf32, #tpu.memory_space<vmem>>, vector<16xf32>,
        %add3A_681 = arith.constant 32 : i32
        %add3A_682 = arith.addi %add3A_661, %add3A_681 : i32
        %get3A_683 = arith.constant 1 : i32
        %get3A_684 = arith.index_cast %get3A_683 : i32 to index
        %get3A_685 = arith.index_cast %add3A_682 : i32 to index
        %get3A_686 = tpu.vector_load %arg6[%get3A_684, %get3A_685] {strides = array<i32>} : memref<2x6400xi32, #tpu.memory_space<vmem>>, vector<16xi32>,
        %gather3A_687 = tpu.vector_load_idx %arg5[%get3A_686] : memref<100000xf32, #tpu.memory_space<vmem>>[vector<16xi32>], vector<16xf32>,
        %swap3A_688 = arith.constant 1 : i32
        %swap3A_689 = arith.index_cast %swap3A_688 : i32 to index
        %swap3A_690 = arith.index_cast %add3A_682 : i32 to index
        %swap3A_691 = tpu.vector_load %arg7[%swap3A_689, %swap3A_690] {strides = array<i32>} : memref<2x6400xf32, #tpu.memory_space<vmem>>, vector<16xf32>,
        tpu.vector_store %arg7[%swap3A_689, %swap3A_690], %gather3A_687 {strides = array<i32>} : memref<2x6400xf32, #tpu.memory_space<vmem>>, vector<16xf32>,
        %add3A_692 = arith.constant 48 : i32
        %add3A_693 = arith.addi %add3A_661, %add3A_692 : i32
        %get3A_694 = arith.constant 1 : i32
        %get3A_695 = arith.index_cast %get3A_694 : i32 to index
        %get3A_696 = arith.index_cast %add3A_693 : i32 to index
        %get3A_697 = tpu.vector_load %arg6[%get3A_695, %get3A_696] {strides = array<i32>} : memref<2x6400xi32, #tpu.memory_space<vmem>>, vector<16xi32>,
        %gather3A_698 = tpu.vector_load_idx %arg5[%get3A_697] : memref<100000xf32, #tpu.memory_space<vmem>>[vector<16xi32>], vector<16xf32>,
        %swap3A_699 = arith.constant 1 : i32
        %swap3A_700 = arith.index_cast %swap3A_699 : i32 to index
        %swap3A_701 = arith.index_cast %add3A_693 : i32 to index
        %swap3A_702 = tpu.vector_load %arg7[%swap3A_700, %swap3A_701] {strides = array<i32>} : memref<2x6400xf32, #tpu.memory_space<vmem>>, vector<16xf32>,
        tpu.vector_store %arg7[%swap3A_700, %swap3A_701], %gather3A_698 {strides = array<i32>} : memref<2x6400xf32, #tpu.memory_space<vmem>>, vector<16xf32>,
        %add3A_703 = arith.constant 64 : i32
        %add3A_704 = arith.addi %add3A_661, %add3A_703 : i32
        %get3A_705 = arith.constant 1 : i32
        %get3A_706 = arith.index_cast %get3A_705 : i32 to index
        %get3A_707 = arith.index_cast %add3A_704 : i32 to index
        %get3A_708 = tpu.vector_load %arg6[%get3A_706, %get3A_707] {strides = array<i32>} : memref<2x6400xi32, #tpu.memory_space<vmem>>, vector<16xi32>,
        %gather3A_709 = tpu.vector_load_idx %arg5[%get3A_708] : memref<100000xf32, #tpu.memory_space<vmem>>[vector<16xi32>], vector<16xf32>,
        %swap3A_710 = arith.constant 1 : i32
        %swap3A_711 = arith.index_cast %swap3A_710 : i32 to index
        %swap3A_712 = arith.index_cast %add3A_704 : i32 to index
        %swap3A_713 = tpu.vector_load %arg7[%swap3A_711, %swap3A_712] {strides = array<i32>} : memref<2x6400xf32, #tpu.memory_space<vmem>>, vector<16xf32>,
        tpu.vector_store %arg7[%swap3A_711, %swap3A_712], %gather3A_709 {strides = array<i32>} : memref<2x6400xf32, #tpu.memory_space<vmem>>, vector<16xf32>,
        %add3A_714 = arith.constant 80 : i32
        %add3A_715 = arith.addi %add3A_661, %add3A_714 : i32
        %get3A_716 = arith.constant 1 : i32
        %get3A_717 = arith.index_cast %get3A_716 : i32 to index
        %get3A_718 = arith.index_cast %add3A_715 : i32 to index
        %get3A_719 = tpu.vector_load %arg6[%get3A_717, %get3A_718] {strides = array<i32>} : memref<2x6400xi32, #tpu.memory_space<vmem>>, vector<16xi32>,
        %gather3A_720 = tpu.vector_load_idx %arg5[%get3A_719] : memref<100000xf32, #tpu.memory_space<vmem>>[vector<16xi32>], vector<16xf32>,
        %swap3A_721 = arith.constant 1 : i32
        %swap3A_722 = arith.index_cast %swap3A_721 : i32 to index
        %swap3A_723 = arith.index_cast %add3A_715 : i32 to index
        %swap3A_724 = tpu.vector_load %arg7[%swap3A_722, %swap3A_723] {strides = array<i32>} : memref<2x6400xf32, #tpu.memory_space<vmem>>, vector<16xf32>,
        tpu.vector_store %arg7[%swap3A_722, %swap3A_723], %gather3A_720 {strides = array<i32>} : memref<2x6400xf32, #tpu.memory_space<vmem>>, vector<16xf32>,
        %add3A_725 = arith.constant 96 : i32
        %add3A_726 = arith.addi %add3A_661, %add3A_725 : i32
        %get3A_727 = arith.constant 1 : i32
        %get3A_728 = arith.index_cast %get3A_727 : i32 to index
        %get3A_729 = arith.index_cast %add3A_726 : i32 to index
        %get3A_730 = tpu.vector_load %arg6[%get3A_728, %get3A_729] {strides = array<i32>} : memref<2x6400xi32, #tpu.memory_space<vmem>>, vector<16xi32>,
        %gather3A_731 = tpu.vector_load_idx %arg5[%get3A_730] : memref<100000xf32, #tpu.memory_space<vmem>>[vector<16xi32>], vector<16xf32>,
        %swap3A_732 = arith.constant 1 : i32
        %swap3A_733 = arith.index_cast %swap3A_732 : i32 to index
        %swap3A_734 = arith.index_cast %add3A_726 : i32 to index
        %swap3A_735 = tpu.vector_load %arg7[%swap3A_733, %swap3A_734] {strides = array<i32>} : memref<2x6400xf32, #tpu.memory_space<vmem>>, vector<16xf32>,
        tpu.vector_store %arg7[%swap3A_733, %swap3A_734], %gather3A_731 {strides = array<i32>} : memref<2x6400xf32, #tpu.memory_space<vmem>>, vector<16xf32>,
        %add3A_736 = arith.constant 112 : i32
        %add3A_737 = arith.addi %add3A_661, %add3A_736 : i32
        %get3A_738 = arith.constant 1 : i32
        %get3A_739 = arith.index_cast %get3A_738 : i32 to index
        %get3A_740 = arith.index_cast %add3A_737 : i32 to index
        %get3A_741 = tpu.vector_load %arg6[%get3A_739, %get3A_740] {strides = array<i32>} : memref<2x6400xi32, #tpu.memory_space<vmem>>, vector<16xi32>,
        %gather3A_742 = tpu.vector_load_idx %arg5[%get3A_741] : memref<100000xf32, #tpu.memory_space<vmem>>[vector<16xi32>], vector<16xf32>,
        %swap3A_743 = arith.constant 1 : i32
        %swap3A_744 = arith.index_cast %swap3A_743 : i32 to index
        %swap3A_745 = arith.index_cast %add3A_737 : i32 to index
        %swap3A_746 = tpu.vector_load %arg7[%swap3A_744, %swap3A_745] {strides = array<i32>} : memref<2x6400xf32, #tpu.memory_space<vmem>>, vector<16xf32>,
        tpu.vector_store %arg7[%swap3A_744, %swap3A_745], %gather3A_742 {strides = array<i32>} : memref<2x6400xf32, #tpu.memory_space<vmem>>, vector<16xf32>,
        %add3A_747 = arith.constant 128 : i32
        %add3A_748 = arith.addi %add3A_661, %add3A_747 : i32
        %get3A_749 = arith.constant 1 : i32
        %get3A_750 = arith.index_cast %get3A_749 : i32 to index
        %get3A_751 = arith.index_cast %add3A_748 : i32 to index
        %get3A_752 = tpu.vector_load %arg6[%get3A_750, %get3A_751] {strides = array<i32>} : memref<2x6400xi32, #tpu.memory_space<vmem>>, vector<16xi32>,
        %gather3A_753 = tpu.vector_load_idx %arg5[%get3A_752] : memref<100000xf32, #tpu.memory_space<vmem>>[vector<16xi32>], vector<16xf32>,
        %swap3A_754 = arith.constant 1 : i32
        %swap3A_755 = arith.index_cast %swap3A_754 : i32 to index
        %swap3A_756 = arith.index_cast %add3A_748 : i32 to index
        %swap3A_757 = tpu.vector_load %arg7[%swap3A_755, %swap3A_756] {strides = array<i32>} : memref<2x6400xf32, #tpu.memory_space<vmem>>, vector<16xf32>,
        tpu.vector_store %arg7[%swap3A_755, %swap3A_756], %gather3A_753 {strides = array<i32>} : memref<2x6400xf32, #tpu.memory_space<vmem>>, vector<16xf32>,
        %add3A_758 = arith.constant 144 : i32
        %add3A_759 = arith.addi %add3A_661, %add3A_758 : i32
        %get3A_760 = arith.constant 1 : i32
        %get3A_761 = arith.index_cast %get3A_760 : i32 to index
        %get3A_762 = arith.index_cast %add3A_759 : i32 to index
        %get3A_763 = tpu.vector_load %arg6[%get3A_761, %get3A_762] {strides = array<i32>} : memref<2x6400xi32, #tpu.memory_space<vmem>>, vector<16xi32>,
        %gather3A_764 = tpu.vector_load_idx %arg5[%get3A_763] : memref<100000xf32, #tpu.memory_space<vmem>>[vector<16xi32>], vector<16xf32>,
        %swap3A_765 = arith.constant 1 : i32
        %swap3A_766 = arith.index_cast %swap3A_765 : i32 to index
        %swap3A_767 = arith.index_cast %add3A_759 : i32 to index
        %swap3A_768 = tpu.vector_load %arg7[%swap3A_766, %swap3A_767] {strides = array<i32>} : memref<2x6400xf32, #tpu.memory_space<vmem>>, vector<16xf32>,
        tpu.vector_store %arg7[%swap3A_766, %swap3A_767], %gather3A_764 {strides = array<i32>} : memref<2x6400xf32, #tpu.memory_space<vmem>>, vector<16xf32>,
        %add3A_769 = arith.constant 160 : i32
        %add3A_770 = arith.addi %add3A_661, %add3A_769 : i32
        %get3A_771 = arith.constant 1 : i32
        %get3A_772 = arith.index_cast %get3A_771 : i32 to index
        %get3A_773 = arith.index_cast %add3A_770 : i32 to index
        %get3A_774 = tpu.vector_load %arg6[%get3A_772, %get3A_773] {strides = array<i32>} : memref<2x6400xi32, #tpu.memory_space<vmem>>, vector<16xi32>,
        %gather3A_775 = tpu.vector_load_idx %arg5[%get3A_774] : memref<100000xf32, #tpu.memory_space<vmem>>[vector<16xi32>], vector<16xf32>,
        %swap3A_776 = arith.constant 1 : i32
        %swap3A_777 = arith.index_cast %swap3A_776 : i32 to index
        %swap3A_778 = arith.index_cast %add3A_770 : i32 to index
        %swap3A_779 = tpu.vector_load %arg7[%swap3A_777, %swap3A_778] {strides = array<i32>} : memref<2x6400xf32, #tpu.memory_space<vmem>>, vector<16xf32>,
        tpu.vector_store %arg7[%swap3A_777, %swap3A_778], %gather3A_775 {strides = array<i32>} : memref<2x6400xf32, #tpu.memory_space<vmem>>, vector<16xf32>,
        %add3A_780 = arith.constant 176 : i32
        %add3A_781 = arith.addi %add3A_661, %add3A_780 : i32
        %get3A_782 = arith.constant 1 : i32
        %get3A_783 = arith.index_cast %get3A_782 : i32 to index
        %get3A_784 = arith.index_cast %add3A_781 : i32 to index
        %get3A_785 = tpu.vector_load %arg6[%get3A_783, %get3A_784] {strides = array<i32>} : memref<2x6400xi32, #tpu.memory_space<vmem>>, vector<16xi32>,
        %gather3A_786 = tpu.vector_load_idx %arg5[%get3A_785] : memref<100000xf32, #tpu.memory_space<vmem>>[vector<16xi32>], vector<16xf32>,
        %swap3A_787 = arith.constant 1 : i32
        %swap3A_788 = arith.index_cast %swap3A_787 : i32 to index
        %swap3A_789 = arith.index_cast %add3A_781 : i32 to index
        %swap3A_790 = tpu.vector_load %arg7[%swap3A_788, %swap3A_789] {strides = array<i32>} : memref<2x6400xf32, #tpu.memory_space<vmem>>, vector<16xf32>,
        tpu.vector_store %arg7[%swap3A_788, %swap3A_789], %gather3A_786 {strides = array<i32>} : memref<2x6400xf32, #tpu.memory_space<vmem>>, vector<16xf32>,
        %add3A_791 = arith.constant 192 : i32
        %add3A_792 = arith.addi %add3A_661, %add3A_791 : i32
        %get3A_793 = arith.constant 1 : i32
        %get3A_794 = arith.index_cast %get3A_793 : i32 to index
        %get3A_795 = arith.index_cast %add3A_792 : i32 to index
        %get3A_796 = tpu.vector_load %arg6[%get3A_794, %get3A_795] {strides = array<i32>} : memref<2x6400xi32, #tpu.memory_space<vmem>>, vector<16xi32>,
        %gather3A_797 = tpu.vector_load_idx %arg5[%get3A_796] : memref<100000xf32, #tpu.memory_space<vmem>>[vector<16xi32>], vector<16xf32>,
        %swap3A_798 = arith.constant 1 : i32
        %swap3A_799 = arith.index_cast %swap3A_798 : i32 to index
        %swap3A_800 = arith.index_cast %add3A_792 : i32 to index
        %swap3A_801 = tpu.vector_load %arg7[%swap3A_799, %swap3A_800] {strides = array<i32>} : memref<2x6400xf32, #tpu.memory_space<vmem>>, vector<16xf32>,
        tpu.vector_store %arg7[%swap3A_799, %swap3A_800], %gather3A_797 {strides = array<i32>} : memref<2x6400xf32, #tpu.memory_space<vmem>>, vector<16xf32>,
        %add3A_802 = arith.constant 208 : i32
        %add3A_803 = arith.addi %add3A_661, %add3A_802 : i32
        %get3A_804 = arith.constant 1 : i32
        %get3A_805 = arith.index_cast %get3A_804 : i32 to index
        %get3A_806 = arith.index_cast %add3A_803 : i32 to index
        %get3A_807 = tpu.vector_load %arg6[%get3A_805, %get3A_806] {strides = array<i32>} : memref<2x6400xi32, #tpu.memory_space<vmem>>, vector<16xi32>,
        %gather3A_808 = tpu.vector_load_idx %arg5[%get3A_807] : memref<100000xf32, #tpu.memory_space<vmem>>[vector<16xi32>], vector<16xf32>,
        %swap3A_809 = arith.constant 1 : i32
        %swap3A_810 = arith.index_cast %swap3A_809 : i32 to index
        %swap3A_811 = arith.index_cast %add3A_803 : i32 to index
        %swap3A_812 = tpu.vector_load %arg7[%swap3A_810, %swap3A_811] {strides = array<i32>} : memref<2x6400xf32, #tpu.memory_space<vmem>>, vector<16xf32>,
        tpu.vector_store %arg7[%swap3A_810, %swap3A_811], %gather3A_808 {strides = array<i32>} : memref<2x6400xf32, #tpu.memory_space<vmem>>, vector<16xf32>,
        %add3A_813 = arith.constant 224 : i32
        %add3A_814 = arith.addi %add3A_661, %add3A_813 : i32
        %get3A_815 = arith.constant 1 : i32
        %get3A_816 = arith.index_cast %get3A_815 : i32 to index
        %get3A_817 = arith.index_cast %add3A_814 : i32 to index
        %get3A_818 = tpu.vector_load %arg6[%get3A_816, %get3A_817] {strides = array<i32>} : memref<2x6400xi32, #tpu.memory_space<vmem>>, vector<16xi32>,
        %gather3A_819 = tpu.vector_load_idx %arg5[%get3A_818] : memref<100000xf32, #tpu.memory_space<vmem>>[vector<16xi32>], vector<16xf32>,
        %swap3A_820 = arith.constant 1 : i32
        %swap3A_821 = arith.index_cast %swap3A_820 : i32 to index
        %swap3A_822 = arith.index_cast %add3A_814 : i32 to index
        %swap3A_823 = tpu.vector_load %arg7[%swap3A_821, %swap3A_822] {strides = array<i32>} : memref<2x6400xf32, #tpu.memory_space<vmem>>, vector<16xf32>,
        tpu.vector_store %arg7[%swap3A_821, %swap3A_822], %gather3A_819 {strides = array<i32>} : memref<2x6400xf32, #tpu.memory_space<vmem>>, vector<16xf32>,
        %add3A_824 = arith.constant 240 : i32
        %add3A_825 = arith.addi %add3A_661, %add3A_824 : i32
        %get3A_826 = arith.constant 1 : i32
        %get3A_827 = arith.index_cast %get3A_826 : i32 to index
        %get3A_828 = arith.index_cast %add3A_825 : i32 to index
        %get3A_829 = tpu.vector_load %arg6[%get3A_827, %get3A_828] {strides = array<i32>} : memref<2x6400xi32, #tpu.memory_space<vmem>>, vector<16xi32>,
        %gather3A_830 = tpu.vector_load_idx %arg5[%get3A_829] : memref<100000xf32, #tpu.memory_space<vmem>>[vector<16xi32>], vector<16xf32>,
        %swap3A_831 = arith.constant 1 : i32
        %swap3A_832 = arith.index_cast %swap3A_831 : i32 to index
        %swap3A_833 = arith.index_cast %add3A_825 : i32 to index
        %swap3A_834 = tpu.vector_load %arg7[%swap3A_832, %swap3A_833] {strides = array<i32>} : memref<2x6400xf32, #tpu.memory_space<vmem>>, vector<16xf32>,
        tpu.vector_store %arg7[%swap3A_832, %swap3A_833], %gather3A_830 {strides = array<i32>} : memref<2x6400xf32, #tpu.memory_space<vmem>>, vector<16xf32>,
      }
      %scan3A_590 = arith.constant 25 : i32
      %add3A_591 = arith.constant 2 : i32
      %add3A_592 = arith.addi %add3A_559, %add3A_591 : i32
      %mul3A_593 = arith.constant 6400 : i32
      %mul3A_594 = arith.muli %add3A_592, %mul3A_593 : i32
      %dma_start3A_595 = arith.constant 1 : i32
      %dma_start3A_596 = arith.constant 0 : i32
      %dma_start3A_597 = tpu.memref_slice %arg6[%dma_start3A_595, %dma_start3A_596] : memref<2x6400xi32, #tpu.memory_space<vmem>> -> memref<1x6400xi32, #tpu.memory_space<vmem>>
      %dma_start3A_598 = tpu.memref_squeeze %dma_start3A_597 : memref<1x6400xi32, #tpu.memory_space<vmem>> -> memref<6400xi32, #tpu.memory_space<vmem>>
      %dma_start3A_599 = tpu.memref_slice %arg3[%mul3A_594] : memref<204800xi32, #tpu.memory_space<hbm>> -> memref<6400xi32, #tpu.memory_space<hbm>>
      %dma_start3A_600 = arith.constant 0 : i32
      %dma_start3A_601 = tpu.memref_slice %arg6[%dma_start3A_595, %dma_start3A_600] : memref<2x6400xi32, #tpu.memory_space<vmem>> -> memref<1x6400xi32, #tpu.memory_space<vmem>>
      %dma_start3A_602 = tpu.memref_squeeze %dma_start3A_601 : memref<1x6400xi32, #tpu.memory_space<vmem>> -> memref<6400xi32, #tpu.memory_space<vmem>>
      %dma_start3A_603 = tpu.memref_slice %arg3[%mul3A_594] : memref<204800xi32, #tpu.memory_space<hbm>> -> memref<6400xi32, #tpu.memory_space<hbm>>
      tpu.enqueue_dma source(%dma_start3A_603 : memref<6400xi32, #tpu.memory_space<hbm>>) target(%dma_start3A_602 : memref<6400xi32, #tpu.memory_space<vmem>>) target_semaphore(%arg9 : memref<!tpu.dma_semaphore, #tpu.memory_space<semaphore_mem>>)
      %jit3A_604 = arith.constant 4 : i32
      %div3A_605 = arith.divsi %add3A_559, %jit3A_604 : i32
      %sign3A_606 = arith.constant 0 : i32
      %sign3A_607 = arith.cmpi sgt, %add3A_559, %sign3A_606 : i32
      %sign3A_608 = arith.extui %sign3A_607 : i1 to i32
      %sign3A_609 = arith.constant 0 : i32
      %sign3A_610 = arith.cmpi slt, %add3A_559, %sign3A_609 : i32
      %sign3A_611 = arith.extui %sign3A_610 : i1 to i32
      %sign3A_612 = arith.subi %sign3A_608, %sign3A_611 : i32
      %sign3A_613 = arith.constant 0 : i32
      %sign3A_614 = arith.cmpi sgt, %jit3A_604, %sign3A_613 : i32
      %sign3A_615 = arith.extui %sign3A_614 : i1 to i32
      %sign3A_616 = arith.constant 0 : i32
      %sign3A_617 = arith.cmpi slt, %jit3A_604, %sign3A_616 : i32
      %sign3A_618 = arith.extui %sign3A_617 : i1 to i32
      %sign3A_619 = arith.subi %sign3A_615, %sign3A_618 : i32
      %ne3A_620 = arith.cmpi ne, %sign3A_612, %sign3A_619 : i32
      %rem3A_621 = arith.remsi %add3A_559, %jit3A_604 : i32
      %ne3A_622 = arith.constant 0 : i32
      %ne3A_623 = arith.cmpi ne, %rem3A_621, %ne3A_622 : i32
      %and3A_624 = arith.andi %ne3A_620, %ne3A_623 : i1
      %sub3A_625 = arith.constant 1 : i32
      %sub3A_626 = arith.subi %div3A_605, %sub3A_625 : i32
      %select_n3A_627 = arith.select %and3A_624, %sub3A_626, %div3A_605 : i32
      %jit3A_628 = arith.constant 4 : i32
      %eq3A_629 = arith.constant 0 : i32
      %eq3A_630 = arith.cmpi eq, %jit3A_628, %eq3A_629 : i32
      %jit3A_631 = arith.constant 1 : i32
      %select_n3A_632 = arith.select %eq3A_630, %jit3A_631, %jit3A_628 : i32
      %rem3A_633 = arith.remsi %add3A_559, %select_n3A_632 : i32
      %ne3A_634 = arith.constant 0 : i32
      %ne3A_635 = arith.cmpi ne, %rem3A_633, %ne3A_634 : i32
      %lt3A_636 = arith.constant 0 : i32
      %lt3A_637 = arith.cmpi slt, %rem3A_633, %lt3A_636 : i32
      %lt3A_638 = arith.constant 0 : i32
      %lt3A_639 = arith.cmpi slt, %select_n3A_632, %lt3A_638 : i32
      %ne3A_640 = arith.xori %lt3A_637, %lt3A_639 : i1
      %and3A_641 = arith.andi %ne3A_640, %ne3A_635 : i1
      %add3A_642 = arith.addi %rem3A_633, %select_n3A_632 : i32
      %select_n3A_643 = arith.select %and3A_641, %add3A_642, %rem3A_633 : i32
      %mul3A_644 = arith.constant 6400 : i32
      %mul3A_645 = arith.muli %select_n3A_643, %mul3A_644 : i32
      %dma_start3A_646 = arith.constant 1 : i32
      %dma_start3A_647 = arith.constant 0 : i32
      %dma_start3A_648 = tpu.memref_slice %arg7[%dma_start3A_646, %dma_start3A_647] : memref<2x6400xf32, #tpu.memory_space<vmem>> -> memref<1x6400xf32, #tpu.memory_space<vmem>>
      %dma_start3A_649 = tpu.memref_squeeze %dma_start3A_648 : memref<1x6400xf32, #tpu.memory_space<vmem>> -> memref<6400xf32, #tpu.memory_space<vmem>>
      %dma_start3A_650 = tpu.memref_slice %arg4[%select_n3A_627, %add3A_4, %mul3A_645] : memref<8x64x25600xf32, #tpu.memory_space<hbm>> -> memref<1x1x6400xf32, #tpu.memory_space<hbm>>
      %dma_start3A_651 = tpu.memref_squeeze %dma_start3A_650 : memref<1x1x6400xf32, #tpu.memory_space<hbm>> -> memref<6400xf32, #tpu.memory_space<hbm>>
      %dma_start3A_652 = tpu.memref_slice %arg4[%select_n3A_627, %add3A_4, %mul3A_645] : memref<8x64x25600xf32, #tpu.memory_space<hbm>> -> memref<1x1x6400xf32, #tpu.memory_space<hbm>>
      %dma_start3A_653 = tpu.memref_squeeze %dma_start3A_652 : memref<1x1x6400xf32, #tpu.memory_space<hbm>> -> memref<6400xf32, #tpu.memory_space<hbm>>
      %dma_start3A_654 = arith.constant 0 : i32
      %dma_start3A_655 = tpu.memref_slice %arg7[%dma_start3A_646, %dma_start3A_654] : memref<2x6400xf32, #tpu.memory_space<vmem>> -> memref<1x6400xf32, #tpu.memory_space<vmem>>
      %dma_start3A_656 = tpu.memref_squeeze %dma_start3A_655 : memref<1x6400xf32, #tpu.memory_space<vmem>> -> memref<6400xf32, #tpu.memory_space<vmem>>
      tpu.enqueue_dma source(%dma_start3A_656 : memref<6400xf32, #tpu.memory_space<vmem>>) target(%dma_start3A_653 : memref<6400xf32, #tpu.memory_space<hbm>>) target_semaphore(%arg11 : memref<!tpu.dma_semaphore, #tpu.memory_space<semaphore_mem>>)
    }
    %scan3A_110 = arith.constant 14 : i32
    %dma_wait3A_111 = arith.constant 0 : i32
    %dma_wait3A_112 = arith.constant 0 : i32
    %dma_wait3A_113 = tpu.memref_slice %arg6[%dma_wait3A_111, %dma_wait3A_112] : memref<2x6400xi32, #tpu.memory_space<vmem>> -> memref<1x6400xi32, #tpu.memory_space<vmem>>
    %dma_wait3A_114 = tpu.memref_squeeze %dma_wait3A_113 : memref<1x6400xi32, #tpu.memory_space<vmem>> -> memref<6400xi32, #tpu.memory_space<vmem>>
    %dma_wait3A_115 = arith.constant 0 : i32
    %dma_wait3A_116 = tpu.memref_slice %arg3[%dma_wait3A_115] : memref<204800xi32, #tpu.memory_space<hbm>> -> memref<6400xi32, #tpu.memory_space<hbm>>
    %dma_wait3A_117 = arith.constant 0 : i32
    %dma_wait3A_118 = tpu.memref_slice %arg6[%dma_wait3A_111, %dma_wait3A_117] : memref<2x6400xi32, #tpu.memory_space<vmem>> -> memref<1x6400xi32, #tpu.memory_space<vmem>>
    %dma_wait3A_119 = tpu.memref_squeeze %dma_wait3A_118 : memref<1x6400xi32, #tpu.memory_space<vmem>> -> memref<6400xi32, #tpu.memory_space<vmem>>
    %dma_wait3A_120 = arith.constant 0 : i32
    %dma_wait3A_121 = tpu.memref_slice %arg3[%dma_wait3A_120] : memref<204800xi32, #tpu.memory_space<hbm>> -> memref<6400xi32, #tpu.memory_space<hbm>>
    tpu.wait_dma2 semaphore(%arg8 : memref<!tpu.dma_semaphore, #tpu.memory_space<semaphore_mem>>) src(%dma_wait3A_121 : memref<6400xi32, #tpu.memory_space<hbm>>) dst(%dma_wait3A_119 : memref<6400xi32, #tpu.memory_space<vmem>>)
    %dma_wait3A_122 = arith.constant 0 : i32
    %dma_wait3A_123 = arith.constant 0 : i32
    %dma_wait3A_124 = arith.constant 0 : i32
    %dma_wait3A_125 = arith.constant 0 : i32
    %dma_wait3A_126 = tpu.memref_slice %arg7[%dma_wait3A_122, %dma_wait3A_125] : memref<2x6400xf32, #tpu.memory_space<vmem>> -> memref<1x6400xf32, #tpu.memory_space<vmem>>
    %dma_wait3A_127 = tpu.memref_squeeze %dma_wait3A_126 : memref<1x6400xf32, #tpu.memory_space<vmem>> -> memref<6400xf32, #tpu.memory_space<vmem>>
    %dma_wait3A_128 = arith.constant 0 : i32
    %dma_wait3A_129 = tpu.memref_slice %arg4[%dma_wait3A_123, %dma_wait3A_124, %dma_wait3A_128] : memref<8x64x25600xf32, #tpu.memory_space<hbm>> -> memref<1x1x6400xf32, #tpu.memory_space<hbm>>
    %dma_wait3A_130 = tpu.memref_squeeze %dma_wait3A_129 : memref<1x1x6400xf32, #tpu.memory_space<hbm>> -> memref<6400xf32, #tpu.memory_space<hbm>>
    %dma_wait3A_131 = arith.constant 0 : i32
    %dma_wait3A_132 = tpu.memref_slice %arg4[%dma_wait3A_123, %dma_wait3A_124, %dma_wait3A_131] : memref<8x64x25600xf32, #tpu.memory_space<hbm>> -> memref<1x1x6400xf32, #tpu.memory_space<hbm>>
    %dma_wait3A_133 = tpu.memref_squeeze %dma_wait3A_132 : memref<1x1x6400xf32, #tpu.memory_space<hbm>> -> memref<6400xf32, #tpu.memory_space<hbm>>
    %dma_wait3A_134 = arith.constant 0 : i32
    %dma_wait3A_135 = tpu.memref_slice %arg7[%dma_wait3A_122, %dma_wait3A_134] : memref<2x6400xf32, #tpu.memory_space<vmem>> -> memref<1x6400xf32, #tpu.memory_space<vmem>>
    %dma_wait3A_136 = tpu.memref_squeeze %dma_wait3A_135 : memref<1x6400xf32, #tpu.memory_space<vmem>> -> memref<6400xf32, #tpu.memory_space<vmem>>
    tpu.wait_dma2 semaphore(%arg10 : memref<!tpu.dma_semaphore, #tpu.memory_space<semaphore_mem>>) src(%dma_wait3A_136 : memref<6400xf32, #tpu.memory_space<vmem>>) dst(%dma_wait3A_133 : memref<6400xf32, #tpu.memory_space<hbm>>)
    %scan3A_137 = arith.constant 0 : i32
    %scan3A_138 = arith.constant 25 : i32
    %scan3A_139 = arith.addi %scan3A_137, %scan3A_138 : i32
    %scan3A_140 = arith.constant 1 : i32
    scf.for %scan3A_464 = %scan3A_137 to %scan3A_139 step %scan3A_140  : i32 {
      %mul3A_465 = arith.constant 256 : i32
      %mul3A_466 = arith.muli %scan3A_464, %mul3A_465 : i32
      %add3A_467 = arith.constant 0 : i32
      %add3A_468 = arith.addi %add3A_467, %mul3A_466 : i32
      %add3A_469 = arith.constant 0 : i32
      %add3A_470 = arith.addi %add3A_468, %add3A_469 : i32
      %get3A = arith.constant 0 : i32
      %get3A_471 = arith.index_cast %get3A : i32 to index
      %get3A_472 = arith.index_cast %add3A_470 : i32 to index
      %get3A_473 = tpu.vector_load %arg6[%get3A_471, %get3A_472] {strides = array<i32>} : memref<2x6400xi32, #tpu.memory_space<vmem>>, vector<16xi32>,
      %gather3A = tpu.vector_load_idx %arg5[%get3A_473] : memref<100000xf32, #tpu.memory_space<vmem>>[vector<16xi32>], vector<16xf32>,
      %swap3A = arith.constant 0 : i32
      %swap3A_474 = arith.index_cast %swap3A : i32 to index
      %swap3A_475 = arith.index_cast %add3A_470 : i32 to index
      %swap3A_476 = tpu.vector_load %arg7[%swap3A_474, %swap3A_475] {strides = array<i32>} : memref<2x6400xf32, #tpu.memory_space<vmem>>, vector<16xf32>,
      tpu.vector_store %arg7[%swap3A_474, %swap3A_475], %gather3A {strides = array<i32>} : memref<2x6400xf32, #tpu.memory_space<vmem>>, vector<16xf32>,
      %add3A_477 = arith.constant 16 : i32
      %add3A_478 = arith.addi %add3A_468, %add3A_477 : i32
      %get3A_479 = arith.constant 0 : i32
      %get3A_480 = arith.index_cast %get3A_479 : i32 to index
      %get3A_481 = arith.index_cast %add3A_478 : i32 to index
      %get3A_482 = tpu.vector_load %arg6[%get3A_480, %get3A_481] {strides = array<i32>} : memref<2x6400xi32, #tpu.memory_space<vmem>>, vector<16xi32>,
      %gather3A_483 = tpu.vector_load_idx %arg5[%get3A_482] : memref<100000xf32, #tpu.memory_space<vmem>>[vector<16xi32>], vector<16xf32>,
      %swap3A_484 = arith.constant 0 : i32
      %swap3A_485 = arith.index_cast %swap3A_484 : i32 to index
      %swap3A_486 = arith.index_cast %add3A_478 : i32 to index
      %swap3A_487 = tpu.vector_load %arg7[%swap3A_485, %swap3A_486] {strides = array<i32>} : memref<2x6400xf32, #tpu.memory_space<vmem>>, vector<16xf32>,
      tpu.vector_store %arg7[%swap3A_485, %swap3A_486], %gather3A_483 {strides = array<i32>} : memref<2x6400xf32, #tpu.memory_space<vmem>>, vector<16xf32>,
      %add3A_488 = arith.constant 32 : i32
      %add3A_489 = arith.addi %add3A_468, %add3A_488 : i32
      %get3A_490 = arith.constant 0 : i32
      %get3A_491 = arith.index_cast %get3A_490 : i32 to index
      %get3A_492 = arith.index_cast %add3A_489 : i32 to index
      %get3A_493 = tpu.vector_load %arg6[%get3A_491, %get3A_492] {strides = array<i32>} : memref<2x6400xi32, #tpu.memory_space<vmem>>, vector<16xi32>,
      %gather3A_494 = tpu.vector_load_idx %arg5[%get3A_493] : memref<100000xf32, #tpu.memory_space<vmem>>[vector<16xi32>], vector<16xf32>,
      %swap3A_495 = arith.constant 0 : i32
      %swap3A_496 = arith.index_cast %swap3A_495 : i32 to index
      %swap3A_497 = arith.index_cast %add3A_489 : i32 to index
      %swap3A_498 = tpu.vector_load %arg7[%swap3A_496, %swap3A_497] {strides = array<i32>} : memref<2x6400xf32, #tpu.memory_space<vmem>>, vector<16xf32>,
      tpu.vector_store %arg7[%swap3A_496, %swap3A_497], %gather3A_494 {strides = array<i32>} : memref<2x6400xf32, #tpu.memory_space<vmem>>, vector<16xf32>,
      %add3A_499 = arith.constant 48 : i32
      %add3A_500 = arith.addi %add3A_468, %add3A_499 : i32
      %get3A_501 = arith.constant 0 : i32
      %get3A_502 = arith.index_cast %get3A_501 : i32 to index
      %get3A_503 = arith.index_cast %add3A_500 : i32 to index
      %get3A_504 = tpu.vector_load %arg6[%get3A_502, %get3A_503] {strides = array<i32>} : memref<2x6400xi32, #tpu.memory_space<vmem>>, vector<16xi32>,
      %gather3A_505 = tpu.vector_load_idx %arg5[%get3A_504] : memref<100000xf32, #tpu.memory_space<vmem>>[vector<16xi32>], vector<16xf32>,
      %swap3A_506 = arith.constant 0 : i32
      %swap3A_507 = arith.index_cast %swap3A_506 : i32 to index
      %swap3A_508 = arith.index_cast %add3A_500 : i32 to index
      %swap3A_509 = tpu.vector_load %arg7[%swap3A_507, %swap3A_508] {strides = array<i32>} : memref<2x6400xf32, #tpu.memory_space<vmem>>, vector<16xf32>,
      tpu.vector_store %arg7[%swap3A_507, %swap3A_508], %gather3A_505 {strides = array<i32>} : memref<2x6400xf32, #tpu.memory_space<vmem>>, vector<16xf32>,
      %add3A_510 = arith.constant 64 : i32
      %add3A_511 = arith.addi %add3A_468, %add3A_510 : i32
      %get3A_512 = arith.constant 0 : i32
      %get3A_513 = arith.index_cast %get3A_512 : i32 to index
      %get3A_514 = arith.index_cast %add3A_511 : i32 to index
      %get3A_515 = tpu.vector_load %arg6[%get3A_513, %get3A_514] {strides = array<i32>} : memref<2x6400xi32, #tpu.memory_space<vmem>>, vector<16xi32>,
      %gather3A_516 = tpu.vector_load_idx %arg5[%get3A_515] : memref<100000xf32, #tpu.memory_space<vmem>>[vector<16xi32>], vector<16xf32>,
      %swap3A_517 = arith.constant 0 : i32
      %swap3A_518 = arith.index_cast %swap3A_517 : i32 to index
      %swap3A_519 = arith.index_cast %add3A_511 : i32 to index
      %swap3A_520 = tpu.vector_load %arg7[%swap3A_518, %swap3A_519] {strides = array<i32>} : memref<2x6400xf32, #tpu.memory_space<vmem>>, vector<16xf32>,
      tpu.vector_store %arg7[%swap3A_518, %swap3A_519], %gather3A_516 {strides = array<i32>} : memref<2x6400xf32, #tpu.memory_space<vmem>>, vector<16xf32>,
      %add3A_521 = arith.constant 80 : i32
      %add3A_522 = arith.addi %add3A_468, %add3A_521 : i32
      %get3A_523 = arith.constant 0 : i32
      %get3A_524 = arith.index_cast %get3A_523 : i32 to index
      %get3A_525 = arith.index_cast %add3A_522 : i32 to index
      %get3A_526 = tpu.vector_load %arg6[%get3A_524, %get3A_525] {strides = array<i32>} : memref<2x6400xi32, #tpu.memory_space<vmem>>, vector<16xi32>,
      %gather3A_527 = tpu.vector_load_idx %arg5[%get3A_526] : memref<100000xf32, #tpu.memory_space<vmem>>[vector<16xi32>], vector<16xf32>,
      %swap3A_528 = arith.constant 0 : i32
      %swap3A_529 = arith.index_cast %swap3A_528 : i32 to index
      %swap3A_530 = arith.index_cast %add3A_522 : i32 to index
      %swap3A_531 = tpu.vector_load %arg7[%swap3A_529, %swap3A_530] {strides = array<i32>} : memref<2x6400xf32, #tpu.memory_space<vmem>>, vector<16xf32>,
      tpu.vector_store %arg7[%swap3A_529, %swap3A_530], %gather3A_527 {strides = array<i32>} : memref<2x6400xf32, #tpu.memory_space<vmem>>, vector<16xf32>,
      %add3A_532 = arith.constant 96 : i32
      %add3A_533 = arith.addi %add3A_468, %add3A_532 : i32
      %get3A_534 = arith.constant 0 : i32
      %get3A_535 = arith.index_cast %get3A_534 : i32 to index
      %get3A_536 = arith.index_cast %add3A_533 : i32 to index
      %get3A_537 = tpu.vector_load %arg6[%get3A_535, %get3A_536] {strides = array<i32>} : memref<2x6400xi32, #tpu.memory_space<vmem>>, vector<16xi32>,
      %gather3A_538 = tpu.vector_load_idx %arg5[%get3A_537] : memref<100000xf32, #tpu.memory_space<vmem>>[vector<16xi32>], vector<16xf32>,
      %swap3A_539 = arith.constant 0 : i32
      %swap3A_540 = arith.index_cast %swap3A_539 : i32 to index
      %swap3A_541 = arith.index_cast %add3A_533 : i32 to index
      %swap3A_542 = tpu.vector_load %arg7[%swap3A_540, %swap3A_541] {strides = array<i32>} : memref<2x6400xf32, #tpu.memory_space<vmem>>, vector<16xf32>,
      tpu.vector_store %arg7[%swap3A_540, %swap3A_541], %gather3A_538 {strides = array<i32>} : memref<2x6400xf32, #tpu.memory_space<vmem>>, vector<16xf32>,
      %add3A_543 = arith.constant 112 : i32
      %add3A_544 = arith.addi %add3A_468, %add3A_543 : i32
      %get3A_545 = arith.constant 0 : i32
      %get3A_546 = arith.index_cast %get3A_545 : i32 to index
      %get3A_547 = arith.index_cast %add3A_544 : i32 to index
      %get3A_548 = tpu.vector_load %arg6[%get3A_546, %get3A_547] {strides = array<i32>} : memref<2x6400xi32, #tpu.memory_space<vmem>>, vector<16xi32>,
      %gather3A_549 = tpu.vector_load_idx %arg5[%get3A_548] : memref<100000xf32, #tpu.memory_space<vmem>>[vector<16xi32>], vector<16xf32>,
      %swap3A_550 = arith.constant 0 : i32
      %swap3A_551 = arith.index_cast %swap3A_550 : i32 to index
      %swap3A_552 = arith.index_cast %add3A_544 : i32 to index
      %swap3A_553 = tpu.vector_load %arg7[%swap3A_551, %swap3A_552] {strides = array<i32>} : memref<2x6400xf32, #tpu.memory_space<vmem>>, vector<16xf32>,
      tpu.vector_store %arg7[%swap3A_551, %swap3A_552], %gather3A_549 {strides = array<i32>} : memref<2x6400xf32, #tpu.memory_space<vmem>>, vector<16xf32>,
      %add3A_554 = arith.constant 128 : i32
      %add3A_555 = arith.addi %add3A_468, %add3A_554 : i32
      %get3A_556 = arith.constant 0 : i32
      %get3A_557 = arith.index_cast %get3A_556 : i32 to index
      %get3A_558 = arith.index_cast %add3A_555 : i32 to index
      %get3A_559 = tpu.vector_load %arg6[%get3A_557, %get3A_558] {strides = array<i32>} : memref<2x6400xi32, #tpu.memory_space<vmem>>, vector<16xi32>,
      %gather3A_560 = tpu.vector_load_idx %arg5[%get3A_559] : memref<100000xf32, #tpu.memory_space<vmem>>[vector<16xi32>], vector<16xf32>,
      %swap3A_561 = arith.constant 0 : i32
      %swap3A_562 = arith.index_cast %swap3A_561 : i32 to index
      %swap3A_563 = arith.index_cast %add3A_555 : i32 to index
      %swap3A_564 = tpu.vector_load %arg7[%swap3A_562, %swap3A_563] {strides = array<i32>} : memref<2x6400xf32, #tpu.memory_space<vmem>>, vector<16xf32>,
      tpu.vector_store %arg7[%swap3A_562, %swap3A_563], %gather3A_560 {strides = array<i32>} : memref<2x6400xf32, #tpu.memory_space<vmem>>, vector<16xf32>,
      %add3A_565 = arith.constant 144 : i32
      %add3A_566 = arith.addi %add3A_468, %add3A_565 : i32
      %get3A_567 = arith.constant 0 : i32
      %get3A_568 = arith.index_cast %get3A_567 : i32 to index
      %get3A_569 = arith.index_cast %add3A_566 : i32 to index
      %get3A_570 = tpu.vector_load %arg6[%get3A_568, %get3A_569] {strides = array<i32>} : memref<2x6400xi32, #tpu.memory_space<vmem>>, vector<16xi32>,
      %gather3A_571 = tpu.vector_load_idx %arg5[%get3A_570] : memref<100000xf32, #tpu.memory_space<vmem>>[vector<16xi32>], vector<16xf32>,
      %swap3A_572 = arith.constant 0 : i32
      %swap3A_573 = arith.index_cast %swap3A_572 : i32 to index
      %swap3A_574 = arith.index_cast %add3A_566 : i32 to index
      %swap3A_575 = tpu.vector_load %arg7[%swap3A_573, %swap3A_574] {strides = array<i32>} : memref<2x6400xf32, #tpu.memory_space<vmem>>, vector<16xf32>,
      tpu.vector_store %arg7[%swap3A_573, %swap3A_574], %gather3A_571 {strides = array<i32>} : memref<2x6400xf32, #tpu.memory_space<vmem>>, vector<16xf32>,
      %add3A_576 = arith.constant 160 : i32
      %add3A_577 = arith.addi %add3A_468, %add3A_576 : i32
      %get3A_578 = arith.constant 0 : i32
      %get3A_579 = arith.index_cast %get3A_578 : i32 to index
      %get3A_580 = arith.index_cast %add3A_577 : i32 to index
      %get3A_581 = tpu.vector_load %arg6[%get3A_579, %get3A_580] {strides = array<i32>} : memref<2x6400xi32, #tpu.memory_space<vmem>>, vector<16xi32>,
      %gather3A_582 = tpu.vector_load_idx %arg5[%get3A_581] : memref<100000xf32, #tpu.memory_space<vmem>>[vector<16xi32>], vector<16xf32>,
      %swap3A_583 = arith.constant 0 : i32
      %swap3A_584 = arith.index_cast %swap3A_583 : i32 to index
      %swap3A_585 = arith.index_cast %add3A_577 : i32 to index
      %swap3A_586 = tpu.vector_load %arg7[%swap3A_584, %swap3A_585] {strides = array<i32>} : memref<2x6400xf32, #tpu.memory_space<vmem>>, vector<16xf32>,
      tpu.vector_store %arg7[%swap3A_584, %swap3A_585], %gather3A_582 {strides = array<i32>} : memref<2x6400xf32, #tpu.memory_space<vmem>>, vector<16xf32>,
      %add3A_587 = arith.constant 176 : i32
      %add3A_588 = arith.addi %add3A_468, %add3A_587 : i32
      %get3A_589 = arith.constant 0 : i32
      %get3A_590 = arith.index_cast %get3A_589 : i32 to index
      %get3A_591 = arith.index_cast %add3A_588 : i32 to index
      %get3A_592 = tpu.vector_load %arg6[%get3A_590, %get3A_591] {strides = array<i32>} : memref<2x6400xi32, #tpu.memory_space<vmem>>, vector<16xi32>,
      %gather3A_593 = tpu.vector_load_idx %arg5[%get3A_592] : memref<100000xf32, #tpu.memory_space<vmem>>[vector<16xi32>], vector<16xf32>,
      %swap3A_594 = arith.constant 0 : i32
      %swap3A_595 = arith.index_cast %swap3A_594 : i32 to index
      %swap3A_596 = arith.index_cast %add3A_588 : i32 to index
      %swap3A_597 = tpu.vector_load %arg7[%swap3A_595, %swap3A_596] {strides = array<i32>} : memref<2x6400xf32, #tpu.memory_space<vmem>>, vector<16xf32>,
      tpu.vector_store %arg7[%swap3A_595, %swap3A_596], %gather3A_593 {strides = array<i32>} : memref<2x6400xf32, #tpu.memory_space<vmem>>, vector<16xf32>,
      %add3A_598 = arith.constant 192 : i32
      %add3A_599 = arith.addi %add3A_468, %add3A_598 : i32
      %get3A_600 = arith.constant 0 : i32
      %get3A_601 = arith.index_cast %get3A_600 : i32 to index
      %get3A_602 = arith.index_cast %add3A_599 : i32 to index
      %get3A_603 = tpu.vector_load %arg6[%get3A_601, %get3A_602] {strides = array<i32>} : memref<2x6400xi32, #tpu.memory_space<vmem>>, vector<16xi32>,
      %gather3A_604 = tpu.vector_load_idx %arg5[%get3A_603] : memref<100000xf32, #tpu.memory_space<vmem>>[vector<16xi32>], vector<16xf32>,
      %swap3A_605 = arith.constant 0 : i32
      %swap3A_606 = arith.index_cast %swap3A_605 : i32 to index
      %swap3A_607 = arith.index_cast %add3A_599 : i32 to index
      %swap3A_608 = tpu.vector_load %arg7[%swap3A_606, %swap3A_607] {strides = array<i32>} : memref<2x6400xf32, #tpu.memory_space<vmem>>, vector<16xf32>,
      tpu.vector_store %arg7[%swap3A_606, %swap3A_607], %gather3A_604 {strides = array<i32>} : memref<2x6400xf32, #tpu.memory_space<vmem>>, vector<16xf32>,
      %add3A_609 = arith.constant 208 : i32
      %add3A_610 = arith.addi %add3A_468, %add3A_609 : i32
      %get3A_611 = arith.constant 0 : i32
      %get3A_612 = arith.index_cast %get3A_611 : i32 to index
      %get3A_613 = arith.index_cast %add3A_610 : i32 to index
      %get3A_614 = tpu.vector_load %arg6[%get3A_612, %get3A_613] {strides = array<i32>} : memref<2x6400xi32, #tpu.memory_space<vmem>>, vector<16xi32>,
      %gather3A_615 = tpu.vector_load_idx %arg5[%get3A_614] : memref<100000xf32, #tpu.memory_space<vmem>>[vector<16xi32>], vector<16xf32>,
      %swap3A_616 = arith.constant 0 : i32
      %swap3A_617 = arith.index_cast %swap3A_616 : i32 to index
      %swap3A_618 = arith.index_cast %add3A_610 : i32 to index
      %swap3A_619 = tpu.vector_load %arg7[%swap3A_617, %swap3A_618] {strides = array<i32>} : memref<2x6400xf32, #tpu.memory_space<vmem>>, vector<16xf32>,
      tpu.vector_store %arg7[%swap3A_617, %swap3A_618], %gather3A_615 {strides = array<i32>} : memref<2x6400xf32, #tpu.memory_space<vmem>>, vector<16xf32>,
      %add3A_620 = arith.constant 224 : i32
      %add3A_621 = arith.addi %add3A_468, %add3A_620 : i32
      %get3A_622 = arith.constant 0 : i32
      %get3A_623 = arith.index_cast %get3A_622 : i32 to index
      %get3A_624 = arith.index_cast %add3A_621 : i32 to index
      %get3A_625 = tpu.vector_load %arg6[%get3A_623, %get3A_624] {strides = array<i32>} : memref<2x6400xi32, #tpu.memory_space<vmem>>, vector<16xi32>,
      %gather3A_626 = tpu.vector_load_idx %arg5[%get3A_625] : memref<100000xf32, #tpu.memory_space<vmem>>[vector<16xi32>], vector<16xf32>,
      %swap3A_627 = arith.constant 0 : i32
      %swap3A_628 = arith.index_cast %swap3A_627 : i32 to index
      %swap3A_629 = arith.index_cast %add3A_621 : i32 to index
      %swap3A_630 = tpu.vector_load %arg7[%swap3A_628, %swap3A_629] {strides = array<i32>} : memref<2x6400xf32, #tpu.memory_space<vmem>>, vector<16xf32>,
      tpu.vector_store %arg7[%swap3A_628, %swap3A_629], %gather3A_626 {strides = array<i32>} : memref<2x6400xf32, #tpu.memory_space<vmem>>, vector<16xf32>,
      %add3A_631 = arith.constant 240 : i32
      %add3A_632 = arith.addi %add3A_468, %add3A_631 : i32
      %get3A_633 = arith.constant 0 : i32
      %get3A_634 = arith.index_cast %get3A_633 : i32 to index
      %get3A_635 = arith.index_cast %add3A_632 : i32 to index
      %get3A_636 = tpu.vector_load %arg6[%get3A_634, %get3A_635] {strides = array<i32>} : memref<2x6400xi32, #tpu.memory_space<vmem>>, vector<16xi32>,
      %gather3A_637 = tpu.vector_load_idx %arg5[%get3A_636] : memref<100000xf32, #tpu.memory_space<vmem>>[vector<16xi32>], vector<16xf32>,
      %swap3A_638 = arith.constant 0 : i32
      %swap3A_639 = arith.index_cast %swap3A_638 : i32 to index
      %swap3A_640 = arith.index_cast %add3A_632 : i32 to index
      %swap3A_641 = tpu.vector_load %arg7[%swap3A_639, %swap3A_640] {strides = array<i32>} : memref<2x6400xf32, #tpu.memory_space<vmem>>, vector<16xf32>,
      tpu.vector_store %arg7[%swap3A_639, %swap3A_640], %gather3A_637 {strides = array<i32>} : memref<2x6400xf32, #tpu.memory_space<vmem>>, vector<16xf32>,
    }
    %scan3A_141 = arith.constant 25 : i32
    %dma_start3A_142 = arith.constant 0 : i32
    %dma_start3A_143 = arith.constant 7 : i32
    %dma_start3A_144 = arith.constant 0 : i32
    %dma_start3A_145 = tpu.memref_slice %arg7[%dma_start3A_142, %dma_start3A_144] : memref<2x6400xf32, #tpu.memory_space<vmem>> -> memref<1x6400xf32, #tpu.memory_space<vmem>>
    %dma_start3A_146 = tpu.memref_squeeze %dma_start3A_145 : memref<1x6400xf32, #tpu.memory_space<vmem>> -> memref<6400xf32, #tpu.memory_space<vmem>>
    %dma_start3A_147 = arith.constant 12800 : i32
    %dma_start3A_148 = tpu.memref_slice %arg4[%dma_start3A_143, %add3A_4, %dma_start3A_147] : memref<8x64x25600xf32, #tpu.memory_space<hbm>> -> memref<1x1x6400xf32, #tpu.memory_space<hbm>>
    %dma_start3A_149 = tpu.memref_squeeze %dma_start3A_148 : memref<1x1x6400xf32, #tpu.memory_space<hbm>> -> memref<6400xf32, #tpu.memory_space<hbm>>
    %dma_start3A_150 = arith.constant 12800 : i32
    %dma_start3A_151 = tpu.memref_slice %arg4[%dma_start3A_143, %add3A_4, %dma_start3A_150] : memref<8x64x25600xf32, #tpu.memory_space<hbm>> -> memref<1x1x6400xf32, #tpu.memory_space<hbm>>
    %dma_start3A_152 = tpu.memref_squeeze %dma_start3A_151 : memref<1x1x6400xf32, #tpu.memory_space<hbm>> -> memref<6400xf32, #tpu.memory_space<hbm>>
    %dma_start3A_153 = arith.constant 0 : i32
    %dma_start3A_154 = tpu.memref_slice %arg7[%dma_start3A_142, %dma_start3A_153] : memref<2x6400xf32, #tpu.memory_space<vmem>> -> memref<1x6400xf32, #tpu.memory_space<vmem>>
    %dma_start3A_155 = tpu.memref_squeeze %dma_start3A_154 : memref<1x6400xf32, #tpu.memory_space<vmem>> -> memref<6400xf32, #tpu.memory_space<vmem>>
    tpu.enqueue_dma source(%dma_start3A_155 : memref<6400xf32, #tpu.memory_space<vmem>>) target(%dma_start3A_152 : memref<6400xf32, #tpu.memory_space<hbm>>) target_semaphore(%arg10 : memref<!tpu.dma_semaphore, #tpu.memory_space<semaphore_mem>>)
    %dma_wait3A_156 = arith.constant 1 : i32
    %dma_wait3A_157 = arith.constant 0 : i32
    %dma_wait3A_158 = tpu.memref_slice %arg6[%dma_wait3A_156, %dma_wait3A_157] : memref<2x6400xi32, #tpu.memory_space<vmem>> -> memref<1x6400xi32, #tpu.memory_space<vmem>>
    %dma_wait3A_159 = tpu.memref_squeeze %dma_wait3A_158 : memref<1x6400xi32, #tpu.memory_space<vmem>> -> memref<6400xi32, #tpu.memory_space<vmem>>
    %dma_wait3A_160 = arith.constant 0 : i32
    %dma_wait3A_161 = tpu.memref_slice %arg3[%dma_wait3A_160] : memref<204800xi32, #tpu.memory_space<hbm>> -> memref<6400xi32, #tpu.memory_space<hbm>>
    %dma_wait3A_162 = arith.constant 0 : i32
    %dma_wait3A_163 = tpu.memref_slice %arg6[%dma_wait3A_156, %dma_wait3A_162] : memref<2x6400xi32, #tpu.memory_space<vmem>> -> memref<1x6400xi32, #tpu.memory_space<vmem>>
    %dma_wait3A_164 = tpu.memref_squeeze %dma_wait3A_163 : memref<1x6400xi32, #tpu.memory_space<vmem>> -> memref<6400xi32, #tpu.memory_space<vmem>>
    %dma_wait3A_165 = arith.constant 0 : i32
    %dma_wait3A_166 = tpu.memref_slice %arg3[%dma_wait3A_165] : memref<204800xi32, #tpu.memory_space<hbm>> -> memref<6400xi32, #tpu.memory_space<hbm>>
    tpu.wait_dma2 semaphore(%arg9 : memref<!tpu.dma_semaphore, #tpu.memory_space<semaphore_mem>>) src(%dma_wait3A_166 : memref<6400xi32, #tpu.memory_space<hbm>>) dst(%dma_wait3A_164 : memref<6400xi32, #tpu.memory_space<vmem>>)
    %dma_wait3A_167 = arith.constant 1 : i32
    %dma_wait3A_168 = arith.constant 0 : i32
    %dma_wait3A_169 = arith.constant 0 : i32
    %dma_wait3A_170 = arith.constant 0 : i32
    %dma_wait3A_171 = tpu.memref_slice %arg7[%dma_wait3A_167, %dma_wait3A_170] : memref<2x6400xf32, #tpu.memory_space<vmem>> -> memref<1x6400xf32, #tpu.memory_space<vmem>>
    %dma_wait3A_172 = tpu.memref_squeeze %dma_wait3A_171 : memref<1x6400xf32, #tpu.memory_space<vmem>> -> memref<6400xf32, #tpu.memory_space<vmem>>
    %dma_wait3A_173 = arith.constant 0 : i32
    %dma_wait3A_174 = tpu.memref_slice %arg4[%dma_wait3A_168, %dma_wait3A_169, %dma_wait3A_173] : memref<8x64x25600xf32, #tpu.memory_space<hbm>> -> memref<1x1x6400xf32, #tpu.memory_space<hbm>>
    %dma_wait3A_175 = tpu.memref_squeeze %dma_wait3A_174 : memref<1x1x6400xf32, #tpu.memory_space<hbm>> -> memref<6400xf32, #tpu.memory_space<hbm>>
    %dma_wait3A_176 = arith.constant 0 : i32
    %dma_wait3A_177 = tpu.memref_slice %arg4[%dma_wait3A_168, %dma_wait3A_169, %dma_wait3A_176] : memref<8x64x25600xf32, #tpu.memory_space<hbm>> -> memref<1x1x6400xf32, #tpu.memory_space<hbm>>
    %dma_wait3A_178 = tpu.memref_squeeze %dma_wait3A_177 : memref<1x1x6400xf32, #tpu.memory_space<hbm>> -> memref<6400xf32, #tpu.memory_space<hbm>>
    %dma_wait3A_179 = arith.constant 0 : i32
    %dma_wait3A_180 = tpu.memref_slice %arg7[%dma_wait3A_167, %dma_wait3A_179] : memref<2x6400xf32, #tpu.memory_space<vmem>> -> memref<1x6400xf32, #tpu.memory_space<vmem>>
    %dma_wait3A_181 = tpu.memref_squeeze %dma_wait3A_180 : memref<1x6400xf32, #tpu.memory_space<vmem>> -> memref<6400xf32, #tpu.memory_space<vmem>>
    tpu.wait_dma2 semaphore(%arg11 : memref<!tpu.dma_semaphore, #tpu.memory_space<semaphore_mem>>) src(%dma_wait3A_181 : memref<6400xf32, #tpu.memory_space<vmem>>) dst(%dma_wait3A_178 : memref<6400xf32, #tpu.memory_space<hbm>>)
    %scan3A_182 = arith.constant 0 : i32
    %scan3A_183 = arith.constant 25 : i32
    %scan3A_184 = arith.addi %scan3A_182, %scan3A_183 : i32
    %scan3A_185 = arith.constant 1 : i32
    scf.for %scan3A_464 = %scan3A_182 to %scan3A_184 step %scan3A_185  : i32 {
      %mul3A_465 = arith.constant 256 : i32
      %mul3A_466 = arith.muli %scan3A_464, %mul3A_465 : i32
      %add3A_467 = arith.constant 0 : i32
      %add3A_468 = arith.addi %add3A_467, %mul3A_466 : i32
      %add3A_469 = arith.constant 0 : i32
      %add3A_470 = arith.addi %add3A_468, %add3A_469 : i32
      %get3A = arith.constant 1 : i32
      %get3A_471 = arith.index_cast %get3A : i32 to index
      %get3A_472 = arith.index_cast %add3A_470 : i32 to index
      %get3A_473 = tpu.vector_load %arg6[%get3A_471, %get3A_472] {strides = array<i32>} : memref<2x6400xi32, #tpu.memory_space<vmem>>, vector<16xi32>,
      %gather3A = tpu.vector_load_idx %arg5[%get3A_473] : memref<100000xf32, #tpu.memory_space<vmem>>[vector<16xi32>], vector<16xf32>,
      %swap3A = arith.constant 1 : i32
      %swap3A_474 = arith.index_cast %swap3A : i32 to index
      %swap3A_475 = arith.index_cast %add3A_470 : i32 to index
      %swap3A_476 = tpu.vector_load %arg7[%swap3A_474, %swap3A_475] {strides = array<i32>} : memref<2x6400xf32, #tpu.memory_space<vmem>>, vector<16xf32>,
      tpu.vector_store %arg7[%swap3A_474, %swap3A_475], %gather3A {strides = array<i32>} : memref<2x6400xf32, #tpu.memory_space<vmem>>, vector<16xf32>,
      %add3A_477 = arith.constant 16 : i32
      %add3A_478 = arith.addi %add3A_468, %add3A_477 : i32
      %get3A_479 = arith.constant 1 : i32
      %get3A_480 = arith.index_cast %get3A_479 : i32 to index
      %get3A_481 = arith.index_cast %add3A_478 : i32 to index
      %get3A_482 = tpu.vector_load %arg6[%get3A_480, %get3A_481] {strides = array<i32>} : memref<2x6400xi32, #tpu.memory_space<vmem>>, vector<16xi32>,
      %gather3A_483 = tpu.vector_load_idx %arg5[%get3A_482] : memref<100000xf32, #tpu.memory_space<vmem>>[vector<16xi32>], vector<16xf32>,
      %swap3A_484 = arith.constant 1 : i32
      %swap3A_485 = arith.index_cast %swap3A_484 : i32 to index
      %swap3A_486 = arith.index_cast %add3A_478 : i32 to index
      %swap3A_487 = tpu.vector_load %arg7[%swap3A_485, %swap3A_486] {strides = array<i32>} : memref<2x6400xf32, #tpu.memory_space<vmem>>, vector<16xf32>,
      tpu.vector_store %arg7[%swap3A_485, %swap3A_486], %gather3A_483 {strides = array<i32>} : memref<2x6400xf32, #tpu.memory_space<vmem>>, vector<16xf32>,
      %add3A_488 = arith.constant 32 : i32
      %add3A_489 = arith.addi %add3A_468, %add3A_488 : i32
      %get3A_490 = arith.constant 1 : i32
      %get3A_491 = arith.index_cast %get3A_490 : i32 to index
      %get3A_492 = arith.index_cast %add3A_489 : i32 to index
      %get3A_493 = tpu.vector_load %arg6[%get3A_491, %get3A_492] {strides = array<i32>} : memref<2x6400xi32, #tpu.memory_space<vmem>>, vector<16xi32>,
      %gather3A_494 = tpu.vector_load_idx %arg5[%get3A_493] : memref<100000xf32, #tpu.memory_space<vmem>>[vector<16xi32>], vector<16xf32>,
      %swap3A_495 = arith.constant 1 : i32
      %swap3A_496 = arith.index_cast %swap3A_495 : i32 to index
      %swap3A_497 = arith.index_cast %add3A_489 : i32 to index
      %swap3A_498 = tpu.vector_load %arg7[%swap3A_496, %swap3A_497] {strides = array<i32>} : memref<2x6400xf32, #tpu.memory_space<vmem>>, vector<16xf32>,
      tpu.vector_store %arg7[%swap3A_496, %swap3A_497], %gather3A_494 {strides = array<i32>} : memref<2x6400xf32, #tpu.memory_space<vmem>>, vector<16xf32>,
      %add3A_499 = arith.constant 48 : i32
      %add3A_500 = arith.addi %add3A_468, %add3A_499 : i32
      %get3A_501 = arith.constant 1 : i32
      %get3A_502 = arith.index_cast %get3A_501 : i32 to index
      %get3A_503 = arith.index_cast %add3A_500 : i32 to index
      %get3A_504 = tpu.vector_load %arg6[%get3A_502, %get3A_503] {strides = array<i32>} : memref<2x6400xi32, #tpu.memory_space<vmem>>, vector<16xi32>,
      %gather3A_505 = tpu.vector_load_idx %arg5[%get3A_504] : memref<100000xf32, #tpu.memory_space<vmem>>[vector<16xi32>], vector<16xf32>,
      %swap3A_506 = arith.constant 1 : i32
      %swap3A_507 = arith.index_cast %swap3A_506 : i32 to index
      %swap3A_508 = arith.index_cast %add3A_500 : i32 to index
      %swap3A_509 = tpu.vector_load %arg7[%swap3A_507, %swap3A_508] {strides = array<i32>} : memref<2x6400xf32, #tpu.memory_space<vmem>>, vector<16xf32>,
      tpu.vector_store %arg7[%swap3A_507, %swap3A_508], %gather3A_505 {strides = array<i32>} : memref<2x6400xf32, #tpu.memory_space<vmem>>, vector<16xf32>,
      %add3A_510 = arith.constant 64 : i32
      %add3A_511 = arith.addi %add3A_468, %add3A_510 : i32
      %get3A_512 = arith.constant 1 : i32
      %get3A_513 = arith.index_cast %get3A_512 : i32 to index
      %get3A_514 = arith.index_cast %add3A_511 : i32 to index
      %get3A_515 = tpu.vector_load %arg6[%get3A_513, %get3A_514] {strides = array<i32>} : memref<2x6400xi32, #tpu.memory_space<vmem>>, vector<16xi32>,
      %gather3A_516 = tpu.vector_load_idx %arg5[%get3A_515] : memref<100000xf32, #tpu.memory_space<vmem>>[vector<16xi32>], vector<16xf32>,
      %swap3A_517 = arith.constant 1 : i32
      %swap3A_518 = arith.index_cast %swap3A_517 : i32 to index
      %swap3A_519 = arith.index_cast %add3A_511 : i32 to index
      %swap3A_520 = tpu.vector_load %arg7[%swap3A_518, %swap3A_519] {strides = array<i32>} : memref<2x6400xf32, #tpu.memory_space<vmem>>, vector<16xf32>,
      tpu.vector_store %arg7[%swap3A_518, %swap3A_519], %gather3A_516 {strides = array<i32>} : memref<2x6400xf32, #tpu.memory_space<vmem>>, vector<16xf32>,
      %add3A_521 = arith.constant 80 : i32
      %add3A_522 = arith.addi %add3A_468, %add3A_521 : i32
      %get3A_523 = arith.constant 1 : i32
      %get3A_524 = arith.index_cast %get3A_523 : i32 to index
      %get3A_525 = arith.index_cast %add3A_522 : i32 to index
      %get3A_526 = tpu.vector_load %arg6[%get3A_524, %get3A_525] {strides = array<i32>} : memref<2x6400xi32, #tpu.memory_space<vmem>>, vector<16xi32>,
      %gather3A_527 = tpu.vector_load_idx %arg5[%get3A_526] : memref<100000xf32, #tpu.memory_space<vmem>>[vector<16xi32>], vector<16xf32>,
      %swap3A_528 = arith.constant 1 : i32
      %swap3A_529 = arith.index_cast %swap3A_528 : i32 to index
      %swap3A_530 = arith.index_cast %add3A_522 : i32 to index
      %swap3A_531 = tpu.vector_load %arg7[%swap3A_529, %swap3A_530] {strides = array<i32>} : memref<2x6400xf32, #tpu.memory_space<vmem>>, vector<16xf32>,
      tpu.vector_store %arg7[%swap3A_529, %swap3A_530], %gather3A_527 {strides = array<i32>} : memref<2x6400xf32, #tpu.memory_space<vmem>>, vector<16xf32>,
      %add3A_532 = arith.constant 96 : i32
      %add3A_533 = arith.addi %add3A_468, %add3A_532 : i32
      %get3A_534 = arith.constant 1 : i32
      %get3A_535 = arith.index_cast %get3A_534 : i32 to index
      %get3A_536 = arith.index_cast %add3A_533 : i32 to index
      %get3A_537 = tpu.vector_load %arg6[%get3A_535, %get3A_536] {strides = array<i32>} : memref<2x6400xi32, #tpu.memory_space<vmem>>, vector<16xi32>,
      %gather3A_538 = tpu.vector_load_idx %arg5[%get3A_537] : memref<100000xf32, #tpu.memory_space<vmem>>[vector<16xi32>], vector<16xf32>,
      %swap3A_539 = arith.constant 1 : i32
      %swap3A_540 = arith.index_cast %swap3A_539 : i32 to index
      %swap3A_541 = arith.index_cast %add3A_533 : i32 to index
      %swap3A_542 = tpu.vector_load %arg7[%swap3A_540, %swap3A_541] {strides = array<i32>} : memref<2x6400xf32, #tpu.memory_space<vmem>>, vector<16xf32>,
      tpu.vector_store %arg7[%swap3A_540, %swap3A_541], %gather3A_538 {strides = array<i32>} : memref<2x6400xf32, #tpu.memory_space<vmem>>, vector<16xf32>,
      %add3A_543 = arith.constant 112 : i32
      %add3A_544 = arith.addi %add3A_468, %add3A_543 : i32
      %get3A_545 = arith.constant 1 : i32
      %get3A_546 = arith.index_cast %get3A_545 : i32 to index
      %get3A_547 = arith.index_cast %add3A_544 : i32 to index
      %get3A_548 = tpu.vector_load %arg6[%get3A_546, %get3A_547] {strides = array<i32>} : memref<2x6400xi32, #tpu.memory_space<vmem>>, vector<16xi32>,
      %gather3A_549 = tpu.vector_load_idx %arg5[%get3A_548] : memref<100000xf32, #tpu.memory_space<vmem>>[vector<16xi32>], vector<16xf32>,
      %swap3A_550 = arith.constant 1 : i32
      %swap3A_551 = arith.index_cast %swap3A_550 : i32 to index
      %swap3A_552 = arith.index_cast %add3A_544 : i32 to index
      %swap3A_553 = tpu.vector_load %arg7[%swap3A_551, %swap3A_552] {strides = array<i32>} : memref<2x6400xf32, #tpu.memory_space<vmem>>, vector<16xf32>,
      tpu.vector_store %arg7[%swap3A_551, %swap3A_552], %gather3A_549 {strides = array<i32>} : memref<2x6400xf32, #tpu.memory_space<vmem>>, vector<16xf32>,
      %add3A_554 = arith.constant 128 : i32
      %add3A_555 = arith.addi %add3A_468, %add3A_554 : i32
      %get3A_556 = arith.constant 1 : i32
      %get3A_557 = arith.index_cast %get3A_556 : i32 to index
      %get3A_558 = arith.index_cast %add3A_555 : i32 to index
      %get3A_559 = tpu.vector_load %arg6[%get3A_557, %get3A_558] {strides = array<i32>} : memref<2x6400xi32, #tpu.memory_space<vmem>>, vector<16xi32>,
      %gather3A_560 = tpu.vector_load_idx %arg5[%get3A_559] : memref<100000xf32, #tpu.memory_space<vmem>>[vector<16xi32>], vector<16xf32>,
      %swap3A_561 = arith.constant 1 : i32
      %swap3A_562 = arith.index_cast %swap3A_561 : i32 to index
      %swap3A_563 = arith.index_cast %add3A_555 : i32 to index
      %swap3A_564 = tpu.vector_load %arg7[%swap3A_562, %swap3A_563] {strides = array<i32>} : memref<2x6400xf32, #tpu.memory_space<vmem>>, vector<16xf32>,
      tpu.vector_store %arg7[%swap3A_562, %swap3A_563], %gather3A_560 {strides = array<i32>} : memref<2x6400xf32, #tpu.memory_space<vmem>>, vector<16xf32>,
      %add3A_565 = arith.constant 144 : i32
      %add3A_566 = arith.addi %add3A_468, %add3A_565 : i32
      %get3A_567 = arith.constant 1 : i32
      %get3A_568 = arith.index_cast %get3A_567 : i32 to index
      %get3A_569 = arith.index_cast %add3A_566 : i32 to index
      %get3A_570 = tpu.vector_load %arg6[%get3A_568, %get3A_569] {strides = array<i32>} : memref<2x6400xi32, #tpu.memory_space<vmem>>, vector<16xi32>,
      %gather3A_571 = tpu.vector_load_idx %arg5[%get3A_570] : memref<100000xf32, #tpu.memory_space<vmem>>[vector<16xi32>], vector<16xf32>,
      %swap3A_572 = arith.constant 1 : i32
      %swap3A_573 = arith.index_cast %swap3A_572 : i32 to index
      %swap3A_574 = arith.index_cast %add3A_566 : i32 to index
      %swap3A_575 = tpu.vector_load %arg7[%swap3A_573, %swap3A_574] {strides = array<i32>} : memref<2x6400xf32, #tpu.memory_space<vmem>>, vector<16xf32>,
      tpu.vector_store %arg7[%swap3A_573, %swap3A_574], %gather3A_571 {strides = array<i32>} : memref<2x6400xf32, #tpu.memory_space<vmem>>, vector<16xf32>,
      %add3A_576 = arith.constant 160 : i32
      %add3A_577 = arith.addi %add3A_468, %add3A_576 : i32
      %get3A_578 = arith.constant 1 : i32
      %get3A_579 = arith.index_cast %get3A_578 : i32 to index
      %get3A_580 = arith.index_cast %add3A_577 : i32 to index
      %get3A_581 = tpu.vector_load %arg6[%get3A_579, %get3A_580] {strides = array<i32>} : memref<2x6400xi32, #tpu.memory_space<vmem>>, vector<16xi32>,
      %gather3A_582 = tpu.vector_load_idx %arg5[%get3A_581] : memref<100000xf32, #tpu.memory_space<vmem>>[vector<16xi32>], vector<16xf32>,
      %swap3A_583 = arith.constant 1 : i32
      %swap3A_584 = arith.index_cast %swap3A_583 : i32 to index
      %swap3A_585 = arith.index_cast %add3A_577 : i32 to index
      %swap3A_586 = tpu.vector_load %arg7[%swap3A_584, %swap3A_585] {strides = array<i32>} : memref<2x6400xf32, #tpu.memory_space<vmem>>, vector<16xf32>,
      tpu.vector_store %arg7[%swap3A_584, %swap3A_585], %gather3A_582 {strides = array<i32>} : memref<2x6400xf32, #tpu.memory_space<vmem>>, vector<16xf32>,
      %add3A_587 = arith.constant 176 : i32
      %add3A_588 = arith.addi %add3A_468, %add3A_587 : i32
      %get3A_589 = arith.constant 1 : i32
      %get3A_590 = arith.index_cast %get3A_589 : i32 to index
      %get3A_591 = arith.index_cast %add3A_588 : i32 to index
      %get3A_592 = tpu.vector_load %arg6[%get3A_590, %get3A_591] {strides = array<i32>} : memref<2x6400xi32, #tpu.memory_space<vmem>>, vector<16xi32>,
      %gather3A_593 = tpu.vector_load_idx %arg5[%get3A_592] : memref<100000xf32, #tpu.memory_space<vmem>>[vector<16xi32>], vector<16xf32>,
      %swap3A_594 = arith.constant 1 : i32
      %swap3A_595 = arith.index_cast %swap3A_594 : i32 to index
      %swap3A_596 = arith.index_cast %add3A_588 : i32 to index
      %swap3A_597 = tpu.vector_load %arg7[%swap3A_595, %swap3A_596] {strides = array<i32>} : memref<2x6400xf32, #tpu.memory_space<vmem>>, vector<16xf32>,
      tpu.vector_store %arg7[%swap3A_595, %swap3A_596], %gather3A_593 {strides = array<i32>} : memref<2x6400xf32, #tpu.memory_space<vmem>>, vector<16xf32>,
      %add3A_598 = arith.constant 192 : i32
      %add3A_599 = arith.addi %add3A_468, %add3A_598 : i32
      %get3A_600 = arith.constant 1 : i32
      %get3A_601 = arith.index_cast %get3A_600 : i32 to index
      %get3A_602 = arith.index_cast %add3A_599 : i32 to index
      %get3A_603 = tpu.vector_load %arg6[%get3A_601, %get3A_602] {strides = array<i32>} : memref<2x6400xi32, #tpu.memory_space<vmem>>, vector<16xi32>,
      %gather3A_604 = tpu.vector_load_idx %arg5[%get3A_603] : memref<100000xf32, #tpu.memory_space<vmem>>[vector<16xi32>], vector<16xf32>,
      %swap3A_605 = arith.constant 1 : i32
      %swap3A_606 = arith.index_cast %swap3A_605 : i32 to index
      %swap3A_607 = arith.index_cast %add3A_599 : i32 to index
      %swap3A_608 = tpu.vector_load %arg7[%swap3A_606, %swap3A_607] {strides = array<i32>} : memref<2x6400xf32, #tpu.memory_space<vmem>>, vector<16xf32>,
      tpu.vector_store %arg7[%swap3A_606, %swap3A_607], %gather3A_604 {strides = array<i32>} : memref<2x6400xf32, #tpu.memory_space<vmem>>, vector<16xf32>,
      %add3A_609 = arith.constant 208 : i32
      %add3A_610 = arith.addi %add3A_468, %add3A_609 : i32
      %get3A_611 = arith.constant 1 : i32
      %get3A_612 = arith.index_cast %get3A_611 : i32 to index
      %get3A_613 = arith.index_cast %add3A_610 : i32 to index
      %get3A_614 = tpu.vector_load %arg6[%get3A_612, %get3A_613] {strides = array<i32>} : memref<2x6400xi32, #tpu.memory_space<vmem>>, vector<16xi32>,
      %gather3A_615 = tpu.vector_load_idx %arg5[%get3A_614] : memref<100000xf32, #tpu.memory_space<vmem>>[vector<16xi32>], vector<16xf32>,
      %swap3A_616 = arith.constant 1 : i32
      %swap3A_617 = arith.index_cast %swap3A_616 : i32 to index
      %swap3A_618 = arith.index_cast %add3A_610 : i32 to index
      %swap3A_619 = tpu.vector_load %arg7[%swap3A_617, %swap3A_618] {strides = array<i32>} : memref<2x6400xf32, #tpu.memory_space<vmem>>, vector<16xf32>,
      tpu.vector_store %arg7[%swap3A_617, %swap3A_618], %gather3A_615 {strides = array<i32>} : memref<2x6400xf32, #tpu.memory_space<vmem>>, vector<16xf32>,
      %add3A_620 = arith.constant 224 : i32
      %add3A_621 = arith.addi %add3A_468, %add3A_620 : i32
      %get3A_622 = arith.constant 1 : i32
      %get3A_623 = arith.index_cast %get3A_622 : i32 to index
      %get3A_624 = arith.index_cast %add3A_621 : i32 to index
      %get3A_625 = tpu.vector_load %arg6[%get3A_623, %get3A_624] {strides = array<i32>} : memref<2x6400xi32, #tpu.memory_space<vmem>>, vector<16xi32>,
      %gather3A_626 = tpu.vector_load_idx %arg5[%get3A_625] : memref<100000xf32, #tpu.memory_space<vmem>>[vector<16xi32>], vector<16xf32>,
      %swap3A_627 = arith.constant 1 : i32
      %swap3A_628 = arith.index_cast %swap3A_627 : i32 to index
      %swap3A_629 = arith.index_cast %add3A_621 : i32 to index
      %swap3A_630 = tpu.vector_load %arg7[%swap3A_628, %swap3A_629] {strides = array<i32>} : memref<2x6400xf32, #tpu.memory_space<vmem>>, vector<16xf32>,
      tpu.vector_store %arg7[%swap3A_628, %swap3A_629], %gather3A_626 {strides = array<i32>} : memref<2x6400xf32, #tpu.memory_space<vmem>>, vector<16xf32>,
      %add3A_631 = arith.constant 240 : i32
      %add3A_632 = arith.addi %add3A_468, %add3A_631 : i32
      %get3A_633 = arith.constant 1 : i32
      %get3A_634 = arith.index_cast %get3A_633 : i32 to index
      %get3A_635 = arith.index_cast %add3A_632 : i32 to index
      %get3A_636 = tpu.vector_load %arg6[%get3A_634, %get3A_635] {strides = array<i32>} : memref<2x6400xi32, #tpu.memory_space<vmem>>, vector<16xi32>,
      %gather3A_637 = tpu.vector_load_idx %arg5[%get3A_636] : memref<100000xf32, #tpu.memory_space<vmem>>[vector<16xi32>], vector<16xf32>,
      %swap3A_638 = arith.constant 1 : i32
      %swap3A_639 = arith.index_cast %swap3A_638 : i32 to index
      %swap3A_640 = arith.index_cast %add3A_632 : i32 to index
      %swap3A_641 = tpu.vector_load %arg7[%swap3A_639, %swap3A_640] {strides = array<i32>} : memref<2x6400xf32, #tpu.memory_space<vmem>>, vector<16xf32>,
      tpu.vector_store %arg7[%swap3A_639, %swap3A_640], %gather3A_637 {strides = array<i32>} : memref<2x6400xf32, #tpu.memory_space<vmem>>, vector<16xf32>,
    }
    %scan3A_186 = arith.constant 25 : i32
    %dma_start3A_187 = arith.constant 1 : i32
    %dma_start3A_188 = arith.constant 7 : i32
    %dma_start3A_189 = arith.constant 0 : i32
    %dma_start3A_190 = tpu.memref_slice %arg7[%dma_start3A_187, %dma_start3A_189] : memref<2x6400xf32, #tpu.memory_space<vmem>> -> memref<1x6400xf32, #tpu.memory_space<vmem>>
    %dma_start3A_191 = tpu.memref_squeeze %dma_start3A_190 : memref<1x6400xf32, #tpu.memory_space<vmem>> -> memref<6400xf32, #tpu.memory_space<vmem>>
    %dma_start3A_192 = arith.constant 19200 : i32
    %dma_start3A_193 = tpu.memref_slice %arg4[%dma_start3A_188, %add3A_4, %dma_start3A_192] : memref<8x64x25600xf32, #tpu.memory_space<hbm>> -> memref<1x1x6400xf32, #tpu.memory_space<hbm>>
    %dma_start3A_194 = tpu.memref_squeeze %dma_start3A_193 : memref<1x1x6400xf32, #tpu.memory_space<hbm>> -> memref<6400xf32, #tpu.memory_space<hbm>>
    %dma_start3A_195 = arith.constant 19200 : i32
    %dma_start3A_196 = tpu.memref_slice %arg4[%dma_start3A_188, %add3A_4, %dma_start3A_195] : memref<8x64x25600xf32, #tpu.memory_space<hbm>> -> memref<1x1x6400xf32, #tpu.memory_space<hbm>>
    %dma_start3A_197 = tpu.memref_squeeze %dma_start3A_196 : memref<1x1x6400xf32, #tpu.memory_space<hbm>> -> memref<6400xf32, #tpu.memory_space<hbm>>
    %dma_start3A_198 = arith.constant 0 : i32
    %dma_start3A_199 = tpu.memref_slice %arg7[%dma_start3A_187, %dma_start3A_198] : memref<2x6400xf32, #tpu.memory_space<vmem>> -> memref<1x6400xf32, #tpu.memory_space<vmem>>
    %dma_start3A_200 = tpu.memref_squeeze %dma_start3A_199 : memref<1x6400xf32, #tpu.memory_space<vmem>> -> memref<6400xf32, #tpu.memory_space<vmem>>
    tpu.enqueue_dma source(%dma_start3A_200 : memref<6400xf32, #tpu.memory_space<vmem>>) target(%dma_start3A_197 : memref<6400xf32, #tpu.memory_space<hbm>>) target_semaphore(%arg11 : memref<!tpu.dma_semaphore, #tpu.memory_space<semaphore_mem>>)
    %dma_wait3A_201 = arith.constant 0 : i32
    %dma_wait3A_202 = arith.constant 0 : i32
    %dma_wait3A_203 = arith.constant 0 : i32
    %dma_wait3A_204 = arith.constant 0 : i32
    %dma_wait3A_205 = tpu.memref_slice %arg7[%dma_wait3A_201, %dma_wait3A_204] : memref<2x6400xf32, #tpu.memory_space<vmem>> -> memref<1x6400xf32, #tpu.memory_space<vmem>>
    %dma_wait3A_206 = tpu.memref_squeeze %dma_wait3A_205 : memref<1x6400xf32, #tpu.memory_space<vmem>> -> memref<6400xf32, #tpu.memory_space<vmem>>
    %dma_wait3A_207 = arith.constant 0 : i32
    %dma_wait3A_208 = tpu.memref_slice %arg4[%dma_wait3A_202, %dma_wait3A_203, %dma_wait3A_207] : memref<8x64x25600xf32, #tpu.memory_space<hbm>> -> memref<1x1x6400xf32, #tpu.memory_space<hbm>>
    %dma_wait3A_209 = tpu.memref_squeeze %dma_wait3A_208 : memref<1x1x6400xf32, #tpu.memory_space<hbm>> -> memref<6400xf32, #tpu.memory_space<hbm>>
    %dma_wait3A_210 = arith.constant 0 : i32
    %dma_wait3A_211 = tpu.memref_slice %arg4[%dma_wait3A_202, %dma_wait3A_203, %dma_wait3A_210] : memref<8x64x25600xf32, #tpu.memory_space<hbm>> -> memref<1x1x6400xf32, #tpu.memory_space<hbm>>
    %dma_wait3A_212 = tpu.memref_squeeze %dma_wait3A_211 : memref<1x1x6400xf32, #tpu.memory_space<hbm>> -> memref<6400xf32, #tpu.memory_space<hbm>>
    %dma_wait3A_213 = arith.constant 0 : i32
    %dma_wait3A_214 = tpu.memref_slice %arg7[%dma_wait3A_201, %dma_wait3A_213] : memref<2x6400xf32, #tpu.memory_space<vmem>> -> memref<1x6400xf32, #tpu.memory_space<vmem>>
    %dma_wait3A_215 = tpu.memref_squeeze %dma_wait3A_214 : memref<1x6400xf32, #tpu.memory_space<vmem>> -> memref<6400xf32, #tpu.memory_space<vmem>>
    tpu.wait_dma2 semaphore(%arg10 : memref<!tpu.dma_semaphore, #tpu.memory_space<semaphore_mem>>) src(%dma_wait3A_215 : memref<6400xf32, #tpu.memory_space<vmem>>) dst(%dma_wait3A_212 : memref<6400xf32, #tpu.memory_space<hbm>>)
    %dma_wait3A_216 = arith.constant 1 : i32
    %dma_wait3A_217 = arith.constant 0 : i32
    %dma_wait3A_218 = arith.constant 0 : i32
    %dma_wait3A_219 = arith.constant 0 : i32
    %dma_wait3A_220 = tpu.memref_slice %arg7[%dma_wait3A_216, %dma_wait3A_219] : memref<2x6400xf32, #tpu.memory_space<vmem>> -> memref<1x6400xf32, #tpu.memory_space<vmem>>
    %dma_wait3A_221 = tpu.memref_squeeze %dma_wait3A_220 : memref<1x6400xf32, #tpu.memory_space<vmem>> -> memref<6400xf32, #tpu.memory_space<vmem>>
    %dma_wait3A_222 = arith.constant 0 : i32
    %dma_wait3A_223 = tpu.memref_slice %arg4[%dma_wait3A_217, %dma_wait3A_218, %dma_wait3A_222] : memref<8x64x25600xf32, #tpu.memory_space<hbm>> -> memref<1x1x6400xf32, #tpu.memory_space<hbm>>
    %dma_wait3A_224 = tpu.memref_squeeze %dma_wait3A_223 : memref<1x1x6400xf32, #tpu.memory_space<hbm>> -> memref<6400xf32, #tpu.memory_space<hbm>>
    %dma_wait3A_225 = arith.constant 0 : i32
    %dma_wait3A_226 = tpu.memref_slice %arg4[%dma_wait3A_217, %dma_wait3A_218, %dma_wait3A_225] : memref<8x64x25600xf32, #tpu.memory_space<hbm>> -> memref<1x1x6400xf32, #tpu.memory_space<hbm>>
    %dma_wait3A_227 = tpu.memref_squeeze %dma_wait3A_226 : memref<1x1x6400xf32, #tpu.memory_space<hbm>> -> memref<6400xf32, #tpu.memory_space<hbm>>
    %dma_wait3A_228 = arith.constant 0 : i32
    %dma_wait3A_229 = tpu.memref_slice %arg7[%dma_wait3A_216, %dma_wait3A_228] : memref<2x6400xf32, #tpu.memory_space<vmem>> -> memref<1x6400xf32, #tpu.memory_space<vmem>>
    %dma_wait3A_230 = tpu.memref_squeeze %dma_wait3A_229 : memref<1x6400xf32, #tpu.memory_space<vmem>> -> memref<6400xf32, #tpu.memory_space<vmem>>
    tpu.wait_dma2 semaphore(%arg11 : memref<!tpu.dma_semaphore, #tpu.memory_space<semaphore_mem>>) src(%dma_wait3A_230 : memref<6400xf32, #tpu.memory_space<vmem>>) dst(%dma_wait3A_227 : memref<6400xf32, #tpu.memory_space<hbm>>)
    %mul3A_231 = arith.constant 2 : i32
    %mul3A_232 = arith.muli %add3A, %mul3A_231 : i32
    %add3A_233 = arith.constant 1 : i32
    %add3A_234 = arith.addi %mul3A_232, %add3A_233 : i32
    "tpu.region"() ({
      %run_scoped3A = tpu.sem_alloc : memref<!tpu.dma_semaphore, #tpu.memory_space<semaphore_mem>>
      %dma_start3A_464 = arith.constant 0 : i32
      %dma_start3A_465 = tpu.memref_slice %arg2[%add3A_234, %dma_start3A_464] : memref<64x100000xf32, #tpu.memory_space<hbm>> -> memref<1x100000xf32, #tpu.memory_space<hbm>>
      %dma_start3A_466 = tpu.memref_squeeze %dma_start3A_465 : memref<1x100000xf32, #tpu.memory_space<hbm>> -> memref<100000xf32, #tpu.memory_space<hbm>>
      %dma_start3A_467 = arith.constant 0 : i32
      %dma_start3A_468 = tpu.memref_slice %arg2[%add3A_234, %dma_start3A_467] : memref<64x100000xf32, #tpu.memory_space<hbm>> -> memref<1x100000xf32, #tpu.memory_space<hbm>>
      %dma_start3A_469 = tpu.memref_squeeze %dma_start3A_468 : memref<1x100000xf32, #tpu.memory_space<hbm>> -> memref<100000xf32, #tpu.memory_space<hbm>>
      tpu.enqueue_dma source(%dma_start3A_469 : memref<100000xf32, #tpu.memory_space<hbm>>) target(%arg5 : memref<100000xf32, #tpu.memory_space<vmem>>) target_semaphore(%run_scoped3A : memref<!tpu.dma_semaphore, #tpu.memory_space<semaphore_mem>>)
      %dma_wait3A_470 = arith.constant 0 : i32
      %dma_wait3A_471 = tpu.memref_slice %arg2[%add3A_234, %dma_wait3A_470] : memref<64x100000xf32, #tpu.memory_space<hbm>> -> memref<1x100000xf32, #tpu.memory_space<hbm>>
      %dma_wait3A_472 = tpu.memref_squeeze %dma_wait3A_471 : memref<1x100000xf32, #tpu.memory_space<hbm>> -> memref<100000xf32, #tpu.memory_space<hbm>>
      %dma_wait3A_473 = arith.constant 0 : i32
      %dma_wait3A_474 = tpu.memref_slice %arg2[%add3A_234, %dma_wait3A_473] : memref<64x100000xf32, #tpu.memory_space<hbm>> -> memref<1x100000xf32, #tpu.memory_space<hbm>>
      %dma_wait3A_475 = tpu.memref_squeeze %dma_wait3A_474 : memref<1x100000xf32, #tpu.memory_space<hbm>> -> memref<100000xf32, #tpu.memory_space<hbm>>
      tpu.wait_dma2 semaphore(%run_scoped3A : memref<!tpu.dma_semaphore, #tpu.memory_space<semaphore_mem>>) src(%dma_wait3A_475 : memref<100000xf32, #tpu.memory_space<hbm>>) dst(%arg5 : memref<100000xf32, #tpu.memory_space<vmem>>)
      tpu.yield
    }) : () -> ()
    %dma_start3A_235 = arith.constant 0 : i32
    %dma_start3A_236 = arith.constant 0 : i32
    %dma_start3A_237 = tpu.memref_slice %arg6[%dma_start3A_235, %dma_start3A_236] : memref<2x6400xi32, #tpu.memory_space<vmem>> -> memref<1x6400xi32, #tpu.memory_space<vmem>>
    %dma_start3A_238 = tpu.memref_squeeze %dma_start3A_237 : memref<1x6400xi32, #tpu.memory_space<vmem>> -> memref<6400xi32, #tpu.memory_space<vmem>>
    %dma_start3A_239 = arith.constant 0 : i32
    %dma_start3A_240 = tpu.memref_slice %arg3[%dma_start3A_239] : memref<204800xi32, #tpu.memory_space<hbm>> -> memref<6400xi32, #tpu.memory_space<hbm>>
    %dma_start3A_241 = arith.constant 0 : i32
    %dma_start3A_242 = tpu.memref_slice %arg6[%dma_start3A_235, %dma_start3A_241] : memref<2x6400xi32, #tpu.memory_space<vmem>> -> memref<1x6400xi32, #tpu.memory_space<vmem>>
    %dma_start3A_243 = tpu.memref_squeeze %dma_start3A_242 : memref<1x6400xi32, #tpu.memory_space<vmem>> -> memref<6400xi32, #tpu.memory_space<vmem>>
    %dma_start3A_244 = arith.constant 0 : i32
    %dma_start3A_245 = tpu.memref_slice %arg3[%dma_start3A_244] : memref<204800xi32, #tpu.memory_space<hbm>> -> memref<6400xi32, #tpu.memory_space<hbm>>
    tpu.enqueue_dma source(%dma_start3A_245 : memref<6400xi32, #tpu.memory_space<hbm>>) target(%dma_start3A_243 : memref<6400xi32, #tpu.memory_space<vmem>>) target_semaphore(%arg8 : memref<!tpu.dma_semaphore, #tpu.memory_space<semaphore_mem>>)
    %dma_start3A_246 = arith.constant 1 : i32
    %dma_start3A_247 = arith.constant 0 : i32
    %dma_start3A_248 = tpu.memref_slice %arg6[%dma_start3A_246, %dma_start3A_247] : memref<2x6400xi32, #tpu.memory_space<vmem>> -> memref<1x6400xi32, #tpu.memory_space<vmem>>
    %dma_start3A_249 = tpu.memref_squeeze %dma_start3A_248 : memref<1x6400xi32, #tpu.memory_space<vmem>> -> memref<6400xi32, #tpu.memory_space<vmem>>
    %dma_start3A_250 = arith.constant 6400 : i32
    %dma_start3A_251 = tpu.memref_slice %arg3[%dma_start3A_250] : memref<204800xi32, #tpu.memory_space<hbm>> -> memref<6400xi32, #tpu.memory_space<hbm>>
    %dma_start3A_252 = arith.constant 0 : i32
    %dma_start3A_253 = tpu.memref_slice %arg6[%dma_start3A_246, %dma_start3A_252] : memref<2x6400xi32, #tpu.memory_space<vmem>> -> memref<1x6400xi32, #tpu.memory_space<vmem>>
    %dma_start3A_254 = tpu.memref_squeeze %dma_start3A_253 : memref<1x6400xi32, #tpu.memory_space<vmem>> -> memref<6400xi32, #tpu.memory_space<vmem>>
    %dma_start3A_255 = arith.constant 6400 : i32
    %dma_start3A_256 = tpu.memref_slice %arg3[%dma_start3A_255] : memref<204800xi32, #tpu.memory_space<hbm>> -> memref<6400xi32, #tpu.memory_space<hbm>>
    tpu.enqueue_dma source(%dma_start3A_256 : memref<6400xi32, #tpu.memory_space<hbm>>) target(%dma_start3A_254 : memref<6400xi32, #tpu.memory_space<vmem>>) target_semaphore(%arg9 : memref<!tpu.dma_semaphore, #tpu.memory_space<semaphore_mem>>)
    %dma_wait3A_257 = arith.constant 0 : i32
    %dma_wait3A_258 = arith.constant 0 : i32
    %dma_wait3A_259 = tpu.memref_slice %arg6[%dma_wait3A_257, %dma_wait3A_258] : memref<2x6400xi32, #tpu.memory_space<vmem>> -> memref<1x6400xi32, #tpu.memory_space<vmem>>
    %dma_wait3A_260 = tpu.memref_squeeze %dma_wait3A_259 : memref<1x6400xi32, #tpu.memory_space<vmem>> -> memref<6400xi32, #tpu.memory_space<vmem>>
    %dma_wait3A_261 = arith.constant 0 : i32
    %dma_wait3A_262 = tpu.memref_slice %arg3[%dma_wait3A_261] : memref<204800xi32, #tpu.memory_space<hbm>> -> memref<6400xi32, #tpu.memory_space<hbm>>
    %dma_wait3A_263 = arith.constant 0 : i32
    %dma_wait3A_264 = tpu.memref_slice %arg6[%dma_wait3A_257, %dma_wait3A_263] : memref<2x6400xi32, #tpu.memory_space<vmem>> -> memref<1x6400xi32, #tpu.memory_space<vmem>>
    %dma_wait3A_265 = tpu.memref_squeeze %dma_wait3A_264 : memref<1x6400xi32, #tpu.memory_space<vmem>> -> memref<6400xi32, #tpu.memory_space<vmem>>
    %dma_wait3A_266 = arith.constant 0 : i32
    %dma_wait3A_267 = tpu.memref_slice %arg3[%dma_wait3A_266] : memref<204800xi32, #tpu.memory_space<hbm>> -> memref<6400xi32, #tpu.memory_space<hbm>>
    tpu.wait_dma2 semaphore(%arg8 : memref<!tpu.dma_semaphore, #tpu.memory_space<semaphore_mem>>) src(%dma_wait3A_267 : memref<6400xi32, #tpu.memory_space<hbm>>) dst(%dma_wait3A_265 : memref<6400xi32, #tpu.memory_space<vmem>>)
    %scan3A_268 = arith.constant 0 : i32
    %scan3A_269 = arith.constant 25 : i32
    %scan3A_270 = arith.addi %scan3A_268, %scan3A_269 : i32
    %scan3A_271 = arith.constant 1 : i32
    scf.for %scan3A_464 = %scan3A_268 to %scan3A_270 step %scan3A_271  : i32 {
      %mul3A_465 = arith.constant 256 : i32
      %mul3A_466 = arith.muli %scan3A_464, %mul3A_465 : i32
      %add3A_467 = arith.constant 0 : i32
      %add3A_468 = arith.addi %add3A_467, %mul3A_466 : i32
      %add3A_469 = arith.constant 0 : i32
      %add3A_470 = arith.addi %add3A_468, %add3A_469 : i32
      %get3A = arith.constant 0 : i32
      %get3A_471 = arith.index_cast %get3A : i32 to index
      %get3A_472 = arith.index_cast %add3A_470 : i32 to index
      %get3A_473 = tpu.vector_load %arg6[%get3A_471, %get3A_472] {strides = array<i32>} : memref<2x6400xi32, #tpu.memory_space<vmem>>, vector<16xi32>,
      %gather3A = tpu.vector_load_idx %arg5[%get3A_473] : memref<100000xf32, #tpu.memory_space<vmem>>[vector<16xi32>], vector<16xf32>,
      %swap3A = arith.constant 0 : i32
      %swap3A_474 = arith.index_cast %swap3A : i32 to index
      %swap3A_475 = arith.index_cast %add3A_470 : i32 to index
      %swap3A_476 = tpu.vector_load %arg7[%swap3A_474, %swap3A_475] {strides = array<i32>} : memref<2x6400xf32, #tpu.memory_space<vmem>>, vector<16xf32>,
      tpu.vector_store %arg7[%swap3A_474, %swap3A_475], %gather3A {strides = array<i32>} : memref<2x6400xf32, #tpu.memory_space<vmem>>, vector<16xf32>,
      %add3A_477 = arith.constant 16 : i32
      %add3A_478 = arith.addi %add3A_468, %add3A_477 : i32
      %get3A_479 = arith.constant 0 : i32
      %get3A_480 = arith.index_cast %get3A_479 : i32 to index
      %get3A_481 = arith.index_cast %add3A_478 : i32 to index
      %get3A_482 = tpu.vector_load %arg6[%get3A_480, %get3A_481] {strides = array<i32>} : memref<2x6400xi32, #tpu.memory_space<vmem>>, vector<16xi32>,
      %gather3A_483 = tpu.vector_load_idx %arg5[%get3A_482] : memref<100000xf32, #tpu.memory_space<vmem>>[vector<16xi32>], vector<16xf32>,
      %swap3A_484 = arith.constant 0 : i32
      %swap3A_485 = arith.index_cast %swap3A_484 : i32 to index
      %swap3A_486 = arith.index_cast %add3A_478 : i32 to index
      %swap3A_487 = tpu.vector_load %arg7[%swap3A_485, %swap3A_486] {strides = array<i32>} : memref<2x6400xf32, #tpu.memory_space<vmem>>, vector<16xf32>,
      tpu.vector_store %arg7[%swap3A_485, %swap3A_486], %gather3A_483 {strides = array<i32>} : memref<2x6400xf32, #tpu.memory_space<vmem>>, vector<16xf32>,
      %add3A_488 = arith.constant 32 : i32
      %add3A_489 = arith.addi %add3A_468, %add3A_488 : i32
      %get3A_490 = arith.constant 0 : i32
      %get3A_491 = arith.index_cast %get3A_490 : i32 to index
      %get3A_492 = arith.index_cast %add3A_489 : i32 to index
      %get3A_493 = tpu.vector_load %arg6[%get3A_491, %get3A_492] {strides = array<i32>} : memref<2x6400xi32, #tpu.memory_space<vmem>>, vector<16xi32>,
      %gather3A_494 = tpu.vector_load_idx %arg5[%get3A_493] : memref<100000xf32, #tpu.memory_space<vmem>>[vector<16xi32>], vector<16xf32>,
      %swap3A_495 = arith.constant 0 : i32
      %swap3A_496 = arith.index_cast %swap3A_495 : i32 to index
      %swap3A_497 = arith.index_cast %add3A_489 : i32 to index
      %swap3A_498 = tpu.vector_load %arg7[%swap3A_496, %swap3A_497] {strides = array<i32>} : memref<2x6400xf32, #tpu.memory_space<vmem>>, vector<16xf32>,
      tpu.vector_store %arg7[%swap3A_496, %swap3A_497], %gather3A_494 {strides = array<i32>} : memref<2x6400xf32, #tpu.memory_space<vmem>>, vector<16xf32>,
      %add3A_499 = arith.constant 48 : i32
      %add3A_500 = arith.addi %add3A_468, %add3A_499 : i32
      %get3A_501 = arith.constant 0 : i32
      %get3A_502 = arith.index_cast %get3A_501 : i32 to index
      %get3A_503 = arith.index_cast %add3A_500 : i32 to index
      %get3A_504 = tpu.vector_load %arg6[%get3A_502, %get3A_503] {strides = array<i32>} : memref<2x6400xi32, #tpu.memory_space<vmem>>, vector<16xi32>,
      %gather3A_505 = tpu.vector_load_idx %arg5[%get3A_504] : memref<100000xf32, #tpu.memory_space<vmem>>[vector<16xi32>], vector<16xf32>,
      %swap3A_506 = arith.constant 0 : i32
      %swap3A_507 = arith.index_cast %swap3A_506 : i32 to index
      %swap3A_508 = arith.index_cast %add3A_500 : i32 to index
      %swap3A_509 = tpu.vector_load %arg7[%swap3A_507, %swap3A_508] {strides = array<i32>} : memref<2x6400xf32, #tpu.memory_space<vmem>>, vector<16xf32>,
      tpu.vector_store %arg7[%swap3A_507, %swap3A_508], %gather3A_505 {strides = array<i32>} : memref<2x6400xf32, #tpu.memory_space<vmem>>, vector<16xf32>,
      %add3A_510 = arith.constant 64 : i32
      %add3A_511 = arith.addi %add3A_468, %add3A_510 : i32
      %get3A_512 = arith.constant 0 : i32
      %get3A_513 = arith.index_cast %get3A_512 : i32 to index
      %get3A_514 = arith.index_cast %add3A_511 : i32 to index
      %get3A_515 = tpu.vector_load %arg6[%get3A_513, %get3A_514] {strides = array<i32>} : memref<2x6400xi32, #tpu.memory_space<vmem>>, vector<16xi32>,
      %gather3A_516 = tpu.vector_load_idx %arg5[%get3A_515] : memref<100000xf32, #tpu.memory_space<vmem>>[vector<16xi32>], vector<16xf32>,
      %swap3A_517 = arith.constant 0 : i32
      %swap3A_518 = arith.index_cast %swap3A_517 : i32 to index
      %swap3A_519 = arith.index_cast %add3A_511 : i32 to index
      %swap3A_520 = tpu.vector_load %arg7[%swap3A_518, %swap3A_519] {strides = array<i32>} : memref<2x6400xf32, #tpu.memory_space<vmem>>, vector<16xf32>,
      tpu.vector_store %arg7[%swap3A_518, %swap3A_519], %gather3A_516 {strides = array<i32>} : memref<2x6400xf32, #tpu.memory_space<vmem>>, vector<16xf32>,
      %add3A_521 = arith.constant 80 : i32
      %add3A_522 = arith.addi %add3A_468, %add3A_521 : i32
      %get3A_523 = arith.constant 0 : i32
      %get3A_524 = arith.index_cast %get3A_523 : i32 to index
      %get3A_525 = arith.index_cast %add3A_522 : i32 to index
      %get3A_526 = tpu.vector_load %arg6[%get3A_524, %get3A_525] {strides = array<i32>} : memref<2x6400xi32, #tpu.memory_space<vmem>>, vector<16xi32>,
      %gather3A_527 = tpu.vector_load_idx %arg5[%get3A_526] : memref<100000xf32, #tpu.memory_space<vmem>>[vector<16xi32>], vector<16xf32>,
      %swap3A_528 = arith.constant 0 : i32
      %swap3A_529 = arith.index_cast %swap3A_528 : i32 to index
      %swap3A_530 = arith.index_cast %add3A_522 : i32 to index
      %swap3A_531 = tpu.vector_load %arg7[%swap3A_529, %swap3A_530] {strides = array<i32>} : memref<2x6400xf32, #tpu.memory_space<vmem>>, vector<16xf32>,
      tpu.vector_store %arg7[%swap3A_529, %swap3A_530], %gather3A_527 {strides = array<i32>} : memref<2x6400xf32, #tpu.memory_space<vmem>>, vector<16xf32>,
      %add3A_532 = arith.constant 96 : i32
      %add3A_533 = arith.addi %add3A_468, %add3A_532 : i32
      %get3A_534 = arith.constant 0 : i32
      %get3A_535 = arith.index_cast %get3A_534 : i32 to index
      %get3A_536 = arith.index_cast %add3A_533 : i32 to index
      %get3A_537 = tpu.vector_load %arg6[%get3A_535, %get3A_536] {strides = array<i32>} : memref<2x6400xi32, #tpu.memory_space<vmem>>, vector<16xi32>,
      %gather3A_538 = tpu.vector_load_idx %arg5[%get3A_537] : memref<100000xf32, #tpu.memory_space<vmem>>[vector<16xi32>], vector<16xf32>,
      %swap3A_539 = arith.constant 0 : i32
      %swap3A_540 = arith.index_cast %swap3A_539 : i32 to index
      %swap3A_541 = arith.index_cast %add3A_533 : i32 to index
      %swap3A_542 = tpu.vector_load %arg7[%swap3A_540, %swap3A_541] {strides = array<i32>} : memref<2x6400xf32, #tpu.memory_space<vmem>>, vector<16xf32>,
      tpu.vector_store %arg7[%swap3A_540, %swap3A_541], %gather3A_538 {strides = array<i32>} : memref<2x6400xf32, #tpu.memory_space<vmem>>, vector<16xf32>,
      %add3A_543 = arith.constant 112 : i32
      %add3A_544 = arith.addi %add3A_468, %add3A_543 : i32
      %get3A_545 = arith.constant 0 : i32
      %get3A_546 = arith.index_cast %get3A_545 : i32 to index
      %get3A_547 = arith.index_cast %add3A_544 : i32 to index
      %get3A_548 = tpu.vector_load %arg6[%get3A_546, %get3A_547] {strides = array<i32>} : memref<2x6400xi32, #tpu.memory_space<vmem>>, vector<16xi32>,
      %gather3A_549 = tpu.vector_load_idx %arg5[%get3A_548] : memref<100000xf32, #tpu.memory_space<vmem>>[vector<16xi32>], vector<16xf32>,
      %swap3A_550 = arith.constant 0 : i32
      %swap3A_551 = arith.index_cast %swap3A_550 : i32 to index
      %swap3A_552 = arith.index_cast %add3A_544 : i32 to index
      %swap3A_553 = tpu.vector_load %arg7[%swap3A_551, %swap3A_552] {strides = array<i32>} : memref<2x6400xf32, #tpu.memory_space<vmem>>, vector<16xf32>,
      tpu.vector_store %arg7[%swap3A_551, %swap3A_552], %gather3A_549 {strides = array<i32>} : memref<2x6400xf32, #tpu.memory_space<vmem>>, vector<16xf32>,
      %add3A_554 = arith.constant 128 : i32
      %add3A_555 = arith.addi %add3A_468, %add3A_554 : i32
      %get3A_556 = arith.constant 0 : i32
      %get3A_557 = arith.index_cast %get3A_556 : i32 to index
      %get3A_558 = arith.index_cast %add3A_555 : i32 to index
      %get3A_559 = tpu.vector_load %arg6[%get3A_557, %get3A_558] {strides = array<i32>} : memref<2x6400xi32, #tpu.memory_space<vmem>>, vector<16xi32>,
      %gather3A_560 = tpu.vector_load_idx %arg5[%get3A_559] : memref<100000xf32, #tpu.memory_space<vmem>>[vector<16xi32>], vector<16xf32>,
      %swap3A_561 = arith.constant 0 : i32
      %swap3A_562 = arith.index_cast %swap3A_561 : i32 to index
      %swap3A_563 = arith.index_cast %add3A_555 : i32 to index
      %swap3A_564 = tpu.vector_load %arg7[%swap3A_562, %swap3A_563] {strides = array<i32>} : memref<2x6400xf32, #tpu.memory_space<vmem>>, vector<16xf32>,
      tpu.vector_store %arg7[%swap3A_562, %swap3A_563], %gather3A_560 {strides = array<i32>} : memref<2x6400xf32, #tpu.memory_space<vmem>>, vector<16xf32>,
      %add3A_565 = arith.constant 144 : i32
      %add3A_566 = arith.addi %add3A_468, %add3A_565 : i32
      %get3A_567 = arith.constant 0 : i32
      %get3A_568 = arith.index_cast %get3A_567 : i32 to index
      %get3A_569 = arith.index_cast %add3A_566 : i32 to index
      %get3A_570 = tpu.vector_load %arg6[%get3A_568, %get3A_569] {strides = array<i32>} : memref<2x6400xi32, #tpu.memory_space<vmem>>, vector<16xi32>,
      %gather3A_571 = tpu.vector_load_idx %arg5[%get3A_570] : memref<100000xf32, #tpu.memory_space<vmem>>[vector<16xi32>], vector<16xf32>,
      %swap3A_572 = arith.constant 0 : i32
      %swap3A_573 = arith.index_cast %swap3A_572 : i32 to index
      %swap3A_574 = arith.index_cast %add3A_566 : i32 to index
      %swap3A_575 = tpu.vector_load %arg7[%swap3A_573, %swap3A_574] {strides = array<i32>} : memref<2x6400xf32, #tpu.memory_space<vmem>>, vector<16xf32>,
      tpu.vector_store %arg7[%swap3A_573, %swap3A_574], %gather3A_571 {strides = array<i32>} : memref<2x6400xf32, #tpu.memory_space<vmem>>, vector<16xf32>,
      %add3A_576 = arith.constant 160 : i32
      %add3A_577 = arith.addi %add3A_468, %add3A_576 : i32
      %get3A_578 = arith.constant 0 : i32
      %get3A_579 = arith.index_cast %get3A_578 : i32 to index
      %get3A_580 = arith.index_cast %add3A_577 : i32 to index
      %get3A_581 = tpu.vector_load %arg6[%get3A_579, %get3A_580] {strides = array<i32>} : memref<2x6400xi32, #tpu.memory_space<vmem>>, vector<16xi32>,
      %gather3A_582 = tpu.vector_load_idx %arg5[%get3A_581] : memref<100000xf32, #tpu.memory_space<vmem>>[vector<16xi32>], vector<16xf32>,
      %swap3A_583 = arith.constant 0 : i32
      %swap3A_584 = arith.index_cast %swap3A_583 : i32 to index
      %swap3A_585 = arith.index_cast %add3A_577 : i32 to index
      %swap3A_586 = tpu.vector_load %arg7[%swap3A_584, %swap3A_585] {strides = array<i32>} : memref<2x6400xf32, #tpu.memory_space<vmem>>, vector<16xf32>,
      tpu.vector_store %arg7[%swap3A_584, %swap3A_585], %gather3A_582 {strides = array<i32>} : memref<2x6400xf32, #tpu.memory_space<vmem>>, vector<16xf32>,
      %add3A_587 = arith.constant 176 : i32
      %add3A_588 = arith.addi %add3A_468, %add3A_587 : i32
      %get3A_589 = arith.constant 0 : i32
      %get3A_590 = arith.index_cast %get3A_589 : i32 to index
      %get3A_591 = arith.index_cast %add3A_588 : i32 to index
      %get3A_592 = tpu.vector_load %arg6[%get3A_590, %get3A_591] {strides = array<i32>} : memref<2x6400xi32, #tpu.memory_space<vmem>>, vector<16xi32>,
      %gather3A_593 = tpu.vector_load_idx %arg5[%get3A_592] : memref<100000xf32, #tpu.memory_space<vmem>>[vector<16xi32>], vector<16xf32>,
      %swap3A_594 = arith.constant 0 : i32
      %swap3A_595 = arith.index_cast %swap3A_594 : i32 to index
      %swap3A_596 = arith.index_cast %add3A_588 : i32 to index
      %swap3A_597 = tpu.vector_load %arg7[%swap3A_595, %swap3A_596] {strides = array<i32>} : memref<2x6400xf32, #tpu.memory_space<vmem>>, vector<16xf32>,
      tpu.vector_store %arg7[%swap3A_595, %swap3A_596], %gather3A_593 {strides = array<i32>} : memref<2x6400xf32, #tpu.memory_space<vmem>>, vector<16xf32>,
      %add3A_598 = arith.constant 192 : i32
      %add3A_599 = arith.addi %add3A_468, %add3A_598 : i32
      %get3A_600 = arith.constant 0 : i32
      %get3A_601 = arith.index_cast %get3A_600 : i32 to index
      %get3A_602 = arith.index_cast %add3A_599 : i32 to index
      %get3A_603 = tpu.vector_load %arg6[%get3A_601, %get3A_602] {strides = array<i32>} : memref<2x6400xi32, #tpu.memory_space<vmem>>, vector<16xi32>,
      %gather3A_604 = tpu.vector_load_idx %arg5[%get3A_603] : memref<100000xf32, #tpu.memory_space<vmem>>[vector<16xi32>], vector<16xf32>,
      %swap3A_605 = arith.constant 0 : i32
      %swap3A_606 = arith.index_cast %swap3A_605 : i32 to index
      %swap3A_607 = arith.index_cast %add3A_599 : i32 to index
      %swap3A_608 = tpu.vector_load %arg7[%swap3A_606, %swap3A_607] {strides = array<i32>} : memref<2x6400xf32, #tpu.memory_space<vmem>>, vector<16xf32>,
      tpu.vector_store %arg7[%swap3A_606, %swap3A_607], %gather3A_604 {strides = array<i32>} : memref<2x6400xf32, #tpu.memory_space<vmem>>, vector<16xf32>,
      %add3A_609 = arith.constant 208 : i32
      %add3A_610 = arith.addi %add3A_468, %add3A_609 : i32
      %get3A_611 = arith.constant 0 : i32
      %get3A_612 = arith.index_cast %get3A_611 : i32 to index
      %get3A_613 = arith.index_cast %add3A_610 : i32 to index
      %get3A_614 = tpu.vector_load %arg6[%get3A_612, %get3A_613] {strides = array<i32>} : memref<2x6400xi32, #tpu.memory_space<vmem>>, vector<16xi32>,
      %gather3A_615 = tpu.vector_load_idx %arg5[%get3A_614] : memref<100000xf32, #tpu.memory_space<vmem>>[vector<16xi32>], vector<16xf32>,
      %swap3A_616 = arith.constant 0 : i32
      %swap3A_617 = arith.index_cast %swap3A_616 : i32 to index
      %swap3A_618 = arith.index_cast %add3A_610 : i32 to index
      %swap3A_619 = tpu.vector_load %arg7[%swap3A_617, %swap3A_618] {strides = array<i32>} : memref<2x6400xf32, #tpu.memory_space<vmem>>, vector<16xf32>,
      tpu.vector_store %arg7[%swap3A_617, %swap3A_618], %gather3A_615 {strides = array<i32>} : memref<2x6400xf32, #tpu.memory_space<vmem>>, vector<16xf32>,
      %add3A_620 = arith.constant 224 : i32
      %add3A_621 = arith.addi %add3A_468, %add3A_620 : i32
      %get3A_622 = arith.constant 0 : i32
      %get3A_623 = arith.index_cast %get3A_622 : i32 to index
      %get3A_624 = arith.index_cast %add3A_621 : i32 to index
      %get3A_625 = tpu.vector_load %arg6[%get3A_623, %get3A_624] {strides = array<i32>} : memref<2x6400xi32, #tpu.memory_space<vmem>>, vector<16xi32>,
      %gather3A_626 = tpu.vector_load_idx %arg5[%get3A_625] : memref<100000xf32, #tpu.memory_space<vmem>>[vector<16xi32>], vector<16xf32>,
      %swap3A_627 = arith.constant 0 : i32
      %swap3A_628 = arith.index_cast %swap3A_627 : i32 to index
      %swap3A_629 = arith.index_cast %add3A_621 : i32 to index
      %swap3A_630 = tpu.vector_load %arg7[%swap3A_628, %swap3A_629] {strides = array<i32>} : memref<2x6400xf32, #tpu.memory_space<vmem>>, vector<16xf32>,
      tpu.vector_store %arg7[%swap3A_628, %swap3A_629], %gather3A_626 {strides = array<i32>} : memref<2x6400xf32, #tpu.memory_space<vmem>>, vector<16xf32>,
      %add3A_631 = arith.constant 240 : i32
      %add3A_632 = arith.addi %add3A_468, %add3A_631 : i32
      %get3A_633 = arith.constant 0 : i32
      %get3A_634 = arith.index_cast %get3A_633 : i32 to index
      %get3A_635 = arith.index_cast %add3A_632 : i32 to index
      %get3A_636 = tpu.vector_load %arg6[%get3A_634, %get3A_635] {strides = array<i32>} : memref<2x6400xi32, #tpu.memory_space<vmem>>, vector<16xi32>,
      %gather3A_637 = tpu.vector_load_idx %arg5[%get3A_636] : memref<100000xf32, #tpu.memory_space<vmem>>[vector<16xi32>], vector<16xf32>,
      %swap3A_638 = arith.constant 0 : i32
      %swap3A_639 = arith.index_cast %swap3A_638 : i32 to index
      %swap3A_640 = arith.index_cast %add3A_632 : i32 to index
      %swap3A_641 = tpu.vector_load %arg7[%swap3A_639, %swap3A_640] {strides = array<i32>} : memref<2x6400xf32, #tpu.memory_space<vmem>>, vector<16xf32>,
      tpu.vector_store %arg7[%swap3A_639, %swap3A_640], %gather3A_637 {strides = array<i32>} : memref<2x6400xf32, #tpu.memory_space<vmem>>, vector<16xf32>,
    }
    %scan3A_272 = arith.constant 25 : i32
    %dma_start3A_273 = arith.constant 0 : i32
    %dma_start3A_274 = arith.constant 0 : i32
    %dma_start3A_275 = tpu.memref_slice %arg6[%dma_start3A_273, %dma_start3A_274] : memref<2x6400xi32, #tpu.memory_space<vmem>> -> memref<1x6400xi32, #tpu.memory_space<vmem>>
    %dma_start3A_276 = tpu.memref_squeeze %dma_start3A_275 : memref<1x6400xi32, #tpu.memory_space<vmem>> -> memref<6400xi32, #tpu.memory_space<vmem>>
    %dma_start3A_277 = arith.constant 12800 : i32
    %dma_start3A_278 = tpu.memref_slice %arg3[%dma_start3A_277] : memref<204800xi32, #tpu.memory_space<hbm>> -> memref<6400xi32, #tpu.memory_space<hbm>>
    %dma_start3A_279 = arith.constant 0 : i32
    %dma_start3A_280 = tpu.memref_slice %arg6[%dma_start3A_273, %dma_start3A_279] : memref<2x6400xi32, #tpu.memory_space<vmem>> -> memref<1x6400xi32, #tpu.memory_space<vmem>>
    %dma_start3A_281 = tpu.memref_squeeze %dma_start3A_280 : memref<1x6400xi32, #tpu.memory_space<vmem>> -> memref<6400xi32, #tpu.memory_space<vmem>>
    %dma_start3A_282 = arith.constant 12800 : i32
    %dma_start3A_283 = tpu.memref_slice %arg3[%dma_start3A_282] : memref<204800xi32, #tpu.memory_space<hbm>> -> memref<6400xi32, #tpu.memory_space<hbm>>
    tpu.enqueue_dma source(%dma_start3A_283 : memref<6400xi32, #tpu.memory_space<hbm>>) target(%dma_start3A_281 : memref<6400xi32, #tpu.memory_space<vmem>>) target_semaphore(%arg8 : memref<!tpu.dma_semaphore, #tpu.memory_space<semaphore_mem>>)
    %dma_start3A_284 = arith.constant 0 : i32
    %dma_start3A_285 = arith.constant 0 : i32
    %dma_start3A_286 = arith.constant 0 : i32
    %dma_start3A_287 = tpu.memref_slice %arg7[%dma_start3A_284, %dma_start3A_286] : memref<2x6400xf32, #tpu.memory_space<vmem>> -> memref<1x6400xf32, #tpu.memory_space<vmem>>
    %dma_start3A_288 = tpu.memref_squeeze %dma_start3A_287 : memref<1x6400xf32, #tpu.memory_space<vmem>> -> memref<6400xf32, #tpu.memory_space<vmem>>
    %dma_start3A_289 = arith.constant 0 : i32
    %dma_start3A_290 = tpu.memref_slice %arg4[%dma_start3A_285, %add3A_234, %dma_start3A_289] : memref<8x64x25600xf32, #tpu.memory_space<hbm>> -> memref<1x1x6400xf32, #tpu.memory_space<hbm>>
    %dma_start3A_291 = tpu.memref_squeeze %dma_start3A_290 : memref<1x1x6400xf32, #tpu.memory_space<hbm>> -> memref<6400xf32, #tpu.memory_space<hbm>>
    %dma_start3A_292 = arith.constant 0 : i32
    %dma_start3A_293 = tpu.memref_slice %arg4[%dma_start3A_285, %add3A_234, %dma_start3A_292] : memref<8x64x25600xf32, #tpu.memory_space<hbm>> -> memref<1x1x6400xf32, #tpu.memory_space<hbm>>
    %dma_start3A_294 = tpu.memref_squeeze %dma_start3A_293 : memref<1x1x6400xf32, #tpu.memory_space<hbm>> -> memref<6400xf32, #tpu.memory_space<hbm>>
    %dma_start3A_295 = arith.constant 0 : i32
    %dma_start3A_296 = tpu.memref_slice %arg7[%dma_start3A_284, %dma_start3A_295] : memref<2x6400xf32, #tpu.memory_space<vmem>> -> memref<1x6400xf32, #tpu.memory_space<vmem>>
    %dma_start3A_297 = tpu.memref_squeeze %dma_start3A_296 : memref<1x6400xf32, #tpu.memory_space<vmem>> -> memref<6400xf32, #tpu.memory_space<vmem>>
    tpu.enqueue_dma source(%dma_start3A_297 : memref<6400xf32, #tpu.memory_space<vmem>>) target(%dma_start3A_294 : memref<6400xf32, #tpu.memory_space<hbm>>) target_semaphore(%arg10 : memref<!tpu.dma_semaphore, #tpu.memory_space<semaphore_mem>>)
    %dma_wait3A_298 = arith.constant 1 : i32
    %dma_wait3A_299 = arith.constant 0 : i32
    %dma_wait3A_300 = tpu.memref_slice %arg6[%dma_wait3A_298, %dma_wait3A_299] : memref<2x6400xi32, #tpu.memory_space<vmem>> -> memref<1x6400xi32, #tpu.memory_space<vmem>>
    %dma_wait3A_301 = tpu.memref_squeeze %dma_wait3A_300 : memref<1x6400xi32, #tpu.memory_space<vmem>> -> memref<6400xi32, #tpu.memory_space<vmem>>
    %dma_wait3A_302 = arith.constant 0 : i32
    %dma_wait3A_303 = tpu.memref_slice %arg3[%dma_wait3A_302] : memref<204800xi32, #tpu.memory_space<hbm>> -> memref<6400xi32, #tpu.memory_space<hbm>>
    %dma_wait3A_304 = arith.constant 0 : i32
    %dma_wait3A_305 = tpu.memref_slice %arg6[%dma_wait3A_298, %dma_wait3A_304] : memref<2x6400xi32, #tpu.memory_space<vmem>> -> memref<1x6400xi32, #tpu.memory_space<vmem>>
    %dma_wait3A_306 = tpu.memref_squeeze %dma_wait3A_305 : memref<1x6400xi32, #tpu.memory_space<vmem>> -> memref<6400xi32, #tpu.memory_space<vmem>>
    %dma_wait3A_307 = arith.constant 0 : i32
    %dma_wait3A_308 = tpu.memref_slice %arg3[%dma_wait3A_307] : memref<204800xi32, #tpu.memory_space<hbm>> -> memref<6400xi32, #tpu.memory_space<hbm>>
    tpu.wait_dma2 semaphore(%arg9 : memref<!tpu.dma_semaphore, #tpu.memory_space<semaphore_mem>>) src(%dma_wait3A_308 : memref<6400xi32, #tpu.memory_space<hbm>>) dst(%dma_wait3A_306 : memref<6400xi32, #tpu.memory_space<vmem>>)
    %scan3A_309 = arith.constant 0 : i32
    %scan3A_310 = arith.constant 25 : i32
    %scan3A_311 = arith.addi %scan3A_309, %scan3A_310 : i32
    %scan3A_312 = arith.constant 1 : i32
    scf.for %scan3A_464 = %scan3A_309 to %scan3A_311 step %scan3A_312  : i32 {
      %mul3A_465 = arith.constant 256 : i32
      %mul3A_466 = arith.muli %scan3A_464, %mul3A_465 : i32
      %add3A_467 = arith.constant 0 : i32
      %add3A_468 = arith.addi %add3A_467, %mul3A_466 : i32
      %add3A_469 = arith.constant 0 : i32
      %add3A_470 = arith.addi %add3A_468, %add3A_469 : i32
      %get3A = arith.constant 1 : i32
      %get3A_471 = arith.index_cast %get3A : i32 to index
      %get3A_472 = arith.index_cast %add3A_470 : i32 to index
      %get3A_473 = tpu.vector_load %arg6[%get3A_471, %get3A_472] {strides = array<i32>} : memref<2x6400xi32, #tpu.memory_space<vmem>>, vector<16xi32>,
      %gather3A = tpu.vector_load_idx %arg5[%get3A_473] : memref<100000xf32, #tpu.memory_space<vmem>>[vector<16xi32>], vector<16xf32>,
      %swap3A = arith.constant 1 : i32
      %swap3A_474 = arith.index_cast %swap3A : i32 to index
      %swap3A_475 = arith.index_cast %add3A_470 : i32 to index
      %swap3A_476 = tpu.vector_load %arg7[%swap3A_474, %swap3A_475] {strides = array<i32>} : memref<2x6400xf32, #tpu.memory_space<vmem>>, vector<16xf32>,
      tpu.vector_store %arg7[%swap3A_474, %swap3A_475], %gather3A {strides = array<i32>} : memref<2x6400xf32, #tpu.memory_space<vmem>>, vector<16xf32>,
      %add3A_477 = arith.constant 16 : i32
      %add3A_478 = arith.addi %add3A_468, %add3A_477 : i32
      %get3A_479 = arith.constant 1 : i32
      %get3A_480 = arith.index_cast %get3A_479 : i32 to index
      %get3A_481 = arith.index_cast %add3A_478 : i32 to index
      %get3A_482 = tpu.vector_load %arg6[%get3A_480, %get3A_481] {strides = array<i32>} : memref<2x6400xi32, #tpu.memory_space<vmem>>, vector<16xi32>,
      %gather3A_483 = tpu.vector_load_idx %arg5[%get3A_482] : memref<100000xf32, #tpu.memory_space<vmem>>[vector<16xi32>], vector<16xf32>,
      %swap3A_484 = arith.constant 1 : i32
      %swap3A_485 = arith.index_cast %swap3A_484 : i32 to index
      %swap3A_486 = arith.index_cast %add3A_478 : i32 to index
      %swap3A_487 = tpu.vector_load %arg7[%swap3A_485, %swap3A_486] {strides = array<i32>} : memref<2x6400xf32, #tpu.memory_space<vmem>>, vector<16xf32>,
      tpu.vector_store %arg7[%swap3A_485, %swap3A_486], %gather3A_483 {strides = array<i32>} : memref<2x6400xf32, #tpu.memory_space<vmem>>, vector<16xf32>,
      %add3A_488 = arith.constant 32 : i32
      %add3A_489 = arith.addi %add3A_468, %add3A_488 : i32
      %get3A_490 = arith.constant 1 : i32
      %get3A_491 = arith.index_cast %get3A_490 : i32 to index
      %get3A_492 = arith.index_cast %add3A_489 : i32 to index
      %get3A_493 = tpu.vector_load %arg6[%get3A_491, %get3A_492] {strides = array<i32>} : memref<2x6400xi32, #tpu.memory_space<vmem>>, vector<16xi32>,
      %gather3A_494 = tpu.vector_load_idx %arg5[%get3A_493] : memref<100000xf32, #tpu.memory_space<vmem>>[vector<16xi32>], vector<16xf32>,
      %swap3A_495 = arith.constant 1 : i32
      %swap3A_496 = arith.index_cast %swap3A_495 : i32 to index
      %swap3A_497 = arith.index_cast %add3A_489 : i32 to index
      %swap3A_498 = tpu.vector_load %arg7[%swap3A_496, %swap3A_497] {strides = array<i32>} : memref<2x6400xf32, #tpu.memory_space<vmem>>, vector<16xf32>,
      tpu.vector_store %arg7[%swap3A_496, %swap3A_497], %gather3A_494 {strides = array<i32>} : memref<2x6400xf32, #tpu.memory_space<vmem>>, vector<16xf32>,
      %add3A_499 = arith.constant 48 : i32
      %add3A_500 = arith.addi %add3A_468, %add3A_499 : i32
      %get3A_501 = arith.constant 1 : i32
      %get3A_502 = arith.index_cast %get3A_501 : i32 to index
      %get3A_503 = arith.index_cast %add3A_500 : i32 to index
      %get3A_504 = tpu.vector_load %arg6[%get3A_502, %get3A_503] {strides = array<i32>} : memref<2x6400xi32, #tpu.memory_space<vmem>>, vector<16xi32>,
      %gather3A_505 = tpu.vector_load_idx %arg5[%get3A_504] : memref<100000xf32, #tpu.memory_space<vmem>>[vector<16xi32>], vector<16xf32>,
      %swap3A_506 = arith.constant 1 : i32
      %swap3A_507 = arith.index_cast %swap3A_506 : i32 to index
      %swap3A_508 = arith.index_cast %add3A_500 : i32 to index
      %swap3A_509 = tpu.vector_load %arg7[%swap3A_507, %swap3A_508] {strides = array<i32>} : memref<2x6400xf32, #tpu.memory_space<vmem>>, vector<16xf32>,
      tpu.vector_store %arg7[%swap3A_507, %swap3A_508], %gather3A_505 {strides = array<i32>} : memref<2x6400xf32, #tpu.memory_space<vmem>>, vector<16xf32>,
      %add3A_510 = arith.constant 64 : i32
      %add3A_511 = arith.addi %add3A_468, %add3A_510 : i32
      %get3A_512 = arith.constant 1 : i32
      %get3A_513 = arith.index_cast %get3A_512 : i32 to index
      %get3A_514 = arith.index_cast %add3A_511 : i32 to index
      %get3A_515 = tpu.vector_load %arg6[%get3A_513, %get3A_514] {strides = array<i32>} : memref<2x6400xi32, #tpu.memory_space<vmem>>, vector<16xi32>,
      %gather3A_516 = tpu.vector_load_idx %arg5[%get3A_515] : memref<100000xf32, #tpu.memory_space<vmem>>[vector<16xi32>], vector<16xf32>,
      %swap3A_517 = arith.constant 1 : i32
      %swap3A_518 = arith.index_cast %swap3A_517 : i32 to index
      %swap3A_519 = arith.index_cast %add3A_511 : i32 to index
      %swap3A_520 = tpu.vector_load %arg7[%swap3A_518, %swap3A_519] {strides = array<i32>} : memref<2x6400xf32, #tpu.memory_space<vmem>>, vector<16xf32>,
      tpu.vector_store %arg7[%swap3A_518, %swap3A_519], %gather3A_516 {strides = array<i32>} : memref<2x6400xf32, #tpu.memory_space<vmem>>, vector<16xf32>,
      %add3A_521 = arith.constant 80 : i32
      %add3A_522 = arith.addi %add3A_468, %add3A_521 : i32
      %get3A_523 = arith.constant 1 : i32
      %get3A_524 = arith.index_cast %get3A_523 : i32 to index
      %get3A_525 = arith.index_cast %add3A_522 : i32 to index
      %get3A_526 = tpu.vector_load %arg6[%get3A_524, %get3A_525] {strides = array<i32>} : memref<2x6400xi32, #tpu.memory_space<vmem>>, vector<16xi32>,
      %gather3A_527 = tpu.vector_load_idx %arg5[%get3A_526] : memref<100000xf32, #tpu.memory_space<vmem>>[vector<16xi32>], vector<16xf32>,
      %swap3A_528 = arith.constant 1 : i32
      %swap3A_529 = arith.index_cast %swap3A_528 : i32 to index
      %swap3A_530 = arith.index_cast %add3A_522 : i32 to index
      %swap3A_531 = tpu.vector_load %arg7[%swap3A_529, %swap3A_530] {strides = array<i32>} : memref<2x6400xf32, #tpu.memory_space<vmem>>, vector<16xf32>,
      tpu.vector_store %arg7[%swap3A_529, %swap3A_530], %gather3A_527 {strides = array<i32>} : memref<2x6400xf32, #tpu.memory_space<vmem>>, vector<16xf32>,
      %add3A_532 = arith.constant 96 : i32
      %add3A_533 = arith.addi %add3A_468, %add3A_532 : i32
      %get3A_534 = arith.constant 1 : i32
      %get3A_535 = arith.index_cast %get3A_534 : i32 to index
      %get3A_536 = arith.index_cast %add3A_533 : i32 to index
      %get3A_537 = tpu.vector_load %arg6[%get3A_535, %get3A_536] {strides = array<i32>} : memref<2x6400xi32, #tpu.memory_space<vmem>>, vector<16xi32>,
      %gather3A_538 = tpu.vector_load_idx %arg5[%get3A_537] : memref<100000xf32, #tpu.memory_space<vmem>>[vector<16xi32>], vector<16xf32>,
      %swap3A_539 = arith.constant 1 : i32
      %swap3A_540 = arith.index_cast %swap3A_539 : i32 to index
      %swap3A_541 = arith.index_cast %add3A_533 : i32 to index
      %swap3A_542 = tpu.vector_load %arg7[%swap3A_540, %swap3A_541] {strides = array<i32>} : memref<2x6400xf32, #tpu.memory_space<vmem>>, vector<16xf32>,
      tpu.vector_store %arg7[%swap3A_540, %swap3A_541], %gather3A_538 {strides = array<i32>} : memref<2x6400xf32, #tpu.memory_space<vmem>>, vector<16xf32>,
      %add3A_543 = arith.constant 112 : i32
      %add3A_544 = arith.addi %add3A_468, %add3A_543 : i32
      %get3A_545 = arith.constant 1 : i32
      %get3A_546 = arith.index_cast %get3A_545 : i32 to index
      %get3A_547 = arith.index_cast %add3A_544 : i32 to index
      %get3A_548 = tpu.vector_load %arg6[%get3A_546, %get3A_547] {strides = array<i32>} : memref<2x6400xi32, #tpu.memory_space<vmem>>, vector<16xi32>,
      %gather3A_549 = tpu.vector_load_idx %arg5[%get3A_548] : memref<100000xf32, #tpu.memory_space<vmem>>[vector<16xi32>], vector<16xf32>,
      %swap3A_550 = arith.constant 1 : i32
      %swap3A_551 = arith.index_cast %swap3A_550 : i32 to index
      %swap3A_552 = arith.index_cast %add3A_544 : i32 to index
      %swap3A_553 = tpu.vector_load %arg7[%swap3A_551, %swap3A_552] {strides = array<i32>} : memref<2x6400xf32, #tpu.memory_space<vmem>>, vector<16xf32>,
      tpu.vector_store %arg7[%swap3A_551, %swap3A_552], %gather3A_549 {strides = array<i32>} : memref<2x6400xf32, #tpu.memory_space<vmem>>, vector<16xf32>,
      %add3A_554 = arith.constant 128 : i32
      %add3A_555 = arith.addi %add3A_468, %add3A_554 : i32
      %get3A_556 = arith.constant 1 : i32
      %get3A_557 = arith.index_cast %get3A_556 : i32 to index
      %get3A_558 = arith.index_cast %add3A_555 : i32 to index
      %get3A_559 = tpu.vector_load %arg6[%get3A_557, %get3A_558] {strides = array<i32>} : memref<2x6400xi32, #tpu.memory_space<vmem>>, vector<16xi32>,
      %gather3A_560 = tpu.vector_load_idx %arg5[%get3A_559] : memref<100000xf32, #tpu.memory_space<vmem>>[vector<16xi32>], vector<16xf32>,
      %swap3A_561 = arith.constant 1 : i32
      %swap3A_562 = arith.index_cast %swap3A_561 : i32 to index
      %swap3A_563 = arith.index_cast %add3A_555 : i32 to index
      %swap3A_564 = tpu.vector_load %arg7[%swap3A_562, %swap3A_563] {strides = array<i32>} : memref<2x6400xf32, #tpu.memory_space<vmem>>, vector<16xf32>,
      tpu.vector_store %arg7[%swap3A_562, %swap3A_563], %gather3A_560 {strides = array<i32>} : memref<2x6400xf32, #tpu.memory_space<vmem>>, vector<16xf32>,
      %add3A_565 = arith.constant 144 : i32
      %add3A_566 = arith.addi %add3A_468, %add3A_565 : i32
      %get3A_567 = arith.constant 1 : i32
      %get3A_568 = arith.index_cast %get3A_567 : i32 to index
      %get3A_569 = arith.index_cast %add3A_566 : i32 to index
      %get3A_570 = tpu.vector_load %arg6[%get3A_568, %get3A_569] {strides = array<i32>} : memref<2x6400xi32, #tpu.memory_space<vmem>>, vector<16xi32>,
      %gather3A_571 = tpu.vector_load_idx %arg5[%get3A_570] : memref<100000xf32, #tpu.memory_space<vmem>>[vector<16xi32>], vector<16xf32>,
      %swap3A_572 = arith.constant 1 : i32
      %swap3A_573 = arith.index_cast %swap3A_572 : i32 to index
      %swap3A_574 = arith.index_cast %add3A_566 : i32 to index
      %swap3A_575 = tpu.vector_load %arg7[%swap3A_573, %swap3A_574] {strides = array<i32>} : memref<2x6400xf32, #tpu.memory_space<vmem>>, vector<16xf32>,
      tpu.vector_store %arg7[%swap3A_573, %swap3A_574], %gather3A_571 {strides = array<i32>} : memref<2x6400xf32, #tpu.memory_space<vmem>>, vector<16xf32>,
      %add3A_576 = arith.constant 160 : i32
      %add3A_577 = arith.addi %add3A_468, %add3A_576 : i32
      %get3A_578 = arith.constant 1 : i32
      %get3A_579 = arith.index_cast %get3A_578 : i32 to index
      %get3A_580 = arith.index_cast %add3A_577 : i32 to index
      %get3A_581 = tpu.vector_load %arg6[%get3A_579, %get3A_580] {strides = array<i32>} : memref<2x6400xi32, #tpu.memory_space<vmem>>, vector<16xi32>,
      %gather3A_582 = tpu.vector_load_idx %arg5[%get3A_581] : memref<100000xf32, #tpu.memory_space<vmem>>[vector<16xi32>], vector<16xf32>,
      %swap3A_583 = arith.constant 1 : i32
      %swap3A_584 = arith.index_cast %swap3A_583 : i32 to index
      %swap3A_585 = arith.index_cast %add3A_577 : i32 to index
      %swap3A_586 = tpu.vector_load %arg7[%swap3A_584, %swap3A_585] {strides = array<i32>} : memref<2x6400xf32, #tpu.memory_space<vmem>>, vector<16xf32>,
      tpu.vector_store %arg7[%swap3A_584, %swap3A_585], %gather3A_582 {strides = array<i32>} : memref<2x6400xf32, #tpu.memory_space<vmem>>, vector<16xf32>,
      %add3A_587 = arith.constant 176 : i32
      %add3A_588 = arith.addi %add3A_468, %add3A_587 : i32
      %get3A_589 = arith.constant 1 : i32
      %get3A_590 = arith.index_cast %get3A_589 : i32 to index
      %get3A_591 = arith.index_cast %add3A_588 : i32 to index
      %get3A_592 = tpu.vector_load %arg6[%get3A_590, %get3A_591] {strides = array<i32>} : memref<2x6400xi32, #tpu.memory_space<vmem>>, vector<16xi32>,
      %gather3A_593 = tpu.vector_load_idx %arg5[%get3A_592] : memref<100000xf32, #tpu.memory_space<vmem>>[vector<16xi32>], vector<16xf32>,
      %swap3A_594 = arith.constant 1 : i32
      %swap3A_595 = arith.index_cast %swap3A_594 : i32 to index
      %swap3A_596 = arith.index_cast %add3A_588 : i32 to index
      %swap3A_597 = tpu.vector_load %arg7[%swap3A_595, %swap3A_596] {strides = array<i32>} : memref<2x6400xf32, #tpu.memory_space<vmem>>, vector<16xf32>,
      tpu.vector_store %arg7[%swap3A_595, %swap3A_596], %gather3A_593 {strides = array<i32>} : memref<2x6400xf32, #tpu.memory_space<vmem>>, vector<16xf32>,
      %add3A_598 = arith.constant 192 : i32
      %add3A_599 = arith.addi %add3A_468, %add3A_598 : i32
      %get3A_600 = arith.constant 1 : i32
      %get3A_601 = arith.index_cast %get3A_600 : i32 to index
      %get3A_602 = arith.index_cast %add3A_599 : i32 to index
      %get3A_603 = tpu.vector_load %arg6[%get3A_601, %get3A_602] {strides = array<i32>} : memref<2x6400xi32, #tpu.memory_space<vmem>>, vector<16xi32>,
      %gather3A_604 = tpu.vector_load_idx %arg5[%get3A_603] : memref<100000xf32, #tpu.memory_space<vmem>>[vector<16xi32>], vector<16xf32>,
      %swap3A_605 = arith.constant 1 : i32
      %swap3A_606 = arith.index_cast %swap3A_605 : i32 to index
      %swap3A_607 = arith.index_cast %add3A_599 : i32 to index
      %swap3A_608 = tpu.vector_load %arg7[%swap3A_606, %swap3A_607] {strides = array<i32>} : memref<2x6400xf32, #tpu.memory_space<vmem>>, vector<16xf32>,
      tpu.vector_store %arg7[%swap3A_606, %swap3A_607], %gather3A_604 {strides = array<i32>} : memref<2x6400xf32, #tpu.memory_space<vmem>>, vector<16xf32>,
      %add3A_609 = arith.constant 208 : i32
      %add3A_610 = arith.addi %add3A_468, %add3A_609 : i32
      %get3A_611 = arith.constant 1 : i32
      %get3A_612 = arith.index_cast %get3A_611 : i32 to index
      %get3A_613 = arith.index_cast %add3A_610 : i32 to index
      %get3A_614 = tpu.vector_load %arg6[%get3A_612, %get3A_613] {strides = array<i32>} : memref<2x6400xi32, #tpu.memory_space<vmem>>, vector<16xi32>,
      %gather3A_615 = tpu.vector_load_idx %arg5[%get3A_614] : memref<100000xf32, #tpu.memory_space<vmem>>[vector<16xi32>], vector<16xf32>,
      %swap3A_616 = arith.constant 1 : i32
      %swap3A_617 = arith.index_cast %swap3A_616 : i32 to index
      %swap3A_618 = arith.index_cast %add3A_610 : i32 to index
      %swap3A_619 = tpu.vector_load %arg7[%swap3A_617, %swap3A_618] {strides = array<i32>} : memref<2x6400xf32, #tpu.memory_space<vmem>>, vector<16xf32>,
      tpu.vector_store %arg7[%swap3A_617, %swap3A_618], %gather3A_615 {strides = array<i32>} : memref<2x6400xf32, #tpu.memory_space<vmem>>, vector<16xf32>,
      %add3A_620 = arith.constant 224 : i32
      %add3A_621 = arith.addi %add3A_468, %add3A_620 : i32
      %get3A_622 = arith.constant 1 : i32
      %get3A_623 = arith.index_cast %get3A_622 : i32 to index
      %get3A_624 = arith.index_cast %add3A_621 : i32 to index
      %get3A_625 = tpu.vector_load %arg6[%get3A_623, %get3A_624] {strides = array<i32>} : memref<2x6400xi32, #tpu.memory_space<vmem>>, vector<16xi32>,
      %gather3A_626 = tpu.vector_load_idx %arg5[%get3A_625] : memref<100000xf32, #tpu.memory_space<vmem>>[vector<16xi32>], vector<16xf32>,
      %swap3A_627 = arith.constant 1 : i32
      %swap3A_628 = arith.index_cast %swap3A_627 : i32 to index
      %swap3A_629 = arith.index_cast %add3A_621 : i32 to index
      %swap3A_630 = tpu.vector_load %arg7[%swap3A_628, %swap3A_629] {strides = array<i32>} : memref<2x6400xf32, #tpu.memory_space<vmem>>, vector<16xf32>,
      tpu.vector_store %arg7[%swap3A_628, %swap3A_629], %gather3A_626 {strides = array<i32>} : memref<2x6400xf32, #tpu.memory_space<vmem>>, vector<16xf32>,
      %add3A_631 = arith.constant 240 : i32
      %add3A_632 = arith.addi %add3A_468, %add3A_631 : i32
      %get3A_633 = arith.constant 1 : i32
      %get3A_634 = arith.index_cast %get3A_633 : i32 to index
      %get3A_635 = arith.index_cast %add3A_632 : i32 to index
      %get3A_636 = tpu.vector_load %arg6[%get3A_634, %get3A_635] {strides = array<i32>} : memref<2x6400xi32, #tpu.memory_space<vmem>>, vector<16xi32>,
      %gather3A_637 = tpu.vector_load_idx %arg5[%get3A_636] : memref<100000xf32, #tpu.memory_space<vmem>>[vector<16xi32>], vector<16xf32>,
      %swap3A_638 = arith.constant 1 : i32
      %swap3A_639 = arith.index_cast %swap3A_638 : i32 to index
      %swap3A_640 = arith.index_cast %add3A_632 : i32 to index
      %swap3A_641 = tpu.vector_load %arg7[%swap3A_639, %swap3A_640] {strides = array<i32>} : memref<2x6400xf32, #tpu.memory_space<vmem>>, vector<16xf32>,
      tpu.vector_store %arg7[%swap3A_639, %swap3A_640], %gather3A_637 {strides = array<i32>} : memref<2x6400xf32, #tpu.memory_space<vmem>>, vector<16xf32>,
    }
    %scan3A_313 = arith.constant 25 : i32
    %dma_start3A_314 = arith.constant 1 : i32
    %dma_start3A_315 = arith.constant 0 : i32
    %dma_start3A_316 = tpu.memref_slice %arg6[%dma_start3A_314, %dma_start3A_315] : memref<2x6400xi32, #tpu.memory_space<vmem>> -> memref<1x6400xi32, #tpu.memory_space<vmem>>
    %dma_start3A_317 = tpu.memref_squeeze %dma_start3A_316 : memref<1x6400xi32, #tpu.memory_space<vmem>> -> memref<6400xi32, #tpu.memory_space<vmem>>
    %dma_start3A_318 = arith.constant 19200 : i32
    %dma_start3A_319 = tpu.memref_slice %arg3[%dma_start3A_318] : memref<204800xi32, #tpu.memory_space<hbm>> -> memref<6400xi32, #tpu.memory_space<hbm>>
    %dma_start3A_320 = arith.constant 0 : i32
    %dma_start3A_321 = tpu.memref_slice %arg6[%dma_start3A_314, %dma_start3A_320] : memref<2x6400xi32, #tpu.memory_space<vmem>> -> memref<1x6400xi32, #tpu.memory_space<vmem>>
    %dma_start3A_322 = tpu.memref_squeeze %dma_start3A_321 : memref<1x6400xi32, #tpu.memory_space<vmem>> -> memref<6400xi32, #tpu.memory_space<vmem>>
    %dma_start3A_323 = arith.constant 19200 : i32
    %dma_start3A_324 = tpu.memref_slice %arg3[%dma_start3A_323] : memref<204800xi32, #tpu.memory_space<hbm>> -> memref<6400xi32, #tpu.memory_space<hbm>>
    tpu.enqueue_dma source(%dma_start3A_324 : memref<6400xi32, #tpu.memory_space<hbm>>) target(%dma_start3A_322 : memref<6400xi32, #tpu.memory_space<vmem>>) target_semaphore(%arg9 : memref<!tpu.dma_semaphore, #tpu.memory_space<semaphore_mem>>)
    %dma_start3A_325 = arith.constant 1 : i32
    %dma_start3A_326 = arith.constant 0 : i32
    %dma_start3A_327 = arith.constant 0 : i32
    %dma_start3A_328 = tpu.memref_slice %arg7[%dma_start3A_325, %dma_start3A_327] : memref<2x6400xf32, #tpu.memory_space<vmem>> -> memref<1x6400xf32, #tpu.memory_space<vmem>>
    %dma_start3A_329 = tpu.memref_squeeze %dma_start3A_328 : memref<1x6400xf32, #tpu.memory_space<vmem>> -> memref<6400xf32, #tpu.memory_space<vmem>>
    %dma_start3A_330 = arith.constant 6400 : i32
    %dma_start3A_331 = tpu.memref_slice %arg4[%dma_start3A_326, %add3A_234, %dma_start3A_330] : memref<8x64x25600xf32, #tpu.memory_space<hbm>> -> memref<1x1x6400xf32, #tpu.memory_space<hbm>>
    %dma_start3A_332 = tpu.memref_squeeze %dma_start3A_331 : memref<1x1x6400xf32, #tpu.memory_space<hbm>> -> memref<6400xf32, #tpu.memory_space<hbm>>
    %dma_start3A_333 = arith.constant 6400 : i32
    %dma_start3A_334 = tpu.memref_slice %arg4[%dma_start3A_326, %add3A_234, %dma_start3A_333] : memref<8x64x25600xf32, #tpu.memory_space<hbm>> -> memref<1x1x6400xf32, #tpu.memory_space<hbm>>
    %dma_start3A_335 = tpu.memref_squeeze %dma_start3A_334 : memref<1x1x6400xf32, #tpu.memory_space<hbm>> -> memref<6400xf32, #tpu.memory_space<hbm>>
    %dma_start3A_336 = arith.constant 0 : i32
    %dma_start3A_337 = tpu.memref_slice %arg7[%dma_start3A_325, %dma_start3A_336] : memref<2x6400xf32, #tpu.memory_space<vmem>> -> memref<1x6400xf32, #tpu.memory_space<vmem>>
    %dma_start3A_338 = tpu.memref_squeeze %dma_start3A_337 : memref<1x6400xf32, #tpu.memory_space<vmem>> -> memref<6400xf32, #tpu.memory_space<vmem>>
    tpu.enqueue_dma source(%dma_start3A_338 : memref<6400xf32, #tpu.memory_space<vmem>>) target(%dma_start3A_335 : memref<6400xf32, #tpu.memory_space<hbm>>) target_semaphore(%arg11 : memref<!tpu.dma_semaphore, #tpu.memory_space<semaphore_mem>>)
    %scan3A_339 = arith.constant 0 : i32
    %scan3A_340 = arith.constant 14 : i32
    %scan3A_341 = arith.addi %scan3A_339, %scan3A_340 : i32
    %scan3A_342 = arith.constant 1 : i32
    scf.for %scan3A_464 = %scan3A_339 to %scan3A_341 step %scan3A_342  : i32 {
      %mul3A_465 = arith.constant 2 : i32
      %mul3A_466 = arith.muli %scan3A_464, %mul3A_465 : i32
      %add3A_467 = arith.constant 2 : i32
      %add3A_468 = arith.addi %add3A_467, %mul3A_466 : i32
      %add3A_469 = arith.constant 0 : i32
      %add3A_470 = arith.addi %add3A_468, %add3A_469 : i32
      %dma_wait3A_471 = arith.constant 0 : i32
      %dma_wait3A_472 = arith.constant 0 : i32
      %dma_wait3A_473 = tpu.memref_slice %arg6[%dma_wait3A_471, %dma_wait3A_472] : memref<2x6400xi32, #tpu.memory_space<vmem>> -> memref<1x6400xi32, #tpu.memory_space<vmem>>
      %dma_wait3A_474 = tpu.memref_squeeze %dma_wait3A_473 : memref<1x6400xi32, #tpu.memory_space<vmem>> -> memref<6400xi32, #tpu.memory_space<vmem>>
      %dma_wait3A_475 = arith.constant 0 : i32
      %dma_wait3A_476 = tpu.memref_slice %arg3[%dma_wait3A_475] : memref<204800xi32, #tpu.memory_space<hbm>> -> memref<6400xi32, #tpu.memory_space<hbm>>
      %dma_wait3A_477 = arith.constant 0 : i32
      %dma_wait3A_478 = tpu.memref_slice %arg6[%dma_wait3A_471, %dma_wait3A_477] : memref<2x6400xi32, #tpu.memory_space<vmem>> -> memref<1x6400xi32, #tpu.memory_space<vmem>>
      %dma_wait3A_479 = tpu.memref_squeeze %dma_wait3A_478 : memref<1x6400xi32, #tpu.memory_space<vmem>> -> memref<6400xi32, #tpu.memory_space<vmem>>
      %dma_wait3A_480 = arith.constant 0 : i32
      %dma_wait3A_481 = tpu.memref_slice %arg3[%dma_wait3A_480] : memref<204800xi32, #tpu.memory_space<hbm>> -> memref<6400xi32, #tpu.memory_space<hbm>>
      tpu.wait_dma2 semaphore(%arg8 : memref<!tpu.dma_semaphore, #tpu.memory_space<semaphore_mem>>) src(%dma_wait3A_481 : memref<6400xi32, #tpu.memory_space<hbm>>) dst(%dma_wait3A_479 : memref<6400xi32, #tpu.memory_space<vmem>>)
      %dma_wait3A_482 = arith.constant 0 : i32
      %dma_wait3A_483 = arith.constant 0 : i32
      %dma_wait3A_484 = arith.constant 0 : i32
      %dma_wait3A_485 = arith.constant 0 : i32
      %dma_wait3A_486 = tpu.memref_slice %arg7[%dma_wait3A_482, %dma_wait3A_485] : memref<2x6400xf32, #tpu.memory_space<vmem>> -> memref<1x6400xf32, #tpu.memory_space<vmem>>
      %dma_wait3A_487 = tpu.memref_squeeze %dma_wait3A_486 : memref<1x6400xf32, #tpu.memory_space<vmem>> -> memref<6400xf32, #tpu.memory_space<vmem>>
      %dma_wait3A_488 = arith.constant 0 : i32
      %dma_wait3A_489 = tpu.memref_slice %arg4[%dma_wait3A_483, %dma_wait3A_484, %dma_wait3A_488] : memref<8x64x25600xf32, #tpu.memory_space<hbm>> -> memref<1x1x6400xf32, #tpu.memory_space<hbm>>
      %dma_wait3A_490 = tpu.memref_squeeze %dma_wait3A_489 : memref<1x1x6400xf32, #tpu.memory_space<hbm>> -> memref<6400xf32, #tpu.memory_space<hbm>>
      %dma_wait3A_491 = arith.constant 0 : i32
      %dma_wait3A_492 = tpu.memref_slice %arg4[%dma_wait3A_483, %dma_wait3A_484, %dma_wait3A_491] : memref<8x64x25600xf32, #tpu.memory_space<hbm>> -> memref<1x1x6400xf32, #tpu.memory_space<hbm>>
      %dma_wait3A_493 = tpu.memref_squeeze %dma_wait3A_492 : memref<1x1x6400xf32, #tpu.memory_space<hbm>> -> memref<6400xf32, #tpu.memory_space<hbm>>
      %dma_wait3A_494 = arith.constant 0 : i32
      %dma_wait3A_495 = tpu.memref_slice %arg7[%dma_wait3A_482, %dma_wait3A_494] : memref<2x6400xf32, #tpu.memory_space<vmem>> -> memref<1x6400xf32, #tpu.memory_space<vmem>>
      %dma_wait3A_496 = tpu.memref_squeeze %dma_wait3A_495 : memref<1x6400xf32, #tpu.memory_space<vmem>> -> memref<6400xf32, #tpu.memory_space<vmem>>
      tpu.wait_dma2 semaphore(%arg10 : memref<!tpu.dma_semaphore, #tpu.memory_space<semaphore_mem>>) src(%dma_wait3A_496 : memref<6400xf32, #tpu.memory_space<vmem>>) dst(%dma_wait3A_493 : memref<6400xf32, #tpu.memory_space<hbm>>)
      %scan3A_497 = arith.constant 0 : i32
      %scan3A_498 = arith.constant 25 : i32
      %scan3A_499 = arith.addi %scan3A_497, %scan3A_498 : i32
      %scan3A_500 = arith.constant 1 : i32
      scf.for %scan3A_657 = %scan3A_497 to %scan3A_499 step %scan3A_500  : i32 {
        %mul3A_658 = arith.constant 256 : i32
        %mul3A_659 = arith.muli %scan3A_657, %mul3A_658 : i32
        %add3A_660 = arith.constant 0 : i32
        %add3A_661 = arith.addi %add3A_660, %mul3A_659 : i32
        %add3A_662 = arith.constant 0 : i32
        %add3A_663 = arith.addi %add3A_661, %add3A_662 : i32
        %get3A = arith.constant 0 : i32
        %get3A_664 = arith.index_cast %get3A : i32 to index
        %get3A_665 = arith.index_cast %add3A_663 : i32 to index
        %get3A_666 = tpu.vector_load %arg6[%get3A_664, %get3A_665] {strides = array<i32>} : memref<2x6400xi32, #tpu.memory_space<vmem>>, vector<16xi32>,
        %gather3A = tpu.vector_load_idx %arg5[%get3A_666] : memref<100000xf32, #tpu.memory_space<vmem>>[vector<16xi32>], vector<16xf32>,
        %swap3A = arith.constant 0 : i32
        %swap3A_667 = arith.index_cast %swap3A : i32 to index
        %swap3A_668 = arith.index_cast %add3A_663 : i32 to index
        %swap3A_669 = tpu.vector_load %arg7[%swap3A_667, %swap3A_668] {strides = array<i32>} : memref<2x6400xf32, #tpu.memory_space<vmem>>, vector<16xf32>,
        tpu.vector_store %arg7[%swap3A_667, %swap3A_668], %gather3A {strides = array<i32>} : memref<2x6400xf32, #tpu.memory_space<vmem>>, vector<16xf32>,
        %add3A_670 = arith.constant 16 : i32
        %add3A_671 = arith.addi %add3A_661, %add3A_670 : i32
        %get3A_672 = arith.constant 0 : i32
        %get3A_673 = arith.index_cast %get3A_672 : i32 to index
        %get3A_674 = arith.index_cast %add3A_671 : i32 to index
        %get3A_675 = tpu.vector_load %arg6[%get3A_673, %get3A_674] {strides = array<i32>} : memref<2x6400xi32, #tpu.memory_space<vmem>>, vector<16xi32>,
        %gather3A_676 = tpu.vector_load_idx %arg5[%get3A_675] : memref<100000xf32, #tpu.memory_space<vmem>>[vector<16xi32>], vector<16xf32>,
        %swap3A_677 = arith.constant 0 : i32
        %swap3A_678 = arith.index_cast %swap3A_677 : i32 to index
        %swap3A_679 = arith.index_cast %add3A_671 : i32 to index
        %swap3A_680 = tpu.vector_load %arg7[%swap3A_678, %swap3A_679] {strides = array<i32>} : memref<2x6400xf32, #tpu.memory_space<vmem>>, vector<16xf32>,
        tpu.vector_store %arg7[%swap3A_678, %swap3A_679], %gather3A_676 {strides = array<i32>} : memref<2x6400xf32, #tpu.memory_space<vmem>>, vector<16xf32>,
        %add3A_681 = arith.constant 32 : i32
        %add3A_682 = arith.addi %add3A_661, %add3A_681 : i32
        %get3A_683 = arith.constant 0 : i32
        %get3A_684 = arith.index_cast %get3A_683 : i32 to index
        %get3A_685 = arith.index_cast %add3A_682 : i32 to index
        %get3A_686 = tpu.vector_load %arg6[%get3A_684, %get3A_685] {strides = array<i32>} : memref<2x6400xi32, #tpu.memory_space<vmem>>, vector<16xi32>,
        %gather3A_687 = tpu.vector_load_idx %arg5[%get3A_686] : memref<100000xf32, #tpu.memory_space<vmem>>[vector<16xi32>], vector<16xf32>,
        %swap3A_688 = arith.constant 0 : i32
        %swap3A_689 = arith.index_cast %swap3A_688 : i32 to index
        %swap3A_690 = arith.index_cast %add3A_682 : i32 to index
        %swap3A_691 = tpu.vector_load %arg7[%swap3A_689, %swap3A_690] {strides = array<i32>} : memref<2x6400xf32, #tpu.memory_space<vmem>>, vector<16xf32>,
        tpu.vector_store %arg7[%swap3A_689, %swap3A_690], %gather3A_687 {strides = array<i32>} : memref<2x6400xf32, #tpu.memory_space<vmem>>, vector<16xf32>,
        %add3A_692 = arith.constant 48 : i32
        %add3A_693 = arith.addi %add3A_661, %add3A_692 : i32
        %get3A_694 = arith.constant 0 : i32
        %get3A_695 = arith.index_cast %get3A_694 : i32 to index
        %get3A_696 = arith.index_cast %add3A_693 : i32 to index
        %get3A_697 = tpu.vector_load %arg6[%get3A_695, %get3A_696] {strides = array<i32>} : memref<2x6400xi32, #tpu.memory_space<vmem>>, vector<16xi32>,
        %gather3A_698 = tpu.vector_load_idx %arg5[%get3A_697] : memref<100000xf32, #tpu.memory_space<vmem>>[vector<16xi32>], vector<16xf32>,
        %swap3A_699 = arith.constant 0 : i32
        %swap3A_700 = arith.index_cast %swap3A_699 : i32 to index
        %swap3A_701 = arith.index_cast %add3A_693 : i32 to index
        %swap3A_702 = tpu.vector_load %arg7[%swap3A_700, %swap3A_701] {strides = array<i32>} : memref<2x6400xf32, #tpu.memory_space<vmem>>, vector<16xf32>,
        tpu.vector_store %arg7[%swap3A_700, %swap3A_701], %gather3A_698 {strides = array<i32>} : memref<2x6400xf32, #tpu.memory_space<vmem>>, vector<16xf32>,
        %add3A_703 = arith.constant 64 : i32
        %add3A_704 = arith.addi %add3A_661, %add3A_703 : i32
        %get3A_705 = arith.constant 0 : i32
        %get3A_706 = arith.index_cast %get3A_705 : i32 to index
        %get3A_707 = arith.index_cast %add3A_704 : i32 to index
        %get3A_708 = tpu.vector_load %arg6[%get3A_706, %get3A_707] {strides = array<i32>} : memref<2x6400xi32, #tpu.memory_space<vmem>>, vector<16xi32>,
        %gather3A_709 = tpu.vector_load_idx %arg5[%get3A_708] : memref<100000xf32, #tpu.memory_space<vmem>>[vector<16xi32>], vector<16xf32>,
        %swap3A_710 = arith.constant 0 : i32
        %swap3A_711 = arith.index_cast %swap3A_710 : i32 to index
        %swap3A_712 = arith.index_cast %add3A_704 : i32 to index
        %swap3A_713 = tpu.vector_load %arg7[%swap3A_711, %swap3A_712] {strides = array<i32>} : memref<2x6400xf32, #tpu.memory_space<vmem>>, vector<16xf32>,
        tpu.vector_store %arg7[%swap3A_711, %swap3A_712], %gather3A_709 {strides = array<i32>} : memref<2x6400xf32, #tpu.memory_space<vmem>>, vector<16xf32>,
        %add3A_714 = arith.constant 80 : i32
        %add3A_715 = arith.addi %add3A_661, %add3A_714 : i32
        %get3A_716 = arith.constant 0 : i32
        %get3A_717 = arith.index_cast %get3A_716 : i32 to index
        %get3A_718 = arith.index_cast %add3A_715 : i32 to index
        %get3A_719 = tpu.vector_load %arg6[%get3A_717, %get3A_718] {strides = array<i32>} : memref<2x6400xi32, #tpu.memory_space<vmem>>, vector<16xi32>,
        %gather3A_720 = tpu.vector_load_idx %arg5[%get3A_719] : memref<100000xf32, #tpu.memory_space<vmem>>[vector<16xi32>], vector<16xf32>,
        %swap3A_721 = arith.constant 0 : i32
        %swap3A_722 = arith.index_cast %swap3A_721 : i32 to index
        %swap3A_723 = arith.index_cast %add3A_715 : i32 to index
        %swap3A_724 = tpu.vector_load %arg7[%swap3A_722, %swap3A_723] {strides = array<i32>} : memref<2x6400xf32, #tpu.memory_space<vmem>>, vector<16xf32>,
        tpu.vector_store %arg7[%swap3A_722, %swap3A_723], %gather3A_720 {strides = array<i32>} : memref<2x6400xf32, #tpu.memory_space<vmem>>, vector<16xf32>,
        %add3A_725 = arith.constant 96 : i32
        %add3A_726 = arith.addi %add3A_661, %add3A_725 : i32
        %get3A_727 = arith.constant 0 : i32
        %get3A_728 = arith.index_cast %get3A_727 : i32 to index
        %get3A_729 = arith.index_cast %add3A_726 : i32 to index
        %get3A_730 = tpu.vector_load %arg6[%get3A_728, %get3A_729] {strides = array<i32>} : memref<2x6400xi32, #tpu.memory_space<vmem>>, vector<16xi32>,
        %gather3A_731 = tpu.vector_load_idx %arg5[%get3A_730] : memref<100000xf32, #tpu.memory_space<vmem>>[vector<16xi32>], vector<16xf32>,
        %swap3A_732 = arith.constant 0 : i32
        %swap3A_733 = arith.index_cast %swap3A_732 : i32 to index
        %swap3A_734 = arith.index_cast %add3A_726 : i32 to index
        %swap3A_735 = tpu.vector_load %arg7[%swap3A_733, %swap3A_734] {strides = array<i32>} : memref<2x6400xf32, #tpu.memory_space<vmem>>, vector<16xf32>,
        tpu.vector_store %arg7[%swap3A_733, %swap3A_734], %gather3A_731 {strides = array<i32>} : memref<2x6400xf32, #tpu.memory_space<vmem>>, vector<16xf32>,
        %add3A_736 = arith.constant 112 : i32
        %add3A_737 = arith.addi %add3A_661, %add3A_736 : i32
        %get3A_738 = arith.constant 0 : i32
        %get3A_739 = arith.index_cast %get3A_738 : i32 to index
        %get3A_740 = arith.index_cast %add3A_737 : i32 to index
        %get3A_741 = tpu.vector_load %arg6[%get3A_739, %get3A_740] {strides = array<i32>} : memref<2x6400xi32, #tpu.memory_space<vmem>>, vector<16xi32>,
        %gather3A_742 = tpu.vector_load_idx %arg5[%get3A_741] : memref<100000xf32, #tpu.memory_space<vmem>>[vector<16xi32>], vector<16xf32>,
        %swap3A_743 = arith.constant 0 : i32
        %swap3A_744 = arith.index_cast %swap3A_743 : i32 to index
        %swap3A_745 = arith.index_cast %add3A_737 : i32 to index
        %swap3A_746 = tpu.vector_load %arg7[%swap3A_744, %swap3A_745] {strides = array<i32>} : memref<2x6400xf32, #tpu.memory_space<vmem>>, vector<16xf32>,
        tpu.vector_store %arg7[%swap3A_744, %swap3A_745], %gather3A_742 {strides = array<i32>} : memref<2x6400xf32, #tpu.memory_space<vmem>>, vector<16xf32>,
        %add3A_747 = arith.constant 128 : i32
        %add3A_748 = arith.addi %add3A_661, %add3A_747 : i32
        %get3A_749 = arith.constant 0 : i32
        %get3A_750 = arith.index_cast %get3A_749 : i32 to index
        %get3A_751 = arith.index_cast %add3A_748 : i32 to index
        %get3A_752 = tpu.vector_load %arg6[%get3A_750, %get3A_751] {strides = array<i32>} : memref<2x6400xi32, #tpu.memory_space<vmem>>, vector<16xi32>,
        %gather3A_753 = tpu.vector_load_idx %arg5[%get3A_752] : memref<100000xf32, #tpu.memory_space<vmem>>[vector<16xi32>], vector<16xf32>,
        %swap3A_754 = arith.constant 0 : i32
        %swap3A_755 = arith.index_cast %swap3A_754 : i32 to index
        %swap3A_756 = arith.index_cast %add3A_748 : i32 to index
        %swap3A_757 = tpu.vector_load %arg7[%swap3A_755, %swap3A_756] {strides = array<i32>} : memref<2x6400xf32, #tpu.memory_space<vmem>>, vector<16xf32>,
        tpu.vector_store %arg7[%swap3A_755, %swap3A_756], %gather3A_753 {strides = array<i32>} : memref<2x6400xf32, #tpu.memory_space<vmem>>, vector<16xf32>,
        %add3A_758 = arith.constant 144 : i32
        %add3A_759 = arith.addi %add3A_661, %add3A_758 : i32
        %get3A_760 = arith.constant 0 : i32
        %get3A_761 = arith.index_cast %get3A_760 : i32 to index
        %get3A_762 = arith.index_cast %add3A_759 : i32 to index
        %get3A_763 = tpu.vector_load %arg6[%get3A_761, %get3A_762] {strides = array<i32>} : memref<2x6400xi32, #tpu.memory_space<vmem>>, vector<16xi32>,
        %gather3A_764 = tpu.vector_load_idx %arg5[%get3A_763] : memref<100000xf32, #tpu.memory_space<vmem>>[vector<16xi32>], vector<16xf32>,
        %swap3A_765 = arith.constant 0 : i32
        %swap3A_766 = arith.index_cast %swap3A_765 : i32 to index
        %swap3A_767 = arith.index_cast %add3A_759 : i32 to index
        %swap3A_768 = tpu.vector_load %arg7[%swap3A_766, %swap3A_767] {strides = array<i32>} : memref<2x6400xf32, #tpu.memory_space<vmem>>, vector<16xf32>,
        tpu.vector_store %arg7[%swap3A_766, %swap3A_767], %gather3A_764 {strides = array<i32>} : memref<2x6400xf32, #tpu.memory_space<vmem>>, vector<16xf32>,
        %add3A_769 = arith.constant 160 : i32
        %add3A_770 = arith.addi %add3A_661, %add3A_769 : i32
        %get3A_771 = arith.constant 0 : i32
        %get3A_772 = arith.index_cast %get3A_771 : i32 to index
        %get3A_773 = arith.index_cast %add3A_770 : i32 to index
        %get3A_774 = tpu.vector_load %arg6[%get3A_772, %get3A_773] {strides = array<i32>} : memref<2x6400xi32, #tpu.memory_space<vmem>>, vector<16xi32>,
        %gather3A_775 = tpu.vector_load_idx %arg5[%get3A_774] : memref<100000xf32, #tpu.memory_space<vmem>>[vector<16xi32>], vector<16xf32>,
        %swap3A_776 = arith.constant 0 : i32
        %swap3A_777 = arith.index_cast %swap3A_776 : i32 to index
        %swap3A_778 = arith.index_cast %add3A_770 : i32 to index
        %swap3A_779 = tpu.vector_load %arg7[%swap3A_777, %swap3A_778] {strides = array<i32>} : memref<2x6400xf32, #tpu.memory_space<vmem>>, vector<16xf32>,
        tpu.vector_store %arg7[%swap3A_777, %swap3A_778], %gather3A_775 {strides = array<i32>} : memref<2x6400xf32, #tpu.memory_space<vmem>>, vector<16xf32>,
        %add3A_780 = arith.constant 176 : i32
        %add3A_781 = arith.addi %add3A_661, %add3A_780 : i32
        %get3A_782 = arith.constant 0 : i32
        %get3A_783 = arith.index_cast %get3A_782 : i32 to index
        %get3A_784 = arith.index_cast %add3A_781 : i32 to index
        %get3A_785 = tpu.vector_load %arg6[%get3A_783, %get3A_784] {strides = array<i32>} : memref<2x6400xi32, #tpu.memory_space<vmem>>, vector<16xi32>,
        %gather3A_786 = tpu.vector_load_idx %arg5[%get3A_785] : memref<100000xf32, #tpu.memory_space<vmem>>[vector<16xi32>], vector<16xf32>,
        %swap3A_787 = arith.constant 0 : i32
        %swap3A_788 = arith.index_cast %swap3A_787 : i32 to index
        %swap3A_789 = arith.index_cast %add3A_781 : i32 to index
        %swap3A_790 = tpu.vector_load %arg7[%swap3A_788, %swap3A_789] {strides = array<i32>} : memref<2x6400xf32, #tpu.memory_space<vmem>>, vector<16xf32>,
        tpu.vector_store %arg7[%swap3A_788, %swap3A_789], %gather3A_786 {strides = array<i32>} : memref<2x6400xf32, #tpu.memory_space<vmem>>, vector<16xf32>,
        %add3A_791 = arith.constant 192 : i32
        %add3A_792 = arith.addi %add3A_661, %add3A_791 : i32
        %get3A_793 = arith.constant 0 : i32
        %get3A_794 = arith.index_cast %get3A_793 : i32 to index
        %get3A_795 = arith.index_cast %add3A_792 : i32 to index
        %get3A_796 = tpu.vector_load %arg6[%get3A_794, %get3A_795] {strides = array<i32>} : memref<2x6400xi32, #tpu.memory_space<vmem>>, vector<16xi32>,
        %gather3A_797 = tpu.vector_load_idx %arg5[%get3A_796] : memref<100000xf32, #tpu.memory_space<vmem>>[vector<16xi32>], vector<16xf32>,
        %swap3A_798 = arith.constant 0 : i32
        %swap3A_799 = arith.index_cast %swap3A_798 : i32 to index
        %swap3A_800 = arith.index_cast %add3A_792 : i32 to index
        %swap3A_801 = tpu.vector_load %arg7[%swap3A_799, %swap3A_800] {strides = array<i32>} : memref<2x6400xf32, #tpu.memory_space<vmem>>, vector<16xf32>,
        tpu.vector_store %arg7[%swap3A_799, %swap3A_800], %gather3A_797 {strides = array<i32>} : memref<2x6400xf32, #tpu.memory_space<vmem>>, vector<16xf32>,
        %add3A_802 = arith.constant 208 : i32
        %add3A_803 = arith.addi %add3A_661, %add3A_802 : i32
        %get3A_804 = arith.constant 0 : i32
        %get3A_805 = arith.index_cast %get3A_804 : i32 to index
        %get3A_806 = arith.index_cast %add3A_803 : i32 to index
        %get3A_807 = tpu.vector_load %arg6[%get3A_805, %get3A_806] {strides = array<i32>} : memref<2x6400xi32, #tpu.memory_space<vmem>>, vector<16xi32>,
        %gather3A_808 = tpu.vector_load_idx %arg5[%get3A_807] : memref<100000xf32, #tpu.memory_space<vmem>>[vector<16xi32>], vector<16xf32>,
        %swap3A_809 = arith.constant 0 : i32
        %swap3A_810 = arith.index_cast %swap3A_809 : i32 to index
        %swap3A_811 = arith.index_cast %add3A_803 : i32 to index
        %swap3A_812 = tpu.vector_load %arg7[%swap3A_810, %swap3A_811] {strides = array<i32>} : memref<2x6400xf32, #tpu.memory_space<vmem>>, vector<16xf32>,
        tpu.vector_store %arg7[%swap3A_810, %swap3A_811], %gather3A_808 {strides = array<i32>} : memref<2x6400xf32, #tpu.memory_space<vmem>>, vector<16xf32>,
        %add3A_813 = arith.constant 224 : i32
        %add3A_814 = arith.addi %add3A_661, %add3A_813 : i32
        %get3A_815 = arith.constant 0 : i32
        %get3A_816 = arith.index_cast %get3A_815 : i32 to index
        %get3A_817 = arith.index_cast %add3A_814 : i32 to index
        %get3A_818 = tpu.vector_load %arg6[%get3A_816, %get3A_817] {strides = array<i32>} : memref<2x6400xi32, #tpu.memory_space<vmem>>, vector<16xi32>,
        %gather3A_819 = tpu.vector_load_idx %arg5[%get3A_818] : memref<100000xf32, #tpu.memory_space<vmem>>[vector<16xi32>], vector<16xf32>,
        %swap3A_820 = arith.constant 0 : i32
        %swap3A_821 = arith.index_cast %swap3A_820 : i32 to index
        %swap3A_822 = arith.index_cast %add3A_814 : i32 to index
        %swap3A_823 = tpu.vector_load %arg7[%swap3A_821, %swap3A_822] {strides = array<i32>} : memref<2x6400xf32, #tpu.memory_space<vmem>>, vector<16xf32>,
        tpu.vector_store %arg7[%swap3A_821, %swap3A_822], %gather3A_819 {strides = array<i32>} : memref<2x6400xf32, #tpu.memory_space<vmem>>, vector<16xf32>,
        %add3A_824 = arith.constant 240 : i32
        %add3A_825 = arith.addi %add3A_661, %add3A_824 : i32
        %get3A_826 = arith.constant 0 : i32
        %get3A_827 = arith.index_cast %get3A_826 : i32 to index
        %get3A_828 = arith.index_cast %add3A_825 : i32 to index
        %get3A_829 = tpu.vector_load %arg6[%get3A_827, %get3A_828] {strides = array<i32>} : memref<2x6400xi32, #tpu.memory_space<vmem>>, vector<16xi32>,
        %gather3A_830 = tpu.vector_load_idx %arg5[%get3A_829] : memref<100000xf32, #tpu.memory_space<vmem>>[vector<16xi32>], vector<16xf32>,
        %swap3A_831 = arith.constant 0 : i32
        %swap3A_832 = arith.index_cast %swap3A_831 : i32 to index
        %swap3A_833 = arith.index_cast %add3A_825 : i32 to index
        %swap3A_834 = tpu.vector_load %arg7[%swap3A_832, %swap3A_833] {strides = array<i32>} : memref<2x6400xf32, #tpu.memory_space<vmem>>, vector<16xf32>,
        tpu.vector_store %arg7[%swap3A_832, %swap3A_833], %gather3A_830 {strides = array<i32>} : memref<2x6400xf32, #tpu.memory_space<vmem>>, vector<16xf32>,
      }
      %scan3A_501 = arith.constant 25 : i32
      %add3A_502 = arith.constant 2 : i32
      %add3A_503 = arith.addi %add3A_470, %add3A_502 : i32
      %mul3A_504 = arith.constant 6400 : i32
      %mul3A_505 = arith.muli %add3A_503, %mul3A_504 : i32
      %dma_start3A_506 = arith.constant 0 : i32
      %dma_start3A_507 = arith.constant 0 : i32
      %dma_start3A_508 = tpu.memref_slice %arg6[%dma_start3A_506, %dma_start3A_507] : memref<2x6400xi32, #tpu.memory_space<vmem>> -> memref<1x6400xi32, #tpu.memory_space<vmem>>
      %dma_start3A_509 = tpu.memref_squeeze %dma_start3A_508 : memref<1x6400xi32, #tpu.memory_space<vmem>> -> memref<6400xi32, #tpu.memory_space<vmem>>
      %dma_start3A_510 = tpu.memref_slice %arg3[%mul3A_505] : memref<204800xi32, #tpu.memory_space<hbm>> -> memref<6400xi32, #tpu.memory_space<hbm>>
      %dma_start3A_511 = arith.constant 0 : i32
      %dma_start3A_512 = tpu.memref_slice %arg6[%dma_start3A_506, %dma_start3A_511] : memref<2x6400xi32, #tpu.memory_space<vmem>> -> memref<1x6400xi32, #tpu.memory_space<vmem>>
      %dma_start3A_513 = tpu.memref_squeeze %dma_start3A_512 : memref<1x6400xi32, #tpu.memory_space<vmem>> -> memref<6400xi32, #tpu.memory_space<vmem>>
      %dma_start3A_514 = tpu.memref_slice %arg3[%mul3A_505] : memref<204800xi32, #tpu.memory_space<hbm>> -> memref<6400xi32, #tpu.memory_space<hbm>>
      tpu.enqueue_dma source(%dma_start3A_514 : memref<6400xi32, #tpu.memory_space<hbm>>) target(%dma_start3A_513 : memref<6400xi32, #tpu.memory_space<vmem>>) target_semaphore(%arg8 : memref<!tpu.dma_semaphore, #tpu.memory_space<semaphore_mem>>)
      %jit3A = arith.constant 4 : i32
      %div3A = arith.divsi %add3A_470, %jit3A : i32
      %sign3A = arith.constant 0 : i32
      %sign3A_515 = arith.cmpi sgt, %add3A_470, %sign3A : i32
      %sign3A_516 = arith.extui %sign3A_515 : i1 to i32
      %sign3A_517 = arith.constant 0 : i32
      %sign3A_518 = arith.cmpi slt, %add3A_470, %sign3A_517 : i32
      %sign3A_519 = arith.extui %sign3A_518 : i1 to i32
      %sign3A_520 = arith.subi %sign3A_516, %sign3A_519 : i32
      %sign3A_521 = arith.constant 0 : i32
      %sign3A_522 = arith.cmpi sgt, %jit3A, %sign3A_521 : i32
      %sign3A_523 = arith.extui %sign3A_522 : i1 to i32
      %sign3A_524 = arith.constant 0 : i32
      %sign3A_525 = arith.cmpi slt, %jit3A, %sign3A_524 : i32
      %sign3A_526 = arith.extui %sign3A_525 : i1 to i32
      %sign3A_527 = arith.subi %sign3A_523, %sign3A_526 : i32
      %ne3A = arith.cmpi ne, %sign3A_520, %sign3A_527 : i32
      %rem3A = arith.remsi %add3A_470, %jit3A : i32
      %ne3A_528 = arith.constant 0 : i32
      %ne3A_529 = arith.cmpi ne, %rem3A, %ne3A_528 : i32
      %and3A = arith.andi %ne3A, %ne3A_529 : i1
      %sub3A = arith.constant 1 : i32
      %sub3A_530 = arith.subi %div3A, %sub3A : i32
      %select_n3A = arith.select %and3A, %sub3A_530, %div3A : i32
      %jit3A_531 = arith.constant 4 : i32
      %eq3A = arith.constant 0 : i32
      %eq3A_532 = arith.cmpi eq, %jit3A_531, %eq3A : i32
      %jit3A_533 = arith.constant 1 : i32
      %select_n3A_534 = arith.select %eq3A_532, %jit3A_533, %jit3A_531 : i32
      %rem3A_535 = arith.remsi %add3A_470, %select_n3A_534 : i32
      %ne3A_536 = arith.constant 0 : i32
      %ne3A_537 = arith.cmpi ne, %rem3A_535, %ne3A_536 : i32
      %lt3A = arith.constant 0 : i32
      %lt3A_538 = arith.cmpi slt, %rem3A_535, %lt3A : i32
      %lt3A_539 = arith.constant 0 : i32
      %lt3A_540 = arith.cmpi slt, %select_n3A_534, %lt3A_539 : i32
      %ne3A_541 = arith.xori %lt3A_538, %lt3A_540 : i1
      %and3A_542 = arith.andi %ne3A_541, %ne3A_537 : i1
      %add3A_543 = arith.addi %rem3A_535, %select_n3A_534 : i32
      %select_n3A_544 = arith.select %and3A_542, %add3A_543, %rem3A_535 : i32
      %mul3A_545 = arith.constant 6400 : i32
      %mul3A_546 = arith.muli %select_n3A_544, %mul3A_545 : i32
      %dma_start3A_547 = arith.constant 0 : i32
      %dma_start3A_548 = arith.constant 0 : i32
      %dma_start3A_549 = tpu.memref_slice %arg7[%dma_start3A_547, %dma_start3A_548] : memref<2x6400xf32, #tpu.memory_space<vmem>> -> memref<1x6400xf32, #tpu.memory_space<vmem>>
      %dma_start3A_550 = tpu.memref_squeeze %dma_start3A_549 : memref<1x6400xf32, #tpu.memory_space<vmem>> -> memref<6400xf32, #tpu.memory_space<vmem>>
      %dma_start3A_551 = tpu.memref_slice %arg4[%select_n3A, %add3A_234, %mul3A_546] : memref<8x64x25600xf32, #tpu.memory_space<hbm>> -> memref<1x1x6400xf32, #tpu.memory_space<hbm>>
      %dma_start3A_552 = tpu.memref_squeeze %dma_start3A_551 : memref<1x1x6400xf32, #tpu.memory_space<hbm>> -> memref<6400xf32, #tpu.memory_space<hbm>>
      %dma_start3A_553 = tpu.memref_slice %arg4[%select_n3A, %add3A_234, %mul3A_546] : memref<8x64x25600xf32, #tpu.memory_space<hbm>> -> memref<1x1x6400xf32, #tpu.memory_space<hbm>>
      %dma_start3A_554 = tpu.memref_squeeze %dma_start3A_553 : memref<1x1x6400xf32, #tpu.memory_space<hbm>> -> memref<6400xf32, #tpu.memory_space<hbm>>
      %dma_start3A_555 = arith.constant 0 : i32
      %dma_start3A_556 = tpu.memref_slice %arg7[%dma_start3A_547, %dma_start3A_555] : memref<2x6400xf32, #tpu.memory_space<vmem>> -> memref<1x6400xf32, #tpu.memory_space<vmem>>
      %dma_start3A_557 = tpu.memref_squeeze %dma_start3A_556 : memref<1x6400xf32, #tpu.memory_space<vmem>> -> memref<6400xf32, #tpu.memory_space<vmem>>
      tpu.enqueue_dma source(%dma_start3A_557 : memref<6400xf32, #tpu.memory_space<vmem>>) target(%dma_start3A_554 : memref<6400xf32, #tpu.memory_space<hbm>>) target_semaphore(%arg10 : memref<!tpu.dma_semaphore, #tpu.memory_space<semaphore_mem>>)
      %add3A_558 = arith.constant 1 : i32
      %add3A_559 = arith.addi %add3A_468, %add3A_558 : i32
      %dma_wait3A_560 = arith.constant 1 : i32
      %dma_wait3A_561 = arith.constant 0 : i32
      %dma_wait3A_562 = tpu.memref_slice %arg6[%dma_wait3A_560, %dma_wait3A_561] : memref<2x6400xi32, #tpu.memory_space<vmem>> -> memref<1x6400xi32, #tpu.memory_space<vmem>>
      %dma_wait3A_563 = tpu.memref_squeeze %dma_wait3A_562 : memref<1x6400xi32, #tpu.memory_space<vmem>> -> memref<6400xi32, #tpu.memory_space<vmem>>
      %dma_wait3A_564 = arith.constant 0 : i32
      %dma_wait3A_565 = tpu.memref_slice %arg3[%dma_wait3A_564] : memref<204800xi32, #tpu.memory_space<hbm>> -> memref<6400xi32, #tpu.memory_space<hbm>>
      %dma_wait3A_566 = arith.constant 0 : i32
      %dma_wait3A_567 = tpu.memref_slice %arg6[%dma_wait3A_560, %dma_wait3A_566] : memref<2x6400xi32, #tpu.memory_space<vmem>> -> memref<1x6400xi32, #tpu.memory_space<vmem>>
      %dma_wait3A_568 = tpu.memref_squeeze %dma_wait3A_567 : memref<1x6400xi32, #tpu.memory_space<vmem>> -> memref<6400xi32, #tpu.memory_space<vmem>>
      %dma_wait3A_569 = arith.constant 0 : i32
      %dma_wait3A_570 = tpu.memref_slice %arg3[%dma_wait3A_569] : memref<204800xi32, #tpu.memory_space<hbm>> -> memref<6400xi32, #tpu.memory_space<hbm>>
      tpu.wait_dma2 semaphore(%arg9 : memref<!tpu.dma_semaphore, #tpu.memory_space<semaphore_mem>>) src(%dma_wait3A_570 : memref<6400xi32, #tpu.memory_space<hbm>>) dst(%dma_wait3A_568 : memref<6400xi32, #tpu.memory_space<vmem>>)
      %dma_wait3A_571 = arith.constant 1 : i32
      %dma_wait3A_572 = arith.constant 0 : i32
      %dma_wait3A_573 = arith.constant 0 : i32
      %dma_wait3A_574 = arith.constant 0 : i32
      %dma_wait3A_575 = tpu.memref_slice %arg7[%dma_wait3A_571, %dma_wait3A_574] : memref<2x6400xf32, #tpu.memory_space<vmem>> -> memref<1x6400xf32, #tpu.memory_space<vmem>>
      %dma_wait3A_576 = tpu.memref_squeeze %dma_wait3A_575 : memref<1x6400xf32, #tpu.memory_space<vmem>> -> memref<6400xf32, #tpu.memory_space<vmem>>
      %dma_wait3A_577 = arith.constant 0 : i32
      %dma_wait3A_578 = tpu.memref_slice %arg4[%dma_wait3A_572, %dma_wait3A_573, %dma_wait3A_577] : memref<8x64x25600xf32, #tpu.memory_space<hbm>> -> memref<1x1x6400xf32, #tpu.memory_space<hbm>>
      %dma_wait3A_579 = tpu.memref_squeeze %dma_wait3A_578 : memref<1x1x6400xf32, #tpu.memory_space<hbm>> -> memref<6400xf32, #tpu.memory_space<hbm>>
      %dma_wait3A_580 = arith.constant 0 : i32
      %dma_wait3A_581 = tpu.memref_slice %arg4[%dma_wait3A_572, %dma_wait3A_573, %dma_wait3A_580] : memref<8x64x25600xf32, #tpu.memory_space<hbm>> -> memref<1x1x6400xf32, #tpu.memory_space<hbm>>
      %dma_wait3A_582 = tpu.memref_squeeze %dma_wait3A_581 : memref<1x1x6400xf32, #tpu.memory_space<hbm>> -> memref<6400xf32, #tpu.memory_space<hbm>>
      %dma_wait3A_583 = arith.constant 0 : i32
      %dma_wait3A_584 = tpu.memref_slice %arg7[%dma_wait3A_571, %dma_wait3A_583] : memref<2x6400xf32, #tpu.memory_space<vmem>> -> memref<1x6400xf32, #tpu.memory_space<vmem>>
      %dma_wait3A_585 = tpu.memref_squeeze %dma_wait3A_584 : memref<1x6400xf32, #tpu.memory_space<vmem>> -> memref<6400xf32, #tpu.memory_space<vmem>>
      tpu.wait_dma2 semaphore(%arg11 : memref<!tpu.dma_semaphore, #tpu.memory_space<semaphore_mem>>) src(%dma_wait3A_585 : memref<6400xf32, #tpu.memory_space<vmem>>) dst(%dma_wait3A_582 : memref<6400xf32, #tpu.memory_space<hbm>>)
      %scan3A_586 = arith.constant 0 : i32
      %scan3A_587 = arith.constant 25 : i32
      %scan3A_588 = arith.addi %scan3A_586, %scan3A_587 : i32
      %scan3A_589 = arith.constant 1 : i32
      scf.for %scan3A_657 = %scan3A_586 to %scan3A_588 step %scan3A_589  : i32 {
        %mul3A_658 = arith.constant 256 : i32
        %mul3A_659 = arith.muli %scan3A_657, %mul3A_658 : i32
        %add3A_660 = arith.constant 0 : i32
        %add3A_661 = arith.addi %add3A_660, %mul3A_659 : i32
        %add3A_662 = arith.constant 0 : i32
        %add3A_663 = arith.addi %add3A_661, %add3A_662 : i32
        %get3A = arith.constant 1 : i32
        %get3A_664 = arith.index_cast %get3A : i32 to index
        %get3A_665 = arith.index_cast %add3A_663 : i32 to index
        %get3A_666 = tpu.vector_load %arg6[%get3A_664, %get3A_665] {strides = array<i32>} : memref<2x6400xi32, #tpu.memory_space<vmem>>, vector<16xi32>,
        %gather3A = tpu.vector_load_idx %arg5[%get3A_666] : memref<100000xf32, #tpu.memory_space<vmem>>[vector<16xi32>], vector<16xf32>,
        %swap3A = arith.constant 1 : i32
        %swap3A_667 = arith.index_cast %swap3A : i32 to index
        %swap3A_668 = arith.index_cast %add3A_663 : i32 to index
        %swap3A_669 = tpu.vector_load %arg7[%swap3A_667, %swap3A_668] {strides = array<i32>} : memref<2x6400xf32, #tpu.memory_space<vmem>>, vector<16xf32>,
        tpu.vector_store %arg7[%swap3A_667, %swap3A_668], %gather3A {strides = array<i32>} : memref<2x6400xf32, #tpu.memory_space<vmem>>, vector<16xf32>,
        %add3A_670 = arith.constant 16 : i32
        %add3A_671 = arith.addi %add3A_661, %add3A_670 : i32
        %get3A_672 = arith.constant 1 : i32
        %get3A_673 = arith.index_cast %get3A_672 : i32 to index
        %get3A_674 = arith.index_cast %add3A_671 : i32 to index
        %get3A_675 = tpu.vector_load %arg6[%get3A_673, %get3A_674] {strides = array<i32>} : memref<2x6400xi32, #tpu.memory_space<vmem>>, vector<16xi32>,
        %gather3A_676 = tpu.vector_load_idx %arg5[%get3A_675] : memref<100000xf32, #tpu.memory_space<vmem>>[vector<16xi32>], vector<16xf32>,
        %swap3A_677 = arith.constant 1 : i32
        %swap3A_678 = arith.index_cast %swap3A_677 : i32 to index
        %swap3A_679 = arith.index_cast %add3A_671 : i32 to index
        %swap3A_680 = tpu.vector_load %arg7[%swap3A_678, %swap3A_679] {strides = array<i32>} : memref<2x6400xf32, #tpu.memory_space<vmem>>, vector<16xf32>,
        tpu.vector_store %arg7[%swap3A_678, %swap3A_679], %gather3A_676 {strides = array<i32>} : memref<2x6400xf32, #tpu.memory_space<vmem>>, vector<16xf32>,
        %add3A_681 = arith.constant 32 : i32
        %add3A_682 = arith.addi %add3A_661, %add3A_681 : i32
        %get3A_683 = arith.constant 1 : i32
        %get3A_684 = arith.index_cast %get3A_683 : i32 to index
        %get3A_685 = arith.index_cast %add3A_682 : i32 to index
        %get3A_686 = tpu.vector_load %arg6[%get3A_684, %get3A_685] {strides = array<i32>} : memref<2x6400xi32, #tpu.memory_space<vmem>>, vector<16xi32>,
        %gather3A_687 = tpu.vector_load_idx %arg5[%get3A_686] : memref<100000xf32, #tpu.memory_space<vmem>>[vector<16xi32>], vector<16xf32>,
        %swap3A_688 = arith.constant 1 : i32
        %swap3A_689 = arith.index_cast %swap3A_688 : i32 to index
        %swap3A_690 = arith.index_cast %add3A_682 : i32 to index
        %swap3A_691 = tpu.vector_load %arg7[%swap3A_689, %swap3A_690] {strides = array<i32>} : memref<2x6400xf32, #tpu.memory_space<vmem>>, vector<16xf32>,
        tpu.vector_store %arg7[%swap3A_689, %swap3A_690], %gather3A_687 {strides = array<i32>} : memref<2x6400xf32, #tpu.memory_space<vmem>>, vector<16xf32>,
        %add3A_692 = arith.constant 48 : i32
        %add3A_693 = arith.addi %add3A_661, %add3A_692 : i32
        %get3A_694 = arith.constant 1 : i32
        %get3A_695 = arith.index_cast %get3A_694 : i32 to index
        %get3A_696 = arith.index_cast %add3A_693 : i32 to index
        %get3A_697 = tpu.vector_load %arg6[%get3A_695, %get3A_696] {strides = array<i32>} : memref<2x6400xi32, #tpu.memory_space<vmem>>, vector<16xi32>,
        %gather3A_698 = tpu.vector_load_idx %arg5[%get3A_697] : memref<100000xf32, #tpu.memory_space<vmem>>[vector<16xi32>], vector<16xf32>,
        %swap3A_699 = arith.constant 1 : i32
        %swap3A_700 = arith.index_cast %swap3A_699 : i32 to index
        %swap3A_701 = arith.index_cast %add3A_693 : i32 to index
        %swap3A_702 = tpu.vector_load %arg7[%swap3A_700, %swap3A_701] {strides = array<i32>} : memref<2x6400xf32, #tpu.memory_space<vmem>>, vector<16xf32>,
        tpu.vector_store %arg7[%swap3A_700, %swap3A_701], %gather3A_698 {strides = array<i32>} : memref<2x6400xf32, #tpu.memory_space<vmem>>, vector<16xf32>,
        %add3A_703 = arith.constant 64 : i32
        %add3A_704 = arith.addi %add3A_661, %add3A_703 : i32
        %get3A_705 = arith.constant 1 : i32
        %get3A_706 = arith.index_cast %get3A_705 : i32 to index
        %get3A_707 = arith.index_cast %add3A_704 : i32 to index
        %get3A_708 = tpu.vector_load %arg6[%get3A_706, %get3A_707] {strides = array<i32>} : memref<2x6400xi32, #tpu.memory_space<vmem>>, vector<16xi32>,
        %gather3A_709 = tpu.vector_load_idx %arg5[%get3A_708] : memref<100000xf32, #tpu.memory_space<vmem>>[vector<16xi32>], vector<16xf32>,
        %swap3A_710 = arith.constant 1 : i32
        %swap3A_711 = arith.index_cast %swap3A_710 : i32 to index
        %swap3A_712 = arith.index_cast %add3A_704 : i32 to index
        %swap3A_713 = tpu.vector_load %arg7[%swap3A_711, %swap3A_712] {strides = array<i32>} : memref<2x6400xf32, #tpu.memory_space<vmem>>, vector<16xf32>,
        tpu.vector_store %arg7[%swap3A_711, %swap3A_712], %gather3A_709 {strides = array<i32>} : memref<2x6400xf32, #tpu.memory_space<vmem>>, vector<16xf32>,
        %add3A_714 = arith.constant 80 : i32
        %add3A_715 = arith.addi %add3A_661, %add3A_714 : i32
        %get3A_716 = arith.constant 1 : i32
        %get3A_717 = arith.index_cast %get3A_716 : i32 to index
        %get3A_718 = arith.index_cast %add3A_715 : i32 to index
        %get3A_719 = tpu.vector_load %arg6[%get3A_717, %get3A_718] {strides = array<i32>} : memref<2x6400xi32, #tpu.memory_space<vmem>>, vector<16xi32>,
        %gather3A_720 = tpu.vector_load_idx %arg5[%get3A_719] : memref<100000xf32, #tpu.memory_space<vmem>>[vector<16xi32>], vector<16xf32>,
        %swap3A_721 = arith.constant 1 : i32
        %swap3A_722 = arith.index_cast %swap3A_721 : i32 to index
        %swap3A_723 = arith.index_cast %add3A_715 : i32 to index
        %swap3A_724 = tpu.vector_load %arg7[%swap3A_722, %swap3A_723] {strides = array<i32>} : memref<2x6400xf32, #tpu.memory_space<vmem>>, vector<16xf32>,
        tpu.vector_store %arg7[%swap3A_722, %swap3A_723], %gather3A_720 {strides = array<i32>} : memref<2x6400xf32, #tpu.memory_space<vmem>>, vector<16xf32>,
        %add3A_725 = arith.constant 96 : i32
        %add3A_726 = arith.addi %add3A_661, %add3A_725 : i32
        %get3A_727 = arith.constant 1 : i32
        %get3A_728 = arith.index_cast %get3A_727 : i32 to index
        %get3A_729 = arith.index_cast %add3A_726 : i32 to index
        %get3A_730 = tpu.vector_load %arg6[%get3A_728, %get3A_729] {strides = array<i32>} : memref<2x6400xi32, #tpu.memory_space<vmem>>, vector<16xi32>,
        %gather3A_731 = tpu.vector_load_idx %arg5[%get3A_730] : memref<100000xf32, #tpu.memory_space<vmem>>[vector<16xi32>], vector<16xf32>,
        %swap3A_732 = arith.constant 1 : i32
        %swap3A_733 = arith.index_cast %swap3A_732 : i32 to index
        %swap3A_734 = arith.index_cast %add3A_726 : i32 to index
        %swap3A_735 = tpu.vector_load %arg7[%swap3A_733, %swap3A_734] {strides = array<i32>} : memref<2x6400xf32, #tpu.memory_space<vmem>>, vector<16xf32>,
        tpu.vector_store %arg7[%swap3A_733, %swap3A_734], %gather3A_731 {strides = array<i32>} : memref<2x6400xf32, #tpu.memory_space<vmem>>, vector<16xf32>,
        %add3A_736 = arith.constant 112 : i32
        %add3A_737 = arith.addi %add3A_661, %add3A_736 : i32
        %get3A_738 = arith.constant 1 : i32
        %get3A_739 = arith.index_cast %get3A_738 : i32 to index
        %get3A_740 = arith.index_cast %add3A_737 : i32 to index
        %get3A_741 = tpu.vector_load %arg6[%get3A_739, %get3A_740] {strides = array<i32>} : memref<2x6400xi32, #tpu.memory_space<vmem>>, vector<16xi32>,
        %gather3A_742 = tpu.vector_load_idx %arg5[%get3A_741] : memref<100000xf32, #tpu.memory_space<vmem>>[vector<16xi32>], vector<16xf32>,
        %swap3A_743 = arith.constant 1 : i32
        %swap3A_744 = arith.index_cast %swap3A_743 : i32 to index
        %swap3A_745 = arith.index_cast %add3A_737 : i32 to index
        %swap3A_746 = tpu.vector_load %arg7[%swap3A_744, %swap3A_745] {strides = array<i32>} : memref<2x6400xf32, #tpu.memory_space<vmem>>, vector<16xf32>,
        tpu.vector_store %arg7[%swap3A_744, %swap3A_745], %gather3A_742 {strides = array<i32>} : memref<2x6400xf32, #tpu.memory_space<vmem>>, vector<16xf32>,
        %add3A_747 = arith.constant 128 : i32
        %add3A_748 = arith.addi %add3A_661, %add3A_747 : i32
        %get3A_749 = arith.constant 1 : i32
        %get3A_750 = arith.index_cast %get3A_749 : i32 to index
        %get3A_751 = arith.index_cast %add3A_748 : i32 to index
        %get3A_752 = tpu.vector_load %arg6[%get3A_750, %get3A_751] {strides = array<i32>} : memref<2x6400xi32, #tpu.memory_space<vmem>>, vector<16xi32>,
        %gather3A_753 = tpu.vector_load_idx %arg5[%get3A_752] : memref<100000xf32, #tpu.memory_space<vmem>>[vector<16xi32>], vector<16xf32>,
        %swap3A_754 = arith.constant 1 : i32
        %swap3A_755 = arith.index_cast %swap3A_754 : i32 to index
        %swap3A_756 = arith.index_cast %add3A_748 : i32 to index
        %swap3A_757 = tpu.vector_load %arg7[%swap3A_755, %swap3A_756] {strides = array<i32>} : memref<2x6400xf32, #tpu.memory_space<vmem>>, vector<16xf32>,
        tpu.vector_store %arg7[%swap3A_755, %swap3A_756], %gather3A_753 {strides = array<i32>} : memref<2x6400xf32, #tpu.memory_space<vmem>>, vector<16xf32>,
        %add3A_758 = arith.constant 144 : i32
        %add3A_759 = arith.addi %add3A_661, %add3A_758 : i32
        %get3A_760 = arith.constant 1 : i32
        %get3A_761 = arith.index_cast %get3A_760 : i32 to index
        %get3A_762 = arith.index_cast %add3A_759 : i32 to index
        %get3A_763 = tpu.vector_load %arg6[%get3A_761, %get3A_762] {strides = array<i32>} : memref<2x6400xi32, #tpu.memory_space<vmem>>, vector<16xi32>,
        %gather3A_764 = tpu.vector_load_idx %arg5[%get3A_763] : memref<100000xf32, #tpu.memory_space<vmem>>[vector<16xi32>], vector<16xf32>,
        %swap3A_765 = arith.constant 1 : i32
        %swap3A_766 = arith.index_cast %swap3A_765 : i32 to index
        %swap3A_767 = arith.index_cast %add3A_759 : i32 to index
        %swap3A_768 = tpu.vector_load %arg7[%swap3A_766, %swap3A_767] {strides = array<i32>} : memref<2x6400xf32, #tpu.memory_space<vmem>>, vector<16xf32>,
        tpu.vector_store %arg7[%swap3A_766, %swap3A_767], %gather3A_764 {strides = array<i32>} : memref<2x6400xf32, #tpu.memory_space<vmem>>, vector<16xf32>,
        %add3A_769 = arith.constant 160 : i32
        %add3A_770 = arith.addi %add3A_661, %add3A_769 : i32
        %get3A_771 = arith.constant 1 : i32
        %get3A_772 = arith.index_cast %get3A_771 : i32 to index
        %get3A_773 = arith.index_cast %add3A_770 : i32 to index
        %get3A_774 = tpu.vector_load %arg6[%get3A_772, %get3A_773] {strides = array<i32>} : memref<2x6400xi32, #tpu.memory_space<vmem>>, vector<16xi32>,
        %gather3A_775 = tpu.vector_load_idx %arg5[%get3A_774] : memref<100000xf32, #tpu.memory_space<vmem>>[vector<16xi32>], vector<16xf32>,
        %swap3A_776 = arith.constant 1 : i32
        %swap3A_777 = arith.index_cast %swap3A_776 : i32 to index
        %swap3A_778 = arith.index_cast %add3A_770 : i32 to index
        %swap3A_779 = tpu.vector_load %arg7[%swap3A_777, %swap3A_778] {strides = array<i32>} : memref<2x6400xf32, #tpu.memory_space<vmem>>, vector<16xf32>,
        tpu.vector_store %arg7[%swap3A_777, %swap3A_778], %gather3A_775 {strides = array<i32>} : memref<2x6400xf32, #tpu.memory_space<vmem>>, vector<16xf32>,
        %add3A_780 = arith.constant 176 : i32
        %add3A_781 = arith.addi %add3A_661, %add3A_780 : i32
        %get3A_782 = arith.constant 1 : i32
        %get3A_783 = arith.index_cast %get3A_782 : i32 to index
        %get3A_784 = arith.index_cast %add3A_781 : i32 to index
        %get3A_785 = tpu.vector_load %arg6[%get3A_783, %get3A_784] {strides = array<i32>} : memref<2x6400xi32, #tpu.memory_space<vmem>>, vector<16xi32>,
        %gather3A_786 = tpu.vector_load_idx %arg5[%get3A_785] : memref<100000xf32, #tpu.memory_space<vmem>>[vector<16xi32>], vector<16xf32>,
        %swap3A_787 = arith.constant 1 : i32
        %swap3A_788 = arith.index_cast %swap3A_787 : i32 to index
        %swap3A_789 = arith.index_cast %add3A_781 : i32 to index
        %swap3A_790 = tpu.vector_load %arg7[%swap3A_788, %swap3A_789] {strides = array<i32>} : memref<2x6400xf32, #tpu.memory_space<vmem>>, vector<16xf32>,
        tpu.vector_store %arg7[%swap3A_788, %swap3A_789], %gather3A_786 {strides = array<i32>} : memref<2x6400xf32, #tpu.memory_space<vmem>>, vector<16xf32>,
        %add3A_791 = arith.constant 192 : i32
        %add3A_792 = arith.addi %add3A_661, %add3A_791 : i32
        %get3A_793 = arith.constant 1 : i32
        %get3A_794 = arith.index_cast %get3A_793 : i32 to index
        %get3A_795 = arith.index_cast %add3A_792 : i32 to index
        %get3A_796 = tpu.vector_load %arg6[%get3A_794, %get3A_795] {strides = array<i32>} : memref<2x6400xi32, #tpu.memory_space<vmem>>, vector<16xi32>,
        %gather3A_797 = tpu.vector_load_idx %arg5[%get3A_796] : memref<100000xf32, #tpu.memory_space<vmem>>[vector<16xi32>], vector<16xf32>,
        %swap3A_798 = arith.constant 1 : i32
        %swap3A_799 = arith.index_cast %swap3A_798 : i32 to index
        %swap3A_800 = arith.index_cast %add3A_792 : i32 to index
        %swap3A_801 = tpu.vector_load %arg7[%swap3A_799, %swap3A_800] {strides = array<i32>} : memref<2x6400xf32, #tpu.memory_space<vmem>>, vector<16xf32>,
        tpu.vector_store %arg7[%swap3A_799, %swap3A_800], %gather3A_797 {strides = array<i32>} : memref<2x6400xf32, #tpu.memory_space<vmem>>, vector<16xf32>,
        %add3A_802 = arith.constant 208 : i32
        %add3A_803 = arith.addi %add3A_661, %add3A_802 : i32
        %get3A_804 = arith.constant 1 : i32
        %get3A_805 = arith.index_cast %get3A_804 : i32 to index
        %get3A_806 = arith.index_cast %add3A_803 : i32 to index
        %get3A_807 = tpu.vector_load %arg6[%get3A_805, %get3A_806] {strides = array<i32>} : memref<2x6400xi32, #tpu.memory_space<vmem>>, vector<16xi32>,
        %gather3A_808 = tpu.vector_load_idx %arg5[%get3A_807] : memref<100000xf32, #tpu.memory_space<vmem>>[vector<16xi32>], vector<16xf32>,
        %swap3A_809 = arith.constant 1 : i32
        %swap3A_810 = arith.index_cast %swap3A_809 : i32 to index
        %swap3A_811 = arith.index_cast %add3A_803 : i32 to index
        %swap3A_812 = tpu.vector_load %arg7[%swap3A_810, %swap3A_811] {strides = array<i32>} : memref<2x6400xf32, #tpu.memory_space<vmem>>, vector<16xf32>,
        tpu.vector_store %arg7[%swap3A_810, %swap3A_811], %gather3A_808 {strides = array<i32>} : memref<2x6400xf32, #tpu.memory_space<vmem>>, vector<16xf32>,
        %add3A_813 = arith.constant 224 : i32
        %add3A_814 = arith.addi %add3A_661, %add3A_813 : i32
        %get3A_815 = arith.constant 1 : i32
        %get3A_816 = arith.index_cast %get3A_815 : i32 to index
        %get3A_817 = arith.index_cast %add3A_814 : i32 to index
        %get3A_818 = tpu.vector_load %arg6[%get3A_816, %get3A_817] {strides = array<i32>} : memref<2x6400xi32, #tpu.memory_space<vmem>>, vector<16xi32>,
        %gather3A_819 = tpu.vector_load_idx %arg5[%get3A_818] : memref<100000xf32, #tpu.memory_space<vmem>>[vector<16xi32>], vector<16xf32>,
        %swap3A_820 = arith.constant 1 : i32
        %swap3A_821 = arith.index_cast %swap3A_820 : i32 to index
        %swap3A_822 = arith.index_cast %add3A_814 : i32 to index
        %swap3A_823 = tpu.vector_load %arg7[%swap3A_821, %swap3A_822] {strides = array<i32>} : memref<2x6400xf32, #tpu.memory_space<vmem>>, vector<16xf32>,
        tpu.vector_store %arg7[%swap3A_821, %swap3A_822], %gather3A_819 {strides = array<i32>} : memref<2x6400xf32, #tpu.memory_space<vmem>>, vector<16xf32>,
        %add3A_824 = arith.constant 240 : i32
        %add3A_825 = arith.addi %add3A_661, %add3A_824 : i32
        %get3A_826 = arith.constant 1 : i32
        %get3A_827 = arith.index_cast %get3A_826 : i32 to index
        %get3A_828 = arith.index_cast %add3A_825 : i32 to index
        %get3A_829 = tpu.vector_load %arg6[%get3A_827, %get3A_828] {strides = array<i32>} : memref<2x6400xi32, #tpu.memory_space<vmem>>, vector<16xi32>,
        %gather3A_830 = tpu.vector_load_idx %arg5[%get3A_829] : memref<100000xf32, #tpu.memory_space<vmem>>[vector<16xi32>], vector<16xf32>,
        %swap3A_831 = arith.constant 1 : i32
        %swap3A_832 = arith.index_cast %swap3A_831 : i32 to index
        %swap3A_833 = arith.index_cast %add3A_825 : i32 to index
        %swap3A_834 = tpu.vector_load %arg7[%swap3A_832, %swap3A_833] {strides = array<i32>} : memref<2x6400xf32, #tpu.memory_space<vmem>>, vector<16xf32>,
        tpu.vector_store %arg7[%swap3A_832, %swap3A_833], %gather3A_830 {strides = array<i32>} : memref<2x6400xf32, #tpu.memory_space<vmem>>, vector<16xf32>,
      }
      %scan3A_590 = arith.constant 25 : i32
      %add3A_591 = arith.constant 2 : i32
      %add3A_592 = arith.addi %add3A_559, %add3A_591 : i32
      %mul3A_593 = arith.constant 6400 : i32
      %mul3A_594 = arith.muli %add3A_592, %mul3A_593 : i32
      %dma_start3A_595 = arith.constant 1 : i32
      %dma_start3A_596 = arith.constant 0 : i32
      %dma_start3A_597 = tpu.memref_slice %arg6[%dma_start3A_595, %dma_start3A_596] : memref<2x6400xi32, #tpu.memory_space<vmem>> -> memref<1x6400xi32, #tpu.memory_space<vmem>>
      %dma_start3A_598 = tpu.memref_squeeze %dma_start3A_597 : memref<1x6400xi32, #tpu.memory_space<vmem>> -> memref<6400xi32, #tpu.memory_space<vmem>>
      %dma_start3A_599 = tpu.memref_slice %arg3[%mul3A_594] : memref<204800xi32, #tpu.memory_space<hbm>> -> memref<6400xi32, #tpu.memory_space<hbm>>
      %dma_start3A_600 = arith.constant 0 : i32
      %dma_start3A_601 = tpu.memref_slice %arg6[%dma_start3A_595, %dma_start3A_600] : memref<2x6400xi32, #tpu.memory_space<vmem>> -> memref<1x6400xi32, #tpu.memory_space<vmem>>
      %dma_start3A_602 = tpu.memref_squeeze %dma_start3A_601 : memref<1x6400xi32, #tpu.memory_space<vmem>> -> memref<6400xi32, #tpu.memory_space<vmem>>
      %dma_start3A_603 = tpu.memref_slice %arg3[%mul3A_594] : memref<204800xi32, #tpu.memory_space<hbm>> -> memref<6400xi32, #tpu.memory_space<hbm>>
      tpu.enqueue_dma source(%dma_start3A_603 : memref<6400xi32, #tpu.memory_space<hbm>>) target(%dma_start3A_602 : memref<6400xi32, #tpu.memory_space<vmem>>) target_semaphore(%arg9 : memref<!tpu.dma_semaphore, #tpu.memory_space<semaphore_mem>>)
      %jit3A_604 = arith.constant 4 : i32
      %div3A_605 = arith.divsi %add3A_559, %jit3A_604 : i32
      %sign3A_606 = arith.constant 0 : i32
      %sign3A_607 = arith.cmpi sgt, %add3A_559, %sign3A_606 : i32
      %sign3A_608 = arith.extui %sign3A_607 : i1 to i32
      %sign3A_609 = arith.constant 0 : i32
      %sign3A_610 = arith.cmpi slt, %add3A_559, %sign3A_609 : i32
      %sign3A_611 = arith.extui %sign3A_610 : i1 to i32
      %sign3A_612 = arith.subi %sign3A_608, %sign3A_611 : i32
      %sign3A_613 = arith.constant 0 : i32
      %sign3A_614 = arith.cmpi sgt, %jit3A_604, %sign3A_613 : i32
      %sign3A_615 = arith.extui %sign3A_614 : i1 to i32
      %sign3A_616 = arith.constant 0 : i32
      %sign3A_617 = arith.cmpi slt, %jit3A_604, %sign3A_616 : i32
      %sign3A_618 = arith.extui %sign3A_617 : i1 to i32
      %sign3A_619 = arith.subi %sign3A_615, %sign3A_618 : i32
      %ne3A_620 = arith.cmpi ne, %sign3A_612, %sign3A_619 : i32
      %rem3A_621 = arith.remsi %add3A_559, %jit3A_604 : i32
      %ne3A_622 = arith.constant 0 : i32
      %ne3A_623 = arith.cmpi ne, %rem3A_621, %ne3A_622 : i32
      %and3A_624 = arith.andi %ne3A_620, %ne3A_623 : i1
      %sub3A_625 = arith.constant 1 : i32
      %sub3A_626 = arith.subi %div3A_605, %sub3A_625 : i32
      %select_n3A_627 = arith.select %and3A_624, %sub3A_626, %div3A_605 : i32
      %jit3A_628 = arith.constant 4 : i32
      %eq3A_629 = arith.constant 0 : i32
      %eq3A_630 = arith.cmpi eq, %jit3A_628, %eq3A_629 : i32
      %jit3A_631 = arith.constant 1 : i32
      %select_n3A_632 = arith.select %eq3A_630, %jit3A_631, %jit3A_628 : i32
      %rem3A_633 = arith.remsi %add3A_559, %select_n3A_632 : i32
      %ne3A_634 = arith.constant 0 : i32
      %ne3A_635 = arith.cmpi ne, %rem3A_633, %ne3A_634 : i32
      %lt3A_636 = arith.constant 0 : i32
      %lt3A_637 = arith.cmpi slt, %rem3A_633, %lt3A_636 : i32
      %lt3A_638 = arith.constant 0 : i32
      %lt3A_639 = arith.cmpi slt, %select_n3A_632, %lt3A_638 : i32
      %ne3A_640 = arith.xori %lt3A_637, %lt3A_639 : i1
      %and3A_641 = arith.andi %ne3A_640, %ne3A_635 : i1
      %add3A_642 = arith.addi %rem3A_633, %select_n3A_632 : i32
      %select_n3A_643 = arith.select %and3A_641, %add3A_642, %rem3A_633 : i32
      %mul3A_644 = arith.constant 6400 : i32
      %mul3A_645 = arith.muli %select_n3A_643, %mul3A_644 : i32
      %dma_start3A_646 = arith.constant 1 : i32
      %dma_start3A_647 = arith.constant 0 : i32
      %dma_start3A_648 = tpu.memref_slice %arg7[%dma_start3A_646, %dma_start3A_647] : memref<2x6400xf32, #tpu.memory_space<vmem>> -> memref<1x6400xf32, #tpu.memory_space<vmem>>
      %dma_start3A_649 = tpu.memref_squeeze %dma_start3A_648 : memref<1x6400xf32, #tpu.memory_space<vmem>> -> memref<6400xf32, #tpu.memory_space<vmem>>
      %dma_start3A_650 = tpu.memref_slice %arg4[%select_n3A_627, %add3A_234, %mul3A_645] : memref<8x64x25600xf32, #tpu.memory_space<hbm>> -> memref<1x1x6400xf32, #tpu.memory_space<hbm>>
      %dma_start3A_651 = tpu.memref_squeeze %dma_start3A_650 : memref<1x1x6400xf32, #tpu.memory_space<hbm>> -> memref<6400xf32, #tpu.memory_space<hbm>>
      %dma_start3A_652 = tpu.memref_slice %arg4[%select_n3A_627, %add3A_234, %mul3A_645] : memref<8x64x25600xf32, #tpu.memory_space<hbm>> -> memref<1x1x6400xf32, #tpu.memory_space<hbm>>
      %dma_start3A_653 = tpu.memref_squeeze %dma_start3A_652 : memref<1x1x6400xf32, #tpu.memory_space<hbm>> -> memref<6400xf32, #tpu.memory_space<hbm>>
      %dma_start3A_654 = arith.constant 0 : i32
      %dma_start3A_655 = tpu.memref_slice %arg7[%dma_start3A_646, %dma_start3A_654] : memref<2x6400xf32, #tpu.memory_space<vmem>> -> memref<1x6400xf32, #tpu.memory_space<vmem>>
      %dma_start3A_656 = tpu.memref_squeeze %dma_start3A_655 : memref<1x6400xf32, #tpu.memory_space<vmem>> -> memref<6400xf32, #tpu.memory_space<vmem>>
      tpu.enqueue_dma source(%dma_start3A_656 : memref<6400xf32, #tpu.memory_space<vmem>>) target(%dma_start3A_653 : memref<6400xf32, #tpu.memory_space<hbm>>) target_semaphore(%arg11 : memref<!tpu.dma_semaphore, #tpu.memory_space<semaphore_mem>>)
    }
    %scan3A_343 = arith.constant 14 : i32
    %dma_wait3A_344 = arith.constant 0 : i32
    %dma_wait3A_345 = arith.constant 0 : i32
    %dma_wait3A_346 = tpu.memref_slice %arg6[%dma_wait3A_344, %dma_wait3A_345] : memref<2x6400xi32, #tpu.memory_space<vmem>> -> memref<1x6400xi32, #tpu.memory_space<vmem>>
    %dma_wait3A_347 = tpu.memref_squeeze %dma_wait3A_346 : memref<1x6400xi32, #tpu.memory_space<vmem>> -> memref<6400xi32, #tpu.memory_space<vmem>>
    %dma_wait3A_348 = arith.constant 0 : i32
    %dma_wait3A_349 = tpu.memref_slice %arg3[%dma_wait3A_348] : memref<204800xi32, #tpu.memory_space<hbm>> -> memref<6400xi32, #tpu.memory_space<hbm>>
    %dma_wait3A_350 = arith.constant 0 : i32
    %dma_wait3A_351 = tpu.memref_slice %arg6[%dma_wait3A_344, %dma_wait3A_350] : memref<2x6400xi32, #tpu.memory_space<vmem>> -> memref<1x6400xi32, #tpu.memory_space<vmem>>
    %dma_wait3A_352 = tpu.memref_squeeze %dma_wait3A_351 : memref<1x6400xi32, #tpu.memory_space<vmem>> -> memref<6400xi32, #tpu.memory_space<vmem>>
    %dma_wait3A_353 = arith.constant 0 : i32
    %dma_wait3A_354 = tpu.memref_slice %arg3[%dma_wait3A_353] : memref<204800xi32, #tpu.memory_space<hbm>> -> memref<6400xi32, #tpu.memory_space<hbm>>
    tpu.wait_dma2 semaphore(%arg8 : memref<!tpu.dma_semaphore, #tpu.memory_space<semaphore_mem>>) src(%dma_wait3A_354 : memref<6400xi32, #tpu.memory_space<hbm>>) dst(%dma_wait3A_352 : memref<6400xi32, #tpu.memory_space<vmem>>)
    %dma_wait3A_355 = arith.constant 0 : i32
    %dma_wait3A_356 = arith.constant 0 : i32
    %dma_wait3A_357 = arith.constant 0 : i32
    %dma_wait3A_358 = arith.constant 0 : i32
    %dma_wait3A_359 = tpu.memref_slice %arg7[%dma_wait3A_355, %dma_wait3A_358] : memref<2x6400xf32, #tpu.memory_space<vmem>> -> memref<1x6400xf32, #tpu.memory_space<vmem>>
    %dma_wait3A_360 = tpu.memref_squeeze %dma_wait3A_359 : memref<1x6400xf32, #tpu.memory_space<vmem>> -> memref<6400xf32, #tpu.memory_space<vmem>>
    %dma_wait3A_361 = arith.constant 0 : i32
    %dma_wait3A_362 = tpu.memref_slice %arg4[%dma_wait3A_356, %dma_wait3A_357, %dma_wait3A_361] : memref<8x64x25600xf32, #tpu.memory_space<hbm>> -> memref<1x1x6400xf32, #tpu.memory_space<hbm>>
    %dma_wait3A_363 = tpu.memref_squeeze %dma_wait3A_362 : memref<1x1x6400xf32, #tpu.memory_space<hbm>> -> memref<6400xf32, #tpu.memory_space<hbm>>
    %dma_wait3A_364 = arith.constant 0 : i32
    %dma_wait3A_365 = tpu.memref_slice %arg4[%dma_wait3A_356, %dma_wait3A_357, %dma_wait3A_364] : memref<8x64x25600xf32, #tpu.memory_space<hbm>> -> memref<1x1x6400xf32, #tpu.memory_space<hbm>>
    %dma_wait3A_366 = tpu.memref_squeeze %dma_wait3A_365 : memref<1x1x6400xf32, #tpu.memory_space<hbm>> -> memref<6400xf32, #tpu.memory_space<hbm>>
    %dma_wait3A_367 = arith.constant 0 : i32
    %dma_wait3A_368 = tpu.memref_slice %arg7[%dma_wait3A_355, %dma_wait3A_367] : memref<2x6400xf32, #tpu.memory_space<vmem>> -> memref<1x6400xf32, #tpu.memory_space<vmem>>
    %dma_wait3A_369 = tpu.memref_squeeze %dma_wait3A_368 : memref<1x6400xf32, #tpu.memory_space<vmem>> -> memref<6400xf32, #tpu.memory_space<vmem>>
    tpu.wait_dma2 semaphore(%arg10 : memref<!tpu.dma_semaphore, #tpu.memory_space<semaphore_mem>>) src(%dma_wait3A_369 : memref<6400xf32, #tpu.memory_space<vmem>>) dst(%dma_wait3A_366 : memref<6400xf32, #tpu.memory_space<hbm>>)
    %scan3A_370 = arith.constant 0 : i32
    %scan3A_371 = arith.constant 25 : i32
    %scan3A_372 = arith.addi %scan3A_370, %scan3A_371 : i32
    %scan3A_373 = arith.constant 1 : i32
    scf.for %scan3A_464 = %scan3A_370 to %scan3A_372 step %scan3A_373  : i32 {
      %mul3A_465 = arith.constant 256 : i32
      %mul3A_466 = arith.muli %scan3A_464, %mul3A_465 : i32
      %add3A_467 = arith.constant 0 : i32
      %add3A_468 = arith.addi %add3A_467, %mul3A_466 : i32
      %add3A_469 = arith.constant 0 : i32
      %add3A_470 = arith.addi %add3A_468, %add3A_469 : i32
      %get3A = arith.constant 0 : i32
      %get3A_471 = arith.index_cast %get3A : i32 to index
      %get3A_472 = arith.index_cast %add3A_470 : i32 to index
      %get3A_473 = tpu.vector_load %arg6[%get3A_471, %get3A_472] {strides = array<i32>} : memref<2x6400xi32, #tpu.memory_space<vmem>>, vector<16xi32>,
      %gather3A = tpu.vector_load_idx %arg5[%get3A_473] : memref<100000xf32, #tpu.memory_space<vmem>>[vector<16xi32>], vector<16xf32>,
      %swap3A = arith.constant 0 : i32
      %swap3A_474 = arith.index_cast %swap3A : i32 to index
      %swap3A_475 = arith.index_cast %add3A_470 : i32 to index
      %swap3A_476 = tpu.vector_load %arg7[%swap3A_474, %swap3A_475] {strides = array<i32>} : memref<2x6400xf32, #tpu.memory_space<vmem>>, vector<16xf32>,
      tpu.vector_store %arg7[%swap3A_474, %swap3A_475], %gather3A {strides = array<i32>} : memref<2x6400xf32, #tpu.memory_space<vmem>>, vector<16xf32>,
      %add3A_477 = arith.constant 16 : i32
      %add3A_478 = arith.addi %add3A_468, %add3A_477 : i32
      %get3A_479 = arith.constant 0 : i32
      %get3A_480 = arith.index_cast %get3A_479 : i32 to index
      %get3A_481 = arith.index_cast %add3A_478 : i32 to index
      %get3A_482 = tpu.vector_load %arg6[%get3A_480, %get3A_481] {strides = array<i32>} : memref<2x6400xi32, #tpu.memory_space<vmem>>, vector<16xi32>,
      %gather3A_483 = tpu.vector_load_idx %arg5[%get3A_482] : memref<100000xf32, #tpu.memory_space<vmem>>[vector<16xi32>], vector<16xf32>,
      %swap3A_484 = arith.constant 0 : i32
      %swap3A_485 = arith.index_cast %swap3A_484 : i32 to index
      %swap3A_486 = arith.index_cast %add3A_478 : i32 to index
      %swap3A_487 = tpu.vector_load %arg7[%swap3A_485, %swap3A_486] {strides = array<i32>} : memref<2x6400xf32, #tpu.memory_space<vmem>>, vector<16xf32>,
      tpu.vector_store %arg7[%swap3A_485, %swap3A_486], %gather3A_483 {strides = array<i32>} : memref<2x6400xf32, #tpu.memory_space<vmem>>, vector<16xf32>,
      %add3A_488 = arith.constant 32 : i32
      %add3A_489 = arith.addi %add3A_468, %add3A_488 : i32
      %get3A_490 = arith.constant 0 : i32
      %get3A_491 = arith.index_cast %get3A_490 : i32 to index
      %get3A_492 = arith.index_cast %add3A_489 : i32 to index
      %get3A_493 = tpu.vector_load %arg6[%get3A_491, %get3A_492] {strides = array<i32>} : memref<2x6400xi32, #tpu.memory_space<vmem>>, vector<16xi32>,
      %gather3A_494 = tpu.vector_load_idx %arg5[%get3A_493] : memref<100000xf32, #tpu.memory_space<vmem>>[vector<16xi32>], vector<16xf32>,
      %swap3A_495 = arith.constant 0 : i32
      %swap3A_496 = arith.index_cast %swap3A_495 : i32 to index
      %swap3A_497 = arith.index_cast %add3A_489 : i32 to index
      %swap3A_498 = tpu.vector_load %arg7[%swap3A_496, %swap3A_497] {strides = array<i32>} : memref<2x6400xf32, #tpu.memory_space<vmem>>, vector<16xf32>,
      tpu.vector_store %arg7[%swap3A_496, %swap3A_497], %gather3A_494 {strides = array<i32>} : memref<2x6400xf32, #tpu.memory_space<vmem>>, vector<16xf32>,
      %add3A_499 = arith.constant 48 : i32
      %add3A_500 = arith.addi %add3A_468, %add3A_499 : i32
      %get3A_501 = arith.constant 0 : i32
      %get3A_502 = arith.index_cast %get3A_501 : i32 to index
      %get3A_503 = arith.index_cast %add3A_500 : i32 to index
      %get3A_504 = tpu.vector_load %arg6[%get3A_502, %get3A_503] {strides = array<i32>} : memref<2x6400xi32, #tpu.memory_space<vmem>>, vector<16xi32>,
      %gather3A_505 = tpu.vector_load_idx %arg5[%get3A_504] : memref<100000xf32, #tpu.memory_space<vmem>>[vector<16xi32>], vector<16xf32>,
      %swap3A_506 = arith.constant 0 : i32
      %swap3A_507 = arith.index_cast %swap3A_506 : i32 to index
      %swap3A_508 = arith.index_cast %add3A_500 : i32 to index
      %swap3A_509 = tpu.vector_load %arg7[%swap3A_507, %swap3A_508] {strides = array<i32>} : memref<2x6400xf32, #tpu.memory_space<vmem>>, vector<16xf32>,
      tpu.vector_store %arg7[%swap3A_507, %swap3A_508], %gather3A_505 {strides = array<i32>} : memref<2x6400xf32, #tpu.memory_space<vmem>>, vector<16xf32>,
      %add3A_510 = arith.constant 64 : i32
      %add3A_511 = arith.addi %add3A_468, %add3A_510 : i32
      %get3A_512 = arith.constant 0 : i32
      %get3A_513 = arith.index_cast %get3A_512 : i32 to index
      %get3A_514 = arith.index_cast %add3A_511 : i32 to index
      %get3A_515 = tpu.vector_load %arg6[%get3A_513, %get3A_514] {strides = array<i32>} : memref<2x6400xi32, #tpu.memory_space<vmem>>, vector<16xi32>,
      %gather3A_516 = tpu.vector_load_idx %arg5[%get3A_515] : memref<100000xf32, #tpu.memory_space<vmem>>[vector<16xi32>], vector<16xf32>,
      %swap3A_517 = arith.constant 0 : i32
      %swap3A_518 = arith.index_cast %swap3A_517 : i32 to index
      %swap3A_519 = arith.index_cast %add3A_511 : i32 to index
      %swap3A_520 = tpu.vector_load %arg7[%swap3A_518, %swap3A_519] {strides = array<i32>} : memref<2x6400xf32, #tpu.memory_space<vmem>>, vector<16xf32>,
      tpu.vector_store %arg7[%swap3A_518, %swap3A_519], %gather3A_516 {strides = array<i32>} : memref<2x6400xf32, #tpu.memory_space<vmem>>, vector<16xf32>,
      %add3A_521 = arith.constant 80 : i32
      %add3A_522 = arith.addi %add3A_468, %add3A_521 : i32
      %get3A_523 = arith.constant 0 : i32
      %get3A_524 = arith.index_cast %get3A_523 : i32 to index
      %get3A_525 = arith.index_cast %add3A_522 : i32 to index
      %get3A_526 = tpu.vector_load %arg6[%get3A_524, %get3A_525] {strides = array<i32>} : memref<2x6400xi32, #tpu.memory_space<vmem>>, vector<16xi32>,
      %gather3A_527 = tpu.vector_load_idx %arg5[%get3A_526] : memref<100000xf32, #tpu.memory_space<vmem>>[vector<16xi32>], vector<16xf32>,
      %swap3A_528 = arith.constant 0 : i32
      %swap3A_529 = arith.index_cast %swap3A_528 : i32 to index
      %swap3A_530 = arith.index_cast %add3A_522 : i32 to index
      %swap3A_531 = tpu.vector_load %arg7[%swap3A_529, %swap3A_530] {strides = array<i32>} : memref<2x6400xf32, #tpu.memory_space<vmem>>, vector<16xf32>,
      tpu.vector_store %arg7[%swap3A_529, %swap3A_530], %gather3A_527 {strides = array<i32>} : memref<2x6400xf32, #tpu.memory_space<vmem>>, vector<16xf32>,
      %add3A_532 = arith.constant 96 : i32
      %add3A_533 = arith.addi %add3A_468, %add3A_532 : i32
      %get3A_534 = arith.constant 0 : i32
      %get3A_535 = arith.index_cast %get3A_534 : i32 to index
      %get3A_536 = arith.index_cast %add3A_533 : i32 to index
      %get3A_537 = tpu.vector_load %arg6[%get3A_535, %get3A_536] {strides = array<i32>} : memref<2x6400xi32, #tpu.memory_space<vmem>>, vector<16xi32>,
      %gather3A_538 = tpu.vector_load_idx %arg5[%get3A_537] : memref<100000xf32, #tpu.memory_space<vmem>>[vector<16xi32>], vector<16xf32>,
      %swap3A_539 = arith.constant 0 : i32
      %swap3A_540 = arith.index_cast %swap3A_539 : i32 to index
      %swap3A_541 = arith.index_cast %add3A_533 : i32 to index
      %swap3A_542 = tpu.vector_load %arg7[%swap3A_540, %swap3A_541] {strides = array<i32>} : memref<2x6400xf32, #tpu.memory_space<vmem>>, vector<16xf32>,
      tpu.vector_store %arg7[%swap3A_540, %swap3A_541], %gather3A_538 {strides = array<i32>} : memref<2x6400xf32, #tpu.memory_space<vmem>>, vector<16xf32>,
      %add3A_543 = arith.constant 112 : i32
      %add3A_544 = arith.addi %add3A_468, %add3A_543 : i32
      %get3A_545 = arith.constant 0 : i32
      %get3A_546 = arith.index_cast %get3A_545 : i32 to index
      %get3A_547 = arith.index_cast %add3A_544 : i32 to index
      %get3A_548 = tpu.vector_load %arg6[%get3A_546, %get3A_547] {strides = array<i32>} : memref<2x6400xi32, #tpu.memory_space<vmem>>, vector<16xi32>,
      %gather3A_549 = tpu.vector_load_idx %arg5[%get3A_548] : memref<100000xf32, #tpu.memory_space<vmem>>[vector<16xi32>], vector<16xf32>,
      %swap3A_550 = arith.constant 0 : i32
      %swap3A_551 = arith.index_cast %swap3A_550 : i32 to index
      %swap3A_552 = arith.index_cast %add3A_544 : i32 to index
      %swap3A_553 = tpu.vector_load %arg7[%swap3A_551, %swap3A_552] {strides = array<i32>} : memref<2x6400xf32, #tpu.memory_space<vmem>>, vector<16xf32>,
      tpu.vector_store %arg7[%swap3A_551, %swap3A_552], %gather3A_549 {strides = array<i32>} : memref<2x6400xf32, #tpu.memory_space<vmem>>, vector<16xf32>,
      %add3A_554 = arith.constant 128 : i32
      %add3A_555 = arith.addi %add3A_468, %add3A_554 : i32
      %get3A_556 = arith.constant 0 : i32
      %get3A_557 = arith.index_cast %get3A_556 : i32 to index
      %get3A_558 = arith.index_cast %add3A_555 : i32 to index
      %get3A_559 = tpu.vector_load %arg6[%get3A_557, %get3A_558] {strides = array<i32>} : memref<2x6400xi32, #tpu.memory_space<vmem>>, vector<16xi32>,
      %gather3A_560 = tpu.vector_load_idx %arg5[%get3A_559] : memref<100000xf32, #tpu.memory_space<vmem>>[vector<16xi32>], vector<16xf32>,
      %swap3A_561 = arith.constant 0 : i32
      %swap3A_562 = arith.index_cast %swap3A_561 : i32 to index
      %swap3A_563 = arith.index_cast %add3A_555 : i32 to index
      %swap3A_564 = tpu.vector_load %arg7[%swap3A_562, %swap3A_563] {strides = array<i32>} : memref<2x6400xf32, #tpu.memory_space<vmem>>, vector<16xf32>,
      tpu.vector_store %arg7[%swap3A_562, %swap3A_563], %gather3A_560 {strides = array<i32>} : memref<2x6400xf32, #tpu.memory_space<vmem>>, vector<16xf32>,
      %add3A_565 = arith.constant 144 : i32
      %add3A_566 = arith.addi %add3A_468, %add3A_565 : i32
      %get3A_567 = arith.constant 0 : i32
      %get3A_568 = arith.index_cast %get3A_567 : i32 to index
      %get3A_569 = arith.index_cast %add3A_566 : i32 to index
      %get3A_570 = tpu.vector_load %arg6[%get3A_568, %get3A_569] {strides = array<i32>} : memref<2x6400xi32, #tpu.memory_space<vmem>>, vector<16xi32>,
      %gather3A_571 = tpu.vector_load_idx %arg5[%get3A_570] : memref<100000xf32, #tpu.memory_space<vmem>>[vector<16xi32>], vector<16xf32>,
      %swap3A_572 = arith.constant 0 : i32
      %swap3A_573 = arith.index_cast %swap3A_572 : i32 to index
      %swap3A_574 = arith.index_cast %add3A_566 : i32 to index
      %swap3A_575 = tpu.vector_load %arg7[%swap3A_573, %swap3A_574] {strides = array<i32>} : memref<2x6400xf32, #tpu.memory_space<vmem>>, vector<16xf32>,
      tpu.vector_store %arg7[%swap3A_573, %swap3A_574], %gather3A_571 {strides = array<i32>} : memref<2x6400xf32, #tpu.memory_space<vmem>>, vector<16xf32>,
      %add3A_576 = arith.constant 160 : i32
      %add3A_577 = arith.addi %add3A_468, %add3A_576 : i32
      %get3A_578 = arith.constant 0 : i32
      %get3A_579 = arith.index_cast %get3A_578 : i32 to index
      %get3A_580 = arith.index_cast %add3A_577 : i32 to index
      %get3A_581 = tpu.vector_load %arg6[%get3A_579, %get3A_580] {strides = array<i32>} : memref<2x6400xi32, #tpu.memory_space<vmem>>, vector<16xi32>,
      %gather3A_582 = tpu.vector_load_idx %arg5[%get3A_581] : memref<100000xf32, #tpu.memory_space<vmem>>[vector<16xi32>], vector<16xf32>,
      %swap3A_583 = arith.constant 0 : i32
      %swap3A_584 = arith.index_cast %swap3A_583 : i32 to index
      %swap3A_585 = arith.index_cast %add3A_577 : i32 to index
      %swap3A_586 = tpu.vector_load %arg7[%swap3A_584, %swap3A_585] {strides = array<i32>} : memref<2x6400xf32, #tpu.memory_space<vmem>>, vector<16xf32>,
      tpu.vector_store %arg7[%swap3A_584, %swap3A_585], %gather3A_582 {strides = array<i32>} : memref<2x6400xf32, #tpu.memory_space<vmem>>, vector<16xf32>,
      %add3A_587 = arith.constant 176 : i32
      %add3A_588 = arith.addi %add3A_468, %add3A_587 : i32
      %get3A_589 = arith.constant 0 : i32
      %get3A_590 = arith.index_cast %get3A_589 : i32 to index
      %get3A_591 = arith.index_cast %add3A_588 : i32 to index
      %get3A_592 = tpu.vector_load %arg6[%get3A_590, %get3A_591] {strides = array<i32>} : memref<2x6400xi32, #tpu.memory_space<vmem>>, vector<16xi32>,
      %gather3A_593 = tpu.vector_load_idx %arg5[%get3A_592] : memref<100000xf32, #tpu.memory_space<vmem>>[vector<16xi32>], vector<16xf32>,
      %swap3A_594 = arith.constant 0 : i32
      %swap3A_595 = arith.index_cast %swap3A_594 : i32 to index
      %swap3A_596 = arith.index_cast %add3A_588 : i32 to index
      %swap3A_597 = tpu.vector_load %arg7[%swap3A_595, %swap3A_596] {strides = array<i32>} : memref<2x6400xf32, #tpu.memory_space<vmem>>, vector<16xf32>,
      tpu.vector_store %arg7[%swap3A_595, %swap3A_596], %gather3A_593 {strides = array<i32>} : memref<2x6400xf32, #tpu.memory_space<vmem>>, vector<16xf32>,
      %add3A_598 = arith.constant 192 : i32
      %add3A_599 = arith.addi %add3A_468, %add3A_598 : i32
      %get3A_600 = arith.constant 0 : i32
      %get3A_601 = arith.index_cast %get3A_600 : i32 to index
      %get3A_602 = arith.index_cast %add3A_599 : i32 to index
      %get3A_603 = tpu.vector_load %arg6[%get3A_601, %get3A_602] {strides = array<i32>} : memref<2x6400xi32, #tpu.memory_space<vmem>>, vector<16xi32>,
      %gather3A_604 = tpu.vector_load_idx %arg5[%get3A_603] : memref<100000xf32, #tpu.memory_space<vmem>>[vector<16xi32>], vector<16xf32>,
      %swap3A_605 = arith.constant 0 : i32
      %swap3A_606 = arith.index_cast %swap3A_605 : i32 to index
      %swap3A_607 = arith.index_cast %add3A_599 : i32 to index
      %swap3A_608 = tpu.vector_load %arg7[%swap3A_606, %swap3A_607] {strides = array<i32>} : memref<2x6400xf32, #tpu.memory_space<vmem>>, vector<16xf32>,
      tpu.vector_store %arg7[%swap3A_606, %swap3A_607], %gather3A_604 {strides = array<i32>} : memref<2x6400xf32, #tpu.memory_space<vmem>>, vector<16xf32>,
      %add3A_609 = arith.constant 208 : i32
      %add3A_610 = arith.addi %add3A_468, %add3A_609 : i32
      %get3A_611 = arith.constant 0 : i32
      %get3A_612 = arith.index_cast %get3A_611 : i32 to index
      %get3A_613 = arith.index_cast %add3A_610 : i32 to index
      %get3A_614 = tpu.vector_load %arg6[%get3A_612, %get3A_613] {strides = array<i32>} : memref<2x6400xi32, #tpu.memory_space<vmem>>, vector<16xi32>,
      %gather3A_615 = tpu.vector_load_idx %arg5[%get3A_614] : memref<100000xf32, #tpu.memory_space<vmem>>[vector<16xi32>], vector<16xf32>,
      %swap3A_616 = arith.constant 0 : i32
      %swap3A_617 = arith.index_cast %swap3A_616 : i32 to index
      %swap3A_618 = arith.index_cast %add3A_610 : i32 to index
      %swap3A_619 = tpu.vector_load %arg7[%swap3A_617, %swap3A_618] {strides = array<i32>} : memref<2x6400xf32, #tpu.memory_space<vmem>>, vector<16xf32>,
      tpu.vector_store %arg7[%swap3A_617, %swap3A_618], %gather3A_615 {strides = array<i32>} : memref<2x6400xf32, #tpu.memory_space<vmem>>, vector<16xf32>,
      %add3A_620 = arith.constant 224 : i32
      %add3A_621 = arith.addi %add3A_468, %add3A_620 : i32
      %get3A_622 = arith.constant 0 : i32
      %get3A_623 = arith.index_cast %get3A_622 : i32 to index
      %get3A_624 = arith.index_cast %add3A_621 : i32 to index
      %get3A_625 = tpu.vector_load %arg6[%get3A_623, %get3A_624] {strides = array<i32>} : memref<2x6400xi32, #tpu.memory_space<vmem>>, vector<16xi32>,
      %gather3A_626 = tpu.vector_load_idx %arg5[%get3A_625] : memref<100000xf32, #tpu.memory_space<vmem>>[vector<16xi32>], vector<16xf32>,
      %swap3A_627 = arith.constant 0 : i32
      %swap3A_628 = arith.index_cast %swap3A_627 : i32 to index
      %swap3A_629 = arith.index_cast %add3A_621 : i32 to index
      %swap3A_630 = tpu.vector_load %arg7[%swap3A_628, %swap3A_629] {strides = array<i32>} : memref<2x6400xf32, #tpu.memory_space<vmem>>, vector<16xf32>,
      tpu.vector_store %arg7[%swap3A_628, %swap3A_629], %gather3A_626 {strides = array<i32>} : memref<2x6400xf32, #tpu.memory_space<vmem>>, vector<16xf32>,
      %add3A_631 = arith.constant 240 : i32
      %add3A_632 = arith.addi %add3A_468, %add3A_631 : i32
      %get3A_633 = arith.constant 0 : i32
      %get3A_634 = arith.index_cast %get3A_633 : i32 to index
      %get3A_635 = arith.index_cast %add3A_632 : i32 to index
      %get3A_636 = tpu.vector_load %arg6[%get3A_634, %get3A_635] {strides = array<i32>} : memref<2x6400xi32, #tpu.memory_space<vmem>>, vector<16xi32>,
      %gather3A_637 = tpu.vector_load_idx %arg5[%get3A_636] : memref<100000xf32, #tpu.memory_space<vmem>>[vector<16xi32>], vector<16xf32>,
      %swap3A_638 = arith.constant 0 : i32
      %swap3A_639 = arith.index_cast %swap3A_638 : i32 to index
      %swap3A_640 = arith.index_cast %add3A_632 : i32 to index
      %swap3A_641 = tpu.vector_load %arg7[%swap3A_639, %swap3A_640] {strides = array<i32>} : memref<2x6400xf32, #tpu.memory_space<vmem>>, vector<16xf32>,
      tpu.vector_store %arg7[%swap3A_639, %swap3A_640], %gather3A_637 {strides = array<i32>} : memref<2x6400xf32, #tpu.memory_space<vmem>>, vector<16xf32>,
    }
    %scan3A_374 = arith.constant 25 : i32
    %dma_start3A_375 = arith.constant 0 : i32
    %dma_start3A_376 = arith.constant 7 : i32
    %dma_start3A_377 = arith.constant 0 : i32
    %dma_start3A_378 = tpu.memref_slice %arg7[%dma_start3A_375, %dma_start3A_377] : memref<2x6400xf32, #tpu.memory_space<vmem>> -> memref<1x6400xf32, #tpu.memory_space<vmem>>
    %dma_start3A_379 = tpu.memref_squeeze %dma_start3A_378 : memref<1x6400xf32, #tpu.memory_space<vmem>> -> memref<6400xf32, #tpu.memory_space<vmem>>
    %dma_start3A_380 = arith.constant 12800 : i32
    %dma_start3A_381 = tpu.memref_slice %arg4[%dma_start3A_376, %add3A_234, %dma_start3A_380] : memref<8x64x25600xf32, #tpu.memory_space<hbm>> -> memref<1x1x6400xf32, #tpu.memory_space<hbm>>
    %dma_start3A_382 = tpu.memref_squeeze %dma_start3A_381 : memref<1x1x6400xf32, #tpu.memory_space<hbm>> -> memref<6400xf32, #tpu.memory_space<hbm>>
    %dma_start3A_383 = arith.constant 12800 : i32
    %dma_start3A_384 = tpu.memref_slice %arg4[%dma_start3A_376, %add3A_234, %dma_start3A_383] : memref<8x64x25600xf32, #tpu.memory_space<hbm>> -> memref<1x1x6400xf32, #tpu.memory_space<hbm>>
    %dma_start3A_385 = tpu.memref_squeeze %dma_start3A_384 : memref<1x1x6400xf32, #tpu.memory_space<hbm>> -> memref<6400xf32, #tpu.memory_space<hbm>>
    %dma_start3A_386 = arith.constant 0 : i32
    %dma_start3A_387 = tpu.memref_slice %arg7[%dma_start3A_375, %dma_start3A_386] : memref<2x6400xf32, #tpu.memory_space<vmem>> -> memref<1x6400xf32, #tpu.memory_space<vmem>>
    %dma_start3A_388 = tpu.memref_squeeze %dma_start3A_387 : memref<1x6400xf32, #tpu.memory_space<vmem>> -> memref<6400xf32, #tpu.memory_space<vmem>>
    tpu.enqueue_dma source(%dma_start3A_388 : memref<6400xf32, #tpu.memory_space<vmem>>) target(%dma_start3A_385 : memref<6400xf32, #tpu.memory_space<hbm>>) target_semaphore(%arg10 : memref<!tpu.dma_semaphore, #tpu.memory_space<semaphore_mem>>)
    %dma_wait3A_389 = arith.constant 1 : i32
    %dma_wait3A_390 = arith.constant 0 : i32
    %dma_wait3A_391 = tpu.memref_slice %arg6[%dma_wait3A_389, %dma_wait3A_390] : memref<2x6400xi32, #tpu.memory_space<vmem>> -> memref<1x6400xi32, #tpu.memory_space<vmem>>
    %dma_wait3A_392 = tpu.memref_squeeze %dma_wait3A_391 : memref<1x6400xi32, #tpu.memory_space<vmem>> -> memref<6400xi32, #tpu.memory_space<vmem>>
    %dma_wait3A_393 = arith.constant 0 : i32
    %dma_wait3A_394 = tpu.memref_slice %arg3[%dma_wait3A_393] : memref<204800xi32, #tpu.memory_space<hbm>> -> memref<6400xi32, #tpu.memory_space<hbm>>
    %dma_wait3A_395 = arith.constant 0 : i32
    %dma_wait3A_396 = tpu.memref_slice %arg6[%dma_wait3A_389, %dma_wait3A_395] : memref<2x6400xi32, #tpu.memory_space<vmem>> -> memref<1x6400xi32, #tpu.memory_space<vmem>>
    %dma_wait3A_397 = tpu.memref_squeeze %dma_wait3A_396 : memref<1x6400xi32, #tpu.memory_space<vmem>> -> memref<6400xi32, #tpu.memory_space<vmem>>
    %dma_wait3A_398 = arith.constant 0 : i32
    %dma_wait3A_399 = tpu.memref_slice %arg3[%dma_wait3A_398] : memref<204800xi32, #tpu.memory_space<hbm>> -> memref<6400xi32, #tpu.memory_space<hbm>>
    tpu.wait_dma2 semaphore(%arg9 : memref<!tpu.dma_semaphore, #tpu.memory_space<semaphore_mem>>) src(%dma_wait3A_399 : memref<6400xi32, #tpu.memory_space<hbm>>) dst(%dma_wait3A_397 : memref<6400xi32, #tpu.memory_space<vmem>>)
    %dma_wait3A_400 = arith.constant 1 : i32
    %dma_wait3A_401 = arith.constant 0 : i32
    %dma_wait3A_402 = arith.constant 0 : i32
    %dma_wait3A_403 = arith.constant 0 : i32
    %dma_wait3A_404 = tpu.memref_slice %arg7[%dma_wait3A_400, %dma_wait3A_403] : memref<2x6400xf32, #tpu.memory_space<vmem>> -> memref<1x6400xf32, #tpu.memory_space<vmem>>
    %dma_wait3A_405 = tpu.memref_squeeze %dma_wait3A_404 : memref<1x6400xf32, #tpu.memory_space<vmem>> -> memref<6400xf32, #tpu.memory_space<vmem>>
    %dma_wait3A_406 = arith.constant 0 : i32
    %dma_wait3A_407 = tpu.memref_slice %arg4[%dma_wait3A_401, %dma_wait3A_402, %dma_wait3A_406] : memref<8x64x25600xf32, #tpu.memory_space<hbm>> -> memref<1x1x6400xf32, #tpu.memory_space<hbm>>
    %dma_wait3A_408 = tpu.memref_squeeze %dma_wait3A_407 : memref<1x1x6400xf32, #tpu.memory_space<hbm>> -> memref<6400xf32, #tpu.memory_space<hbm>>
    %dma_wait3A_409 = arith.constant 0 : i32
    %dma_wait3A_410 = tpu.memref_slice %arg4[%dma_wait3A_401, %dma_wait3A_402, %dma_wait3A_409] : memref<8x64x25600xf32, #tpu.memory_space<hbm>> -> memref<1x1x6400xf32, #tpu.memory_space<hbm>>
    %dma_wait3A_411 = tpu.memref_squeeze %dma_wait3A_410 : memref<1x1x6400xf32, #tpu.memory_space<hbm>> -> memref<6400xf32, #tpu.memory_space<hbm>>
    %dma_wait3A_412 = arith.constant 0 : i32
    %dma_wait3A_413 = tpu.memref_slice %arg7[%dma_wait3A_400, %dma_wait3A_412] : memref<2x6400xf32, #tpu.memory_space<vmem>> -> memref<1x6400xf32, #tpu.memory_space<vmem>>
    %dma_wait3A_414 = tpu.memref_squeeze %dma_wait3A_413 : memref<1x6400xf32, #tpu.memory_space<vmem>> -> memref<6400xf32, #tpu.memory_space<vmem>>
    tpu.wait_dma2 semaphore(%arg11 : memref<!tpu.dma_semaphore, #tpu.memory_space<semaphore_mem>>) src(%dma_wait3A_414 : memref<6400xf32, #tpu.memory_space<vmem>>) dst(%dma_wait3A_411 : memref<6400xf32, #tpu.memory_space<hbm>>)
    %scan3A_415 = arith.constant 0 : i32
    %scan3A_416 = arith.constant 25 : i32
    %scan3A_417 = arith.addi %scan3A_415, %scan3A_416 : i32
    %scan3A_418 = arith.constant 1 : i32
    scf.for %scan3A_464 = %scan3A_415 to %scan3A_417 step %scan3A_418  : i32 {
      %mul3A_465 = arith.constant 256 : i32
      %mul3A_466 = arith.muli %scan3A_464, %mul3A_465 : i32
      %add3A_467 = arith.constant 0 : i32
      %add3A_468 = arith.addi %add3A_467, %mul3A_466 : i32
      %add3A_469 = arith.constant 0 : i32
      %add3A_470 = arith.addi %add3A_468, %add3A_469 : i32
      %get3A = arith.constant 1 : i32
      %get3A_471 = arith.index_cast %get3A : i32 to index
      %get3A_472 = arith.index_cast %add3A_470 : i32 to index
      %get3A_473 = tpu.vector_load %arg6[%get3A_471, %get3A_472] {strides = array<i32>} : memref<2x6400xi32, #tpu.memory_space<vmem>>, vector<16xi32>,
      %gather3A = tpu.vector_load_idx %arg5[%get3A_473] : memref<100000xf32, #tpu.memory_space<vmem>>[vector<16xi32>], vector<16xf32>,
      %swap3A = arith.constant 1 : i32
      %swap3A_474 = arith.index_cast %swap3A : i32 to index
      %swap3A_475 = arith.index_cast %add3A_470 : i32 to index
      %swap3A_476 = tpu.vector_load %arg7[%swap3A_474, %swap3A_475] {strides = array<i32>} : memref<2x6400xf32, #tpu.memory_space<vmem>>, vector<16xf32>,
      tpu.vector_store %arg7[%swap3A_474, %swap3A_475], %gather3A {strides = array<i32>} : memref<2x6400xf32, #tpu.memory_space<vmem>>, vector<16xf32>,
      %add3A_477 = arith.constant 16 : i32
      %add3A_478 = arith.addi %add3A_468, %add3A_477 : i32
      %get3A_479 = arith.constant 1 : i32
      %get3A_480 = arith.index_cast %get3A_479 : i32 to index
      %get3A_481 = arith.index_cast %add3A_478 : i32 to index
      %get3A_482 = tpu.vector_load %arg6[%get3A_480, %get3A_481] {strides = array<i32>} : memref<2x6400xi32, #tpu.memory_space<vmem>>, vector<16xi32>,
      %gather3A_483 = tpu.vector_load_idx %arg5[%get3A_482] : memref<100000xf32, #tpu.memory_space<vmem>>[vector<16xi32>], vector<16xf32>,
      %swap3A_484 = arith.constant 1 : i32
      %swap3A_485 = arith.index_cast %swap3A_484 : i32 to index
      %swap3A_486 = arith.index_cast %add3A_478 : i32 to index
      %swap3A_487 = tpu.vector_load %arg7[%swap3A_485, %swap3A_486] {strides = array<i32>} : memref<2x6400xf32, #tpu.memory_space<vmem>>, vector<16xf32>,
      tpu.vector_store %arg7[%swap3A_485, %swap3A_486], %gather3A_483 {strides = array<i32>} : memref<2x6400xf32, #tpu.memory_space<vmem>>, vector<16xf32>,
      %add3A_488 = arith.constant 32 : i32
      %add3A_489 = arith.addi %add3A_468, %add3A_488 : i32
      %get3A_490 = arith.constant 1 : i32
      %get3A_491 = arith.index_cast %get3A_490 : i32 to index
      %get3A_492 = arith.index_cast %add3A_489 : i32 to index
      %get3A_493 = tpu.vector_load %arg6[%get3A_491, %get3A_492] {strides = array<i32>} : memref<2x6400xi32, #tpu.memory_space<vmem>>, vector<16xi32>,
      %gather3A_494 = tpu.vector_load_idx %arg5[%get3A_493] : memref<100000xf32, #tpu.memory_space<vmem>>[vector<16xi32>], vector<16xf32>,
      %swap3A_495 = arith.constant 1 : i32
      %swap3A_496 = arith.index_cast %swap3A_495 : i32 to index
      %swap3A_497 = arith.index_cast %add3A_489 : i32 to index
      %swap3A_498 = tpu.vector_load %arg7[%swap3A_496, %swap3A_497] {strides = array<i32>} : memref<2x6400xf32, #tpu.memory_space<vmem>>, vector<16xf32>,
      tpu.vector_store %arg7[%swap3A_496, %swap3A_497], %gather3A_494 {strides = array<i32>} : memref<2x6400xf32, #tpu.memory_space<vmem>>, vector<16xf32>,
      %add3A_499 = arith.constant 48 : i32
      %add3A_500 = arith.addi %add3A_468, %add3A_499 : i32
      %get3A_501 = arith.constant 1 : i32
      %get3A_502 = arith.index_cast %get3A_501 : i32 to index
      %get3A_503 = arith.index_cast %add3A_500 : i32 to index
      %get3A_504 = tpu.vector_load %arg6[%get3A_502, %get3A_503] {strides = array<i32>} : memref<2x6400xi32, #tpu.memory_space<vmem>>, vector<16xi32>,
      %gather3A_505 = tpu.vector_load_idx %arg5[%get3A_504] : memref<100000xf32, #tpu.memory_space<vmem>>[vector<16xi32>], vector<16xf32>,
      %swap3A_506 = arith.constant 1 : i32
      %swap3A_507 = arith.index_cast %swap3A_506 : i32 to index
      %swap3A_508 = arith.index_cast %add3A_500 : i32 to index
      %swap3A_509 = tpu.vector_load %arg7[%swap3A_507, %swap3A_508] {strides = array<i32>} : memref<2x6400xf32, #tpu.memory_space<vmem>>, vector<16xf32>,
      tpu.vector_store %arg7[%swap3A_507, %swap3A_508], %gather3A_505 {strides = array<i32>} : memref<2x6400xf32, #tpu.memory_space<vmem>>, vector<16xf32>,
      %add3A_510 = arith.constant 64 : i32
      %add3A_511 = arith.addi %add3A_468, %add3A_510 : i32
      %get3A_512 = arith.constant 1 : i32
      %get3A_513 = arith.index_cast %get3A_512 : i32 to index
      %get3A_514 = arith.index_cast %add3A_511 : i32 to index
      %get3A_515 = tpu.vector_load %arg6[%get3A_513, %get3A_514] {strides = array<i32>} : memref<2x6400xi32, #tpu.memory_space<vmem>>, vector<16xi32>,
      %gather3A_516 = tpu.vector_load_idx %arg5[%get3A_515] : memref<100000xf32, #tpu.memory_space<vmem>>[vector<16xi32>], vector<16xf32>,
      %swap3A_517 = arith.constant 1 : i32
      %swap3A_518 = arith.index_cast %swap3A_517 : i32 to index
      %swap3A_519 = arith.index_cast %add3A_511 : i32 to index
      %swap3A_520 = tpu.vector_load %arg7[%swap3A_518, %swap3A_519] {strides = array<i32>} : memref<2x6400xf32, #tpu.memory_space<vmem>>, vector<16xf32>,
      tpu.vector_store %arg7[%swap3A_518, %swap3A_519], %gather3A_516 {strides = array<i32>} : memref<2x6400xf32, #tpu.memory_space<vmem>>, vector<16xf32>,
      %add3A_521 = arith.constant 80 : i32
      %add3A_522 = arith.addi %add3A_468, %add3A_521 : i32
      %get3A_523 = arith.constant 1 : i32
      %get3A_524 = arith.index_cast %get3A_523 : i32 to index
      %get3A_525 = arith.index_cast %add3A_522 : i32 to index
      %get3A_526 = tpu.vector_load %arg6[%get3A_524, %get3A_525] {strides = array<i32>} : memref<2x6400xi32, #tpu.memory_space<vmem>>, vector<16xi32>,
      %gather3A_527 = tpu.vector_load_idx %arg5[%get3A_526] : memref<100000xf32, #tpu.memory_space<vmem>>[vector<16xi32>], vector<16xf32>,
      %swap3A_528 = arith.constant 1 : i32
      %swap3A_529 = arith.index_cast %swap3A_528 : i32 to index
      %swap3A_530 = arith.index_cast %add3A_522 : i32 to index
      %swap3A_531 = tpu.vector_load %arg7[%swap3A_529, %swap3A_530] {strides = array<i32>} : memref<2x6400xf32, #tpu.memory_space<vmem>>, vector<16xf32>,
      tpu.vector_store %arg7[%swap3A_529, %swap3A_530], %gather3A_527 {strides = array<i32>} : memref<2x6400xf32, #tpu.memory_space<vmem>>, vector<16xf32>,
      %add3A_532 = arith.constant 96 : i32
      %add3A_533 = arith.addi %add3A_468, %add3A_532 : i32
      %get3A_534 = arith.constant 1 : i32
      %get3A_535 = arith.index_cast %get3A_534 : i32 to index
      %get3A_536 = arith.index_cast %add3A_533 : i32 to index
      %get3A_537 = tpu.vector_load %arg6[%get3A_535, %get3A_536] {strides = array<i32>} : memref<2x6400xi32, #tpu.memory_space<vmem>>, vector<16xi32>,
      %gather3A_538 = tpu.vector_load_idx %arg5[%get3A_537] : memref<100000xf32, #tpu.memory_space<vmem>>[vector<16xi32>], vector<16xf32>,
      %swap3A_539 = arith.constant 1 : i32
      %swap3A_540 = arith.index_cast %swap3A_539 : i32 to index
      %swap3A_541 = arith.index_cast %add3A_533 : i32 to index
      %swap3A_542 = tpu.vector_load %arg7[%swap3A_540, %swap3A_541] {strides = array<i32>} : memref<2x6400xf32, #tpu.memory_space<vmem>>, vector<16xf32>,
      tpu.vector_store %arg7[%swap3A_540, %swap3A_541], %gather3A_538 {strides = array<i32>} : memref<2x6400xf32, #tpu.memory_space<vmem>>, vector<16xf32>,
      %add3A_543 = arith.constant 112 : i32
      %add3A_544 = arith.addi %add3A_468, %add3A_543 : i32
      %get3A_545 = arith.constant 1 : i32
      %get3A_546 = arith.index_cast %get3A_545 : i32 to index
      %get3A_547 = arith.index_cast %add3A_544 : i32 to index
      %get3A_548 = tpu.vector_load %arg6[%get3A_546, %get3A_547] {strides = array<i32>} : memref<2x6400xi32, #tpu.memory_space<vmem>>, vector<16xi32>,
      %gather3A_549 = tpu.vector_load_idx %arg5[%get3A_548] : memref<100000xf32, #tpu.memory_space<vmem>>[vector<16xi32>], vector<16xf32>,
      %swap3A_550 = arith.constant 1 : i32
      %swap3A_551 = arith.index_cast %swap3A_550 : i32 to index
      %swap3A_552 = arith.index_cast %add3A_544 : i32 to index
      %swap3A_553 = tpu.vector_load %arg7[%swap3A_551, %swap3A_552] {strides = array<i32>} : memref<2x6400xf32, #tpu.memory_space<vmem>>, vector<16xf32>,
      tpu.vector_store %arg7[%swap3A_551, %swap3A_552], %gather3A_549 {strides = array<i32>} : memref<2x6400xf32, #tpu.memory_space<vmem>>, vector<16xf32>,
      %add3A_554 = arith.constant 128 : i32
      %add3A_555 = arith.addi %add3A_468, %add3A_554 : i32
      %get3A_556 = arith.constant 1 : i32
      %get3A_557 = arith.index_cast %get3A_556 : i32 to index
      %get3A_558 = arith.index_cast %add3A_555 : i32 to index
      %get3A_559 = tpu.vector_load %arg6[%get3A_557, %get3A_558] {strides = array<i32>} : memref<2x6400xi32, #tpu.memory_space<vmem>>, vector<16xi32>,
      %gather3A_560 = tpu.vector_load_idx %arg5[%get3A_559] : memref<100000xf32, #tpu.memory_space<vmem>>[vector<16xi32>], vector<16xf32>,
      %swap3A_561 = arith.constant 1 : i32
      %swap3A_562 = arith.index_cast %swap3A_561 : i32 to index
      %swap3A_563 = arith.index_cast %add3A_555 : i32 to index
      %swap3A_564 = tpu.vector_load %arg7[%swap3A_562, %swap3A_563] {strides = array<i32>} : memref<2x6400xf32, #tpu.memory_space<vmem>>, vector<16xf32>,
      tpu.vector_store %arg7[%swap3A_562, %swap3A_563], %gather3A_560 {strides = array<i32>} : memref<2x6400xf32, #tpu.memory_space<vmem>>, vector<16xf32>,
      %add3A_565 = arith.constant 144 : i32
      %add3A_566 = arith.addi %add3A_468, %add3A_565 : i32
      %get3A_567 = arith.constant 1 : i32
      %get3A_568 = arith.index_cast %get3A_567 : i32 to index
      %get3A_569 = arith.index_cast %add3A_566 : i32 to index
      %get3A_570 = tpu.vector_load %arg6[%get3A_568, %get3A_569] {strides = array<i32>} : memref<2x6400xi32, #tpu.memory_space<vmem>>, vector<16xi32>,
      %gather3A_571 = tpu.vector_load_idx %arg5[%get3A_570] : memref<100000xf32, #tpu.memory_space<vmem>>[vector<16xi32>], vector<16xf32>,
      %swap3A_572 = arith.constant 1 : i32
      %swap3A_573 = arith.index_cast %swap3A_572 : i32 to index
      %swap3A_574 = arith.index_cast %add3A_566 : i32 to index
      %swap3A_575 = tpu.vector_load %arg7[%swap3A_573, %swap3A_574] {strides = array<i32>} : memref<2x6400xf32, #tpu.memory_space<vmem>>, vector<16xf32>,
      tpu.vector_store %arg7[%swap3A_573, %swap3A_574], %gather3A_571 {strides = array<i32>} : memref<2x6400xf32, #tpu.memory_space<vmem>>, vector<16xf32>,
      %add3A_576 = arith.constant 160 : i32
      %add3A_577 = arith.addi %add3A_468, %add3A_576 : i32
      %get3A_578 = arith.constant 1 : i32
      %get3A_579 = arith.index_cast %get3A_578 : i32 to index
      %get3A_580 = arith.index_cast %add3A_577 : i32 to index
      %get3A_581 = tpu.vector_load %arg6[%get3A_579, %get3A_580] {strides = array<i32>} : memref<2x6400xi32, #tpu.memory_space<vmem>>, vector<16xi32>,
      %gather3A_582 = tpu.vector_load_idx %arg5[%get3A_581] : memref<100000xf32, #tpu.memory_space<vmem>>[vector<16xi32>], vector<16xf32>,
      %swap3A_583 = arith.constant 1 : i32
      %swap3A_584 = arith.index_cast %swap3A_583 : i32 to index
      %swap3A_585 = arith.index_cast %add3A_577 : i32 to index
      %swap3A_586 = tpu.vector_load %arg7[%swap3A_584, %swap3A_585] {strides = array<i32>} : memref<2x6400xf32, #tpu.memory_space<vmem>>, vector<16xf32>,
      tpu.vector_store %arg7[%swap3A_584, %swap3A_585], %gather3A_582 {strides = array<i32>} : memref<2x6400xf32, #tpu.memory_space<vmem>>, vector<16xf32>,
      %add3A_587 = arith.constant 176 : i32
      %add3A_588 = arith.addi %add3A_468, %add3A_587 : i32
      %get3A_589 = arith.constant 1 : i32
      %get3A_590 = arith.index_cast %get3A_589 : i32 to index
      %get3A_591 = arith.index_cast %add3A_588 : i32 to index
      %get3A_592 = tpu.vector_load %arg6[%get3A_590, %get3A_591] {strides = array<i32>} : memref<2x6400xi32, #tpu.memory_space<vmem>>, vector<16xi32>,
      %gather3A_593 = tpu.vector_load_idx %arg5[%get3A_592] : memref<100000xf32, #tpu.memory_space<vmem>>[vector<16xi32>], vector<16xf32>,
      %swap3A_594 = arith.constant 1 : i32
      %swap3A_595 = arith.index_cast %swap3A_594 : i32 to index
      %swap3A_596 = arith.index_cast %add3A_588 : i32 to index
      %swap3A_597 = tpu.vector_load %arg7[%swap3A_595, %swap3A_596] {strides = array<i32>} : memref<2x6400xf32, #tpu.memory_space<vmem>>, vector<16xf32>,
      tpu.vector_store %arg7[%swap3A_595, %swap3A_596], %gather3A_593 {strides = array<i32>} : memref<2x6400xf32, #tpu.memory_space<vmem>>, vector<16xf32>,
      %add3A_598 = arith.constant 192 : i32
      %add3A_599 = arith.addi %add3A_468, %add3A_598 : i32
      %get3A_600 = arith.constant 1 : i32
      %get3A_601 = arith.index_cast %get3A_600 : i32 to index
      %get3A_602 = arith.index_cast %add3A_599 : i32 to index
      %get3A_603 = tpu.vector_load %arg6[%get3A_601, %get3A_602] {strides = array<i32>} : memref<2x6400xi32, #tpu.memory_space<vmem>>, vector<16xi32>,
      %gather3A_604 = tpu.vector_load_idx %arg5[%get3A_603] : memref<100000xf32, #tpu.memory_space<vmem>>[vector<16xi32>], vector<16xf32>,
      %swap3A_605 = arith.constant 1 : i32
      %swap3A_606 = arith.index_cast %swap3A_605 : i32 to index
      %swap3A_607 = arith.index_cast %add3A_599 : i32 to index
      %swap3A_608 = tpu.vector_load %arg7[%swap3A_606, %swap3A_607] {strides = array<i32>} : memref<2x6400xf32, #tpu.memory_space<vmem>>, vector<16xf32>,
      tpu.vector_store %arg7[%swap3A_606, %swap3A_607], %gather3A_604 {strides = array<i32>} : memref<2x6400xf32, #tpu.memory_space<vmem>>, vector<16xf32>,
      %add3A_609 = arith.constant 208 : i32
      %add3A_610 = arith.addi %add3A_468, %add3A_609 : i32
      %get3A_611 = arith.constant 1 : i32
      %get3A_612 = arith.index_cast %get3A_611 : i32 to index
      %get3A_613 = arith.index_cast %add3A_610 : i32 to index
      %get3A_614 = tpu.vector_load %arg6[%get3A_612, %get3A_613] {strides = array<i32>} : memref<2x6400xi32, #tpu.memory_space<vmem>>, vector<16xi32>,
      %gather3A_615 = tpu.vector_load_idx %arg5[%get3A_614] : memref<100000xf32, #tpu.memory_space<vmem>>[vector<16xi32>], vector<16xf32>,
      %swap3A_616 = arith.constant 1 : i32
      %swap3A_617 = arith.index_cast %swap3A_616 : i32 to index
      %swap3A_618 = arith.index_cast %add3A_610 : i32 to index
      %swap3A_619 = tpu.vector_load %arg7[%swap3A_617, %swap3A_618] {strides = array<i32>} : memref<2x6400xf32, #tpu.memory_space<vmem>>, vector<16xf32>,
      tpu.vector_store %arg7[%swap3A_617, %swap3A_618], %gather3A_615 {strides = array<i32>} : memref<2x6400xf32, #tpu.memory_space<vmem>>, vector<16xf32>,
      %add3A_620 = arith.constant 224 : i32
      %add3A_621 = arith.addi %add3A_468, %add3A_620 : i32
      %get3A_622 = arith.constant 1 : i32
      %get3A_623 = arith.index_cast %get3A_622 : i32 to index
      %get3A_624 = arith.index_cast %add3A_621 : i32 to index
      %get3A_625 = tpu.vector_load %arg6[%get3A_623, %get3A_624] {strides = array<i32>} : memref<2x6400xi32, #tpu.memory_space<vmem>>, vector<16xi32>,
      %gather3A_626 = tpu.vector_load_idx %arg5[%get3A_625] : memref<100000xf32, #tpu.memory_space<vmem>>[vector<16xi32>], vector<16xf32>,
      %swap3A_627 = arith.constant 1 : i32
      %swap3A_628 = arith.index_cast %swap3A_627 : i32 to index
      %swap3A_629 = arith.index_cast %add3A_621 : i32 to index
      %swap3A_630 = tpu.vector_load %arg7[%swap3A_628, %swap3A_629] {strides = array<i32>} : memref<2x6400xf32, #tpu.memory_space<vmem>>, vector<16xf32>,
      tpu.vector_store %arg7[%swap3A_628, %swap3A_629], %gather3A_626 {strides = array<i32>} : memref<2x6400xf32, #tpu.memory_space<vmem>>, vector<16xf32>,
      %add3A_631 = arith.constant 240 : i32
      %add3A_632 = arith.addi %add3A_468, %add3A_631 : i32
      %get3A_633 = arith.constant 1 : i32
      %get3A_634 = arith.index_cast %get3A_633 : i32 to index
      %get3A_635 = arith.index_cast %add3A_632 : i32 to index
      %get3A_636 = tpu.vector_load %arg6[%get3A_634, %get3A_635] {strides = array<i32>} : memref<2x6400xi32, #tpu.memory_space<vmem>>, vector<16xi32>,
      %gather3A_637 = tpu.vector_load_idx %arg5[%get3A_636] : memref<100000xf32, #tpu.memory_space<vmem>>[vector<16xi32>], vector<16xf32>,
      %swap3A_638 = arith.constant 1 : i32
      %swap3A_639 = arith.index_cast %swap3A_638 : i32 to index
      %swap3A_640 = arith.index_cast %add3A_632 : i32 to index
      %swap3A_641 = tpu.vector_load %arg7[%swap3A_639, %swap3A_640] {strides = array<i32>} : memref<2x6400xf32, #tpu.memory_space<vmem>>, vector<16xf32>,
      tpu.vector_store %arg7[%swap3A_639, %swap3A_640], %gather3A_637 {strides = array<i32>} : memref<2x6400xf32, #tpu.memory_space<vmem>>, vector<16xf32>,
    }
    %scan3A_419 = arith.constant 25 : i32
    %dma_start3A_420 = arith.constant 1 : i32
    %dma_start3A_421 = arith.constant 7 : i32
    %dma_start3A_422 = arith.constant 0 : i32
    %dma_start3A_423 = tpu.memref_slice %arg7[%dma_start3A_420, %dma_start3A_422] : memref<2x6400xf32, #tpu.memory_space<vmem>> -> memref<1x6400xf32, #tpu.memory_space<vmem>>
    %dma_start3A_424 = tpu.memref_squeeze %dma_start3A_423 : memref<1x6400xf32, #tpu.memory_space<vmem>> -> memref<6400xf32, #tpu.memory_space<vmem>>
    %dma_start3A_425 = arith.constant 19200 : i32
    %dma_start3A_426 = tpu.memref_slice %arg4[%dma_start3A_421, %add3A_234, %dma_start3A_425] : memref<8x64x25600xf32, #tpu.memory_space<hbm>> -> memref<1x1x6400xf32, #tpu.memory_space<hbm>>
    %dma_start3A_427 = tpu.memref_squeeze %dma_start3A_426 : memref<1x1x6400xf32, #tpu.memory_space<hbm>> -> memref<6400xf32, #tpu.memory_space<hbm>>
    %dma_start3A_428 = arith.constant 19200 : i32
    %dma_start3A_429 = tpu.memref_slice %arg4[%dma_start3A_421, %add3A_234, %dma_start3A_428] : memref<8x64x25600xf32, #tpu.memory_space<hbm>> -> memref<1x1x6400xf32, #tpu.memory_space<hbm>>
    %dma_start3A_430 = tpu.memref_squeeze %dma_start3A_429 : memref<1x1x6400xf32, #tpu.memory_space<hbm>> -> memref<6400xf32, #tpu.memory_space<hbm>>
    %dma_start3A_431 = arith.constant 0 : i32
    %dma_start3A_432 = tpu.memref_slice %arg7[%dma_start3A_420, %dma_start3A_431] : memref<2x6400xf32, #tpu.memory_space<vmem>> -> memref<1x6400xf32, #tpu.memory_space<vmem>>
    %dma_start3A_433 = tpu.memref_squeeze %dma_start3A_432 : memref<1x6400xf32, #tpu.memory_space<vmem>> -> memref<6400xf32, #tpu.memory_space<vmem>>
    tpu.enqueue_dma source(%dma_start3A_433 : memref<6400xf32, #tpu.memory_space<vmem>>) target(%dma_start3A_430 : memref<6400xf32, #tpu.memory_space<hbm>>) target_semaphore(%arg11 : memref<!tpu.dma_semaphore, #tpu.memory_space<semaphore_mem>>)
    %dma_wait3A_434 = arith.constant 0 : i32
    %dma_wait3A_435 = arith.constant 0 : i32
    %dma_wait3A_436 = arith.constant 0 : i32
    %dma_wait3A_437 = arith.constant 0 : i32
    %dma_wait3A_438 = tpu.memref_slice %arg7[%dma_wait3A_434, %dma_wait3A_437] : memref<2x6400xf32, #tpu.memory_space<vmem>> -> memref<1x6400xf32, #tpu.memory_space<vmem>>
    %dma_wait3A_439 = tpu.memref_squeeze %dma_wait3A_438 : memref<1x6400xf32, #tpu.memory_space<vmem>> -> memref<6400xf32, #tpu.memory_space<vmem>>
    %dma_wait3A_440 = arith.constant 0 : i32
    %dma_wait3A_441 = tpu.memref_slice %arg4[%dma_wait3A_435, %dma_wait3A_436, %dma_wait3A_440] : memref<8x64x25600xf32, #tpu.memory_space<hbm>> -> memref<1x1x6400xf32, #tpu.memory_space<hbm>>
    %dma_wait3A_442 = tpu.memref_squeeze %dma_wait3A_441 : memref<1x1x6400xf32, #tpu.memory_space<hbm>> -> memref<6400xf32, #tpu.memory_space<hbm>>
    %dma_wait3A_443 = arith.constant 0 : i32
    %dma_wait3A_444 = tpu.memref_slice %arg4[%dma_wait3A_435, %dma_wait3A_436, %dma_wait3A_443] : memref<8x64x25600xf32, #tpu.memory_space<hbm>> -> memref<1x1x6400xf32, #tpu.memory_space<hbm>>
    %dma_wait3A_445 = tpu.memref_squeeze %dma_wait3A_444 : memref<1x1x6400xf32, #tpu.memory_space<hbm>> -> memref<6400xf32, #tpu.memory_space<hbm>>
    %dma_wait3A_446 = arith.constant 0 : i32
    %dma_wait3A_447 = tpu.memref_slice %arg7[%dma_wait3A_434, %dma_wait3A_446] : memref<2x6400xf32, #tpu.memory_space<vmem>> -> memref<1x6400xf32, #tpu.memory_space<vmem>>
    %dma_wait3A_448 = tpu.memref_squeeze %dma_wait3A_447 : memref<1x6400xf32, #tpu.memory_space<vmem>> -> memref<6400xf32, #tpu.memory_space<vmem>>
    tpu.wait_dma2 semaphore(%arg10 : memref<!tpu.dma_semaphore, #tpu.memory_space<semaphore_mem>>) src(%dma_wait3A_448 : memref<6400xf32, #tpu.memory_space<vmem>>) dst(%dma_wait3A_445 : memref<6400xf32, #tpu.memory_space<hbm>>)
    %dma_wait3A_449 = arith.constant 1 : i32
    %dma_wait3A_450 = arith.constant 0 : i32
    %dma_wait3A_451 = arith.constant 0 : i32
    %dma_wait3A_452 = arith.constant 0 : i32
    %dma_wait3A_453 = tpu.memref_slice %arg7[%dma_wait3A_449, %dma_wait3A_452] : memref<2x6400xf32, #tpu.memory_space<vmem>> -> memref<1x6400xf32, #tpu.memory_space<vmem>>
    %dma_wait3A_454 = tpu.memref_squeeze %dma_wait3A_453 : memref<1x6400xf32, #tpu.memory_space<vmem>> -> memref<6400xf32, #tpu.memory_space<vmem>>
    %dma_wait3A_455 = arith.constant 0 : i32
    %dma_wait3A_456 = tpu.memref_slice %arg4[%dma_wait3A_450, %dma_wait3A_451, %dma_wait3A_455] : memref<8x64x25600xf32, #tpu.memory_space<hbm>> -> memref<1x1x6400xf32, #tpu.memory_space<hbm>>
    %dma_wait3A_457 = tpu.memref_squeeze %dma_wait3A_456 : memref<1x1x6400xf32, #tpu.memory_space<hbm>> -> memref<6400xf32, #tpu.memory_space<hbm>>
    %dma_wait3A_458 = arith.constant 0 : i32
    %dma_wait3A_459 = tpu.memref_slice %arg4[%dma_wait3A_450, %dma_wait3A_451, %dma_wait3A_458] : memref<8x64x25600xf32, #tpu.memory_space<hbm>> -> memref<1x1x6400xf32, #tpu.memory_space<hbm>>
    %dma_wait3A_460 = tpu.memref_squeeze %dma_wait3A_459 : memref<1x1x6400xf32, #tpu.memory_space<hbm>> -> memref<6400xf32, #tpu.memory_space<hbm>>
    %dma_wait3A_461 = arith.constant 0 : i32
    %dma_wait3A_462 = tpu.memref_slice %arg7[%dma_wait3A_449, %dma_wait3A_461] : memref<2x6400xf32, #tpu.memory_space<vmem>> -> memref<1x6400xf32, #tpu.memory_space<vmem>>
    %dma_wait3A_463 = tpu.memref_squeeze %dma_wait3A_462 : memref<1x6400xf32, #tpu.memory_space<vmem>> -> memref<6400xf32, #tpu.memory_space<vmem>>
    tpu.wait_dma2 semaphore(%arg11 : memref<!tpu.dma_semaphore, #tpu.memory_space<semaphore_mem>>) src(%dma_wait3A_463 : memref<6400xf32, #tpu.memory_space<vmem>>) dst(%dma_wait3A_460 : memref<6400xf32, #tpu.memory_space<hbm>>)
    return
  }
}

</mosaic_0001>

<sc_bundles>
// kernel: kernel.3.cloned.1.call-start
scs
__scs_entry_jumppad:
0x0: {  	(pc) =	sbr.rel $0x88, $3  }
0x1: {  	(tag) =	ssettag $0x0;
	lr =	simm.s32 $0x1  }
0x2: {  	[smem:$0x3F9F] =	sst lr;
	_ =	strace $0xD0000000  }
0x3: {  	_ = 	snop  }
0x4: {  	_ = 	snop  }
0x5: {  	_ = 	snop  }
0x6: {  	_ = 	snop  }
0x7: {  	_ = 	snop  }
__scs_overlays_trampoline_lowered:
0x8: {  	[smem:$0x3FAE] =	sst s0  }
0x9: {  	[smem:$0x3FAF] =	sst s1  }
0xa: {  	[smem:$0x3FB0] =	sst s2  }
0xb: {  	[smem:$0x3FB1] =	sst s3  }
0xc: {  	[smem:$0x3FB2] =	sst s4  }
0xd: {  	[smem:$0x3FB3] =	sst s5  }
0xe: {  	[smem:$0x3FB4] =	sst s6  }
0xf: {  	[smem:$0x3FB5] =	sst s7  }
0x10: {  	[smem:$0x3FB6] =	sst s8  }
0x11: {  	[smem:$0x3FB7] =	sst s9;
	s0 =	simm.s32 @!p0 $0x0  }
0x12: {  	s1 =	sld [smem:$0x3F9D];
	s0 =	simm.s32 @p0 $0x1  }
0x13: {  	[smem:$0x3FB8] =	sst s0;
	s0 =	simm.s32 @!p1 $0x0  }
0x14: {  	s2 =	sld [smem:$0x3F9C];
	s0 =	simm.s32 @p1 $0x1  }
0x15: {  	[smem:$0x3FB9] =	sst s0;
	s0 =	simm.s32 @!p2 $0x0  }
0x16: {  	s3 =	sld [smem:$0x3FDB];
	s0 =	simm.s32 @p2 $0x1  }
0x17: {  	s4 =	simm.s32 $0x1BF5;
	[smem:$0x3FBB] =	sst s0  }
0x18: {  	s0 =	sld [smem:$0x3F9E];
	_ =	swait.ge [sflag:s4], $0x0  }
0x19: {  	s7 =	sld [smem:$0x3F9F]  }
0x1a: {  	s8 =	sadd.s32 $0xFFFFE003, lr  }
0x1b: {  	s9 =	sadd.s32 $0xFFFFFEF7, lr;
	s5 =	simm.s32 $0xFFFFFFFF;
	p2 =	slt.u32 s8, $0xFFFFF086  }
0x1c: {  	p1 =	slt.u32 s9, $0xF7A;
	s5 =	simm.s32 @!p2 $0x0  }
0x1d: {  	s5 =	simm.s32 @p1 $0x1;
	p0 =	seq.s32 s7, s2  }
0x1e: {  	s7 =	smul.u32 @!p0 $0xF7A, s2;
	p2 =	seq.s32 @!p0 s5, $0x0  }
0x1f: {  	s9 =	smul.u32 $0xF7A, s1;
	s8 =	simm.s32 @!p0 $0x1BF5;
	p2 =	por !p2, p0  }
0x20: {  	[sflag:s8] =	ssyncset.s32 @!p0 $0xFFFFF086;
	s6 =	sadd.s32 @!p0 s3, s7;
	s7 =	simm.s32 @!p0 $0x108  }
0x21: {  	s3 =	sadd.s32 s3, s9;
	s6 =	sadd.s32 @!p0 $0x88, s6;
	s7 =	simm.s32 @p2 $0x1082  }
0x22: {  	[simem:s7], [sflag:s8] =	dma.local @!p0 [hbm:s6], $0xF7A  }
0x23: {  	s9 =	sor.u32 $0xD0000000, s2;
	s6 =	simm.s32 $0x108;
	_ =	swait.ge @!p0 [sflag:s8], $0x0  }
0x24: {  	s3 =	sadd.s32 $0x88, s3;
	s6 =	simm.s32 @!p1 $0x1082;
	[sflag:s4] =	ssyncset.s32 $0xFFFFF086  }
0x25: {  	[simem:s6], [sflag:s4] =	dma.local [hbm:s3], $0xF7A  }
0x26: {  	[smem:$0x3F9F] =	sst s1;
	(tag) =	ssettag s2;
	_ =	strace s9  }
0x27: {  	s1 =	sld [smem:$0x3FAF]  }
0x28: {  	s2 =	sld [smem:$0x3FB0]  }
0x29: {  	s4 =	sld [smem:$0x3FB2]  }
0x2a: {  	p0 =	seq.s32 s5, $0x0;
	s5 =	sld [smem:$0x3FB3]  }
0x2b: {  	s6 =	sld [smem:$0x3FB4]  }
0x2c: {  	s7 =	sld [smem:$0x3FB5]  }
0x2d: {  	s3 =	simm.s32 $0x108;
	s8 =	sld [smem:$0x3FB6]  }
0x2e: {  	s3 =	simm.s32 @!p0 $0x1082;
	s9 =	sld [smem:$0x3FB7]  }
0x2f: {  	lr =	sadd.s32 s0, s3;
	s0 =	sld [smem:$0x3FAE]  }
0x30: {  	s3 =	sld [smem:$0x3FB1]  }
0x31: {  	[smem:$0x3FBA] =	sst s10  }
0x32: {  	s10 =	sld [smem:$0x3FB8];
	_ =	sdelay $0x3  }
0x33: {  	p0 =	seq.s32 s10, $0x1;
	s10 =	sld [smem:$0x3FBA];
	_ =	sdelay $0x3  }
0x34: {  	[smem:$0x3FBA] =	sst s10  }
0x35: {  	s10 =	sld [smem:$0x3FB9];
	_ =	sdelay $0x3  }
0x36: {  	p1 =	seq.s32 s10, $0x1;
	s10 =	sld [smem:$0x3FBA];
	_ =	sdelay $0x3  }
0x37: {  	[smem:$0x3FBA] =	sst s10  }
0x38: {  	s10 =	sld [smem:$0x3FBB]  }
0x39: {  	_ = 	snop;
	(pc) =	sbr.ind lr, $3  }
0x3a: {  	_ = 	snop  }
0x3b: {  	_ = 	snop  }
0x3c: {  	p2 =	seq.s32 s10, $0x1;
	s10 =	sld [smem:$0x3FBA]  }
0x3d: {  	_ =	shalt  }
0x3e: {  	_ =	shalt  }
0x3f: {  	_ =	shalt  }
0x40: {  	_ =	shalt  }
0x41: {  	_ =	shalt  }
0x42: {  	_ =	shalt  }
0x43: {  	_ =	shalt  }
0x44: {  	_ =	shalt  }
0x45: {  	_ =	shalt  }
0x46: {  	_ =	shalt  }
0x47: {  	_ =	shalt  }
0x48: {  	_ =	shalt  }
0x49: {  	_ =	shalt  }
0x4a: {  	_ =	shalt  }
0x4b: {  	_ =	shalt  }
0x4c: {  	_ =	shalt  }
0x4d: {  	_ =	shalt  }
0x4e: {  	_ =	shalt  }
0x4f: {  	_ =	shalt  }
0x50: {  	_ =	shalt  }
0x51: {  	_ =	shalt  }
0x52: {  	_ =	shalt  }
0x53: {  	_ =	shalt  }
0x54: {  	_ =	shalt  }
0x55: {  	_ =	shalt  }
0x56: {  	_ =	shalt  }
0x57: {  	_ =	shalt  }
0x58: {  	_ =	shalt  }
0x59: {  	_ =	shalt  }
0x5a: {  	_ =	shalt  }
0x5b: {  	_ =	shalt  }
0x5c: {  	_ =	shalt  }
0x5d: {  	_ =	shalt  }
0x5e: {  	_ =	shalt  }
0x5f: {  	_ =	shalt  }
0x60: {  	_ =	shalt  }
0x61: {  	_ =	shalt  }
0x62: {  	_ =	shalt  }
0x63: {  	_ =	shalt  }
0x64: {  	_ =	shalt  }
0x65: {  	_ =	shalt  }
0x66: {  	_ =	shalt  }
0x67: {  	_ =	shalt  }
0x68: {  	_ =	shalt  }
0x69: {  	_ =	shalt  }
0x6a: {  	_ =	shalt  }
0x6b: {  	_ =	shalt  }
0x6c: {  	_ =	shalt  }
0x6d: {  	_ =	shalt  }
0x6e: {  	_ =	shalt  }
0x6f: {  	_ =	shalt  }
0x70: {  	_ =	shalt  }
0x71: {  	_ =	shalt  }
0x72: {  	_ =	shalt  }
0x73: {  	_ =	shalt  }
0x74: {  	_ =	shalt  }
0x75: {  	_ =	shalt  }
0x76: {  	_ =	shalt  }
0x77: {  	_ =	shalt  }
0x78: {  	_ =	shalt  }
0x79: {  	_ =	shalt  }
0x7a: {  	_ =	shalt  }
0x7b: {  	_ =	shalt  }
0x7c: {  	_ =	shalt  }
0x7d: {  	_ =	shalt  }
0x7e: {  	_ =	shalt  }
0x7f: {  	_ =	shalt  }
0x80: {  	_ =	shalt  }
0x81: {  	_ =	shalt  }
0x82: {  	_ =	shalt  }
0x83: {  	_ =	shalt  }
0x84: {  	_ =	shalt  }
0x85: {  	_ =	shalt  }
0x86: {  	_ =	shalt  }
0x87: {  	_ =	shalt  }
.Lfunc_end0:
.L_simem_size_0:
called_computation_lowered:
.L_overlay_start_0:
0x88: {  	s2 =	sld [smem:$0x3FD9]  }
0x89: {  	s3 =	sld [smem:$0x3FFE];
	_ =	sdelay $0x1  }
0x8a: {  	s1 =	srdreg.scid  }
0x8b: {  	s0 =	sand.u32 $0x1, s1  }
0x8c: {  	s17 =	sshll.u32 s0, $0xA;
	s2 =	sadd.s32 s3, s2  }
0x8d: {  	s2 =	sadd.s32 s2, s17  }
0x8e: {  	[smem:$0x3FC6] =	sst s2  }
0x8f: {  	_ = 	snop  }
0x90: {  	s2 =	sld [smem:$0x3FC8]  }
0x91: {  	s18 =	sld [smem:$0x3FD0];
	(tm) =	ssettm $0x1  }
0x92: {  	s4 =	sld [smem:$0x3FFB];
	_ =	sdelay $0x3  }
0x93: {  	_ =	strace s4  }
0x94: {  	s4 =	sld [smem:$0x3FFC];
	_ =	sdelay $0x3  }
0x95: {  	_ =	strace s4  }
0x96: {  	s4 =	sld [smem:$0x3FFD];
	_ =	sdelay $0x3  }
0x97: {  	_ =	strace s4  }
0x98: {  	_ =	strace $0x8FFFFFFF  }
0x99: {  	s19 =	sld [smem:$0x3FDB];
	_ =	sdelay $0x1  }
0x9a: {  	s5 =	simm.s32 $_scs_section_size  }
0x9b: {  	s6 =	simm.s32 $_size__tile_overlayer_lowered;
	s7 =	simm.s32 $_tile_overlayer_lowered  }
0x9c: {  	s22 =	simm.s32 $0x1BFF;
	s21 =	sshll.u32 s7, $0x1;
	s4 =	sadd.s32 s5, s19  }
0x9d: {  	s8 =	simm.s32 $0x0;
	s20 =	sshll.u32 s6, $0x1;
	s6 =	sadd.s32 s21, s4  }
0x9e: {  	[timem:s8], [sflag:s22] =	dma.local [hbm:s6], s20  }
0x9f: {  	_ =	swait.ge [sflag:s22], s20  }
0xa0: {  	s5 =	ssub.s32 $0x0, s20;
	[sflag:s22] =	ssyncset.done $0x0  }
0xa1: {  	[sflag:s22] =	ssyncadd.s32 s5;
	_ =	sdelay $0x1  }
0xa2: {  	s23 =	simm.s32 $0x1B8B  }
0xa3: {  	_ =	swait.ge [sflag:s23], $0x1  }
0xa4: {  	[sflag:s23] =	ssyncset.done $0x0  }
0xa5: {  	s25 =	simm.s32 $0x1B8E;
	s24 =	sld [smem:$0x3FFE];
	[sflag:s23] =	ssyncadd.s32 $0xFFFFFFFF  }
0xa6: {  	s26 =	simm.s32 $execute0_lowered;
	[smem:$0x3FD2] =	sst s25  }
0xa7: {  	s6 =	sshll.u32 s26, $0x1;
	_ =	strace $0x80000046;
	[dreg:$0x1] =	wrdreg $0xFFFFFFFF  }
0xa8: {  	s28 =	simm.s32 $_size_execute0_lowered;
	s4 =	sadd.s32 s4, s6;
	[dreg:$0x0] =	wrdreg $0x0  }
0xa9: {  	s6 =	sshll.u32 s28, $0x1;
	[dreg:$0x2] =	wrdreg s4  }
0xaa: {  	[dreg:$0x3] =	wrdreg s6  }
0xab: {  	[dreg:$0x4] =	wrdreg $0xC0  }
0xac: {  	_ =	task [dreg:s8], $0x5FFFF  }
0xad: {  	[dreg:$0x1] =	wrdreg $0xFFFFFFFF  }
0xae: {  	[dreg:$0x0] =	wrdreg $0x60  }
0xaf: {  	[dreg:$0x2] =	wrdreg s2  }
0xb0: {  	[dreg:$0x3] =	wrdreg s24  }
0xb1: {  	[dreg:$0x4] =	wrdreg s18  }
0xb2: {  	[dreg:$0x5] =	wrdreg $0x9  }
0xb3: {  	_ =	task.clear_ibuf [dreg:s8], $0x6FFFF;
	_ =	strace $0x90000046  }
0xb4: {  	s29 =	simm.s32 $0x9;
	_ =	strace $0x80000048  }
0xb5: {  	_ =	swait.ge [sflag:s29], $0x1  }
0xb6: {  	[sflag:s29] =	ssyncadd.s32 $0xFFFFFFFF  }
0xb7: {  	_ =	strace $0x90000048  }
0xb8: {  	_ =	sfence  }
0xb9: {  	s30 =	sld [smem:$0x0];
	_ =	sdelay $0x2  }
0xba: {  	s31 =	sshll.u32 s1, $0xD;
	s1 =	sshrl.u32 s1, $0x2  }
0xbb: {  	s3 =	sand.u32 $0x4000, s31;
	s1 =	sadd.s32 s1, s30  }
0xbc: {  	s0 =	sor.u32 s3, s0;
	s1 =	sshll.u32 s1, $0x11  }
0xbd: {  	s0 =	sor.u32 s1, s0  }
0xbe: {  	s0 =	sadd.s32 $0x8F2B, s0  }
0xbf: {  	[sflag:s0] =	ssyncadd.remote.s32 $0x1  }
0xc0: {  	_ =	sfence.sel $0xFFFF  }
0xc1: {  	[dreg:$0x0] =	wrdreg $0xFFFFFFFF;
	(pc) =	sbr.abs _section_cstart, $3  }
0xc2: {  	[dreg:$0x1] =	wrdreg $0xFFFFFFFF  }
0xc3: {  	_ =	task.clear_ibuf [dreg:s8], $0x2FFFF;
	_ =	strace $0x9FFFFFFF  }
0xc4: {  	(tm) =	ssettm $0x7FFFFFFF  }
0xc5: {  	_ =	shalt  }
tec
execute0_lowered:
.L_overlay_start_1:
0x0: {  	(tag) =	ssettag $0x1  }
0x1: {  	s0 =	rddreg [dreg:$0x0]  }
0x2: {  	s2 =	rddreg [dreg:$0x1]  }
0x3: {  	s1 =	rddreg [dreg:$0x2]  }
0x4: {  	s3 =	simm.s32 $0x0;
	s4 =	srdreg.scid;
	s6 =	stileid.u32  }
0x5: {  	s28 =	simm.s32 $0x4;
	s29 =	simm.s32 $0x0;
	[smem:$0x7FF] =	sst s3  }
0x6: {  	s5 =	sand.u32 $0x1, s4;
	s21 =	sshll.u32 s6, $0x9;
	s6 =	sshrl.u32 s6, $0x1  }
0x7: {  	s7 =	sshll.u32 s5, $0x8;
	s4 =	sand.u32 $0x200, s21;
	s13 =	smul.u32 $0xC3800, s6  }
0x8: {  	_ =	strace $0x80000047;
	s5 =	ssub.s32 $0x2, s5;
	s15 =	smul.u32 $0x32000, s6  }
0x9: {  	s6 =	sadd.s32 $0x720, s2;
	s14 =	sor.u32 s7, s4;
	s8 =	sshrl.u32 s5, $0x1  }
0xa: {  	s4 =	sadd.s32 $0x400, s2;
	s7 =	sor.u32 s13, s14;
	s5 =	ssub.s32 s5, s8  }
0xb: {  	s8 =	sor.u32 s15, s14;
	s17 =	sadd.s32 $0xC800, s15;
	s18 =	sadd.s32 $0xB09000, s15  }
0xc: {  	s24 =	sadd.s32 $0xB15800, s15;
	s19 =	sor.u32 $0x80, s14;
	s7 =	sshrl.u32 s7, $0x3  }
0xd: {  	s9 =	sshrl.u32 s8, $0x3;
	s10 =	sor.u32 s14, s17;
	s12 =	sor.u32 s14, s18  }
0xe: {  	s14 =	sor.u32 s14, s24;
	s16 =	sor.u32 s13, s19;
	s13 =	sor.u32 s15, s19  }
0xf: {  	s30 =	sor.u32 s17, s19;
	s31 =	sor.u32 s18, s19;
	s20 =	smax.u32 s5, $0x1  }
0x10: {  	s22 =	sadd.s32 s0, s7;
	s7 =	sadd.s32 $0xA40, s2;
	s9 =	sadd.s32 s1, s9  }
0x11: {  	s11 =	sshrl.u32 s10, $0x3;
	s10 =	sadd.s32 $0xD60, s2;
	s23 =	sshrl.u32 s12, $0x3  }
0x12: {  	s14 =	sshrl.u32 s14, $0x3;
	s25 =	sshrl.u32 s16, $0x3;
	s26 =	sshrl.u32 s13, $0x3  }
0x13: {  	s2 =	sor.u32 s24, s19;
	s15 =	sshrl.u32 s31, $0x3;
	s24 =	simm.s32 $0x1  }
0x14: {  	[dreg:$0x4] =	wrdreg s22;
	s11 =	sadd.s32 s1, s11;
	s12 =	sadd.s32 s1, s23  }
0x15: {  	s14 =	sadd.s32 s1, s14;
	s0 =	sadd.s32 s0, s25;
	s16 =	sadd.s32 s1, s26  }
0x16: {  	s2 =	sshrl.u32 s2, $0x3;
	s18 =	sadd.s32 s1, s15;
	s23 =	simm.s32 $0x5  }
0x17: {  	s25 =	simm.s32 $0x2;
	[dreg:$0x5] =	wrdreg s0;
	s0 =	sshrl.u32 s30, $0x3  }
0x18: {  	s26 =	simm.s32 $0x3;
	s19 =	sadd.s32 s1, s2;
	s17 =	sadd.s32 s1, s0  }
.LBB2_1:
0x19: {  	s0 =	rddreg [dreg:$0x4];
	s2 =	simm.s32 $0x80;
	s5 =	simm.s32 $0x400  }
0x1a: {  	[tilespmem:s3], [sflag:$0x5] =	stream.strided.gather [hbm4b:s0+s2], $0x18700, s5, s2, $0x38;
	[tilespmem:$0x1EB00] =	vst v63  }
0x1b: {  	_ =	swait.ge [sflag:s23], $0x18700  }
0x1c: {  	s21 =	simm.s32 $0x18800;
	s0 =	simm.s32 $0x18700;
	[sflag:s23] =	ssyncset.done $0x0  }
0x1d: {  	s2 =	simm.s32 $0x10;
	s5 =	sadd.s32 $0x0, s4;
	[sflag:s23] =	ssyncadd.s32 $0xFFFE7900  }
.LBB2_2:
0x1e: {  	[tilespmem:s0], [sflag:$0x1] =	stream.linear.gather [hbm4b:s5+s3], $0x80, $0x38;
	[tilespmem:$0x1EB00] =	vst v63  }
0x1f: {  	s5 =	smov.u32 s2;
	s0 =	smov.u32 s21;
	p0 =	sne.s32 s2, $0x310  }
.Ltmp0:
0x20: {  	s2 =	sadd.s32 $0x10, s2;
	(pc) =	sbr.rel @p0 .LBB2_2-.Ltmp0, $2  }
0x21: {  	_ =	sdelay $0x2  }
0x22: {  	s21 =	sadd.s32 $0x100, s21;
	s5 =	sadd.s32 s5, s4  }
0x23: {  	[tilespmem:s0], [sflag:$0x1] =	stream.linear.gather [hbm4b:s5+s3], $0x80, $0x38;
	[tilespmem:$0x1EB00] =	vst v63  }
0x24: {  	s0 =	simm.s32 $0x18780  }
0x25: {  	s2 =	simm.s32 $0x10;
	s5 =	sadd.s32 $0x0, s6;
	s21 =	simm.s32 $0x18880  }
.LBB2_4:
0x26: {  	[tilespmem:s0], [sflag:$0x2] =	stream.linear.gather [hbm4b:s5+s3], $0x80, $0x38;
	[tilespmem:$0x1EB00] =	vst v63  }
0x27: {  	s5 =	smov.u32 s2;
	s0 =	smov.u32 s21;
	p0 =	sne.s32 s2, $0x310  }
.Ltmp1:
0x28: {  	s2 =	sadd.s32 $0x10, s2;
	(pc) =	sbr.rel @p0 .LBB2_4-.Ltmp1, $2  }
0x29: {  	_ =	sdelay $0x2  }
0x2a: {  	s21 =	sadd.s32 $0x100, s21;
	s5 =	sadd.s32 s5, s6  }
0x2b: {  	[tilespmem:s0], [sflag:$0x2] =	stream.linear.gather [hbm4b:s5+s3], $0x80, $0x38;
	[tilespmem:$0x1EB00] =	vst v63  }
0x2c: {  	_ =	swait.ge [sflag:s24], $0x1900  }
0x2d: {  	[sflag:s24] =	ssyncset.done $0x0  }
0x2e: {  	s0 =	simm.s32 $0x0;
	[sflag:s24] =	ssyncadd.s32 $0xFFFFE700  }
0x2f: {  	v0 =	vld [tilespmem:s0+$0x18700];
	_ =	sdelay $0x5  }
0x30: {  	v1 =	vld [tilespmem:s0+$0x18710];
	_ =	sdelay $0x1  }
0x31: {  	v0 =	vld.idx.msk [tilespmem:v0+s3+$0x0], $0xffff;
	_ =	sdelay $0x4  }
0x32: {  	[tilespmem:s0+$0x1B900] =	vst v0;
	v0 =	vld [tilespmem:s0+$0x18720]  }
0x33: {  	v1 =	vld.idx.msk [tilespmem:v1+s3+$0x0], $0xffff;
	_ =	sdelay $0x4  }
0x34: {  	[tilespmem:s0+$0x1B910] =	vst v1;
	v1 =	vld [tilespmem:s0+$0x18730];
	_ =	sdelay $0x1  }
0x35: {  	v0 =	vld.idx.msk [tilespmem:v0+s3+$0x0], $0xffff;
	_ =	sdelay $0x4  }
0x36: {  	[tilespmem:s0+$0x1B920] =	vst v0;
	v0 =	vld [tilespmem:s0+$0x18740]  }
0x37: {  	v1 =	vld.idx.msk [tilespmem:v1+s3+$0x0], $0xffff;
	_ =	sdelay $0x4  }
0x38: {  	[tilespmem:s0+$0x1B930] =	vst v1;
	v1 =	vld [tilespmem:s0+$0x18750];
	_ =	sdelay $0x1  }
0x39: {  	v0 =	vld.idx.msk [tilespmem:v0+s3+$0x0], $0xffff;
	_ =	sdelay $0x4  }
0x3a: {  	[tilespmem:s0+$0x1B940] =	vst v0;
	v0 =	vld [tilespmem:s0+$0x18760]  }
0x3b: {  	v1 =	vld.idx.msk [tilespmem:v1+s3+$0x0], $0xffff;
	_ =	sdelay $0x4  }
0x3c: {  	[tilespmem:s0+$0x1B950] =	vst v1;
	v1 =	vld [tilespmem:s0+$0x18770];
	_ =	sdelay $0x1  }
0x3d: {  	v0 =	vld.idx.msk [tilespmem:v0+s3+$0x0], $0xffff;
	_ =	sdelay $0x4  }
0x3e: {  	[tilespmem:s0+$0x1B960] =	vst v0;
	v0 =	vld [tilespmem:s0+$0x18800]  }
0x3f: {  	v1 =	vld.idx.msk [tilespmem:v1+s3+$0x0], $0xffff;
	_ =	sdelay $0x4  }
0x40: {  	[tilespmem:s0+$0x1B970] =	vst v1;
	v1 =	vld [tilespmem:s0+$0x18810];
	_ =	sdelay $0x1  }
0x41: {  	v0 =	vld.idx.msk [tilespmem:v0+s3+$0x0], $0xffff;
	_ =	sdelay $0x4  }
0x42: {  	[tilespmem:s0+$0x1BA00] =	vst v0;
	v0 =	vld [tilespmem:s0+$0x18820]  }
0x43: {  	v1 =	vld.idx.msk [tilespmem:v1+s3+$0x0], $0xffff;
	_ =	sdelay $0x4  }
0x44: {  	[tilespmem:s0+$0x1BA10] =	vst v1;
	v1 =	vld [tilespmem:s0+$0x18830];
	_ =	sdelay $0x1  }
0x45: {  	v0 =	vld.idx.msk [tilespmem:v0+s3+$0x0], $0xffff;
	_ =	sdelay $0x4  }
0x46: {  	[tilespmem:s0+$0x1BA20] =	vst v0;
	v0 =	vld [tilespmem:s0+$0x18840]  }
0x47: {  	v1 =	vld.idx.msk [tilespmem:v1+s3+$0x0], $0xffff;
	_ =	sdelay $0x4  }
0x48: {  	[tilespmem:s0+$0x1BA30] =	vst v1;
	v1 =	vld [tilespmem:s0+$0x18850];
	_ =	sdelay $0x1  }
0x49: {  	v0 =	vld.idx.msk [tilespmem:v0+s3+$0x0], $0xffff;
	_ =	sdelay $0x4  }
0x4a: {  	v2 =	vld [tilespmem:s0+$0x18860];
	[tilespmem:s0+$0x1BA40] =	vst v0  }
0x4b: {  	v0 =	vld.idx.msk [tilespmem:v1+s3+$0x0], $0xffff;
	_ =	sdelay $0x4  }
0x4c: {  	[tilespmem:s0+$0x1BA50] =	vst v0;
	v0 =	vld [tilespmem:s0+$0x18870];
	_ =	sdelay $0x1  }
0x4d: {  	v1 =	vld.idx.msk [tilespmem:v2+s3+$0x0], $0xffff;
	_ =	sdelay $0x3  }
0x4e: {  	s21 =	simm.s32 $0x200;
	s2 =	simm.s32 $0x1000  }
.LBB2_6:
0x4f: {  	p0 =	sne.s32 s2, $0xC000;
	v2 =	vld [tilespmem:s21+$0x18700];
	[tilespmem:s0+$0x1BA60] =	vst v1  }
0x50: {  	v0 =	vld.idx.msk [tilespmem:v0+s3+$0x0], $0xffff;
	_ =	sdelay $0x5  }
0x51: {  	v1 =	vld [tilespmem:s21+$0x18710];
	[tilespmem:s0+$0x1BA70] =	vst v0;
	s0 =	smov.u32 s21  }
0x52: {  	v0 =	vld.idx.msk [tilespmem:v2+s3+$0x0], $0xffff;
	_ =	sdelay $0x5  }
0x53: {  	[tilespmem:s0+$0x1B900] =	vst v0;
	v0 =	vld [tilespmem:s0+$0x18720]  }
0x54: {  	v1 =	vld.idx.msk [tilespmem:v1+s3+$0x0], $0xffff;
	_ =	sdelay $0x5  }
0x55: {  	[tilespmem:s0+$0x1B910] =	vst v1;
	v1 =	vld [tilespmem:s0+$0x18730]  }
0x56: {  	v0 =	vld.idx.msk [tilespmem:v0+s3+$0x0], $0xffff;
	_ =	sdelay $0x5  }
0x57: {  	[tilespmem:s0+$0x1B920] =	vst v0;
	v0 =	vld [tilespmem:s0+$0x18740]  }
0x58: {  	v1 =	vld.idx.msk [tilespmem:v1+s3+$0x0], $0xffff;
	_ =	sdelay $0x5  }
0x59: {  	[tilespmem:s0+$0x1B930] =	vst v1;
	v1 =	vld [tilespmem:s0+$0x18750]  }
0x5a: {  	v0 =	vld.idx.msk [tilespmem:v0+s3+$0x0], $0xffff;
	_ =	sdelay $0x5  }
0x5b: {  	[tilespmem:s0+$0x1B940] =	vst v0;
	v0 =	vld [tilespmem:s0+$0x18760]  }
0x5c: {  	v1 =	vld.idx.msk [tilespmem:v1+s3+$0x0], $0xffff;
	_ =	sdelay $0x5  }
0x5d: {  	[tilespmem:s0+$0x1B950] =	vst v1;
	v1 =	vld [tilespmem:s0+$0x18770]  }
0x5e: {  	v0 =	vld.idx.msk [tilespmem:v0+s3+$0x0], $0xffff;
	_ =	sdelay $0x5  }
0x5f: {  	[tilespmem:s0+$0x1B960] =	vst v0;
	v0 =	vld [tilespmem:s0+$0x18800]  }
0x60: {  	v1 =	vld.idx.msk [tilespmem:v1+s3+$0x0], $0xffff;
	_ =	sdelay $0x5  }
0x61: {  	[tilespmem:s0+$0x1B970] =	vst v1;
	v1 =	vld [tilespmem:s0+$0x18810]  }
0x62: {  	v0 =	vld.idx.msk [tilespmem:v0+s3+$0x0], $0xffff;
	_ =	sdelay $0x5  }
0x63: {  	[tilespmem:s0+$0x1BA00] =	vst v0;
	v0 =	vld [tilespmem:s0+$0x18820]  }
0x64: {  	v1 =	vld.idx.msk [tilespmem:v1+s3+$0x0], $0xffff;
	_ =	sdelay $0x5  }
0x65: {  	[tilespmem:s0+$0x1BA10] =	vst v1;
	v1 =	vld [tilespmem:s0+$0x18830]  }
0x66: {  	v0 =	vld.idx.msk [tilespmem:v0+s3+$0x0], $0xffff;
	_ =	sdelay $0x5  }
0x67: {  	[tilespmem:s0+$0x1BA20] =	vst v0;
	v0 =	vld [tilespmem:s0+$0x18840]  }
0x68: {  	v1 =	vld.idx.msk [tilespmem:v1+s3+$0x0], $0xffff;
	_ =	sdelay $0x5  }
0x69: {  	[tilespmem:s0+$0x1BA30] =	vst v1;
	v1 =	vld [tilespmem:s0+$0x18850]  }
0x6a: {  	v0 =	vld.idx.msk [tilespmem:v0+s3+$0x0], $0xffff;
	_ =	sdelay $0x5  }
0x6b: {  	[tilespmem:s0+$0x1BA40] =	vst v0;
	v2 =	vld [tilespmem:s0+$0x18860]  }
0x6c: {  	v0 =	vld.idx.msk [tilespmem:v1+s3+$0x0], $0xffff;
	_ =	sdelay $0x5  }
0x6d: {  	[tilespmem:s0+$0x1BA50] =	vst v0;
	v0 =	vld [tilespmem:s0+$0x18870]  }
0x6e: {  	v1 =	vld.idx.msk [tilespmem:v2+s3+$0x0], $0xffff  }
.Ltmp2:
0x6f: {  	(pc) =	sbr.rel @p0 .LBB2_6-.Ltmp2, $2  }
0x70: {  	_ =	sdelay $0x2  }
0x71: {  	s21 =	sshra.s32 s2, $0x2;
	s2 =	sadd.s32 $0x800, s2  }
0x72: {  	_ =	sdelay $0x1  }
0x73: {  	v2 =	vld [tilespmem:s21+$0x18700]  }
0x74: {  	[tilespmem:s0+$0x1BA60] =	vst v1  }
0x75: {  	v0 =	vld.idx.msk [tilespmem:v0+s3+$0x0], $0xffff;
	_ =	sdelay $0x3  }
0x76: {  	v1 =	vld [tilespmem:s21+$0x18710]  }
0x77: {  	[tilespmem:s0+$0x1BA70] =	vst v0  }
0x78: {  	v0 =	vld.idx.msk [tilespmem:v2+s3+$0x0], $0xffff;
	_ =	sdelay $0x3  }
0x79: {  	v50 =	vld [tilespmem:s21+$0x18720]  }
0x7a: {  	[tilespmem:s21+$0x1B900] =	vst v0  }
0x7b: {  	v1 =	vld.idx.msk [tilespmem:v1+s3+$0x0], $0xffff;
	_ =	sdelay $0x3  }
0x7c: {  	v51 =	vld [tilespmem:s21+$0x18730]  }
0x7d: {  	[tilespmem:s21+$0x1B910] =	vst v1  }
0x7e: {  	v0 =	vld.idx.msk [tilespmem:v50+s3+$0x0], $0xffff;
	_ =	sdelay $0x3  }
0x7f: {  	v52 =	vld [tilespmem:s21+$0x18740]  }
0x80: {  	[tilespmem:s21+$0x1B920] =	vst v0  }
0x81: {  	v1 =	vld.idx.msk [tilespmem:v51+s3+$0x0], $0xffff;
	_ =	sdelay $0x3  }
0x82: {  	v53 =	vld [tilespmem:s21+$0x18750]  }
0x83: {  	[tilespmem:s21+$0x1B930] =	vst v1  }
0x84: {  	v0 =	vld.idx.msk [tilespmem:v52+s3+$0x0], $0xffff;
	_ =	sdelay $0x3  }
0x85: {  	v54 =	vld [tilespmem:s21+$0x18760]  }
0x86: {  	[tilespmem:s21+$0x1B940] =	vst v0  }
0x87: {  	v1 =	vld.idx.msk [tilespmem:v53+s3+$0x0], $0xffff;
	_ =	sdelay $0x3  }
0x88: {  	v55 =	vld [tilespmem:s21+$0x18770]  }
0x89: {  	[tilespmem:s21+$0x1B950] =	vst v1  }
0x8a: {  	v0 =	vld.idx.msk [tilespmem:v54+s3+$0x0], $0xffff;
	_ =	sdelay $0x3  }
0x8b: {  	v56 =	vld [tilespmem:s21+$0x18800]  }
0x8c: {  	[tilespmem:s21+$0x1B960] =	vst v0  }
0x8d: {  	v1 =	vld.idx.msk [tilespmem:v55+s3+$0x0], $0xffff;
	_ =	sdelay $0x3  }
0x8e: {  	v57 =	vld [tilespmem:s21+$0x18810]  }
0x8f: {  	[tilespmem:s21+$0x1B970] =	vst v1  }
0x90: {  	v0 =	vld.idx.msk [tilespmem:v56+s3+$0x0], $0xffff;
	_ =	sdelay $0x3  }
0x91: {  	v58 =	vld [tilespmem:s21+$0x18820]  }
0x92: {  	[tilespmem:s21+$0x1BA00] =	vst v0  }
0x93: {  	v1 =	vld.idx.msk [tilespmem:v57+s3+$0x0], $0xffff;
	_ =	sdelay $0x3  }
0x94: {  	v59 =	vld [tilespmem:s21+$0x18830]  }
0x95: {  	[tilespmem:s21+$0x1BA10] =	vst v1  }
0x96: {  	v0 =	vld.idx.msk [tilespmem:v58+s3+$0x0], $0xffff;
	_ =	sdelay $0x3  }
0x97: {  	v60 =	vld [tilespmem:s21+$0x18840]  }
0x98: {  	[tilespmem:s21+$0x1BA20] =	vst v0  }
0x99: {  	v1 =	vld.idx.msk [tilespmem:v59+s3+$0x0], $0xffff;
	_ =	sdelay $0x3  }
0x9a: {  	v61 =	vld [tilespmem:s21+$0x18850]  }
0x9b: {  	[tilespmem:s21+$0x1BA30] =	vst v1  }
0x9c: {  	v0 =	vld.idx.msk [tilespmem:v60+s3+$0x0], $0xffff;
	_ =	sdelay $0x3  }
0x9d: {  	v62 =	vld [tilespmem:s21+$0x18860]  }
0x9e: {  	[tilespmem:s21+$0x1BA40] =	vst v0  }
0x9f: {  	v1 =	vld.idx.msk [tilespmem:v61+s3+$0x0], $0xffff;
	_ =	sdelay $0x3  }
0xa0: {  	v63 =	vld [tilespmem:s21+$0x18870]  }
0xa1: {  	[tilespmem:s21+$0x1BA50] =	vst v1  }
0xa2: {  	v0 =	vld.idx.msk [tilespmem:v62+s3+$0x0], $0xffff;
	_ =	sdelay $0x4  }
0xa3: {  	[tilespmem:s21+$0x1BA60] =	vst v0  }
0xa4: {  	v0 =	vld.idx.msk [tilespmem:v63+s3+$0x0], $0xffff;
	_ =	sdelay $0x3  }
0xa5: {  	s2 =	simm.s32 $0x10  }
0xa6: {  	s5 =	sadd.s32 $0x0, s7;
	s0 =	simm.s32 $0x18700;
	[tilespmem:s21+$0x1BA70] =	vst v0;
	s21 =	simm.s32 $0x18800  }
.LBB2_8:
0xa7: {  	[tilespmem:s0], [sflag:$0x1] =	stream.linear.gather [hbm4b:s5+s3], $0x80, $0x38;
	[tilespmem:$0x1EB00] =	vst v63  }
0xa8: {  	s5 =	smov.u32 s2;
	s0 =	smov.u32 s21;
	p0 =	sne.s32 s2, $0x310  }
.Ltmp3:
0xa9: {  	s2 =	sadd.s32 $0x10, s2;
	(pc) =	sbr.rel @p0 .LBB2_8-.Ltmp3, $2  }
0xaa: {  	_ =	sdelay $0x2  }
0xab: {  	s21 =	sadd.s32 $0x100, s21;
	s5 =	sadd.s32 s5, s7  }
0xac: {  	[tilespmem:s0], [sflag:$0x1] =	stream.linear.gather [hbm4b:s5+s3], $0x80, $0x38;
	[tilespmem:$0x1EB00] =	vst v63  }
0xad: {  	s0 =	simm.s32 $0x1B900  }
0xae: {  	s2 =	simm.s32 $0x80;
	s5 =	sadd.s32 $0x0, s9;
	s21 =	simm.s32 $0x1BA00  }
.LBB2_10:
0xaf: {  	[hbm4b:s5+s3] =	stream.linear.scatter [tilespmem:s0], [sflag:$0x3], $0x80, $0x38;
	[tilespmem:$0x1EB00] =	vst v63  }
0xb0: {  	s5 =	smov.u32 s2;
	s0 =	smov.u32 s21;
	p0 =	sne.s32 s2, $0x1880  }
.Ltmp4:
0xb1: {  	s2 =	sadd.s32 $0x80, s2;
	(pc) =	sbr.rel @p0 .LBB2_10-.Ltmp4, $2  }
0xb2: {  	_ =	sdelay $0x2  }
0xb3: {  	s21 =	sadd.s32 $0x100, s21;
	s5 =	sadd.s32 s5, s9  }
0xb4: {  	[hbm4b:s5+s3] =	stream.linear.scatter [tilespmem:s0], [sflag:$0x3], $0x80, $0x38;
	[tilespmem:$0x1EB00] =	vst v63  }
0xb5: {  	_ =	swait.ge [sflag:s25], $0x1900  }
0xb6: {  	[sflag:s25] =	ssyncset.done $0x0  }
0xb7: {  	s0 =	simm.s32 $0x0;
	[sflag:s25] =	ssyncadd.s32 $0xFFFFE700  }
0xb8: {  	v0 =	vld [tilespmem:s0+$0x18780];
	_ =	sdelay $0x5  }
0xb9: {  	v1 =	vld [tilespmem:s0+$0x18790];
	_ =	sdelay $0x1  }
0xba: {  	v0 =	vld.idx.msk [tilespmem:v0+s3+$0x0], $0xffff;
	_ =	sdelay $0x4  }
0xbb: {  	[tilespmem:s0+$0x1B980] =	vst v0;
	v0 =	vld [tilespmem:s0+$0x187A0]  }
0xbc: {  	v1 =	vld.idx.msk [tilespmem:v1+s3+$0x0], $0xffff;
	_ =	sdelay $0x4  }
0xbd: {  	[tilespmem:s0+$0x1B990] =	vst v1;
	v1 =	vld [tilespmem:s0+$0x187B0];
	_ =	sdelay $0x1  }
0xbe: {  	v0 =	vld.idx.msk [tilespmem:v0+s3+$0x0], $0xffff;
	_ =	sdelay $0x4  }
0xbf: {  	[tilespmem:s0+$0x1B9A0] =	vst v0;
	v0 =	vld [tilespmem:s0+$0x187C0]  }
0xc0: {  	v1 =	vld.idx.msk [tilespmem:v1+s3+$0x0], $0xffff;
	_ =	sdelay $0x4  }
0xc1: {  	[tilespmem:s0+$0x1B9B0] =	vst v1;
	v1 =	vld [tilespmem:s0+$0x187D0];
	_ =	sdelay $0x1  }
0xc2: {  	v0 =	vld.idx.msk [tilespmem:v0+s3+$0x0], $0xffff;
	_ =	sdelay $0x4  }
0xc3: {  	[tilespmem:s0+$0x1B9C0] =	vst v0;
	v0 =	vld [tilespmem:s0+$0x187E0]  }
0xc4: {  	v1 =	vld.idx.msk [tilespmem:v1+s3+$0x0], $0xffff;
	_ =	sdelay $0x4  }
0xc5: {  	[tilespmem:s0+$0x1B9D0] =	vst v1;
	v1 =	vld [tilespmem:s0+$0x187F0];
	_ =	sdelay $0x1  }
0xc6: {  	v0 =	vld.idx.msk [tilespmem:v0+s3+$0x0], $0xffff;
	_ =	sdelay $0x4  }
0xc7: {  	[tilespmem:s0+$0x1B9E0] =	vst v0;
	v0 =	vld [tilespmem:s0+$0x18880]  }
0xc8: {  	v1 =	vld.idx.msk [tilespmem:v1+s3+$0x0], $0xffff;
	_ =	sdelay $0x4  }
0xc9: {  	[tilespmem:s0+$0x1B9F0] =	vst v1;
	v1 =	vld [tilespmem:s0+$0x18890];
	_ =	sdelay $0x1  }
0xca: {  	v0 =	vld.idx.msk [tilespmem:v0+s3+$0x0], $0xffff;
	_ =	sdelay $0x4  }
0xcb: {  	[tilespmem:s0+$0x1BA80] =	vst v0;
	v0 =	vld [tilespmem:s0+$0x188A0]  }
0xcc: {  	v1 =	vld.idx.msk [tilespmem:v1+s3+$0x0], $0xffff;
	_ =	sdelay $0x4  }
0xcd: {  	[tilespmem:s0+$0x1BA90] =	vst v1;
	v1 =	vld [tilespmem:s0+$0x188B0];
	_ =	sdelay $0x1  }
0xce: {  	v0 =	vld.idx.msk [tilespmem:v0+s3+$0x0], $0xffff;
	_ =	sdelay $0x4  }
0xcf: {  	[tilespmem:s0+$0x1BAA0] =	vst v0;
	v0 =	vld [tilespmem:s0+$0x188C0]  }
0xd0: {  	v1 =	vld.idx.msk [tilespmem:v1+s3+$0x0], $0xffff;
	_ =	sdelay $0x4  }
0xd1: {  	[tilespmem:s0+$0x1BAB0] =	vst v1;
	v1 =	vld [tilespmem:s0+$0x188D0];
	_ =	sdelay $0x1  }
0xd2: {  	v0 =	vld.idx.msk [tilespmem:v0+s3+$0x0], $0xffff;
	_ =	sdelay $0x4  }
0xd3: {  	v2 =	vld [tilespmem:s0+$0x188E0];
	[tilespmem:s0+$0x1BAC0] =	vst v0  }
0xd4: {  	v0 =	vld.idx.msk [tilespmem:v1+s3+$0x0], $0xffff;
	_ =	sdelay $0x4  }
0xd5: {  	[tilespmem:s0+$0x1BAD0] =	vst v0;
	v0 =	vld [tilespmem:s0+$0x188F0];
	_ =	sdelay $0x1  }
0xd6: {  	v1 =	vld.idx.msk [tilespmem:v2+s3+$0x0], $0xffff;
	_ =	sdelay $0x3  }
0xd7: {  	s21 =	simm.s32 $0x200;
	s2 =	simm.s32 $0x1000  }
.LBB2_12:
0xd8: {  	p0 =	sne.s32 s2, $0xC000;
	v2 =	vld [tilespmem:s21+$0x18780];
	[tilespmem:s0+$0x1BAE0] =	vst v1  }
0xd9: {  	v0 =	vld.idx.msk [tilespmem:v0+s3+$0x0], $0xffff;
	_ =	sdelay $0x5  }
0xda: {  	v1 =	vld [tilespmem:s21+$0x18790];
	[tilespmem:s0+$0x1BAF0] =	vst v0;
	s0 =	smov.u32 s21  }
0xdb: {  	v0 =	vld.idx.msk [tilespmem:v2+s3+$0x0], $0xffff;
	_ =	sdelay $0x5  }
0xdc: {  	[tilespmem:s0+$0x1B980] =	vst v0;
	v0 =	vld [tilespmem:s0+$0x187A0]  }
0xdd: {  	v1 =	vld.idx.msk [tilespmem:v1+s3+$0x0], $0xffff;
	_ =	sdelay $0x5  }
0xde: {  	[tilespmem:s0+$0x1B990] =	vst v1;
	v1 =	vld [tilespmem:s0+$0x187B0]  }
0xdf: {  	v0 =	vld.idx.msk [tilespmem:v0+s3+$0x0], $0xffff;
	_ =	sdelay $0x5  }
0xe0: {  	[tilespmem:s0+$0x1B9A0] =	vst v0;
	v0 =	vld [tilespmem:s0+$0x187C0]  }
0xe1: {  	v1 =	vld.idx.msk [tilespmem:v1+s3+$0x0], $0xffff;
	_ =	sdelay $0x5  }
0xe2: {  	[tilespmem:s0+$0x1B9B0] =	vst v1;
	v1 =	vld [tilespmem:s0+$0x187D0]  }
0xe3: {  	v0 =	vld.idx.msk [tilespmem:v0+s3+$0x0], $0xffff;
	_ =	sdelay $0x5  }
0xe4: {  	[tilespmem:s0+$0x1B9C0] =	vst v0;
	v0 =	vld [tilespmem:s0+$0x187E0]  }
0xe5: {  	v1 =	vld.idx.msk [tilespmem:v1+s3+$0x0], $0xffff;
	_ =	sdelay $0x5  }
0xe6: {  	[tilespmem:s0+$0x1B9D0] =	vst v1;
	v1 =	vld [tilespmem:s0+$0x187F0]  }
0xe7: {  	v0 =	vld.idx.msk [tilespmem:v0+s3+$0x0], $0xffff;
	_ =	sdelay $0x5  }
0xe8: {  	[tilespmem:s0+$0x1B9E0] =	vst v0;
	v0 =	vld [tilespmem:s0+$0x18880]  }
0xe9: {  	v1 =	vld.idx.msk [tilespmem:v1+s3+$0x0], $0xffff;
	_ =	sdelay $0x5  }
0xea: {  	[tilespmem:s0+$0x1B9F0] =	vst v1;
	v1 =	vld [tilespmem:s0+$0x18890]  }
0xeb: {  	v0 =	vld.idx.msk [tilespmem:v0+s3+$0x0], $0xffff;
	_ =	sdelay $0x5  }
0xec: {  	[tilespmem:s0+$0x1BA80] =	vst v0;
	v0 =	vld [tilespmem:s0+$0x188A0]  }
0xed: {  	v1 =	vld.idx.msk [tilespmem:v1+s3+$0x0], $0xffff;
	_ =	sdelay $0x5  }
0xee: {  	[tilespmem:s0+$0x1BA90] =	vst v1;
	v1 =	vld [tilespmem:s0+$0x188B0]  }
0xef: {  	v0 =	vld.idx.msk [tilespmem:v0+s3+$0x0], $0xffff;
	_ =	sdelay $0x5  }
0xf0: {  	[tilespmem:s0+$0x1BAA0] =	vst v0;
	v0 =	vld [tilespmem:s0+$0x188C0]  }
0xf1: {  	v1 =	vld.idx.msk [tilespmem:v1+s3+$0x0], $0xffff;
	_ =	sdelay $0x5  }
0xf2: {  	[tilespmem:s0+$0x1BAB0] =	vst v1;
	v1 =	vld [tilespmem:s0+$0x188D0]  }
0xf3: {  	v0 =	vld.idx.msk [tilespmem:v0+s3+$0x0], $0xffff;
	_ =	sdelay $0x5  }
0xf4: {  	[tilespmem:s0+$0x1BAC0] =	vst v0;
	v2 =	vld [tilespmem:s0+$0x188E0]  }
0xf5: {  	v0 =	vld.idx.msk [tilespmem:v1+s3+$0x0], $0xffff;
	_ =	sdelay $0x5  }
0xf6: {  	[tilespmem:s0+$0x1BAD0] =	vst v0;
	v0 =	vld [tilespmem:s0+$0x188F0]  }
0xf7: {  	v1 =	vld.idx.msk [tilespmem:v2+s3+$0x0], $0xffff  }
.Ltmp5:
0xf8: {  	(pc) =	sbr.rel @p0 .LBB2_12-.Ltmp5, $2  }
0xf9: {  	_ =	sdelay $0x2  }
0xfa: {  	s21 =	sshra.s32 s2, $0x2;
	s2 =	sadd.s32 $0x800, s2  }
0xfb: {  	_ =	sdelay $0x1  }
0xfc: {  	v2 =	vld [tilespmem:s21+$0x18780]  }
0xfd: {  	[tilespmem:s0+$0x1BAE0] =	vst v1  }
0xfe: {  	v0 =	vld.idx.msk [tilespmem:v0+s3+$0x0], $0xffff;
	_ =	sdelay $0x3  }
0xff: {  	v1 =	vld [tilespmem:s21+$0x18790]  }
0x100: {  	[tilespmem:s0+$0x1BAF0] =	vst v0  }
0x101: {  	v0 =	vld.idx.msk [tilespmem:v2+s3+$0x0], $0xffff;
	_ =	sdelay $0x3  }
0x102: {  	v50 =	vld [tilespmem:s21+$0x187A0]  }
0x103: {  	[tilespmem:s21+$0x1B980] =	vst v0  }
0x104: {  	v1 =	vld.idx.msk [tilespmem:v1+s3+$0x0], $0xffff;
	_ =	sdelay $0x3  }
0x105: {  	v51 =	vld [tilespmem:s21+$0x187B0]  }
0x106: {  	[tilespmem:s21+$0x1B990] =	vst v1  }
0x107: {  	v0 =	vld.idx.msk [tilespmem:v50+s3+$0x0], $0xffff;
	_ =	sdelay $0x3  }
0x108: {  	v52 =	vld [tilespmem:s21+$0x187C0]  }
0x109: {  	[tilespmem:s21+$0x1B9A0] =	vst v0  }
0x10a: {  	v1 =	vld.idx.msk [tilespmem:v51+s3+$0x0], $0xffff;
	_ =	sdelay $0x3  }
0x10b: {  	v53 =	vld [tilespmem:s21+$0x187D0]  }
0x10c: {  	[tilespmem:s21+$0x1B9B0] =	vst v1  }
0x10d: {  	v0 =	vld.idx.msk [tilespmem:v52+s3+$0x0], $0xffff;
	_ =	sdelay $0x3  }
0x10e: {  	v54 =	vld [tilespmem:s21+$0x187E0]  }
0x10f: {  	[tilespmem:s21+$0x1B9C0] =	vst v0  }
0x110: {  	v1 =	vld.idx.msk [tilespmem:v53+s3+$0x0], $0xffff;
	_ =	sdelay $0x3  }
0x111: {  	v55 =	vld [tilespmem:s21+$0x187F0]  }
0x112: {  	[tilespmem:s21+$0x1B9D0] =	vst v1  }
0x113: {  	v0 =	vld.idx.msk [tilespmem:v54+s3+$0x0], $0xffff;
	_ =	sdelay $0x3  }
0x114: {  	v56 =	vld [tilespmem:s21+$0x18880]  }
0x115: {  	[tilespmem:s21+$0x1B9E0] =	vst v0  }
0x116: {  	v1 =	vld.idx.msk [tilespmem:v55+s3+$0x0], $0xffff;
	_ =	sdelay $0x3  }
0x117: {  	v57 =	vld [tilespmem:s21+$0x18890]  }
0x118: {  	[tilespmem:s21+$0x1B9F0] =	vst v1  }
0x119: {  	v0 =	vld.idx.msk [tilespmem:v56+s3+$0x0], $0xffff;
	_ =	sdelay $0x3  }
0x11a: {  	v58 =	vld [tilespmem:s21+$0x188A0]  }
0x11b: {  	[tilespmem:s21+$0x1BA80] =	vst v0  }
0x11c: {  	v1 =	vld.idx.msk [tilespmem:v57+s3+$0x0], $0xffff;
	_ =	sdelay $0x3  }
0x11d: {  	v59 =	vld [tilespmem:s21+$0x188B0]  }
0x11e: {  	[tilespmem:s21+$0x1BA90] =	vst v1  }
0x11f: {  	v0 =	vld.idx.msk [tilespmem:v58+s3+$0x0], $0xffff;
	_ =	sdelay $0x3  }
0x120: {  	v60 =	vld [tilespmem:s21+$0x188C0]  }
0x121: {  	[tilespmem:s21+$0x1BAA0] =	vst v0  }
0x122: {  	v1 =	vld.idx.msk [tilespmem:v59+s3+$0x0], $0xffff;
	_ =	sdelay $0x3  }
0x123: {  	v61 =	vld [tilespmem:s21+$0x188D0]  }
0x124: {  	[tilespmem:s21+$0x1BAB0] =	vst v1  }
0x125: {  	v0 =	vld.idx.msk [tilespmem:v60+s3+$0x0], $0xffff;
	_ =	sdelay $0x3  }
0x126: {  	v62 =	vld [tilespmem:s21+$0x188E0]  }
0x127: {  	[tilespmem:s21+$0x1BAC0] =	vst v0  }
0x128: {  	v1 =	vld.idx.msk [tilespmem:v61+s3+$0x0], $0xffff;
	_ =	sdelay $0x3  }
0x129: {  	v63 =	vld [tilespmem:s21+$0x188F0]  }
0x12a: {  	[tilespmem:s21+$0x1BAD0] =	vst v1  }
0x12b: {  	v0 =	vld.idx.msk [tilespmem:v62+s3+$0x0], $0xffff;
	_ =	sdelay $0x4  }
0x12c: {  	[tilespmem:s21+$0x1BAE0] =	vst v0  }
0x12d: {  	v0 =	vld.idx.msk [tilespmem:v63+s3+$0x0], $0xffff;
	_ =	sdelay $0x3  }
0x12e: {  	s2 =	simm.s32 $0x10  }
0x12f: {  	s5 =	sadd.s32 $0x0, s10;
	s0 =	simm.s32 $0x18780;
	[tilespmem:s21+$0x1BAF0] =	vst v0;
	s21 =	simm.s32 $0x18880  }
.LBB2_14:
0x130: {  	[tilespmem:s0], [sflag:$0x2] =	stream.linear.gather [hbm4b:s5+s3], $0x80, $0x38;
	[tilespmem:$0x1EB00] =	vst v63  }
0x131: {  	s5 =	smov.u32 s2;
	s0 =	smov.u32 s21;
	p0 =	sne.s32 s2, $0x310  }
.Ltmp6:
0x132: {  	s2 =	sadd.s32 $0x10, s2;
	(pc) =	sbr.rel @p0 .LBB2_14-.Ltmp6, $2  }
0x133: {  	_ =	sdelay $0x2  }
0x134: {  	s21 =	sadd.s32 $0x100, s21;
	s5 =	sadd.s32 s5, s10  }
0x135: {  	[tilespmem:s0], [sflag:$0x2] =	stream.linear.gather [hbm4b:s5+s3], $0x80, $0x38;
	[tilespmem:$0x1EB00] =	vst v63  }
0x136: {  	s30 =	simm.s32 $0x0;
	s0 =	simm.s32 $0x1B980  }
0x137: {  	s2 =	simm.s32 $0x80;
	s5 =	sadd.s32 $0x0, s11;
	s21 =	simm.s32 $0x1BA80  }
.LBB2_16:
0x138: {  	[hbm4b:s5+s30] =	stream.linear.scatter [tilespmem:s0], [sflag:$0x4], $0x80, $0x38;
	[tilespmem:$0x1EB00] =	vst v63  }
0x139: {  	s5 =	smov.u32 s2;
	s0 =	smov.u32 s21;
	p0 =	sne.s32 s2, $0x1880  }
.Ltmp7:
0x13a: {  	s2 =	sadd.s32 $0x80, s2;
	(pc) =	sbr.rel @p0 .LBB2_16-.Ltmp7, $2  }
0x13b: {  	_ =	sdelay $0x2  }
0x13c: {  	s21 =	sadd.s32 $0x100, s21;
	s5 =	sadd.s32 s5, s11  }
0x13d: {  	[hbm4b:s5+s30] =	stream.linear.scatter [tilespmem:s0], [sflag:$0x4], $0x80, $0x38;
	[tilespmem:$0x1EB00] =	vst v63  }
.LBB2_18:
0x13e: {  	_ =	swait.ge [sflag:s24], $0x1900  }
0x13f: {  	[sflag:s24] =	ssyncset.done $0x0  }
0x140: {  	[sflag:s24] =	ssyncadd.s32 $0xFFFFE700  }
0x141: {  	_ =	swait.ge [sflag:s26], $0x1900  }
0x142: {  	[sflag:s26] =	ssyncset.done $0x0  }
0x143: {  	s0 =	simm.s32 $0x0;
	[sflag:s26] =	ssyncadd.s32 $0xFFFFE700  }
0x144: {  	v0 =	vld [tilespmem:s0+$0x18700];
	_ =	sdelay $0x5  }
0x145: {  	v1 =	vld [tilespmem:s0+$0x18710];
	_ =	sdelay $0x1  }
0x146: {  	v0 =	vld.idx.msk [tilespmem:v0+s3+$0x0], $0xffff;
	_ =	sdelay $0x4  }
0x147: {  	[tilespmem:s0+$0x1B900] =	vst v0;
	v0 =	vld [tilespmem:s0+$0x18720]  }
0x148: {  	v1 =	vld.idx.msk [tilespmem:v1+s3+$0x0], $0xffff;
	_ =	sdelay $0x4  }
0x149: {  	[tilespmem:s0+$0x1B910] =	vst v1;
	v1 =	vld [tilespmem:s0+$0x18730];
	_ =	sdelay $0x1  }
0x14a: {  	v0 =	vld.idx.msk [tilespmem:v0+s3+$0x0], $0xffff;
	_ =	sdelay $0x4  }
0x14b: {  	[tilespmem:s0+$0x1B920] =	vst v0;
	v0 =	vld [tilespmem:s0+$0x18740]  }
0x14c: {  	v1 =	vld.idx.msk [tilespmem:v1+s3+$0x0], $0xffff;
	_ =	sdelay $0x4  }
0x14d: {  	[tilespmem:s0+$0x1B930] =	vst v1;
	v1 =	vld [tilespmem:s0+$0x18750];
	_ =	sdelay $0x1  }
0x14e: {  	v0 =	vld.idx.msk [tilespmem:v0+s3+$0x0], $0xffff;
	_ =	sdelay $0x4  }
0x14f: {  	[tilespmem:s0+$0x1B940] =	vst v0;
	v0 =	vld [tilespmem:s0+$0x18760]  }
0x150: {  	v1 =	vld.idx.msk [tilespmem:v1+s3+$0x0], $0xffff;
	_ =	sdelay $0x4  }
0x151: {  	[tilespmem:s0+$0x1B950] =	vst v1;
	v1 =	vld [tilespmem:s0+$0x18770];
	_ =	sdelay $0x1  }
0x152: {  	v0 =	vld.idx.msk [tilespmem:v0+s3+$0x0], $0xffff;
	_ =	sdelay $0x4  }
0x153: {  	[tilespmem:s0+$0x1B960] =	vst v0;
	v0 =	vld [tilespmem:s0+$0x18800]  }
0x154: {  	v1 =	vld.idx.msk [tilespmem:v1+s3+$0x0], $0xffff;
	_ =	sdelay $0x4  }
0x155: {  	[tilespmem:s0+$0x1B970] =	vst v1;
	v1 =	vld [tilespmem:s0+$0x18810];
	_ =	sdelay $0x1  }
0x156: {  	v0 =	vld.idx.msk [tilespmem:v0+s3+$0x0], $0xffff;
	_ =	sdelay $0x4  }
0x157: {  	[tilespmem:s0+$0x1BA00] =	vst v0;
	v0 =	vld [tilespmem:s0+$0x18820]  }
0x158: {  	v1 =	vld.idx.msk [tilespmem:v1+s3+$0x0], $0xffff;
	_ =	sdelay $0x4  }
0x159: {  	[tilespmem:s0+$0x1BA10] =	vst v1;
	v1 =	vld [tilespmem:s0+$0x18830];
	_ =	sdelay $0x1  }
0x15a: {  	v0 =	vld.idx.msk [tilespmem:v0+s3+$0x0], $0xffff;
	_ =	sdelay $0x4  }
0x15b: {  	[tilespmem:s0+$0x1BA20] =	vst v0;
	v0 =	vld [tilespmem:s0+$0x18840]  }
0x15c: {  	v1 =	vld.idx.msk [tilespmem:v1+s3+$0x0], $0xffff;
	_ =	sdelay $0x4  }
0x15d: {  	[tilespmem:s0+$0x1BA30] =	vst v1;
	v1 =	vld [tilespmem:s0+$0x18850];
	_ =	sdelay $0x1  }
0x15e: {  	v0 =	vld.idx.msk [tilespmem:v0+s3+$0x0], $0xffff;
	_ =	sdelay $0x4  }
0x15f: {  	v2 =	vld [tilespmem:s0+$0x18860];
	[tilespmem:s0+$0x1BA40] =	vst v0  }
0x160: {  	v0 =	vld.idx.msk [tilespmem:v1+s3+$0x0], $0xffff;
	_ =	sdelay $0x4  }
0x161: {  	[tilespmem:s0+$0x1BA50] =	vst v0;
	v0 =	vld [tilespmem:s0+$0x18870];
	_ =	sdelay $0x1  }
0x162: {  	v1 =	vld.idx.msk [tilespmem:v2+s3+$0x0], $0xffff;
	_ =	sdelay $0x3  }
0x163: {  	s21 =	simm.s32 $0x200;
	s2 =	simm.s32 $0x1000  }
.LBB2_19:
0x164: {  	p0 =	sne.s32 s2, $0xC000;
	v2 =	vld [tilespmem:s21+$0x18700];
	[tilespmem:s0+$0x1BA60] =	vst v1  }
0x165: {  	v0 =	vld.idx.msk [tilespmem:v0+s3+$0x0], $0xffff;
	_ =	sdelay $0x5  }
0x166: {  	v1 =	vld [tilespmem:s21+$0x18710];
	[tilespmem:s0+$0x1BA70] =	vst v0;
	s0 =	smov.u32 s21  }
0x167: {  	v0 =	vld.idx.msk [tilespmem:v2+s3+$0x0], $0xffff;
	_ =	sdelay $0x5  }
0x168: {  	[tilespmem:s0+$0x1B900] =	vst v0;
	v0 =	vld [tilespmem:s0+$0x18720]  }
0x169: {  	v1 =	vld.idx.msk [tilespmem:v1+s3+$0x0], $0xffff;
	_ =	sdelay $0x5  }
0x16a: {  	[tilespmem:s0+$0x1B910] =	vst v1;
	v1 =	vld [tilespmem:s0+$0x18730]  }
0x16b: {  	v0 =	vld.idx.msk [tilespmem:v0+s3+$0x0], $0xffff;
	_ =	sdelay $0x5  }
0x16c: {  	[tilespmem:s0+$0x1B920] =	vst v0;
	v0 =	vld [tilespmem:s0+$0x18740]  }
0x16d: {  	v1 =	vld.idx.msk [tilespmem:v1+s3+$0x0], $0xffff;
	_ =	sdelay $0x5  }
0x16e: {  	[tilespmem:s0+$0x1B930] =	vst v1;
	v1 =	vld [tilespmem:s0+$0x18750]  }
0x16f: {  	v0 =	vld.idx.msk [tilespmem:v0+s3+$0x0], $0xffff;
	_ =	sdelay $0x5  }
0x170: {  	[tilespmem:s0+$0x1B940] =	vst v0;
	v0 =	vld [tilespmem:s0+$0x18760]  }
0x171: {  	v1 =	vld.idx.msk [tilespmem:v1+s3+$0x0], $0xffff;
	_ =	sdelay $0x5  }
0x172: {  	[tilespmem:s0+$0x1B950] =	vst v1;
	v1 =	vld [tilespmem:s0+$0x18770]  }
0x173: {  	v0 =	vld.idx.msk [tilespmem:v0+s3+$0x0], $0xffff;
	_ =	sdelay $0x5  }
0x174: {  	[tilespmem:s0+$0x1B960] =	vst v0;
	v0 =	vld [tilespmem:s0+$0x18800]  }
0x175: {  	v1 =	vld.idx.msk [tilespmem:v1+s3+$0x0], $0xffff;
	_ =	sdelay $0x5  }
0x176: {  	[tilespmem:s0+$0x1B970] =	vst v1;
	v1 =	vld [tilespmem:s0+$0x18810]  }
0x177: {  	v0 =	vld.idx.msk [tilespmem:v0+s3+$0x0], $0xffff;
	_ =	sdelay $0x5  }
0x178: {  	[tilespmem:s0+$0x1BA00] =	vst v0;
	v0 =	vld [tilespmem:s0+$0x18820]  }
0x179: {  	v1 =	vld.idx.msk [tilespmem:v1+s3+$0x0], $0xffff;
	_ =	sdelay $0x5  }
0x17a: {  	[tilespmem:s0+$0x1BA10] =	vst v1;
	v1 =	vld [tilespmem:s0+$0x18830]  }
0x17b: {  	v0 =	vld.idx.msk [tilespmem:v0+s3+$0x0], $0xffff;
	_ =	sdelay $0x5  }
0x17c: {  	[tilespmem:s0+$0x1BA20] =	vst v0;
	v0 =	vld [tilespmem:s0+$0x18840]  }
0x17d: {  	v1 =	vld.idx.msk [tilespmem:v1+s3+$0x0], $0xffff;
	_ =	sdelay $0x5  }
0x17e: {  	[tilespmem:s0+$0x1BA30] =	vst v1;
	v1 =	vld [tilespmem:s0+$0x18850]  }
0x17f: {  	v0 =	vld.idx.msk [tilespmem:v0+s3+$0x0], $0xffff;
	_ =	sdelay $0x5  }
0x180: {  	[tilespmem:s0+$0x1BA40] =	vst v0;
	v2 =	vld [tilespmem:s0+$0x18860]  }
0x181: {  	v0 =	vld.idx.msk [tilespmem:v1+s3+$0x0], $0xffff;
	_ =	sdelay $0x5  }
0x182: {  	[tilespmem:s0+$0x1BA50] =	vst v0;
	v0 =	vld [tilespmem:s0+$0x18870]  }
0x183: {  	v1 =	vld.idx.msk [tilespmem:v2+s3+$0x0], $0xffff  }
.Ltmp8:
0x184: {  	(pc) =	sbr.rel @p0 .LBB2_19-.Ltmp8, $2  }
0x185: {  	_ =	sdelay $0x2  }
0x186: {  	s21 =	sshra.s32 s2, $0x2;
	s2 =	sadd.s32 $0x800, s2  }
0x187: {  	_ =	sdelay $0x1  }
0x188: {  	v2 =	vld [tilespmem:s21+$0x18700]  }
0x189: {  	[tilespmem:s0+$0x1BA60] =	vst v1  }
0x18a: {  	v0 =	vld.idx.msk [tilespmem:v0+s3+$0x0], $0xffff;
	_ =	sdelay $0x3  }
0x18b: {  	v1 =	vld [tilespmem:s21+$0x18710]  }
0x18c: {  	[tilespmem:s0+$0x1BA70] =	vst v0  }
0x18d: {  	v0 =	vld.idx.msk [tilespmem:v2+s3+$0x0], $0xffff;
	_ =	sdelay $0x3  }
0x18e: {  	v50 =	vld [tilespmem:s21+$0x18720]  }
0x18f: {  	[tilespmem:s21+$0x1B900] =	vst v0  }
0x190: {  	v1 =	vld.idx.msk [tilespmem:v1+s3+$0x0], $0xffff;
	_ =	sdelay $0x3  }
0x191: {  	v51 =	vld [tilespmem:s21+$0x18730]  }
0x192: {  	[tilespmem:s21+$0x1B910] =	vst v1  }
0x193: {  	v0 =	vld.idx.msk [tilespmem:v50+s3+$0x0], $0xffff;
	_ =	sdelay $0x3  }
0x194: {  	v52 =	vld [tilespmem:s21+$0x18740]  }
0x195: {  	[tilespmem:s21+$0x1B920] =	vst v0  }
0x196: {  	v1 =	vld.idx.msk [tilespmem:v51+s3+$0x0], $0xffff;
	_ =	sdelay $0x3  }
0x197: {  	v53 =	vld [tilespmem:s21+$0x18750]  }
0x198: {  	[tilespmem:s21+$0x1B930] =	vst v1  }
0x199: {  	v0 =	vld.idx.msk [tilespmem:v52+s3+$0x0], $0xffff;
	_ =	sdelay $0x3  }
0x19a: {  	v54 =	vld [tilespmem:s21+$0x18760]  }
0x19b: {  	[tilespmem:s21+$0x1B940] =	vst v0  }
0x19c: {  	v1 =	vld.idx.msk [tilespmem:v53+s3+$0x0], $0xffff;
	_ =	sdelay $0x3  }
0x19d: {  	v55 =	vld [tilespmem:s21+$0x18770]  }
0x19e: {  	[tilespmem:s21+$0x1B950] =	vst v1  }
0x19f: {  	v0 =	vld.idx.msk [tilespmem:v54+s3+$0x0], $0xffff;
	_ =	sdelay $0x3  }
0x1a0: {  	v56 =	vld [tilespmem:s21+$0x18800]  }
0x1a1: {  	[tilespmem:s21+$0x1B960] =	vst v0  }
0x1a2: {  	v1 =	vld.idx.msk [tilespmem:v55+s3+$0x0], $0xffff;
	_ =	sdelay $0x3  }
0x1a3: {  	v57 =	vld [tilespmem:s21+$0x18810]  }
0x1a4: {  	[tilespmem:s21+$0x1B970] =	vst v1  }
0x1a5: {  	v0 =	vld.idx.msk [tilespmem:v56+s3+$0x0], $0xffff;
	_ =	sdelay $0x3  }
0x1a6: {  	v58 =	vld [tilespmem:s21+$0x18820]  }
0x1a7: {  	[tilespmem:s21+$0x1BA00] =	vst v0  }
0x1a8: {  	v1 =	vld.idx.msk [tilespmem:v57+s3+$0x0], $0xffff;
	_ =	sdelay $0x3  }
0x1a9: {  	v59 =	vld [tilespmem:s21+$0x18830]  }
0x1aa: {  	[tilespmem:s21+$0x1BA10] =	vst v1  }
0x1ab: {  	v0 =	vld.idx.msk [tilespmem:v58+s3+$0x0], $0xffff;
	_ =	sdelay $0x3  }
0x1ac: {  	v60 =	vld [tilespmem:s21+$0x18840]  }
0x1ad: {  	[tilespmem:s21+$0x1BA20] =	vst v0  }
0x1ae: {  	v1 =	vld.idx.msk [tilespmem:v59+s3+$0x0], $0xffff;
	_ =	sdelay $0x3  }
0x1af: {  	v61 =	vld [tilespmem:s21+$0x18850]  }
0x1b0: {  	[tilespmem:s21+$0x1BA30] =	vst v1  }
0x1b1: {  	v0 =	vld.idx.msk [tilespmem:v60+s3+$0x0], $0xffff;
	_ =	sdelay $0x3  }
0x1b2: {  	v62 =	vld [tilespmem:s21+$0x18860]  }
0x1b3: {  	[tilespmem:s21+$0x1BA40] =	vst v0  }
0x1b4: {  	v1 =	vld.idx.msk [tilespmem:v61+s3+$0x0], $0xffff;
	_ =	sdelay $0x3  }
0x1b5: {  	v63 =	vld [tilespmem:s21+$0x18870]  }
0x1b6: {  	[tilespmem:s21+$0x1BA50] =	vst v1  }
0x1b7: {  	v0 =	vld.idx.msk [tilespmem:v62+s3+$0x0], $0xffff;
	_ =	sdelay $0x4  }
0x1b8: {  	[tilespmem:s21+$0x1BA60] =	vst v0  }
0x1b9: {  	s22 =	smul.u32 $0x3200, s30;
	v0 =	vld.idx.msk [tilespmem:v63+s3+$0x0], $0xffff;
	_ =	sdelay $0x1  }
0x1ba: {  	s0 =	sshrl.u32 s22, $0x3  }
0x1bb: {  	s31 =	sadd.s32 s4, s0  }
0x1bc: {  	s2 =	simm.s32 $0x18700;
	s0 =	sadd.s32 $0xC80, s31  }
0x1bd: {  	s22 =	simm.s32 $0x18800;
	s5 =	sadd.s32 $0x0, s0;
	[tilespmem:s21+$0x1BA70] =	vst v0;
	s21 =	simm.s32 $0x10  }
.LBB2_21:
0x1be: {  	[tilespmem:s2], [sflag:$0x1] =	stream.linear.gather [hbm4b:s5+s3], $0x80, $0x38;
	[tilespmem:$0x1EB00] =	vst v63  }
0x1bf: {  	s5 =	smov.u32 s21;
	s2 =	smov.u32 s22;
	p0 =	sne.s32 s21, $0x310  }
.Ltmp9:
0x1c0: {  	s21 =	sadd.s32 $0x10, s21;
	(pc) =	sbr.rel @p0 .LBB2_21-.Ltmp9, $2  }
0x1c1: {  	_ =	sdelay $0x2  }
0x1c2: {  	s22 =	sadd.s32 $0x100, s22;
	s5 =	sadd.s32 s5, s0  }
0x1c3: {  	[tilespmem:s2], [sflag:$0x1] =	stream.linear.gather [hbm4b:s5+s3], $0x80, $0x38;
	[tilespmem:$0x1EB00] =	vst v63  }
0x1c4: {  	s0 =	sshll.u32 s30, $0x1  }
0x1c5: {  	s21 =	sadd.s32 $0x2, s0  }
0x1c6: {  	s22 =	sshrl.u32 s21, $0x2  }
0x1c7: {  	s2 =	sand.u32 $0x2, s21;
	s5 =	smul.u32 $0x190000, s22  }
0x1c8: {  	s2 =	smul.u32 $0xC800, s2  }
0x1c9: {  	s5 =	sadd.s32 s5, s8  }
0x1ca: {  	s2 =	sadd.s32 s2, s5  }
0x1cb: {  	s2 =	sshrl.u32 s2, $0x3  }
0x1cc: {  	s21 =	simm.s32 $0x1B900;
	s2 =	sadd.s32 s1, s2  }
0x1cd: {  	s22 =	simm.s32 $0x80;
	s5 =	simm.s32 $0x1BA00;
	s15 =	sadd.s32 $0x0, s2  }
.LBB2_23:
0x1ce: {  	[hbm4b:s15+s3] =	stream.linear.scatter [tilespmem:s21], [sflag:$0x3], $0x80, $0x38;
	[tilespmem:$0x1EB00] =	vst v63  }
0x1cf: {  	s15 =	smov.u32 s22;
	s21 =	smov.u32 s5;
	p0 =	sne.s32 s22, $0x1880  }
.Ltmp10:
0x1d0: {  	s22 =	sadd.s32 $0x80, s22;
	(pc) =	sbr.rel @p0 .LBB2_23-.Ltmp10, $2  }
0x1d1: {  	_ =	sdelay $0x2  }
0x1d2: {  	s5 =	sadd.s32 $0x100, s5;
	s15 =	sadd.s32 s15, s2  }
0x1d3: {  	[hbm4b:s15+s3] =	stream.linear.scatter [tilespmem:s21], [sflag:$0x3], $0x80, $0x38;
	[tilespmem:$0x1EB00] =	vst v63  }
0x1d4: {  	_ =	swait.ge [sflag:s25], $0x1900  }
0x1d5: {  	[sflag:s25] =	ssyncset.done $0x0  }
0x1d6: {  	[sflag:s25] =	ssyncadd.s32 $0xFFFFE700  }
0x1d7: {  	_ =	swait.ge [sflag:s28], $0x1900  }
0x1d8: {  	[sflag:s28] =	ssyncset.done $0x0  }
0x1d9: {  	s2 =	simm.s32 $0x0;
	[sflag:s28] =	ssyncadd.s32 $0xFFFFE700  }
0x1da: {  	v0 =	vld [tilespmem:s2+$0x18780];
	_ =	sdelay $0x5  }
0x1db: {  	v1 =	vld [tilespmem:s2+$0x18790];
	_ =	sdelay $0x1  }
0x1dc: {  	v0 =	vld.idx.msk [tilespmem:v0+s3+$0x0], $0xffff;
	_ =	sdelay $0x4  }
0x1dd: {  	[tilespmem:s2+$0x1B980] =	vst v0;
	v0 =	vld [tilespmem:s2+$0x187A0]  }
0x1de: {  	v1 =	vld.idx.msk [tilespmem:v1+s3+$0x0], $0xffff;
	_ =	sdelay $0x4  }
0x1df: {  	[tilespmem:s2+$0x1B990] =	vst v1;
	v1 =	vld [tilespmem:s2+$0x187B0];
	_ =	sdelay $0x1  }
0x1e0: {  	v0 =	vld.idx.msk [tilespmem:v0+s3+$0x0], $0xffff;
	_ =	sdelay $0x4  }
0x1e1: {  	[tilespmem:s2+$0x1B9A0] =	vst v0;
	v0 =	vld [tilespmem:s2+$0x187C0]  }
0x1e2: {  	v1 =	vld.idx.msk [tilespmem:v1+s3+$0x0], $0xffff;
	_ =	sdelay $0x4  }
0x1e3: {  	[tilespmem:s2+$0x1B9B0] =	vst v1;
	v1 =	vld [tilespmem:s2+$0x187D0];
	_ =	sdelay $0x1  }
0x1e4: {  	v0 =	vld.idx.msk [tilespmem:v0+s3+$0x0], $0xffff;
	_ =	sdelay $0x4  }
0x1e5: {  	[tilespmem:s2+$0x1B9C0] =	vst v0;
	v0 =	vld [tilespmem:s2+$0x187E0]  }
0x1e6: {  	v1 =	vld.idx.msk [tilespmem:v1+s3+$0x0], $0xffff;
	_ =	sdelay $0x4  }
0x1e7: {  	[tilespmem:s2+$0x1B9D0] =	vst v1;
	v1 =	vld [tilespmem:s2+$0x187F0];
	_ =	sdelay $0x1  }
0x1e8: {  	v0 =	vld.idx.msk [tilespmem:v0+s3+$0x0], $0xffff;
	_ =	sdelay $0x4  }
0x1e9: {  	[tilespmem:s2+$0x1B9E0] =	vst v0;
	v0 =	vld [tilespmem:s2+$0x18880]  }
0x1ea: {  	v1 =	vld.idx.msk [tilespmem:v1+s3+$0x0], $0xffff;
	_ =	sdelay $0x4  }
0x1eb: {  	[tilespmem:s2+$0x1B9F0] =	vst v1;
	v1 =	vld [tilespmem:s2+$0x18890];
	_ =	sdelay $0x1  }
0x1ec: {  	v0 =	vld.idx.msk [tilespmem:v0+s3+$0x0], $0xffff;
	_ =	sdelay $0x4  }
0x1ed: {  	[tilespmem:s2+$0x1BA80] =	vst v0;
	v0 =	vld [tilespmem:s2+$0x188A0]  }
0x1ee: {  	v1 =	vld.idx.msk [tilespmem:v1+s3+$0x0], $0xffff;
	_ =	sdelay $0x4  }
0x1ef: {  	[tilespmem:s2+$0x1BA90] =	vst v1;
	v1 =	vld [tilespmem:s2+$0x188B0];
	_ =	sdelay $0x1  }
0x1f0: {  	v0 =	vld.idx.msk [tilespmem:v0+s3+$0x0], $0xffff;
	_ =	sdelay $0x4  }
0x1f1: {  	[tilespmem:s2+$0x1BAA0] =	vst v0;
	v0 =	vld [tilespmem:s2+$0x188C0]  }
0x1f2: {  	v1 =	vld.idx.msk [tilespmem:v1+s3+$0x0], $0xffff;
	_ =	sdelay $0x4  }
0x1f3: {  	[tilespmem:s2+$0x1BAB0] =	vst v1;
	v1 =	vld [tilespmem:s2+$0x188D0];
	_ =	sdelay $0x1  }
0x1f4: {  	v0 =	vld.idx.msk [tilespmem:v0+s3+$0x0], $0xffff;
	_ =	sdelay $0x4  }
0x1f5: {  	v2 =	vld [tilespmem:s2+$0x188E0];
	[tilespmem:s2+$0x1BAC0] =	vst v0  }
0x1f6: {  	v0 =	vld.idx.msk [tilespmem:v1+s3+$0x0], $0xffff;
	_ =	sdelay $0x4  }
0x1f7: {  	[tilespmem:s2+$0x1BAD0] =	vst v0;
	v0 =	vld [tilespmem:s2+$0x188F0];
	_ =	sdelay $0x1  }
0x1f8: {  	v1 =	vld.idx.msk [tilespmem:v2+s3+$0x0], $0xffff;
	_ =	sdelay $0x3  }
0x1f9: {  	s22 =	simm.s32 $0x200;
	s21 =	simm.s32 $0x1000  }
.LBB2_25:
0x1fa: {  	p0 =	sne.s32 s21, $0xC000;
	v2 =	vld [tilespmem:s22+$0x18780];
	[tilespmem:s2+$0x1BAE0] =	vst v1  }
0x1fb: {  	v0 =	vld.idx.msk [tilespmem:v0+s3+$0x0], $0xffff;
	_ =	sdelay $0x5  }
0x1fc: {  	v1 =	vld [tilespmem:s22+$0x18790];
	[tilespmem:s2+$0x1BAF0] =	vst v0;
	s2 =	smov.u32 s22  }
0x1fd: {  	v0 =	vld.idx.msk [tilespmem:v2+s3+$0x0], $0xffff;
	_ =	sdelay $0x5  }
0x1fe: {  	[tilespmem:s2+$0x1B980] =	vst v0;
	v0 =	vld [tilespmem:s2+$0x187A0]  }
0x1ff: {  	v1 =	vld.idx.msk [tilespmem:v1+s3+$0x0], $0xffff;
	_ =	sdelay $0x5  }
0x200: {  	[tilespmem:s2+$0x1B990] =	vst v1;
	v1 =	vld [tilespmem:s2+$0x187B0]  }
0x201: {  	v0 =	vld.idx.msk [tilespmem:v0+s3+$0x0], $0xffff;
	_ =	sdelay $0x5  }
0x202: {  	[tilespmem:s2+$0x1B9A0] =	vst v0;
	v0 =	vld [tilespmem:s2+$0x187C0]  }
0x203: {  	v1 =	vld.idx.msk [tilespmem:v1+s3+$0x0], $0xffff;
	_ =	sdelay $0x5  }
0x204: {  	[tilespmem:s2+$0x1B9B0] =	vst v1;
	v1 =	vld [tilespmem:s2+$0x187D0]  }
0x205: {  	v0 =	vld.idx.msk [tilespmem:v0+s3+$0x0], $0xffff;
	_ =	sdelay $0x5  }
0x206: {  	[tilespmem:s2+$0x1B9C0] =	vst v0;
	v0 =	vld [tilespmem:s2+$0x187E0]  }
0x207: {  	v1 =	vld.idx.msk [tilespmem:v1+s3+$0x0], $0xffff;
	_ =	sdelay $0x5  }
0x208: {  	[tilespmem:s2+$0x1B9D0] =	vst v1;
	v1 =	vld [tilespmem:s2+$0x187F0]  }
0x209: {  	v0 =	vld.idx.msk [tilespmem:v0+s3+$0x0], $0xffff;
	_ =	sdelay $0x5  }
0x20a: {  	[tilespmem:s2+$0x1B9E0] =	vst v0;
	v0 =	vld [tilespmem:s2+$0x18880]  }
0x20b: {  	v1 =	vld.idx.msk [tilespmem:v1+s3+$0x0], $0xffff;
	_ =	sdelay $0x5  }
0x20c: {  	[tilespmem:s2+$0x1B9F0] =	vst v1;
	v1 =	vld [tilespmem:s2+$0x18890]  }
0x20d: {  	v0 =	vld.idx.msk [tilespmem:v0+s3+$0x0], $0xffff;
	_ =	sdelay $0x5  }
0x20e: {  	[tilespmem:s2+$0x1BA80] =	vst v0;
	v0 =	vld [tilespmem:s2+$0x188A0]  }
0x20f: {  	v1 =	vld.idx.msk [tilespmem:v1+s3+$0x0], $0xffff;
	_ =	sdelay $0x5  }
0x210: {  	[tilespmem:s2+$0x1BA90] =	vst v1;
	v1 =	vld [tilespmem:s2+$0x188B0]  }
0x211: {  	v0 =	vld.idx.msk [tilespmem:v0+s3+$0x0], $0xffff;
	_ =	sdelay $0x5  }
0x212: {  	[tilespmem:s2+$0x1BAA0] =	vst v0;
	v0 =	vld [tilespmem:s2+$0x188C0]  }
0x213: {  	v1 =	vld.idx.msk [tilespmem:v1+s3+$0x0], $0xffff;
	_ =	sdelay $0x5  }
0x214: {  	[tilespmem:s2+$0x1BAB0] =	vst v1;
	v1 =	vld [tilespmem:s2+$0x188D0]  }
0x215: {  	v0 =	vld.idx.msk [tilespmem:v0+s3+$0x0], $0xffff;
	_ =	sdelay $0x5  }
0x216: {  	[tilespmem:s2+$0x1BAC0] =	vst v0;
	v2 =	vld [tilespmem:s2+$0x188E0]  }
0x217: {  	v0 =	vld.idx.msk [tilespmem:v1+s3+$0x0], $0xffff;
	_ =	sdelay $0x5  }
0x218: {  	[tilespmem:s2+$0x1BAD0] =	vst v0;
	v0 =	vld [tilespmem:s2+$0x188F0]  }
0x219: {  	v1 =	vld.idx.msk [tilespmem:v2+s3+$0x0], $0xffff  }
.Ltmp11:
0x21a: {  	(pc) =	sbr.rel @p0 .LBB2_25-.Ltmp11, $2  }
0x21b: {  	_ =	sdelay $0x2  }
0x21c: {  	s22 =	sshra.s32 s21, $0x2;
	s21 =	sadd.s32 $0x800, s21  }
0x21d: {  	_ =	sdelay $0x1  }
0x21e: {  	v2 =	vld [tilespmem:s22+$0x18780]  }
0x21f: {  	[tilespmem:s2+$0x1BAE0] =	vst v1  }
0x220: {  	v0 =	vld.idx.msk [tilespmem:v0+s3+$0x0], $0xffff;
	_ =	sdelay $0x3  }
0x221: {  	v1 =	vld [tilespmem:s22+$0x18790]  }
0x222: {  	[tilespmem:s2+$0x1BAF0] =	vst v0  }
0x223: {  	v0 =	vld.idx.msk [tilespmem:v2+s3+$0x0], $0xffff;
	_ =	sdelay $0x3  }
0x224: {  	v50 =	vld [tilespmem:s22+$0x187A0]  }
0x225: {  	[tilespmem:s22+$0x1B980] =	vst v0  }
0x226: {  	v1 =	vld.idx.msk [tilespmem:v1+s3+$0x0], $0xffff;
	_ =	sdelay $0x3  }
0x227: {  	v51 =	vld [tilespmem:s22+$0x187B0]  }
0x228: {  	[tilespmem:s22+$0x1B990] =	vst v1  }
0x229: {  	v0 =	vld.idx.msk [tilespmem:v50+s3+$0x0], $0xffff;
	_ =	sdelay $0x3  }
0x22a: {  	v52 =	vld [tilespmem:s22+$0x187C0]  }
0x22b: {  	[tilespmem:s22+$0x1B9A0] =	vst v0  }
0x22c: {  	v1 =	vld.idx.msk [tilespmem:v51+s3+$0x0], $0xffff;
	_ =	sdelay $0x3  }
0x22d: {  	v53 =	vld [tilespmem:s22+$0x187D0]  }
0x22e: {  	[tilespmem:s22+$0x1B9B0] =	vst v1  }
0x22f: {  	v0 =	vld.idx.msk [tilespmem:v52+s3+$0x0], $0xffff;
	_ =	sdelay $0x3  }
0x230: {  	v54 =	vld [tilespmem:s22+$0x187E0]  }
0x231: {  	[tilespmem:s22+$0x1B9C0] =	vst v0  }
0x232: {  	v1 =	vld.idx.msk [tilespmem:v53+s3+$0x0], $0xffff;
	_ =	sdelay $0x3  }
0x233: {  	v55 =	vld [tilespmem:s22+$0x187F0]  }
0x234: {  	[tilespmem:s22+$0x1B9D0] =	vst v1  }
0x235: {  	v0 =	vld.idx.msk [tilespmem:v54+s3+$0x0], $0xffff;
	_ =	sdelay $0x3  }
0x236: {  	v56 =	vld [tilespmem:s22+$0x18880]  }
0x237: {  	[tilespmem:s22+$0x1B9E0] =	vst v0  }
0x238: {  	v1 =	vld.idx.msk [tilespmem:v55+s3+$0x0], $0xffff;
	_ =	sdelay $0x3  }
0x239: {  	v57 =	vld [tilespmem:s22+$0x18890]  }
0x23a: {  	[tilespmem:s22+$0x1B9F0] =	vst v1  }
0x23b: {  	v0 =	vld.idx.msk [tilespmem:v56+s3+$0x0], $0xffff;
	_ =	sdelay $0x3  }
0x23c: {  	v58 =	vld [tilespmem:s22+$0x188A0]  }
0x23d: {  	[tilespmem:s22+$0x1BA80] =	vst v0  }
0x23e: {  	v1 =	vld.idx.msk [tilespmem:v57+s3+$0x0], $0xffff;
	_ =	sdelay $0x3  }
0x23f: {  	v59 =	vld [tilespmem:s22+$0x188B0]  }
0x240: {  	[tilespmem:s22+$0x1BA90] =	vst v1  }
0x241: {  	v0 =	vld.idx.msk [tilespmem:v58+s3+$0x0], $0xffff;
	_ =	sdelay $0x3  }
0x242: {  	v60 =	vld [tilespmem:s22+$0x188C0]  }
0x243: {  	[tilespmem:s22+$0x1BAA0] =	vst v0  }
0x244: {  	v1 =	vld.idx.msk [tilespmem:v59+s3+$0x0], $0xffff;
	_ =	sdelay $0x3  }
0x245: {  	v61 =	vld [tilespmem:s22+$0x188D0]  }
0x246: {  	[tilespmem:s22+$0x1BAB0] =	vst v1  }
0x247: {  	v0 =	vld.idx.msk [tilespmem:v60+s3+$0x0], $0xffff;
	_ =	sdelay $0x3  }
0x248: {  	v62 =	vld [tilespmem:s22+$0x188E0]  }
0x249: {  	[tilespmem:s22+$0x1BAC0] =	vst v0  }
0x24a: {  	v1 =	vld.idx.msk [tilespmem:v61+s3+$0x0], $0xffff;
	_ =	sdelay $0x3  }
0x24b: {  	v63 =	vld [tilespmem:s22+$0x188F0]  }
0x24c: {  	[tilespmem:s22+$0x1BAD0] =	vst v1  }
0x24d: {  	v0 =	vld.idx.msk [tilespmem:v62+s3+$0x0], $0xffff;
	_ =	sdelay $0x4  }
0x24e: {  	[tilespmem:s22+$0x1BAE0] =	vst v0  }
0x24f: {  	v0 =	vld.idx.msk [tilespmem:v63+s3+$0x0], $0xffff;
	_ =	sdelay $0x3  }
0x250: {  	s21 =	simm.s32 $0x18780;
	s2 =	sadd.s32 $0xFA0, s31  }
0x251: {  	s5 =	simm.s32 $0x18880;
	s15 =	sadd.s32 $0x0, s2;
	[tilespmem:s22+$0x1BAF0] =	vst v0;
	s22 =	simm.s32 $0x10  }
.LBB2_27:
0x252: {  	[tilespmem:s21], [sflag:$0x2] =	stream.linear.gather [hbm4b:s15+s3], $0x80, $0x38;
	[tilespmem:$0x1EB00] =	vst v63  }
0x253: {  	s15 =	smov.u32 s22;
	s21 =	smov.u32 s5;
	p0 =	sne.s32 s22, $0x310  }
.Ltmp12:
0x254: {  	s22 =	sadd.s32 $0x10, s22;
	(pc) =	sbr.rel @p0 .LBB2_27-.Ltmp12, $2  }
0x255: {  	_ =	sdelay $0x2  }
0x256: {  	s5 =	sadd.s32 $0x100, s5;
	s15 =	sadd.s32 s15, s2  }
0x257: {  	[tilespmem:s21], [sflag:$0x2] =	stream.linear.gather [hbm4b:s15+s3], $0x80, $0x38;
	[tilespmem:$0x1EB00] =	vst v63  }
0x258: {  	s0 =	sadd.s32 $0x3, s0  }
0x259: {  	s2 =	sshrl.u32 s0, $0x2  }
0x25a: {  	s0 =	sand.u32 $0x3, s0;
	s2 =	smul.u32 $0x190000, s2  }
0x25b: {  	s0 =	smul.u32 $0xC800, s0  }
0x25c: {  	s2 =	sadd.s32 s2, s8  }
0x25d: {  	s0 =	sadd.s32 s0, s2  }
0x25e: {  	s0 =	sshrl.u32 s0, $0x3  }
0x25f: {  	s21 =	simm.s32 $0x80;
	s0 =	sadd.s32 s1, s0  }
0x260: {  	s5 =	simm.s32 $0x1BA80;
	s2 =	simm.s32 $0x1B980;
	s15 =	sadd.s32 $0x0, s0  }
.LBB2_29:
0x261: {  	[hbm4b:s15+s3] =	stream.linear.scatter [tilespmem:s2], [sflag:$0x4], $0x80, $0x38;
	[tilespmem:$0x1EB00] =	vst v63  }
0x262: {  	s15 =	smov.u32 s21;
	s2 =	smov.u32 s5;
	p0 =	sne.s32 s21, $0x1880  }
.Ltmp13:
0x263: {  	s21 =	sadd.s32 $0x80, s21;
	(pc) =	sbr.rel @p0 .LBB2_29-.Ltmp13, $2  }
0x264: {  	_ =	sdelay $0x2  }
0x265: {  	s5 =	sadd.s32 $0x100, s5;
	s15 =	sadd.s32 s15, s0  }
0x266: {  	s30 =	sadd.s32 $0x1, s30  }
0x267: {  	p0 =	sne.s32 s30, $0xE  }
.Ltmp14:
0x268: {  	_ = 	snop;
	(pc) =	sbr.rel @p0 .LBB2_18-.Ltmp14, $2  }
0x269: {  	_ =	sdelay $0x2  }
0x26a: {  	[hbm4b:s15+s3] =	stream.linear.scatter [tilespmem:s2], [sflag:$0x4], $0x80, $0x38;
	[tilespmem:$0x1EB00] =	vst v63  }
0x26b: {  	_ =	swait.ge [sflag:s24], $0x1900  }
0x26c: {  	[sflag:s24] =	ssyncset.done $0x0  }
0x26d: {  	[sflag:s24] =	ssyncadd.s32 $0xFFFFE700  }
0x26e: {  	_ =	swait.ge [sflag:s26], $0x1900  }
0x26f: {  	[sflag:s26] =	ssyncset.done $0x0  }
0x270: {  	s0 =	simm.s32 $0x0;
	[sflag:s26] =	ssyncadd.s32 $0xFFFFE700  }
0x271: {  	v0 =	vld [tilespmem:s0+$0x18700];
	_ =	sdelay $0x5  }
0x272: {  	v1 =	vld [tilespmem:s0+$0x18710];
	_ =	sdelay $0x1  }
0x273: {  	v0 =	vld.idx.msk [tilespmem:v0+s3+$0x0], $0xffff;
	_ =	sdelay $0x4  }
0x274: {  	[tilespmem:s0+$0x1B900] =	vst v0;
	v0 =	vld [tilespmem:s0+$0x18720]  }
0x275: {  	v1 =	vld.idx.msk [tilespmem:v1+s3+$0x0], $0xffff;
	_ =	sdelay $0x4  }
0x276: {  	[tilespmem:s0+$0x1B910] =	vst v1;
	v1 =	vld [tilespmem:s0+$0x18730];
	_ =	sdelay $0x1  }
0x277: {  	v0 =	vld.idx.msk [tilespmem:v0+s3+$0x0], $0xffff;
	_ =	sdelay $0x4  }
0x278: {  	[tilespmem:s0+$0x1B920] =	vst v0;
	v0 =	vld [tilespmem:s0+$0x18740]  }
0x279: {  	v1 =	vld.idx.msk [tilespmem:v1+s3+$0x0], $0xffff;
	_ =	sdelay $0x4  }
0x27a: {  	[tilespmem:s0+$0x1B930] =	vst v1;
	v1 =	vld [tilespmem:s0+$0x18750];
	_ =	sdelay $0x1  }
0x27b: {  	v0 =	vld.idx.msk [tilespmem:v0+s3+$0x0], $0xffff;
	_ =	sdelay $0x4  }
0x27c: {  	[tilespmem:s0+$0x1B940] =	vst v0;
	v0 =	vld [tilespmem:s0+$0x18760]  }
0x27d: {  	v1 =	vld.idx.msk [tilespmem:v1+s3+$0x0], $0xffff;
	_ =	sdelay $0x4  }
0x27e: {  	[tilespmem:s0+$0x1B950] =	vst v1;
	v1 =	vld [tilespmem:s0+$0x18770];
	_ =	sdelay $0x1  }
0x27f: {  	v0 =	vld.idx.msk [tilespmem:v0+s3+$0x0], $0xffff;
	_ =	sdelay $0x4  }
0x280: {  	[tilespmem:s0+$0x1B960] =	vst v0;
	v0 =	vld [tilespmem:s0+$0x18800]  }
0x281: {  	v1 =	vld.idx.msk [tilespmem:v1+s3+$0x0], $0xffff;
	_ =	sdelay $0x4  }
0x282: {  	[tilespmem:s0+$0x1B970] =	vst v1;
	v1 =	vld [tilespmem:s0+$0x18810];
	_ =	sdelay $0x1  }
0x283: {  	v0 =	vld.idx.msk [tilespmem:v0+s3+$0x0], $0xffff;
	_ =	sdelay $0x4  }
0x284: {  	[tilespmem:s0+$0x1BA00] =	vst v0;
	v0 =	vld [tilespmem:s0+$0x18820]  }
0x285: {  	v1 =	vld.idx.msk [tilespmem:v1+s3+$0x0], $0xffff;
	_ =	sdelay $0x4  }
0x286: {  	[tilespmem:s0+$0x1BA10] =	vst v1;
	v1 =	vld [tilespmem:s0+$0x18830];
	_ =	sdelay $0x1  }
0x287: {  	v0 =	vld.idx.msk [tilespmem:v0+s3+$0x0], $0xffff;
	_ =	sdelay $0x4  }
0x288: {  	[tilespmem:s0+$0x1BA20] =	vst v0;
	v0 =	vld [tilespmem:s0+$0x18840]  }
0x289: {  	v1 =	vld.idx.msk [tilespmem:v1+s3+$0x0], $0xffff;
	_ =	sdelay $0x4  }
0x28a: {  	[tilespmem:s0+$0x1BA30] =	vst v1;
	v1 =	vld [tilespmem:s0+$0x18850];
	_ =	sdelay $0x1  }
0x28b: {  	v0 =	vld.idx.msk [tilespmem:v0+s3+$0x0], $0xffff;
	_ =	sdelay $0x4  }
0x28c: {  	v2 =	vld [tilespmem:s0+$0x18860];
	[tilespmem:s0+$0x1BA40] =	vst v0  }
0x28d: {  	v0 =	vld.idx.msk [tilespmem:v1+s3+$0x0], $0xffff;
	_ =	sdelay $0x4  }
0x28e: {  	[tilespmem:s0+$0x1BA50] =	vst v0;
	v0 =	vld [tilespmem:s0+$0x18870];
	_ =	sdelay $0x1  }
0x28f: {  	v1 =	vld.idx.msk [tilespmem:v2+s3+$0x0], $0xffff;
	_ =	sdelay $0x3  }
0x290: {  	s21 =	simm.s32 $0x200;
	s2 =	simm.s32 $0x1000  }
.LBB2_32:
0x291: {  	p0 =	sne.s32 s2, $0xC000;
	v2 =	vld [tilespmem:s21+$0x18700];
	[tilespmem:s0+$0x1BA60] =	vst v1  }
0x292: {  	v0 =	vld.idx.msk [tilespmem:v0+s3+$0x0], $0xffff;
	_ =	sdelay $0x5  }
0x293: {  	v1 =	vld [tilespmem:s21+$0x18710];
	[tilespmem:s0+$0x1BA70] =	vst v0;
	s0 =	smov.u32 s21  }
0x294: {  	v0 =	vld.idx.msk [tilespmem:v2+s3+$0x0], $0xffff;
	_ =	sdelay $0x5  }
0x295: {  	[tilespmem:s0+$0x1B900] =	vst v0;
	v0 =	vld [tilespmem:s0+$0x18720]  }
0x296: {  	v1 =	vld.idx.msk [tilespmem:v1+s3+$0x0], $0xffff;
	_ =	sdelay $0x5  }
0x297: {  	[tilespmem:s0+$0x1B910] =	vst v1;
	v1 =	vld [tilespmem:s0+$0x18730]  }
0x298: {  	v0 =	vld.idx.msk [tilespmem:v0+s3+$0x0], $0xffff;
	_ =	sdelay $0x5  }
0x299: {  	[tilespmem:s0+$0x1B920] =	vst v0;
	v0 =	vld [tilespmem:s0+$0x18740]  }
0x29a: {  	v1 =	vld.idx.msk [tilespmem:v1+s3+$0x0], $0xffff;
	_ =	sdelay $0x5  }
0x29b: {  	[tilespmem:s0+$0x1B930] =	vst v1;
	v1 =	vld [tilespmem:s0+$0x18750]  }
0x29c: {  	v0 =	vld.idx.msk [tilespmem:v0+s3+$0x0], $0xffff;
	_ =	sdelay $0x5  }
0x29d: {  	[tilespmem:s0+$0x1B940] =	vst v0;
	v0 =	vld [tilespmem:s0+$0x18760]  }
0x29e: {  	v1 =	vld.idx.msk [tilespmem:v1+s3+$0x0], $0xffff;
	_ =	sdelay $0x5  }
0x29f: {  	[tilespmem:s0+$0x1B950] =	vst v1;
	v1 =	vld [tilespmem:s0+$0x18770]  }
0x2a0: {  	v0 =	vld.idx.msk [tilespmem:v0+s3+$0x0], $0xffff;
	_ =	sdelay $0x5  }
0x2a1: {  	[tilespmem:s0+$0x1B960] =	vst v0;
	v0 =	vld [tilespmem:s0+$0x18800]  }
0x2a2: {  	v1 =	vld.idx.msk [tilespmem:v1+s3+$0x0], $0xffff;
	_ =	sdelay $0x5  }
0x2a3: {  	[tilespmem:s0+$0x1B970] =	vst v1;
	v1 =	vld [tilespmem:s0+$0x18810]  }
0x2a4: {  	v0 =	vld.idx.msk [tilespmem:v0+s3+$0x0], $0xffff;
	_ =	sdelay $0x5  }
0x2a5: {  	[tilespmem:s0+$0x1BA00] =	vst v0;
	v0 =	vld [tilespmem:s0+$0x18820]  }
0x2a6: {  	v1 =	vld.idx.msk [tilespmem:v1+s3+$0x0], $0xffff;
	_ =	sdelay $0x5  }
0x2a7: {  	[tilespmem:s0+$0x1BA10] =	vst v1;
	v1 =	vld [tilespmem:s0+$0x18830]  }
0x2a8: {  	v0 =	vld.idx.msk [tilespmem:v0+s3+$0x0], $0xffff;
	_ =	sdelay $0x5  }
0x2a9: {  	[tilespmem:s0+$0x1BA20] =	vst v0;
	v0 =	vld [tilespmem:s0+$0x18840]  }
0x2aa: {  	v1 =	vld.idx.msk [tilespmem:v1+s3+$0x0], $0xffff;
	_ =	sdelay $0x5  }
0x2ab: {  	[tilespmem:s0+$0x1BA30] =	vst v1;
	v1 =	vld [tilespmem:s0+$0x18850]  }
0x2ac: {  	v0 =	vld.idx.msk [tilespmem:v0+s3+$0x0], $0xffff;
	_ =	sdelay $0x5  }
0x2ad: {  	[tilespmem:s0+$0x1BA40] =	vst v0;
	v2 =	vld [tilespmem:s0+$0x18860]  }
0x2ae: {  	v0 =	vld.idx.msk [tilespmem:v1+s3+$0x0], $0xffff;
	_ =	sdelay $0x5  }
0x2af: {  	[tilespmem:s0+$0x1BA50] =	vst v0;
	v0 =	vld [tilespmem:s0+$0x18870]  }
0x2b0: {  	v1 =	vld.idx.msk [tilespmem:v2+s3+$0x0], $0xffff  }
.Ltmp15:
0x2b1: {  	(pc) =	sbr.rel @p0 .LBB2_32-.Ltmp15, $2  }
0x2b2: {  	_ =	sdelay $0x2  }
0x2b3: {  	s21 =	sshra.s32 s2, $0x2;
	s2 =	sadd.s32 $0x800, s2  }
0x2b4: {  	_ =	sdelay $0x1  }
0x2b5: {  	v2 =	vld [tilespmem:s21+$0x18700]  }
0x2b6: {  	[tilespmem:s0+$0x1BA60] =	vst v1  }
0x2b7: {  	v0 =	vld.idx.msk [tilespmem:v0+s3+$0x0], $0xffff;
	_ =	sdelay $0x3  }
0x2b8: {  	v1 =	vld [tilespmem:s21+$0x18710]  }
0x2b9: {  	[tilespmem:s0+$0x1BA70] =	vst v0  }
0x2ba: {  	v0 =	vld.idx.msk [tilespmem:v2+s3+$0x0], $0xffff;
	_ =	sdelay $0x3  }
0x2bb: {  	v50 =	vld [tilespmem:s21+$0x18720]  }
0x2bc: {  	[tilespmem:s21+$0x1B900] =	vst v0  }
0x2bd: {  	v1 =	vld.idx.msk [tilespmem:v1+s3+$0x0], $0xffff;
	_ =	sdelay $0x3  }
0x2be: {  	v51 =	vld [tilespmem:s21+$0x18730]  }
0x2bf: {  	[tilespmem:s21+$0x1B910] =	vst v1  }
0x2c0: {  	v0 =	vld.idx.msk [tilespmem:v50+s3+$0x0], $0xffff;
	_ =	sdelay $0x3  }
0x2c1: {  	v52 =	vld [tilespmem:s21+$0x18740]  }
0x2c2: {  	[tilespmem:s21+$0x1B920] =	vst v0  }
0x2c3: {  	v1 =	vld.idx.msk [tilespmem:v51+s3+$0x0], $0xffff;
	_ =	sdelay $0x3  }
0x2c4: {  	v53 =	vld [tilespmem:s21+$0x18750]  }
0x2c5: {  	[tilespmem:s21+$0x1B930] =	vst v1  }
0x2c6: {  	v0 =	vld.idx.msk [tilespmem:v52+s3+$0x0], $0xffff;
	_ =	sdelay $0x3  }
0x2c7: {  	v54 =	vld [tilespmem:s21+$0x18760]  }
0x2c8: {  	[tilespmem:s21+$0x1B940] =	vst v0  }
0x2c9: {  	v1 =	vld.idx.msk [tilespmem:v53+s3+$0x0], $0xffff;
	_ =	sdelay $0x3  }
0x2ca: {  	v55 =	vld [tilespmem:s21+$0x18770]  }
0x2cb: {  	[tilespmem:s21+$0x1B950] =	vst v1  }
0x2cc: {  	v0 =	vld.idx.msk [tilespmem:v54+s3+$0x0], $0xffff;
	_ =	sdelay $0x3  }
0x2cd: {  	v56 =	vld [tilespmem:s21+$0x18800]  }
0x2ce: {  	[tilespmem:s21+$0x1B960] =	vst v0  }
0x2cf: {  	v1 =	vld.idx.msk [tilespmem:v55+s3+$0x0], $0xffff;
	_ =	sdelay $0x3  }
0x2d0: {  	v57 =	vld [tilespmem:s21+$0x18810]  }
0x2d1: {  	[tilespmem:s21+$0x1B970] =	vst v1  }
0x2d2: {  	v0 =	vld.idx.msk [tilespmem:v56+s3+$0x0], $0xffff;
	_ =	sdelay $0x3  }
0x2d3: {  	v58 =	vld [tilespmem:s21+$0x18820]  }
0x2d4: {  	[tilespmem:s21+$0x1BA00] =	vst v0  }
0x2d5: {  	v1 =	vld.idx.msk [tilespmem:v57+s3+$0x0], $0xffff;
	_ =	sdelay $0x3  }
0x2d6: {  	v59 =	vld [tilespmem:s21+$0x18830]  }
0x2d7: {  	[tilespmem:s21+$0x1BA10] =	vst v1  }
0x2d8: {  	v0 =	vld.idx.msk [tilespmem:v58+s3+$0x0], $0xffff;
	_ =	sdelay $0x3  }
0x2d9: {  	v60 =	vld [tilespmem:s21+$0x18840]  }
0x2da: {  	[tilespmem:s21+$0x1BA20] =	vst v0  }
0x2db: {  	v1 =	vld.idx.msk [tilespmem:v59+s3+$0x0], $0xffff;
	_ =	sdelay $0x3  }
0x2dc: {  	v61 =	vld [tilespmem:s21+$0x18850]  }
0x2dd: {  	[tilespmem:s21+$0x1BA30] =	vst v1  }
0x2de: {  	v0 =	vld.idx.msk [tilespmem:v60+s3+$0x0], $0xffff;
	_ =	sdelay $0x3  }
0x2df: {  	v62 =	vld [tilespmem:s21+$0x18860]  }
0x2e0: {  	[tilespmem:s21+$0x1BA40] =	vst v0  }
0x2e1: {  	v1 =	vld.idx.msk [tilespmem:v61+s3+$0x0], $0xffff;
	_ =	sdelay $0x3  }
0x2e2: {  	v63 =	vld [tilespmem:s21+$0x18870]  }
0x2e3: {  	[tilespmem:s21+$0x1BA50] =	vst v1  }
0x2e4: {  	v0 =	vld.idx.msk [tilespmem:v62+s3+$0x0], $0xffff;
	_ =	sdelay $0x4  }
0x2e5: {  	[tilespmem:s21+$0x1BA60] =	vst v0  }
0x2e6: {  	v0 =	vld.idx.msk [tilespmem:v63+s3+$0x0], $0xffff;
	_ =	sdelay $0x3  }
0x2e7: {  	s2 =	simm.s32 $0x80  }
0x2e8: {  	s15 =	sadd.s32 $0x0, s12;
	s5 =	simm.s32 $0x1BA00;
	s0 =	simm.s32 $0x1B900;
	[tilespmem:s21+$0x1BA70] =	vst v0  }
.LBB2_34:
0x2e9: {  	[hbm4b:s15+s3] =	stream.linear.scatter [tilespmem:s0], [sflag:$0x3], $0x80, $0x38;
	[tilespmem:$0x1EB00] =	vst v63  }
0x2ea: {  	s15 =	smov.u32 s2;
	s0 =	smov.u32 s5;
	p0 =	sne.s32 s2, $0x1880  }
.Ltmp16:
0x2eb: {  	s2 =	sadd.s32 $0x80, s2;
	(pc) =	sbr.rel @p0 .LBB2_34-.Ltmp16, $2  }
0x2ec: {  	_ =	sdelay $0x2  }
0x2ed: {  	s5 =	sadd.s32 $0x100, s5;
	s15 =	sadd.s32 s15, s12  }
0x2ee: {  	[hbm4b:s15+s3] =	stream.linear.scatter [tilespmem:s0], [sflag:$0x3], $0x80, $0x38;
	[tilespmem:$0x1EB00] =	vst v63  }
0x2ef: {  	_ =	swait.ge [sflag:s25], $0x1900  }
0x2f0: {  	[sflag:s25] =	ssyncset.done $0x0  }
0x2f1: {  	[sflag:s25] =	ssyncadd.s32 $0xFFFFE700  }
0x2f2: {  	_ =	swait.ge [sflag:s28], $0x1900  }
0x2f3: {  	[sflag:s28] =	ssyncset.done $0x0  }
0x2f4: {  	s0 =	simm.s32 $0x0;
	[sflag:s28] =	ssyncadd.s32 $0xFFFFE700  }
0x2f5: {  	v0 =	vld [tilespmem:s0+$0x18780];
	_ =	sdelay $0x5  }
0x2f6: {  	v1 =	vld [tilespmem:s0+$0x18790];
	_ =	sdelay $0x1  }
0x2f7: {  	v0 =	vld.idx.msk [tilespmem:v0+s3+$0x0], $0xffff;
	_ =	sdelay $0x4  }
0x2f8: {  	[tilespmem:s0+$0x1B980] =	vst v0;
	v0 =	vld [tilespmem:s0+$0x187A0]  }
0x2f9: {  	v1 =	vld.idx.msk [tilespmem:v1+s3+$0x0], $0xffff;
	_ =	sdelay $0x4  }
0x2fa: {  	[tilespmem:s0+$0x1B990] =	vst v1;
	v1 =	vld [tilespmem:s0+$0x187B0];
	_ =	sdelay $0x1  }
0x2fb: {  	v0 =	vld.idx.msk [tilespmem:v0+s3+$0x0], $0xffff;
	_ =	sdelay $0x4  }
0x2fc: {  	[tilespmem:s0+$0x1B9A0] =	vst v0;
	v0 =	vld [tilespmem:s0+$0x187C0]  }
0x2fd: {  	v1 =	vld.idx.msk [tilespmem:v1+s3+$0x0], $0xffff;
	_ =	sdelay $0x4  }
0x2fe: {  	[tilespmem:s0+$0x1B9B0] =	vst v1;
	v1 =	vld [tilespmem:s0+$0x187D0];
	_ =	sdelay $0x1  }
0x2ff: {  	v0 =	vld.idx.msk [tilespmem:v0+s3+$0x0], $0xffff;
	_ =	sdelay $0x4  }
0x300: {  	[tilespmem:s0+$0x1B9C0] =	vst v0;
	v0 =	vld [tilespmem:s0+$0x187E0]  }
0x301: {  	v1 =	vld.idx.msk [tilespmem:v1+s3+$0x0], $0xffff;
	_ =	sdelay $0x4  }
0x302: {  	[tilespmem:s0+$0x1B9D0] =	vst v1;
	v1 =	vld [tilespmem:s0+$0x187F0];
	_ =	sdelay $0x1  }
0x303: {  	v0 =	vld.idx.msk [tilespmem:v0+s3+$0x0], $0xffff;
	_ =	sdelay $0x4  }
0x304: {  	[tilespmem:s0+$0x1B9E0] =	vst v0;
	v0 =	vld [tilespmem:s0+$0x18880]  }
0x305: {  	v1 =	vld.idx.msk [tilespmem:v1+s3+$0x0], $0xffff;
	_ =	sdelay $0x4  }
0x306: {  	[tilespmem:s0+$0x1B9F0] =	vst v1;
	v1 =	vld [tilespmem:s0+$0x18890];
	_ =	sdelay $0x1  }
0x307: {  	v0 =	vld.idx.msk [tilespmem:v0+s3+$0x0], $0xffff;
	_ =	sdelay $0x4  }
0x308: {  	[tilespmem:s0+$0x1BA80] =	vst v0;
	v0 =	vld [tilespmem:s0+$0x188A0]  }
0x309: {  	v1 =	vld.idx.msk [tilespmem:v1+s3+$0x0], $0xffff;
	_ =	sdelay $0x4  }
0x30a: {  	[tilespmem:s0+$0x1BA90] =	vst v1;
	v1 =	vld [tilespmem:s0+$0x188B0];
	_ =	sdelay $0x1  }
0x30b: {  	v0 =	vld.idx.msk [tilespmem:v0+s3+$0x0], $0xffff;
	_ =	sdelay $0x4  }
0x30c: {  	[tilespmem:s0+$0x1BAA0] =	vst v0;
	v0 =	vld [tilespmem:s0+$0x188C0]  }
0x30d: {  	v1 =	vld.idx.msk [tilespmem:v1+s3+$0x0], $0xffff;
	_ =	sdelay $0x4  }
0x30e: {  	[tilespmem:s0+$0x1BAB0] =	vst v1;
	v1 =	vld [tilespmem:s0+$0x188D0];
	_ =	sdelay $0x1  }
0x30f: {  	v0 =	vld.idx.msk [tilespmem:v0+s3+$0x0], $0xffff;
	_ =	sdelay $0x4  }
0x310: {  	v2 =	vld [tilespmem:s0+$0x188E0];
	[tilespmem:s0+$0x1BAC0] =	vst v0  }
0x311: {  	v0 =	vld.idx.msk [tilespmem:v1+s3+$0x0], $0xffff;
	_ =	sdelay $0x4  }
0x312: {  	[tilespmem:s0+$0x1BAD0] =	vst v0;
	v0 =	vld [tilespmem:s0+$0x188F0];
	_ =	sdelay $0x1  }
0x313: {  	v1 =	vld.idx.msk [tilespmem:v2+s3+$0x0], $0xffff;
	_ =	sdelay $0x3  }
0x314: {  	s21 =	simm.s32 $0x200;
	s2 =	simm.s32 $0x1000  }
.LBB2_36:
0x315: {  	p0 =	sne.s32 s2, $0xC000;
	v2 =	vld [tilespmem:s21+$0x18780];
	[tilespmem:s0+$0x1BAE0] =	vst v1  }
0x316: {  	v0 =	vld.idx.msk [tilespmem:v0+s3+$0x0], $0xffff;
	_ =	sdelay $0x5  }
0x317: {  	v1 =	vld [tilespmem:s21+$0x18790];
	[tilespmem:s0+$0x1BAF0] =	vst v0;
	s0 =	smov.u32 s21  }
0x318: {  	v0 =	vld.idx.msk [tilespmem:v2+s3+$0x0], $0xffff;
	_ =	sdelay $0x5  }
0x319: {  	[tilespmem:s0+$0x1B980] =	vst v0;
	v0 =	vld [tilespmem:s0+$0x187A0]  }
0x31a: {  	v1 =	vld.idx.msk [tilespmem:v1+s3+$0x0], $0xffff;
	_ =	sdelay $0x5  }
0x31b: {  	[tilespmem:s0+$0x1B990] =	vst v1;
	v1 =	vld [tilespmem:s0+$0x187B0]  }
0x31c: {  	v0 =	vld.idx.msk [tilespmem:v0+s3+$0x0], $0xffff;
	_ =	sdelay $0x5  }
0x31d: {  	[tilespmem:s0+$0x1B9A0] =	vst v0;
	v0 =	vld [tilespmem:s0+$0x187C0]  }
0x31e: {  	v1 =	vld.idx.msk [tilespmem:v1+s3+$0x0], $0xffff;
	_ =	sdelay $0x5  }
0x31f: {  	[tilespmem:s0+$0x1B9B0] =	vst v1;
	v1 =	vld [tilespmem:s0+$0x187D0]  }
0x320: {  	v0 =	vld.idx.msk [tilespmem:v0+s3+$0x0], $0xffff;
	_ =	sdelay $0x5  }
0x321: {  	[tilespmem:s0+$0x1B9C0] =	vst v0;
	v0 =	vld [tilespmem:s0+$0x187E0]  }
0x322: {  	v1 =	vld.idx.msk [tilespmem:v1+s3+$0x0], $0xffff;
	_ =	sdelay $0x5  }
0x323: {  	[tilespmem:s0+$0x1B9D0] =	vst v1;
	v1 =	vld [tilespmem:s0+$0x187F0]  }
0x324: {  	v0 =	vld.idx.msk [tilespmem:v0+s3+$0x0], $0xffff;
	_ =	sdelay $0x5  }
0x325: {  	[tilespmem:s0+$0x1B9E0] =	vst v0;
	v0 =	vld [tilespmem:s0+$0x18880]  }
0x326: {  	v1 =	vld.idx.msk [tilespmem:v1+s3+$0x0], $0xffff;
	_ =	sdelay $0x5  }
0x327: {  	[tilespmem:s0+$0x1B9F0] =	vst v1;
	v1 =	vld [tilespmem:s0+$0x18890]  }
0x328: {  	v0 =	vld.idx.msk [tilespmem:v0+s3+$0x0], $0xffff;
	_ =	sdelay $0x5  }
0x329: {  	[tilespmem:s0+$0x1BA80] =	vst v0;
	v0 =	vld [tilespmem:s0+$0x188A0]  }
0x32a: {  	v1 =	vld.idx.msk [tilespmem:v1+s3+$0x0], $0xffff;
	_ =	sdelay $0x5  }
0x32b: {  	[tilespmem:s0+$0x1BA90] =	vst v1;
	v1 =	vld [tilespmem:s0+$0x188B0]  }
0x32c: {  	v0 =	vld.idx.msk [tilespmem:v0+s3+$0x0], $0xffff;
	_ =	sdelay $0x5  }
0x32d: {  	[tilespmem:s0+$0x1BAA0] =	vst v0;
	v0 =	vld [tilespmem:s0+$0x188C0]  }
0x32e: {  	v1 =	vld.idx.msk [tilespmem:v1+s3+$0x0], $0xffff;
	_ =	sdelay $0x5  }
0x32f: {  	[tilespmem:s0+$0x1BAB0] =	vst v1;
	v1 =	vld [tilespmem:s0+$0x188D0]  }
0x330: {  	v0 =	vld.idx.msk [tilespmem:v0+s3+$0x0], $0xffff;
	_ =	sdelay $0x5  }
0x331: {  	[tilespmem:s0+$0x1BAC0] =	vst v0;
	v2 =	vld [tilespmem:s0+$0x188E0]  }
0x332: {  	v0 =	vld.idx.msk [tilespmem:v1+s3+$0x0], $0xffff;
	_ =	sdelay $0x5  }
0x333: {  	[tilespmem:s0+$0x1BAD0] =	vst v0;
	v0 =	vld [tilespmem:s0+$0x188F0]  }
0x334: {  	v1 =	vld.idx.msk [tilespmem:v2+s3+$0x0], $0xffff  }
.Ltmp17:
0x335: {  	(pc) =	sbr.rel @p0 .LBB2_36-.Ltmp17, $2  }
0x336: {  	_ =	sdelay $0x2  }
0x337: {  	s21 =	sshra.s32 s2, $0x2;
	s2 =	sadd.s32 $0x800, s2  }
0x338: {  	_ =	sdelay $0x1  }
0x339: {  	v2 =	vld [tilespmem:s21+$0x18780]  }
0x33a: {  	[tilespmem:s0+$0x1BAE0] =	vst v1  }
0x33b: {  	v0 =	vld.idx.msk [tilespmem:v0+s3+$0x0], $0xffff;
	_ =	sdelay $0x3  }
0x33c: {  	v1 =	vld [tilespmem:s21+$0x18790]  }
0x33d: {  	[tilespmem:s0+$0x1BAF0] =	vst v0  }
0x33e: {  	v0 =	vld.idx.msk [tilespmem:v2+s3+$0x0], $0xffff;
	_ =	sdelay $0x3  }
0x33f: {  	v50 =	vld [tilespmem:s21+$0x187A0]  }
0x340: {  	[tilespmem:s21+$0x1B980] =	vst v0  }
0x341: {  	v1 =	vld.idx.msk [tilespmem:v1+s3+$0x0], $0xffff;
	_ =	sdelay $0x3  }
0x342: {  	v51 =	vld [tilespmem:s21+$0x187B0]  }
0x343: {  	[tilespmem:s21+$0x1B990] =	vst v1  }
0x344: {  	v0 =	vld.idx.msk [tilespmem:v50+s3+$0x0], $0xffff;
	_ =	sdelay $0x3  }
0x345: {  	v52 =	vld [tilespmem:s21+$0x187C0]  }
0x346: {  	[tilespmem:s21+$0x1B9A0] =	vst v0  }
0x347: {  	v1 =	vld.idx.msk [tilespmem:v51+s3+$0x0], $0xffff;
	_ =	sdelay $0x3  }
0x348: {  	v53 =	vld [tilespmem:s21+$0x187D0]  }
0x349: {  	[tilespmem:s21+$0x1B9B0] =	vst v1  }
0x34a: {  	v0 =	vld.idx.msk [tilespmem:v52+s3+$0x0], $0xffff;
	_ =	sdelay $0x3  }
0x34b: {  	v54 =	vld [tilespmem:s21+$0x187E0]  }
0x34c: {  	[tilespmem:s21+$0x1B9C0] =	vst v0  }
0x34d: {  	v1 =	vld.idx.msk [tilespmem:v53+s3+$0x0], $0xffff;
	_ =	sdelay $0x3  }
0x34e: {  	v55 =	vld [tilespmem:s21+$0x187F0]  }
0x34f: {  	[tilespmem:s21+$0x1B9D0] =	vst v1  }
0x350: {  	v0 =	vld.idx.msk [tilespmem:v54+s3+$0x0], $0xffff;
	_ =	sdelay $0x3  }
0x351: {  	v56 =	vld [tilespmem:s21+$0x18880]  }
0x352: {  	[tilespmem:s21+$0x1B9E0] =	vst v0  }
0x353: {  	v1 =	vld.idx.msk [tilespmem:v55+s3+$0x0], $0xffff;
	_ =	sdelay $0x3  }
0x354: {  	v57 =	vld [tilespmem:s21+$0x18890]  }
0x355: {  	[tilespmem:s21+$0x1B9F0] =	vst v1  }
0x356: {  	v0 =	vld.idx.msk [tilespmem:v56+s3+$0x0], $0xffff;
	_ =	sdelay $0x3  }
0x357: {  	v58 =	vld [tilespmem:s21+$0x188A0]  }
0x358: {  	[tilespmem:s21+$0x1BA80] =	vst v0  }
0x359: {  	v1 =	vld.idx.msk [tilespmem:v57+s3+$0x0], $0xffff;
	_ =	sdelay $0x3  }
0x35a: {  	v59 =	vld [tilespmem:s21+$0x188B0]  }
0x35b: {  	[tilespmem:s21+$0x1BA90] =	vst v1  }
0x35c: {  	v0 =	vld.idx.msk [tilespmem:v58+s3+$0x0], $0xffff;
	_ =	sdelay $0x3  }
0x35d: {  	v60 =	vld [tilespmem:s21+$0x188C0]  }
0x35e: {  	[tilespmem:s21+$0x1BAA0] =	vst v0  }
0x35f: {  	v1 =	vld.idx.msk [tilespmem:v59+s3+$0x0], $0xffff;
	_ =	sdelay $0x3  }
0x360: {  	v61 =	vld [tilespmem:s21+$0x188D0]  }
0x361: {  	[tilespmem:s21+$0x1BAB0] =	vst v1  }
0x362: {  	v0 =	vld.idx.msk [tilespmem:v60+s3+$0x0], $0xffff;
	_ =	sdelay $0x3  }
0x363: {  	v62 =	vld [tilespmem:s21+$0x188E0]  }
0x364: {  	[tilespmem:s21+$0x1BAC0] =	vst v0  }
0x365: {  	v1 =	vld.idx.msk [tilespmem:v61+s3+$0x0], $0xffff;
	_ =	sdelay $0x3  }
0x366: {  	v63 =	vld [tilespmem:s21+$0x188F0]  }
0x367: {  	[tilespmem:s21+$0x1BAD0] =	vst v1  }
0x368: {  	v0 =	vld.idx.msk [tilespmem:v62+s3+$0x0], $0xffff;
	_ =	sdelay $0x4  }
0x369: {  	[tilespmem:s21+$0x1BAE0] =	vst v0  }
0x36a: {  	v0 =	vld.idx.msk [tilespmem:v63+s3+$0x0], $0xffff;
	_ =	sdelay $0x3  }
0x36b: {  	s2 =	simm.s32 $0x80  }
0x36c: {  	s15 =	sadd.s32 $0x0, s14;
	s5 =	simm.s32 $0x1BA80;
	s0 =	simm.s32 $0x1B980;
	[tilespmem:s21+$0x1BAF0] =	vst v0  }
.LBB2_38:
0x36d: {  	[hbm4b:s15+s3] =	stream.linear.scatter [tilespmem:s0], [sflag:$0x4], $0x80, $0x38;
	[tilespmem:$0x1EB00] =	vst v63  }
0x36e: {  	s15 =	smov.u32 s2;
	s0 =	smov.u32 s5;
	p0 =	sne.s32 s2, $0x1880  }
.Ltmp18:
0x36f: {  	s2 =	sadd.s32 $0x80, s2;
	(pc) =	sbr.rel @p0 .LBB2_38-.Ltmp18, $2  }
0x370: {  	_ =	sdelay $0x2  }
0x371: {  	s5 =	sadd.s32 $0x100, s5;
	s15 =	sadd.s32 s15, s14  }
0x372: {  	[hbm4b:s15+s3] =	stream.linear.scatter [tilespmem:s0], [sflag:$0x4], $0x80, $0x38;
	[tilespmem:$0x1EB00] =	vst v63  }
0x373: {  	_ =	swait.ge [sflag:s26], $0x1900  }
0x374: {  	[sflag:s26] =	ssyncset.done $0x0  }
0x375: {  	[sflag:s26] =	ssyncadd.s32 $0xFFFFE700  }
0x376: {  	_ =	swait.ge [sflag:s28], $0x1900  }
0x377: {  	s0 =	simm.s32 $0x0;
	s5 =	simm.s32 $0x80;
	[sflag:s28] =	ssyncset.done $0x0  }
0x378: {  	s31 =	simm.s32 $0x400;
	s2 =	rddreg [dreg:$0x5];
	[sflag:s28] =	ssyncadd.s32 $0xFFFFE700  }
0x379: {  	[tilespmem:s0], [sflag:$0x5] =	stream.strided.gather [hbm4b:s2+s5], $0x18700, s31, s5, $0x38;
	[tilespmem:$0x1EB00] =	vst v63  }
0x37a: {  	_ =	swait.ge [sflag:s23], $0x18700  }
0x37b: {  	[sflag:s23] =	ssyncset.done $0x0  }
0x37c: {  	s2 =	simm.s32 $0x18700;
	s5 =	simm.s32 $0x0;
	[sflag:s23] =	ssyncadd.s32 $0xFFFE7900  }
.LBB2_40:
0x37d: {  	p0 =	sne.s32 s5, $0x310  }
.Ltmp19:
0x37e: {  	_ = 	snop;
	(pc) =	sbr.rel @p0 .LBB2_40-.Ltmp19, $4  }
0x37f: {  	_ = 	snop  }
0x380: {  	s15 =	sadd.s32 s5, s4  }
0x381: {  	[tilespmem:s2], [sflag:$0x1] =	stream.linear.gather [hbm4b:s15+s0], $0x80, $0x38;
	[tilespmem:$0x1EB00] =	vst v63  }
0x382: {  	s5 =	sadd.s32 $0x10, s5;
	s2 =	sadd.s32 $0x100, s2  }
0x383: {  	s0 =	simm.s32 $0x18780  }
0x384: {  	s2 =	simm.s32 $0x10;
	s15 =	sadd.s32 $0x0, s6;
	s5 =	simm.s32 $0x18880  }
.LBB2_42:
0x385: {  	[tilespmem:s0], [sflag:$0x2] =	stream.linear.gather [hbm4b:s15+s3], $0x80, $0x38;
	[tilespmem:$0x1EB00] =	vst v63  }
0x386: {  	s15 =	smov.u32 s2;
	s0 =	smov.u32 s5;
	p0 =	sne.s32 s2, $0x310  }
.Ltmp20:
0x387: {  	s2 =	sadd.s32 $0x10, s2;
	(pc) =	sbr.rel @p0 .LBB2_42-.Ltmp20, $2  }
0x388: {  	_ =	sdelay $0x2  }
0x389: {  	s5 =	sadd.s32 $0x100, s5;
	s15 =	sadd.s32 s15, s6  }
0x38a: {  	[tilespmem:s0], [sflag:$0x2] =	stream.linear.gather [hbm4b:s15+s3], $0x80, $0x38;
	[tilespmem:$0x1EB00] =	vst v63  }
0x38b: {  	_ =	swait.ge [sflag:s24], $0x1900  }
0x38c: {  	[sflag:s24] =	ssyncset.done $0x0  }
0x38d: {  	s2 =	simm.s32 $0x0;
	[sflag:s24] =	ssyncadd.s32 $0xFFFFE700  }
0x38e: {  	v0 =	vld [tilespmem:s2+$0x18700];
	_ =	sdelay $0x5  }
0x38f: {  	v1 =	vld [tilespmem:s2+$0x18710]  }
0x390: {  	s0 =	simm.s32 $0x0  }
0x391: {  	v0 =	vld.idx.msk [tilespmem:v0+s0+$0x0], $0xffff;
	_ =	sdelay $0x4  }
0x392: {  	[tilespmem:s2+$0x1B900] =	vst v0;
	v0 =	vld [tilespmem:s2+$0x18720]  }
0x393: {  	v1 =	vld.idx.msk [tilespmem:v1+s0+$0x0], $0xffff;
	_ =	sdelay $0x4  }
0x394: {  	[tilespmem:s2+$0x1B910] =	vst v1;
	v1 =	vld [tilespmem:s2+$0x18730];
	_ =	sdelay $0x1  }
0x395: {  	v0 =	vld.idx.msk [tilespmem:v0+s0+$0x0], $0xffff;
	_ =	sdelay $0x4  }
0x396: {  	[tilespmem:s2+$0x1B920] =	vst v0;
	v0 =	vld [tilespmem:s2+$0x18740]  }
0x397: {  	v1 =	vld.idx.msk [tilespmem:v1+s0+$0x0], $0xffff;
	_ =	sdelay $0x4  }
0x398: {  	[tilespmem:s2+$0x1B930] =	vst v1;
	v1 =	vld [tilespmem:s2+$0x18750];
	_ =	sdelay $0x1  }
0x399: {  	v0 =	vld.idx.msk [tilespmem:v0+s0+$0x0], $0xffff;
	_ =	sdelay $0x4  }
0x39a: {  	[tilespmem:s2+$0x1B940] =	vst v0;
	v0 =	vld [tilespmem:s2+$0x18760]  }
0x39b: {  	v1 =	vld.idx.msk [tilespmem:v1+s0+$0x0], $0xffff;
	_ =	sdelay $0x4  }
0x39c: {  	[tilespmem:s2+$0x1B950] =	vst v1;
	v1 =	vld [tilespmem:s2+$0x18770];
	_ =	sdelay $0x1  }
0x39d: {  	v0 =	vld.idx.msk [tilespmem:v0+s0+$0x0], $0xffff;
	_ =	sdelay $0x4  }
0x39e: {  	[tilespmem:s2+$0x1B960] =	vst v0;
	v0 =	vld [tilespmem:s2+$0x18800]  }
0x39f: {  	v1 =	vld.idx.msk [tilespmem:v1+s0+$0x0], $0xffff;
	_ =	sdelay $0x4  }
0x3a0: {  	[tilespmem:s2+$0x1B970] =	vst v1;
	v1 =	vld [tilespmem:s2+$0x18810];
	_ =	sdelay $0x1  }
0x3a1: {  	v0 =	vld.idx.msk [tilespmem:v0+s0+$0x0], $0xffff;
	_ =	sdelay $0x4  }
0x3a2: {  	[tilespmem:s2+$0x1BA00] =	vst v0;
	v0 =	vld [tilespmem:s2+$0x18820]  }
0x3a3: {  	v1 =	vld.idx.msk [tilespmem:v1+s0+$0x0], $0xffff;
	_ =	sdelay $0x4  }
0x3a4: {  	[tilespmem:s2+$0x1BA10] =	vst v1;
	v1 =	vld [tilespmem:s2+$0x18830];
	_ =	sdelay $0x1  }
0x3a5: {  	v0 =	vld.idx.msk [tilespmem:v0+s0+$0x0], $0xffff;
	_ =	sdelay $0x4  }
0x3a6: {  	[tilespmem:s2+$0x1BA20] =	vst v0;
	v0 =	vld [tilespmem:s2+$0x18840]  }
0x3a7: {  	v1 =	vld.idx.msk [tilespmem:v1+s0+$0x0], $0xffff;
	_ =	sdelay $0x4  }
0x3a8: {  	[tilespmem:s2+$0x1BA30] =	vst v1;
	v1 =	vld [tilespmem:s2+$0x18850];
	_ =	sdelay $0x1  }
0x3a9: {  	v0 =	vld.idx.msk [tilespmem:v0+s0+$0x0], $0xffff;
	_ =	sdelay $0x4  }
0x3aa: {  	v2 =	vld [tilespmem:s2+$0x18860];
	[tilespmem:s2+$0x1BA40] =	vst v0  }
0x3ab: {  	v0 =	vld.idx.msk [tilespmem:v1+s0+$0x0], $0xffff;
	_ =	sdelay $0x4  }
0x3ac: {  	[tilespmem:s2+$0x1BA50] =	vst v0;
	v0 =	vld [tilespmem:s2+$0x18870];
	_ =	sdelay $0x1  }
0x3ad: {  	v1 =	vld.idx.msk [tilespmem:v2+s0+$0x0], $0xffff;
	_ =	sdelay $0x3  }
0x3ae: {  	s22 =	simm.s32 $0x200;
	s21 =	simm.s32 $0x1000  }
.LBB2_44:
0x3af: {  	p0 =	sne.s32 s21, $0xC000;
	v2 =	vld [tilespmem:s22+$0x18700];
	[tilespmem:s2+$0x1BA60] =	vst v1  }
0x3b0: {  	v0 =	vld.idx.msk [tilespmem:v0+s0+$0x0], $0xffff;
	_ =	sdelay $0x5  }
0x3b1: {  	v1 =	vld [tilespmem:s22+$0x18710];
	[tilespmem:s2+$0x1BA70] =	vst v0;
	s2 =	smov.u32 s22  }
0x3b2: {  	v0 =	vld.idx.msk [tilespmem:v2+s0+$0x0], $0xffff;
	_ =	sdelay $0x5  }
0x3b3: {  	[tilespmem:s2+$0x1B900] =	vst v0;
	v0 =	vld [tilespmem:s2+$0x18720]  }
0x3b4: {  	v1 =	vld.idx.msk [tilespmem:v1+s0+$0x0], $0xffff;
	_ =	sdelay $0x5  }
0x3b5: {  	[tilespmem:s2+$0x1B910] =	vst v1;
	v1 =	vld [tilespmem:s2+$0x18730]  }
0x3b6: {  	v0 =	vld.idx.msk [tilespmem:v0+s0+$0x0], $0xffff;
	_ =	sdelay $0x5  }
0x3b7: {  	[tilespmem:s2+$0x1B920] =	vst v0;
	v0 =	vld [tilespmem:s2+$0x18740]  }
0x3b8: {  	v1 =	vld.idx.msk [tilespmem:v1+s0+$0x0], $0xffff;
	_ =	sdelay $0x5  }
0x3b9: {  	[tilespmem:s2+$0x1B930] =	vst v1;
	v1 =	vld [tilespmem:s2+$0x18750]  }
0x3ba: {  	v0 =	vld.idx.msk [tilespmem:v0+s0+$0x0], $0xffff;
	_ =	sdelay $0x5  }
0x3bb: {  	[tilespmem:s2+$0x1B940] =	vst v0;
	v0 =	vld [tilespmem:s2+$0x18760]  }
0x3bc: {  	v1 =	vld.idx.msk [tilespmem:v1+s0+$0x0], $0xffff;
	_ =	sdelay $0x5  }
0x3bd: {  	[tilespmem:s2+$0x1B950] =	vst v1;
	v1 =	vld [tilespmem:s2+$0x18770]  }
0x3be: {  	v0 =	vld.idx.msk [tilespmem:v0+s0+$0x0], $0xffff;
	_ =	sdelay $0x5  }
0x3bf: {  	[tilespmem:s2+$0x1B960] =	vst v0;
	v0 =	vld [tilespmem:s2+$0x18800]  }
0x3c0: {  	v1 =	vld.idx.msk [tilespmem:v1+s0+$0x0], $0xffff;
	_ =	sdelay $0x5  }
0x3c1: {  	[tilespmem:s2+$0x1B970] =	vst v1;
	v1 =	vld [tilespmem:s2+$0x18810]  }
0x3c2: {  	v0 =	vld.idx.msk [tilespmem:v0+s0+$0x0], $0xffff;
	_ =	sdelay $0x5  }
0x3c3: {  	[tilespmem:s2+$0x1BA00] =	vst v0;
	v0 =	vld [tilespmem:s2+$0x18820]  }
0x3c4: {  	v1 =	vld.idx.msk [tilespmem:v1+s0+$0x0], $0xffff;
	_ =	sdelay $0x5  }
0x3c5: {  	[tilespmem:s2+$0x1BA10] =	vst v1;
	v1 =	vld [tilespmem:s2+$0x18830]  }
0x3c6: {  	v0 =	vld.idx.msk [tilespmem:v0+s0+$0x0], $0xffff;
	_ =	sdelay $0x5  }
0x3c7: {  	[tilespmem:s2+$0x1BA20] =	vst v0;
	v0 =	vld [tilespmem:s2+$0x18840]  }
0x3c8: {  	v1 =	vld.idx.msk [tilespmem:v1+s0+$0x0], $0xffff;
	_ =	sdelay $0x5  }
0x3c9: {  	[tilespmem:s2+$0x1BA30] =	vst v1;
	v1 =	vld [tilespmem:s2+$0x18850]  }
0x3ca: {  	v0 =	vld.idx.msk [tilespmem:v0+s0+$0x0], $0xffff;
	_ =	sdelay $0x5  }
0x3cb: {  	[tilespmem:s2+$0x1BA40] =	vst v0;
	v2 =	vld [tilespmem:s2+$0x18860]  }
0x3cc: {  	v0 =	vld.idx.msk [tilespmem:v1+s0+$0x0], $0xffff;
	_ =	sdelay $0x5  }
0x3cd: {  	[tilespmem:s2+$0x1BA50] =	vst v0;
	v0 =	vld [tilespmem:s2+$0x18870]  }
0x3ce: {  	v1 =	vld.idx.msk [tilespmem:v2+s0+$0x0], $0xffff  }
.Ltmp21:
0x3cf: {  	(pc) =	sbr.rel @p0 .LBB2_44-.Ltmp21, $2  }
0x3d0: {  	_ =	sdelay $0x2  }
0x3d1: {  	s22 =	sshra.s32 s21, $0x2;
	s21 =	sadd.s32 $0x800, s21  }
0x3d2: {  	_ =	sdelay $0x1  }
0x3d3: {  	v2 =	vld [tilespmem:s22+$0x18700]  }
0x3d4: {  	[tilespmem:s2+$0x1BA60] =	vst v1  }
0x3d5: {  	v0 =	vld.idx.msk [tilespmem:v0+s0+$0x0], $0xffff;
	_ =	sdelay $0x3  }
0x3d6: {  	v1 =	vld [tilespmem:s22+$0x18710]  }
0x3d7: {  	[tilespmem:s2+$0x1BA70] =	vst v0  }
0x3d8: {  	v0 =	vld.idx.msk [tilespmem:v2+s0+$0x0], $0xffff;
	_ =	sdelay $0x3  }
0x3d9: {  	v50 =	vld [tilespmem:s22+$0x18720]  }
0x3da: {  	[tilespmem:s22+$0x1B900] =	vst v0  }
0x3db: {  	v1 =	vld.idx.msk [tilespmem:v1+s0+$0x0], $0xffff;
	_ =	sdelay $0x3  }
0x3dc: {  	v51 =	vld [tilespmem:s22+$0x18730]  }
0x3dd: {  	[tilespmem:s22+$0x1B910] =	vst v1  }
0x3de: {  	v0 =	vld.idx.msk [tilespmem:v50+s0+$0x0], $0xffff;
	_ =	sdelay $0x3  }
0x3df: {  	v52 =	vld [tilespmem:s22+$0x18740]  }
0x3e0: {  	[tilespmem:s22+$0x1B920] =	vst v0  }
0x3e1: {  	v1 =	vld.idx.msk [tilespmem:v51+s0+$0x0], $0xffff;
	_ =	sdelay $0x3  }
0x3e2: {  	v53 =	vld [tilespmem:s22+$0x18750]  }
0x3e3: {  	[tilespmem:s22+$0x1B930] =	vst v1  }
0x3e4: {  	v0 =	vld.idx.msk [tilespmem:v52+s0+$0x0], $0xffff;
	_ =	sdelay $0x3  }
0x3e5: {  	v54 =	vld [tilespmem:s22+$0x18760]  }
0x3e6: {  	[tilespmem:s22+$0x1B940] =	vst v0  }
0x3e7: {  	v1 =	vld.idx.msk [tilespmem:v53+s0+$0x0], $0xffff;
	_ =	sdelay $0x3  }
0x3e8: {  	v55 =	vld [tilespmem:s22+$0x18770]  }
0x3e9: {  	[tilespmem:s22+$0x1B950] =	vst v1  }
0x3ea: {  	v0 =	vld.idx.msk [tilespmem:v54+s0+$0x0], $0xffff;
	_ =	sdelay $0x3  }
0x3eb: {  	v56 =	vld [tilespmem:s22+$0x18800]  }
0x3ec: {  	[tilespmem:s22+$0x1B960] =	vst v0  }
0x3ed: {  	v1 =	vld.idx.msk [tilespmem:v55+s0+$0x0], $0xffff;
	_ =	sdelay $0x3  }
0x3ee: {  	v57 =	vld [tilespmem:s22+$0x18810]  }
0x3ef: {  	[tilespmem:s22+$0x1B970] =	vst v1  }
0x3f0: {  	v0 =	vld.idx.msk [tilespmem:v56+s0+$0x0], $0xffff;
	_ =	sdelay $0x3  }
0x3f1: {  	v58 =	vld [tilespmem:s22+$0x18820]  }
0x3f2: {  	[tilespmem:s22+$0x1BA00] =	vst v0  }
0x3f3: {  	v1 =	vld.idx.msk [tilespmem:v57+s0+$0x0], $0xffff;
	_ =	sdelay $0x3  }
0x3f4: {  	v59 =	vld [tilespmem:s22+$0x18830]  }
0x3f5: {  	[tilespmem:s22+$0x1BA10] =	vst v1  }
0x3f6: {  	v0 =	vld.idx.msk [tilespmem:v58+s0+$0x0], $0xffff;
	_ =	sdelay $0x3  }
0x3f7: {  	v60 =	vld [tilespmem:s22+$0x18840]  }
0x3f8: {  	[tilespmem:s22+$0x1BA20] =	vst v0  }
0x3f9: {  	v1 =	vld.idx.msk [tilespmem:v59+s0+$0x0], $0xffff;
	_ =	sdelay $0x3  }
0x3fa: {  	v61 =	vld [tilespmem:s22+$0x18850]  }
0x3fb: {  	[tilespmem:s22+$0x1BA30] =	vst v1  }
0x3fc: {  	v0 =	vld.idx.msk [tilespmem:v60+s0+$0x0], $0xffff;
	_ =	sdelay $0x3  }
0x3fd: {  	v62 =	vld [tilespmem:s22+$0x18860]  }
0x3fe: {  	[tilespmem:s22+$0x1BA40] =	vst v0  }
0x3ff: {  	v1 =	vld.idx.msk [tilespmem:v61+s0+$0x0], $0xffff;
	_ =	sdelay $0x3  }
0x400: {  	v63 =	vld [tilespmem:s22+$0x18870]  }
0x401: {  	[tilespmem:s22+$0x1BA50] =	vst v1  }
0x402: {  	v0 =	vld.idx.msk [tilespmem:v62+s0+$0x0], $0xffff;
	_ =	sdelay $0x4  }
0x403: {  	[tilespmem:s22+$0x1BA60] =	vst v0  }
0x404: {  	v0 =	vld.idx.msk [tilespmem:v63+s0+$0x0], $0xffff;
	_ =	sdelay $0x3  }
0x405: {  	s15 =	sadd.s32 $0x0, s7  }
0x406: {  	s5 =	simm.s32 $0x18800;
	s2 =	simm.s32 $0x10;
	s0 =	simm.s32 $0x18700;
	[tilespmem:s22+$0x1BA70] =	vst v0  }
.LBB2_46:
0x407: {  	[tilespmem:s0], [sflag:$0x1] =	stream.linear.gather [hbm4b:s15+s3], $0x80, $0x38;
	[tilespmem:$0x1EB00] =	vst v63  }
0x408: {  	s15 =	smov.u32 s2;
	s0 =	smov.u32 s5;
	p0 =	sne.s32 s2, $0x310  }
.Ltmp22:
0x409: {  	s2 =	sadd.s32 $0x10, s2;
	(pc) =	sbr.rel @p0 .LBB2_46-.Ltmp22, $2  }
0x40a: {  	_ =	sdelay $0x2  }
0x40b: {  	s5 =	sadd.s32 $0x100, s5;
	s15 =	sadd.s32 s15, s7  }
0x40c: {  	[tilespmem:s0], [sflag:$0x1] =	stream.linear.gather [hbm4b:s15+s3], $0x80, $0x38;
	[tilespmem:$0x1EB00] =	vst v63  }
0x40d: {  	s0 =	simm.s32 $0x1B900  }
0x40e: {  	s2 =	simm.s32 $0x80;
	s15 =	sadd.s32 $0x0, s16;
	s5 =	simm.s32 $0x1BA00  }
.LBB2_48:
0x40f: {  	[hbm4b:s15+s3] =	stream.linear.scatter [tilespmem:s0], [sflag:$0x3], $0x80, $0x38;
	[tilespmem:$0x1EB00] =	vst v63  }
0x410: {  	s15 =	smov.u32 s2;
	s0 =	smov.u32 s5;
	p0 =	sne.s32 s2, $0x1880  }
.Ltmp23:
0x411: {  	s2 =	sadd.s32 $0x80, s2;
	(pc) =	sbr.rel @p0 .LBB2_48-.Ltmp23, $2  }
0x412: {  	_ =	sdelay $0x2  }
0x413: {  	s5 =	sadd.s32 $0x100, s5;
	s15 =	sadd.s32 s15, s16  }
0x414: {  	[hbm4b:s15+s3] =	stream.linear.scatter [tilespmem:s0], [sflag:$0x3], $0x80, $0x38;
	[tilespmem:$0x1EB00] =	vst v63  }
0x415: {  	_ =	swait.ge [sflag:s25], $0x1900  }
0x416: {  	[sflag:s25] =	ssyncset.done $0x0  }
0x417: {  	s2 =	simm.s32 $0x0;
	[sflag:s25] =	ssyncadd.s32 $0xFFFFE700  }
0x418: {  	v0 =	vld [tilespmem:s2+$0x18780];
	_ =	sdelay $0x5  }
0x419: {  	v1 =	vld [tilespmem:s2+$0x18790]  }
0x41a: {  	s0 =	simm.s32 $0x0  }
0x41b: {  	v0 =	vld.idx.msk [tilespmem:v0+s0+$0x0], $0xffff;
	_ =	sdelay $0x4  }
0x41c: {  	[tilespmem:s2+$0x1B980] =	vst v0;
	v0 =	vld [tilespmem:s2+$0x187A0]  }
0x41d: {  	v1 =	vld.idx.msk [tilespmem:v1+s0+$0x0], $0xffff;
	_ =	sdelay $0x4  }
0x41e: {  	[tilespmem:s2+$0x1B990] =	vst v1;
	v1 =	vld [tilespmem:s2+$0x187B0];
	_ =	sdelay $0x1  }
0x41f: {  	v0 =	vld.idx.msk [tilespmem:v0+s0+$0x0], $0xffff;
	_ =	sdelay $0x4  }
0x420: {  	[tilespmem:s2+$0x1B9A0] =	vst v0;
	v0 =	vld [tilespmem:s2+$0x187C0]  }
0x421: {  	v1 =	vld.idx.msk [tilespmem:v1+s0+$0x0], $0xffff;
	_ =	sdelay $0x4  }
0x422: {  	[tilespmem:s2+$0x1B9B0] =	vst v1;
	v1 =	vld [tilespmem:s2+$0x187D0];
	_ =	sdelay $0x1  }
0x423: {  	v0 =	vld.idx.msk [tilespmem:v0+s0+$0x0], $0xffff;
	_ =	sdelay $0x4  }
0x424: {  	[tilespmem:s2+$0x1B9C0] =	vst v0;
	v0 =	vld [tilespmem:s2+$0x187E0]  }
0x425: {  	v1 =	vld.idx.msk [tilespmem:v1+s0+$0x0], $0xffff;
	_ =	sdelay $0x4  }
0x426: {  	[tilespmem:s2+$0x1B9D0] =	vst v1;
	v1 =	vld [tilespmem:s2+$0x187F0];
	_ =	sdelay $0x1  }
0x427: {  	v0 =	vld.idx.msk [tilespmem:v0+s0+$0x0], $0xffff;
	_ =	sdelay $0x4  }
0x428: {  	[tilespmem:s2+$0x1B9E0] =	vst v0;
	v0 =	vld [tilespmem:s2+$0x18880]  }
0x429: {  	v1 =	vld.idx.msk [tilespmem:v1+s0+$0x0], $0xffff;
	_ =	sdelay $0x4  }
0x42a: {  	[tilespmem:s2+$0x1B9F0] =	vst v1;
	v1 =	vld [tilespmem:s2+$0x18890];
	_ =	sdelay $0x1  }
0x42b: {  	v0 =	vld.idx.msk [tilespmem:v0+s0+$0x0], $0xffff;
	_ =	sdelay $0x4  }
0x42c: {  	[tilespmem:s2+$0x1BA80] =	vst v0;
	v0 =	vld [tilespmem:s2+$0x188A0]  }
0x42d: {  	v1 =	vld.idx.msk [tilespmem:v1+s0+$0x0], $0xffff;
	_ =	sdelay $0x4  }
0x42e: {  	[tilespmem:s2+$0x1BA90] =	vst v1;
	v1 =	vld [tilespmem:s2+$0x188B0];
	_ =	sdelay $0x1  }
0x42f: {  	v0 =	vld.idx.msk [tilespmem:v0+s0+$0x0], $0xffff;
	_ =	sdelay $0x4  }
0x430: {  	[tilespmem:s2+$0x1BAA0] =	vst v0;
	v0 =	vld [tilespmem:s2+$0x188C0]  }
0x431: {  	v1 =	vld.idx.msk [tilespmem:v1+s0+$0x0], $0xffff;
	_ =	sdelay $0x4  }
0x432: {  	[tilespmem:s2+$0x1BAB0] =	vst v1;
	v1 =	vld [tilespmem:s2+$0x188D0];
	_ =	sdelay $0x1  }
0x433: {  	v0 =	vld.idx.msk [tilespmem:v0+s0+$0x0], $0xffff;
	_ =	sdelay $0x4  }
0x434: {  	v2 =	vld [tilespmem:s2+$0x188E0];
	[tilespmem:s2+$0x1BAC0] =	vst v0  }
0x435: {  	v0 =	vld.idx.msk [tilespmem:v1+s0+$0x0], $0xffff;
	_ =	sdelay $0x4  }
0x436: {  	[tilespmem:s2+$0x1BAD0] =	vst v0;
	v0 =	vld [tilespmem:s2+$0x188F0];
	_ =	sdelay $0x1  }
0x437: {  	v1 =	vld.idx.msk [tilespmem:v2+s0+$0x0], $0xffff;
	_ =	sdelay $0x3  }
0x438: {  	s22 =	simm.s32 $0x200;
	s21 =	simm.s32 $0x1000  }
.LBB2_50:
0x439: {  	p0 =	sne.s32 s21, $0xC000;
	v2 =	vld [tilespmem:s22+$0x18780];
	[tilespmem:s2+$0x1BAE0] =	vst v1  }
0x43a: {  	v0 =	vld.idx.msk [tilespmem:v0+s0+$0x0], $0xffff;
	_ =	sdelay $0x5  }
0x43b: {  	v1 =	vld [tilespmem:s22+$0x18790];
	[tilespmem:s2+$0x1BAF0] =	vst v0;
	s2 =	smov.u32 s22  }
0x43c: {  	v0 =	vld.idx.msk [tilespmem:v2+s0+$0x0], $0xffff;
	_ =	sdelay $0x5  }
0x43d: {  	[tilespmem:s2+$0x1B980] =	vst v0;
	v0 =	vld [tilespmem:s2+$0x187A0]  }
0x43e: {  	v1 =	vld.idx.msk [tilespmem:v1+s0+$0x0], $0xffff;
	_ =	sdelay $0x5  }
0x43f: {  	[tilespmem:s2+$0x1B990] =	vst v1;
	v1 =	vld [tilespmem:s2+$0x187B0]  }
0x440: {  	v0 =	vld.idx.msk [tilespmem:v0+s0+$0x0], $0xffff;
	_ =	sdelay $0x5  }
0x441: {  	[tilespmem:s2+$0x1B9A0] =	vst v0;
	v0 =	vld [tilespmem:s2+$0x187C0]  }
0x442: {  	v1 =	vld.idx.msk [tilespmem:v1+s0+$0x0], $0xffff;
	_ =	sdelay $0x5  }
0x443: {  	[tilespmem:s2+$0x1B9B0] =	vst v1;
	v1 =	vld [tilespmem:s2+$0x187D0]  }
0x444: {  	v0 =	vld.idx.msk [tilespmem:v0+s0+$0x0], $0xffff;
	_ =	sdelay $0x5  }
0x445: {  	[tilespmem:s2+$0x1B9C0] =	vst v0;
	v0 =	vld [tilespmem:s2+$0x187E0]  }
0x446: {  	v1 =	vld.idx.msk [tilespmem:v1+s0+$0x0], $0xffff;
	_ =	sdelay $0x5  }
0x447: {  	[tilespmem:s2+$0x1B9D0] =	vst v1;
	v1 =	vld [tilespmem:s2+$0x187F0]  }
0x448: {  	v0 =	vld.idx.msk [tilespmem:v0+s0+$0x0], $0xffff;
	_ =	sdelay $0x5  }
0x449: {  	[tilespmem:s2+$0x1B9E0] =	vst v0;
	v0 =	vld [tilespmem:s2+$0x18880]  }
0x44a: {  	v1 =	vld.idx.msk [tilespmem:v1+s0+$0x0], $0xffff;
	_ =	sdelay $0x5  }
0x44b: {  	[tilespmem:s2+$0x1B9F0] =	vst v1;
	v1 =	vld [tilespmem:s2+$0x18890]  }
0x44c: {  	v0 =	vld.idx.msk [tilespmem:v0+s0+$0x0], $0xffff;
	_ =	sdelay $0x5  }
0x44d: {  	[tilespmem:s2+$0x1BA80] =	vst v0;
	v0 =	vld [tilespmem:s2+$0x188A0]  }
0x44e: {  	v1 =	vld.idx.msk [tilespmem:v1+s0+$0x0], $0xffff;
	_ =	sdelay $0x5  }
0x44f: {  	[tilespmem:s2+$0x1BA90] =	vst v1;
	v1 =	vld [tilespmem:s2+$0x188B0]  }
0x450: {  	v0 =	vld.idx.msk [tilespmem:v0+s0+$0x0], $0xffff;
	_ =	sdelay $0x5  }
0x451: {  	[tilespmem:s2+$0x1BAA0] =	vst v0;
	v0 =	vld [tilespmem:s2+$0x188C0]  }
0x452: {  	v1 =	vld.idx.msk [tilespmem:v1+s0+$0x0], $0xffff;
	_ =	sdelay $0x5  }
0x453: {  	[tilespmem:s2+$0x1BAB0] =	vst v1;
	v1 =	vld [tilespmem:s2+$0x188D0]  }
0x454: {  	v0 =	vld.idx.msk [tilespmem:v0+s0+$0x0], $0xffff;
	_ =	sdelay $0x5  }
0x455: {  	[tilespmem:s2+$0x1BAC0] =	vst v0;
	v2 =	vld [tilespmem:s2+$0x188E0]  }
0x456: {  	v0 =	vld.idx.msk [tilespmem:v1+s0+$0x0], $0xffff;
	_ =	sdelay $0x5  }
0x457: {  	[tilespmem:s2+$0x1BAD0] =	vst v0;
	v0 =	vld [tilespmem:s2+$0x188F0]  }
0x458: {  	v1 =	vld.idx.msk [tilespmem:v2+s0+$0x0], $0xffff  }
.Ltmp24:
0x459: {  	(pc) =	sbr.rel @p0 .LBB2_50-.Ltmp24, $2  }
0x45a: {  	_ =	sdelay $0x2  }
0x45b: {  	s22 =	sshra.s32 s21, $0x2;
	s21 =	sadd.s32 $0x800, s21  }
0x45c: {  	_ =	sdelay $0x1  }
0x45d: {  	v2 =	vld [tilespmem:s22+$0x18780]  }
0x45e: {  	[tilespmem:s2+$0x1BAE0] =	vst v1  }
0x45f: {  	v0 =	vld.idx.msk [tilespmem:v0+s0+$0x0], $0xffff;
	_ =	sdelay $0x3  }
0x460: {  	v1 =	vld [tilespmem:s22+$0x18790]  }
0x461: {  	[tilespmem:s2+$0x1BAF0] =	vst v0  }
0x462: {  	v0 =	vld.idx.msk [tilespmem:v2+s0+$0x0], $0xffff;
	_ =	sdelay $0x3  }
0x463: {  	v50 =	vld [tilespmem:s22+$0x187A0]  }
0x464: {  	[tilespmem:s22+$0x1B980] =	vst v0  }
0x465: {  	v1 =	vld.idx.msk [tilespmem:v1+s0+$0x0], $0xffff;
	_ =	sdelay $0x3  }
0x466: {  	v51 =	vld [tilespmem:s22+$0x187B0]  }
0x467: {  	[tilespmem:s22+$0x1B990] =	vst v1  }
0x468: {  	v0 =	vld.idx.msk [tilespmem:v50+s0+$0x0], $0xffff;
	_ =	sdelay $0x3  }
0x469: {  	v52 =	vld [tilespmem:s22+$0x187C0]  }
0x46a: {  	[tilespmem:s22+$0x1B9A0] =	vst v0  }
0x46b: {  	v1 =	vld.idx.msk [tilespmem:v51+s0+$0x0], $0xffff;
	_ =	sdelay $0x3  }
0x46c: {  	v53 =	vld [tilespmem:s22+$0x187D0]  }
0x46d: {  	[tilespmem:s22+$0x1B9B0] =	vst v1  }
0x46e: {  	v0 =	vld.idx.msk [tilespmem:v52+s0+$0x0], $0xffff;
	_ =	sdelay $0x3  }
0x46f: {  	v54 =	vld [tilespmem:s22+$0x187E0]  }
0x470: {  	[tilespmem:s22+$0x1B9C0] =	vst v0  }
0x471: {  	v1 =	vld.idx.msk [tilespmem:v53+s0+$0x0], $0xffff;
	_ =	sdelay $0x3  }
0x472: {  	v55 =	vld [tilespmem:s22+$0x187F0]  }
0x473: {  	[tilespmem:s22+$0x1B9D0] =	vst v1  }
0x474: {  	v0 =	vld.idx.msk [tilespmem:v54+s0+$0x0], $0xffff;
	_ =	sdelay $0x3  }
0x475: {  	v56 =	vld [tilespmem:s22+$0x18880]  }
0x476: {  	[tilespmem:s22+$0x1B9E0] =	vst v0  }
0x477: {  	v1 =	vld.idx.msk [tilespmem:v55+s0+$0x0], $0xffff;
	_ =	sdelay $0x3  }
0x478: {  	v57 =	vld [tilespmem:s22+$0x18890]  }
0x479: {  	[tilespmem:s22+$0x1B9F0] =	vst v1  }
0x47a: {  	v0 =	vld.idx.msk [tilespmem:v56+s0+$0x0], $0xffff;
	_ =	sdelay $0x3  }
0x47b: {  	v58 =	vld [tilespmem:s22+$0x188A0]  }
0x47c: {  	[tilespmem:s22+$0x1BA80] =	vst v0  }
0x47d: {  	v1 =	vld.idx.msk [tilespmem:v57+s0+$0x0], $0xffff;
	_ =	sdelay $0x3  }
0x47e: {  	v59 =	vld [tilespmem:s22+$0x188B0]  }
0x47f: {  	[tilespmem:s22+$0x1BA90] =	vst v1  }
0x480: {  	v0 =	vld.idx.msk [tilespmem:v58+s0+$0x0], $0xffff;
	_ =	sdelay $0x3  }
0x481: {  	v60 =	vld [tilespmem:s22+$0x188C0]  }
0x482: {  	[tilespmem:s22+$0x1BAA0] =	vst v0  }
0x483: {  	v1 =	vld.idx.msk [tilespmem:v59+s0+$0x0], $0xffff;
	_ =	sdelay $0x3  }
0x484: {  	v61 =	vld [tilespmem:s22+$0x188D0]  }
0x485: {  	[tilespmem:s22+$0x1BAB0] =	vst v1  }
0x486: {  	v0 =	vld.idx.msk [tilespmem:v60+s0+$0x0], $0xffff;
	_ =	sdelay $0x3  }
0x487: {  	v62 =	vld [tilespmem:s22+$0x188E0]  }
0x488: {  	[tilespmem:s22+$0x1BAC0] =	vst v0  }
0x489: {  	v1 =	vld.idx.msk [tilespmem:v61+s0+$0x0], $0xffff;
	_ =	sdelay $0x3  }
0x48a: {  	v63 =	vld [tilespmem:s22+$0x188F0]  }
0x48b: {  	[tilespmem:s22+$0x1BAD0] =	vst v1  }
0x48c: {  	v0 =	vld.idx.msk [tilespmem:v62+s0+$0x0], $0xffff;
	_ =	sdelay $0x4  }
0x48d: {  	[tilespmem:s22+$0x1BAE0] =	vst v0  }
0x48e: {  	v0 =	vld.idx.msk [tilespmem:v63+s0+$0x0], $0xffff;
	_ =	sdelay $0x3  }
0x48f: {  	s15 =	sadd.s32 $0x0, s10  }
0x490: {  	s5 =	simm.s32 $0x18880;
	s2 =	simm.s32 $0x10;
	s0 =	simm.s32 $0x18780;
	[tilespmem:s22+$0x1BAF0] =	vst v0  }
.LBB2_52:
0x491: {  	[tilespmem:s0], [sflag:$0x2] =	stream.linear.gather [hbm4b:s15+s3], $0x80, $0x38;
	[tilespmem:$0x1EB00] =	vst v63  }
0x492: {  	s15 =	smov.u32 s2;
	s0 =	smov.u32 s5;
	p0 =	sne.s32 s2, $0x310  }
.Ltmp25:
0x493: {  	s2 =	sadd.s32 $0x10, s2;
	(pc) =	sbr.rel @p0 .LBB2_52-.Ltmp25, $2  }
0x494: {  	_ =	sdelay $0x2  }
0x495: {  	s5 =	sadd.s32 $0x100, s5;
	s15 =	sadd.s32 s15, s10  }
0x496: {  	[tilespmem:s0], [sflag:$0x2] =	stream.linear.gather [hbm4b:s15+s3], $0x80, $0x38;
	[tilespmem:$0x1EB00] =	vst v63  }
0x497: {  	s30 =	simm.s32 $0x0;
	s0 =	simm.s32 $0x1B980  }
0x498: {  	s2 =	simm.s32 $0x80;
	s15 =	sadd.s32 $0x0, s17;
	s5 =	simm.s32 $0x1BA80  }
.LBB2_54:
0x499: {  	[hbm4b:s15+s30] =	stream.linear.scatter [tilespmem:s0], [sflag:$0x4], $0x80, $0x38;
	[tilespmem:$0x1EB00] =	vst v63  }
0x49a: {  	s15 =	smov.u32 s2;
	s0 =	smov.u32 s5;
	p0 =	sne.s32 s2, $0x1880  }
.Ltmp26:
0x49b: {  	s2 =	sadd.s32 $0x80, s2;
	(pc) =	sbr.rel @p0 .LBB2_54-.Ltmp26, $2  }
0x49c: {  	_ =	sdelay $0x2  }
0x49d: {  	s5 =	sadd.s32 $0x100, s5;
	s15 =	sadd.s32 s15, s17  }
0x49e: {  	[hbm4b:s15+s30] =	stream.linear.scatter [tilespmem:s0], [sflag:$0x4], $0x80, $0x38;
	[tilespmem:$0x1EB00] =	vst v63  }
.LBB2_56:
0x49f: {  	_ =	swait.ge [sflag:s24], $0x1900  }
0x4a0: {  	[sflag:s24] =	ssyncset.done $0x0  }
0x4a1: {  	[sflag:s24] =	ssyncadd.s32 $0xFFFFE700  }
0x4a2: {  	_ =	swait.ge [sflag:s26], $0x1900  }
0x4a3: {  	[sflag:s26] =	ssyncset.done $0x0  }
0x4a4: {  	s0 =	simm.s32 $0x0;
	[sflag:s26] =	ssyncadd.s32 $0xFFFFE700  }
0x4a5: {  	v0 =	vld [tilespmem:s0+$0x18700];
	_ =	sdelay $0x5  }
0x4a6: {  	v1 =	vld [tilespmem:s0+$0x18710];
	_ =	sdelay $0x1  }
0x4a7: {  	v0 =	vld.idx.msk [tilespmem:v0+s3+$0x0], $0xffff;
	_ =	sdelay $0x4  }
0x4a8: {  	[tilespmem:s0+$0x1B900] =	vst v0;
	v0 =	vld [tilespmem:s0+$0x18720]  }
0x4a9: {  	v1 =	vld.idx.msk [tilespmem:v1+s3+$0x0], $0xffff;
	_ =	sdelay $0x4  }
0x4aa: {  	[tilespmem:s0+$0x1B910] =	vst v1;
	v1 =	vld [tilespmem:s0+$0x18730];
	_ =	sdelay $0x1  }
0x4ab: {  	v0 =	vld.idx.msk [tilespmem:v0+s3+$0x0], $0xffff;
	_ =	sdelay $0x4  }
0x4ac: {  	[tilespmem:s0+$0x1B920] =	vst v0;
	v0 =	vld [tilespmem:s0+$0x18740]  }
0x4ad: {  	v1 =	vld.idx.msk [tilespmem:v1+s3+$0x0], $0xffff;
	_ =	sdelay $0x4  }
0x4ae: {  	[tilespmem:s0+$0x1B930] =	vst v1;
	v1 =	vld [tilespmem:s0+$0x18750];
	_ =	sdelay $0x1  }
0x4af: {  	v0 =	vld.idx.msk [tilespmem:v0+s3+$0x0], $0xffff;
	_ =	sdelay $0x4  }
0x4b0: {  	[tilespmem:s0+$0x1B940] =	vst v0;
	v0 =	vld [tilespmem:s0+$0x18760]  }
0x4b1: {  	v1 =	vld.idx.msk [tilespmem:v1+s3+$0x0], $0xffff;
	_ =	sdelay $0x4  }
0x4b2: {  	[tilespmem:s0+$0x1B950] =	vst v1;
	v1 =	vld [tilespmem:s0+$0x18770];
	_ =	sdelay $0x1  }
0x4b3: {  	v0 =	vld.idx.msk [tilespmem:v0+s3+$0x0], $0xffff;
	_ =	sdelay $0x4  }
0x4b4: {  	[tilespmem:s0+$0x1B960] =	vst v0;
	v0 =	vld [tilespmem:s0+$0x18800]  }
0x4b5: {  	v1 =	vld.idx.msk [tilespmem:v1+s3+$0x0], $0xffff;
	_ =	sdelay $0x4  }
0x4b6: {  	[tilespmem:s0+$0x1B970] =	vst v1;
	v1 =	vld [tilespmem:s0+$0x18810];
	_ =	sdelay $0x1  }
0x4b7: {  	v0 =	vld.idx.msk [tilespmem:v0+s3+$0x0], $0xffff;
	_ =	sdelay $0x4  }
0x4b8: {  	[tilespmem:s0+$0x1BA00] =	vst v0;
	v0 =	vld [tilespmem:s0+$0x18820]  }
0x4b9: {  	v1 =	vld.idx.msk [tilespmem:v1+s3+$0x0], $0xffff;
	_ =	sdelay $0x4  }
0x4ba: {  	[tilespmem:s0+$0x1BA10] =	vst v1;
	v1 =	vld [tilespmem:s0+$0x18830];
	_ =	sdelay $0x1  }
0x4bb: {  	v0 =	vld.idx.msk [tilespmem:v0+s3+$0x0], $0xffff;
	_ =	sdelay $0x4  }
0x4bc: {  	[tilespmem:s0+$0x1BA20] =	vst v0;
	v0 =	vld [tilespmem:s0+$0x18840]  }
0x4bd: {  	v1 =	vld.idx.msk [tilespmem:v1+s3+$0x0], $0xffff;
	_ =	sdelay $0x4  }
0x4be: {  	[tilespmem:s0+$0x1BA30] =	vst v1;
	v1 =	vld [tilespmem:s0+$0x18850];
	_ =	sdelay $0x1  }
0x4bf: {  	v0 =	vld.idx.msk [tilespmem:v0+s3+$0x0], $0xffff;
	_ =	sdelay $0x4  }
0x4c0: {  	v2 =	vld [tilespmem:s0+$0x18860];
	[tilespmem:s0+$0x1BA40] =	vst v0  }
0x4c1: {  	v0 =	vld.idx.msk [tilespmem:v1+s3+$0x0], $0xffff;
	_ =	sdelay $0x4  }
0x4c2: {  	[tilespmem:s0+$0x1BA50] =	vst v0;
	v0 =	vld [tilespmem:s0+$0x18870];
	_ =	sdelay $0x1  }
0x4c3: {  	v1 =	vld.idx.msk [tilespmem:v2+s3+$0x0], $0xffff;
	_ =	sdelay $0x3  }
0x4c4: {  	s21 =	simm.s32 $0x200;
	s2 =	simm.s32 $0x1000  }
.LBB2_57:
0x4c5: {  	p0 =	sne.s32 s2, $0xC000;
	v2 =	vld [tilespmem:s21+$0x18700];
	[tilespmem:s0+$0x1BA60] =	vst v1  }
0x4c6: {  	v0 =	vld.idx.msk [tilespmem:v0+s3+$0x0], $0xffff;
	_ =	sdelay $0x5  }
0x4c7: {  	v1 =	vld [tilespmem:s21+$0x18710];
	[tilespmem:s0+$0x1BA70] =	vst v0;
	s0 =	smov.u32 s21  }
0x4c8: {  	v0 =	vld.idx.msk [tilespmem:v2+s3+$0x0], $0xffff;
	_ =	sdelay $0x5  }
0x4c9: {  	[tilespmem:s0+$0x1B900] =	vst v0;
	v0 =	vld [tilespmem:s0+$0x18720]  }
0x4ca: {  	v1 =	vld.idx.msk [tilespmem:v1+s3+$0x0], $0xffff;
	_ =	sdelay $0x5  }
0x4cb: {  	[tilespmem:s0+$0x1B910] =	vst v1;
	v1 =	vld [tilespmem:s0+$0x18730]  }
0x4cc: {  	v0 =	vld.idx.msk [tilespmem:v0+s3+$0x0], $0xffff;
	_ =	sdelay $0x5  }
0x4cd: {  	[tilespmem:s0+$0x1B920] =	vst v0;
	v0 =	vld [tilespmem:s0+$0x18740]  }
0x4ce: {  	v1 =	vld.idx.msk [tilespmem:v1+s3+$0x0], $0xffff;
	_ =	sdelay $0x5  }
0x4cf: {  	[tilespmem:s0+$0x1B930] =	vst v1;
	v1 =	vld [tilespmem:s0+$0x18750]  }
0x4d0: {  	v0 =	vld.idx.msk [tilespmem:v0+s3+$0x0], $0xffff;
	_ =	sdelay $0x5  }
0x4d1: {  	[tilespmem:s0+$0x1B940] =	vst v0;
	v0 =	vld [tilespmem:s0+$0x18760]  }
0x4d2: {  	v1 =	vld.idx.msk [tilespmem:v1+s3+$0x0], $0xffff;
	_ =	sdelay $0x5  }
0x4d3: {  	[tilespmem:s0+$0x1B950] =	vst v1;
	v1 =	vld [tilespmem:s0+$0x18770]  }
0x4d4: {  	v0 =	vld.idx.msk [tilespmem:v0+s3+$0x0], $0xffff;
	_ =	sdelay $0x5  }
0x4d5: {  	[tilespmem:s0+$0x1B960] =	vst v0;
	v0 =	vld [tilespmem:s0+$0x18800]  }
0x4d6: {  	v1 =	vld.idx.msk [tilespmem:v1+s3+$0x0], $0xffff;
	_ =	sdelay $0x5  }
0x4d7: {  	[tilespmem:s0+$0x1B970] =	vst v1;
	v1 =	vld [tilespmem:s0+$0x18810]  }
0x4d8: {  	v0 =	vld.idx.msk [tilespmem:v0+s3+$0x0], $0xffff;
	_ =	sdelay $0x5  }
0x4d9: {  	[tilespmem:s0+$0x1BA00] =	vst v0;
	v0 =	vld [tilespmem:s0+$0x18820]  }
0x4da: {  	v1 =	vld.idx.msk [tilespmem:v1+s3+$0x0], $0xffff;
	_ =	sdelay $0x5  }
0x4db: {  	[tilespmem:s0+$0x1BA10] =	vst v1;
	v1 =	vld [tilespmem:s0+$0x18830]  }
0x4dc: {  	v0 =	vld.idx.msk [tilespmem:v0+s3+$0x0], $0xffff;
	_ =	sdelay $0x5  }
0x4dd: {  	[tilespmem:s0+$0x1BA20] =	vst v0;
	v0 =	vld [tilespmem:s0+$0x18840]  }
0x4de: {  	v1 =	vld.idx.msk [tilespmem:v1+s3+$0x0], $0xffff;
	_ =	sdelay $0x5  }
0x4df: {  	[tilespmem:s0+$0x1BA30] =	vst v1;
	v1 =	vld [tilespmem:s0+$0x18850]  }
0x4e0: {  	v0 =	vld.idx.msk [tilespmem:v0+s3+$0x0], $0xffff;
	_ =	sdelay $0x5  }
0x4e1: {  	[tilespmem:s0+$0x1BA40] =	vst v0;
	v2 =	vld [tilespmem:s0+$0x18860]  }
0x4e2: {  	v0 =	vld.idx.msk [tilespmem:v1+s3+$0x0], $0xffff;
	_ =	sdelay $0x5  }
0x4e3: {  	[tilespmem:s0+$0x1BA50] =	vst v0;
	v0 =	vld [tilespmem:s0+$0x18870]  }
0x4e4: {  	v1 =	vld.idx.msk [tilespmem:v2+s3+$0x0], $0xffff  }
.Ltmp27:
0x4e5: {  	(pc) =	sbr.rel @p0 .LBB2_57-.Ltmp27, $2  }
0x4e6: {  	_ =	sdelay $0x2  }
0x4e7: {  	s21 =	sshra.s32 s2, $0x2;
	s2 =	sadd.s32 $0x800, s2  }
0x4e8: {  	_ =	sdelay $0x1  }
0x4e9: {  	v2 =	vld [tilespmem:s21+$0x18700]  }
0x4ea: {  	[tilespmem:s0+$0x1BA60] =	vst v1  }
0x4eb: {  	v0 =	vld.idx.msk [tilespmem:v0+s3+$0x0], $0xffff;
	_ =	sdelay $0x3  }
0x4ec: {  	v1 =	vld [tilespmem:s21+$0x18710]  }
0x4ed: {  	[tilespmem:s0+$0x1BA70] =	vst v0  }
0x4ee: {  	v0 =	vld.idx.msk [tilespmem:v2+s3+$0x0], $0xffff;
	_ =	sdelay $0x3  }
0x4ef: {  	v50 =	vld [tilespmem:s21+$0x18720]  }
0x4f0: {  	[tilespmem:s21+$0x1B900] =	vst v0  }
0x4f1: {  	v1 =	vld.idx.msk [tilespmem:v1+s3+$0x0], $0xffff;
	_ =	sdelay $0x3  }
0x4f2: {  	v51 =	vld [tilespmem:s21+$0x18730]  }
0x4f3: {  	[tilespmem:s21+$0x1B910] =	vst v1  }
0x4f4: {  	v0 =	vld.idx.msk [tilespmem:v50+s3+$0x0], $0xffff;
	_ =	sdelay $0x3  }
0x4f5: {  	v52 =	vld [tilespmem:s21+$0x18740]  }
0x4f6: {  	[tilespmem:s21+$0x1B920] =	vst v0  }
0x4f7: {  	v1 =	vld.idx.msk [tilespmem:v51+s3+$0x0], $0xffff;
	_ =	sdelay $0x3  }
0x4f8: {  	v53 =	vld [tilespmem:s21+$0x18750]  }
0x4f9: {  	[tilespmem:s21+$0x1B930] =	vst v1  }
0x4fa: {  	v0 =	vld.idx.msk [tilespmem:v52+s3+$0x0], $0xffff;
	_ =	sdelay $0x3  }
0x4fb: {  	v54 =	vld [tilespmem:s21+$0x18760]  }
0x4fc: {  	[tilespmem:s21+$0x1B940] =	vst v0  }
0x4fd: {  	v1 =	vld.idx.msk [tilespmem:v53+s3+$0x0], $0xffff;
	_ =	sdelay $0x3  }
0x4fe: {  	v55 =	vld [tilespmem:s21+$0x18770]  }
0x4ff: {  	[tilespmem:s21+$0x1B950] =	vst v1  }
0x500: {  	v0 =	vld.idx.msk [tilespmem:v54+s3+$0x0], $0xffff;
	_ =	sdelay $0x3  }
0x501: {  	v56 =	vld [tilespmem:s21+$0x18800]  }
0x502: {  	[tilespmem:s21+$0x1B960] =	vst v0  }
0x503: {  	v1 =	vld.idx.msk [tilespmem:v55+s3+$0x0], $0xffff;
	_ =	sdelay $0x3  }
0x504: {  	v57 =	vld [tilespmem:s21+$0x18810]  }
0x505: {  	[tilespmem:s21+$0x1B970] =	vst v1  }
0x506: {  	v0 =	vld.idx.msk [tilespmem:v56+s3+$0x0], $0xffff;
	_ =	sdelay $0x3  }
0x507: {  	v58 =	vld [tilespmem:s21+$0x18820]  }
0x508: {  	[tilespmem:s21+$0x1BA00] =	vst v0  }
0x509: {  	v1 =	vld.idx.msk [tilespmem:v57+s3+$0x0], $0xffff;
	_ =	sdelay $0x3  }
0x50a: {  	v59 =	vld [tilespmem:s21+$0x18830]  }
0x50b: {  	[tilespmem:s21+$0x1BA10] =	vst v1  }
0x50c: {  	v0 =	vld.idx.msk [tilespmem:v58+s3+$0x0], $0xffff;
	_ =	sdelay $0x3  }
0x50d: {  	v60 =	vld [tilespmem:s21+$0x18840]  }
0x50e: {  	[tilespmem:s21+$0x1BA20] =	vst v0  }
0x50f: {  	v1 =	vld.idx.msk [tilespmem:v59+s3+$0x0], $0xffff;
	_ =	sdelay $0x3  }
0x510: {  	v61 =	vld [tilespmem:s21+$0x18850]  }
0x511: {  	[tilespmem:s21+$0x1BA30] =	vst v1  }
0x512: {  	v0 =	vld.idx.msk [tilespmem:v60+s3+$0x0], $0xffff;
	_ =	sdelay $0x3  }
0x513: {  	v62 =	vld [tilespmem:s21+$0x18860]  }
0x514: {  	[tilespmem:s21+$0x1BA40] =	vst v0  }
0x515: {  	v1 =	vld.idx.msk [tilespmem:v61+s3+$0x0], $0xffff;
	_ =	sdelay $0x3  }
0x516: {  	v63 =	vld [tilespmem:s21+$0x18870]  }
0x517: {  	[tilespmem:s21+$0x1BA50] =	vst v1  }
0x518: {  	v0 =	vld.idx.msk [tilespmem:v62+s3+$0x0], $0xffff;
	_ =	sdelay $0x4  }
0x519: {  	[tilespmem:s21+$0x1BA60] =	vst v0  }
0x51a: {  	s22 =	smul.u32 $0x3200, s30;
	v0 =	vld.idx.msk [tilespmem:v63+s3+$0x0], $0xffff;
	_ =	sdelay $0x1  }
0x51b: {  	s0 =	sshrl.u32 s22, $0x3  }
0x51c: {  	s31 =	sadd.s32 s4, s0  }
0x51d: {  	s2 =	simm.s32 $0x18700;
	s0 =	sadd.s32 $0xC80, s31  }
0x51e: {  	s5 =	simm.s32 $0x18800;
	s15 =	sadd.s32 $0x0, s0;
	[tilespmem:s21+$0x1BA70] =	vst v0;
	s21 =	simm.s32 $0x10  }
.LBB2_59:
0x51f: {  	[tilespmem:s2], [sflag:$0x1] =	stream.linear.gather [hbm4b:s15+s3], $0x80, $0x38;
	[tilespmem:$0x1EB00] =	vst v63  }
0x520: {  	s15 =	smov.u32 s21;
	s2 =	smov.u32 s5;
	p0 =	sne.s32 s21, $0x310  }
.Ltmp28:
0x521: {  	s21 =	sadd.s32 $0x10, s21;
	(pc) =	sbr.rel @p0 .LBB2_59-.Ltmp28, $2  }
0x522: {  	_ =	sdelay $0x2  }
0x523: {  	s5 =	sadd.s32 $0x100, s5;
	s15 =	sadd.s32 s15, s0  }
0x524: {  	[tilespmem:s2], [sflag:$0x1] =	stream.linear.gather [hbm4b:s15+s3], $0x80, $0x38;
	[tilespmem:$0x1EB00] =	vst v63  }
0x525: {  	s0 =	sshll.u32 s30, $0x1  }
0x526: {  	s22 =	sadd.s32 $0x2, s0  }
0x527: {  	s5 =	sshrl.u32 s22, $0x2  }
0x528: {  	s2 =	sand.u32 $0x2, s22;
	s5 =	smul.u32 $0x190000, s5  }
0x529: {  	s2 =	smul.u32 $0xC800, s2  }
0x52a: {  	s5 =	sadd.s32 s5, s13  }
0x52b: {  	s2 =	sadd.s32 s2, s5  }
0x52c: {  	s2 =	sshrl.u32 s2, $0x3  }
0x52d: {  	s21 =	simm.s32 $0x1B900;
	s2 =	sadd.s32 s1, s2  }
0x52e: {  	s22 =	simm.s32 $0x80;
	s5 =	simm.s32 $0x1BA00;
	s15 =	sadd.s32 $0x0, s2  }
.LBB2_61:
0x52f: {  	[hbm4b:s15+s3] =	stream.linear.scatter [tilespmem:s21], [sflag:$0x3], $0x80, $0x38;
	[tilespmem:$0x1EB00] =	vst v63  }
0x530: {  	s15 =	smov.u32 s22;
	s21 =	smov.u32 s5;
	p0 =	sne.s32 s22, $0x1880  }
.Ltmp29:
0x531: {  	s22 =	sadd.s32 $0x80, s22;
	(pc) =	sbr.rel @p0 .LBB2_61-.Ltmp29, $2  }
0x532: {  	_ =	sdelay $0x2  }
0x533: {  	s5 =	sadd.s32 $0x100, s5;
	s15 =	sadd.s32 s15, s2  }
0x534: {  	[hbm4b:s15+s3] =	stream.linear.scatter [tilespmem:s21], [sflag:$0x3], $0x80, $0x38;
	[tilespmem:$0x1EB00] =	vst v63  }
0x535: {  	_ =	swait.ge [sflag:s25], $0x1900  }
0x536: {  	[sflag:s25] =	ssyncset.done $0x0  }
0x537: {  	[sflag:s25] =	ssyncadd.s32 $0xFFFFE700  }
0x538: {  	_ =	swait.ge [sflag:s28], $0x1900  }
0x539: {  	[sflag:s28] =	ssyncset.done $0x0  }
0x53a: {  	s2 =	simm.s32 $0x0;
	[sflag:s28] =	ssyncadd.s32 $0xFFFFE700  }
0x53b: {  	v0 =	vld [tilespmem:s2+$0x18780];
	_ =	sdelay $0x5  }
0x53c: {  	v1 =	vld [tilespmem:s2+$0x18790];
	_ =	sdelay $0x1  }
0x53d: {  	v0 =	vld.idx.msk [tilespmem:v0+s3+$0x0], $0xffff;
	_ =	sdelay $0x4  }
0x53e: {  	[tilespmem:s2+$0x1B980] =	vst v0;
	v0 =	vld [tilespmem:s2+$0x187A0]  }
0x53f: {  	v1 =	vld.idx.msk [tilespmem:v1+s3+$0x0], $0xffff;
	_ =	sdelay $0x4  }
0x540: {  	[tilespmem:s2+$0x1B990] =	vst v1;
	v1 =	vld [tilespmem:s2+$0x187B0];
	_ =	sdelay $0x1  }
0x541: {  	v0 =	vld.idx.msk [tilespmem:v0+s3+$0x0], $0xffff;
	_ =	sdelay $0x4  }
0x542: {  	[tilespmem:s2+$0x1B9A0] =	vst v0;
	v0 =	vld [tilespmem:s2+$0x187C0]  }
0x543: {  	v1 =	vld.idx.msk [tilespmem:v1+s3+$0x0], $0xffff;
	_ =	sdelay $0x4  }
0x544: {  	[tilespmem:s2+$0x1B9B0] =	vst v1;
	v1 =	vld [tilespmem:s2+$0x187D0];
	_ =	sdelay $0x1  }
0x545: {  	v0 =	vld.idx.msk [tilespmem:v0+s3+$0x0], $0xffff;
	_ =	sdelay $0x4  }
0x546: {  	[tilespmem:s2+$0x1B9C0] =	vst v0;
	v0 =	vld [tilespmem:s2+$0x187E0]  }
0x547: {  	v1 =	vld.idx.msk [tilespmem:v1+s3+$0x0], $0xffff;
	_ =	sdelay $0x4  }
0x548: {  	[tilespmem:s2+$0x1B9D0] =	vst v1;
	v1 =	vld [tilespmem:s2+$0x187F0];
	_ =	sdelay $0x1  }
0x549: {  	v0 =	vld.idx.msk [tilespmem:v0+s3+$0x0], $0xffff;
	_ =	sdelay $0x4  }
0x54a: {  	[tilespmem:s2+$0x1B9E0] =	vst v0;
	v0 =	vld [tilespmem:s2+$0x18880]  }
0x54b: {  	v1 =	vld.idx.msk [tilespmem:v1+s3+$0x0], $0xffff;
	_ =	sdelay $0x4  }
0x54c: {  	[tilespmem:s2+$0x1B9F0] =	vst v1;
	v1 =	vld [tilespmem:s2+$0x18890];
	_ =	sdelay $0x1  }
0x54d: {  	v0 =	vld.idx.msk [tilespmem:v0+s3+$0x0], $0xffff;
	_ =	sdelay $0x4  }
0x54e: {  	[tilespmem:s2+$0x1BA80] =	vst v0;
	v0 =	vld [tilespmem:s2+$0x188A0]  }
0x54f: {  	v1 =	vld.idx.msk [tilespmem:v1+s3+$0x0], $0xffff;
	_ =	sdelay $0x4  }
0x550: {  	[tilespmem:s2+$0x1BA90] =	vst v1;
	v1 =	vld [tilespmem:s2+$0x188B0];
	_ =	sdelay $0x1  }
0x551: {  	v0 =	vld.idx.msk [tilespmem:v0+s3+$0x0], $0xffff;
	_ =	sdelay $0x4  }
0x552: {  	[tilespmem:s2+$0x1BAA0] =	vst v0;
	v0 =	vld [tilespmem:s2+$0x188C0]  }
0x553: {  	v1 =	vld.idx.msk [tilespmem:v1+s3+$0x0], $0xffff;
	_ =	sdelay $0x4  }
0x554: {  	[tilespmem:s2+$0x1BAB0] =	vst v1;
	v1 =	vld [tilespmem:s2+$0x188D0];
	_ =	sdelay $0x1  }
0x555: {  	v0 =	vld.idx.msk [tilespmem:v0+s3+$0x0], $0xffff;
	_ =	sdelay $0x4  }
0x556: {  	v2 =	vld [tilespmem:s2+$0x188E0];
	[tilespmem:s2+$0x1BAC0] =	vst v0  }
0x557: {  	v0 =	vld.idx.msk [tilespmem:v1+s3+$0x0], $0xffff;
	_ =	sdelay $0x4  }
0x558: {  	[tilespmem:s2+$0x1BAD0] =	vst v0;
	v0 =	vld [tilespmem:s2+$0x188F0];
	_ =	sdelay $0x1  }
0x559: {  	v1 =	vld.idx.msk [tilespmem:v2+s3+$0x0], $0xffff;
	_ =	sdelay $0x3  }
0x55a: {  	s22 =	simm.s32 $0x200;
	s21 =	simm.s32 $0x1000  }
.LBB2_63:
0x55b: {  	p0 =	sne.s32 s21, $0xC000;
	v2 =	vld [tilespmem:s22+$0x18780];
	[tilespmem:s2+$0x1BAE0] =	vst v1  }
0x55c: {  	v0 =	vld.idx.msk [tilespmem:v0+s3+$0x0], $0xffff;
	_ =	sdelay $0x5  }
0x55d: {  	v1 =	vld [tilespmem:s22+$0x18790];
	[tilespmem:s2+$0x1BAF0] =	vst v0;
	s2 =	smov.u32 s22  }
0x55e: {  	v0 =	vld.idx.msk [tilespmem:v2+s3+$0x0], $0xffff;
	_ =	sdelay $0x5  }
0x55f: {  	[tilespmem:s2+$0x1B980] =	vst v0;
	v0 =	vld [tilespmem:s2+$0x187A0]  }
0x560: {  	v1 =	vld.idx.msk [tilespmem:v1+s3+$0x0], $0xffff;
	_ =	sdelay $0x5  }
0x561: {  	[tilespmem:s2+$0x1B990] =	vst v1;
	v1 =	vld [tilespmem:s2+$0x187B0]  }
0x562: {  	v0 =	vld.idx.msk [tilespmem:v0+s3+$0x0], $0xffff;
	_ =	sdelay $0x5  }
0x563: {  	[tilespmem:s2+$0x1B9A0] =	vst v0;
	v0 =	vld [tilespmem:s2+$0x187C0]  }
0x564: {  	v1 =	vld.idx.msk [tilespmem:v1+s3+$0x0], $0xffff;
	_ =	sdelay $0x5  }
0x565: {  	[tilespmem:s2+$0x1B9B0] =	vst v1;
	v1 =	vld [tilespmem:s2+$0x187D0]  }
0x566: {  	v0 =	vld.idx.msk [tilespmem:v0+s3+$0x0], $0xffff;
	_ =	sdelay $0x5  }
0x567: {  	[tilespmem:s2+$0x1B9C0] =	vst v0;
	v0 =	vld [tilespmem:s2+$0x187E0]  }
0x568: {  	v1 =	vld.idx.msk [tilespmem:v1+s3+$0x0], $0xffff;
	_ =	sdelay $0x5  }
0x569: {  	[tilespmem:s2+$0x1B9D0] =	vst v1;
	v1 =	vld [tilespmem:s2+$0x187F0]  }
0x56a: {  	v0 =	vld.idx.msk [tilespmem:v0+s3+$0x0], $0xffff;
	_ =	sdelay $0x5  }
0x56b: {  	[tilespmem:s2+$0x1B9E0] =	vst v0;
	v0 =	vld [tilespmem:s2+$0x18880]  }
0x56c: {  	v1 =	vld.idx.msk [tilespmem:v1+s3+$0x0], $0xffff;
	_ =	sdelay $0x5  }
0x56d: {  	[tilespmem:s2+$0x1B9F0] =	vst v1;
	v1 =	vld [tilespmem:s2+$0x18890]  }
0x56e: {  	v0 =	vld.idx.msk [tilespmem:v0+s3+$0x0], $0xffff;
	_ =	sdelay $0x5  }
0x56f: {  	[tilespmem:s2+$0x1BA80] =	vst v0;
	v0 =	vld [tilespmem:s2+$0x188A0]  }
0x570: {  	v1 =	vld.idx.msk [tilespmem:v1+s3+$0x0], $0xffff;
	_ =	sdelay $0x5  }
0x571: {  	[tilespmem:s2+$0x1BA90] =	vst v1;
	v1 =	vld [tilespmem:s2+$0x188B0]  }
0x572: {  	v0 =	vld.idx.msk [tilespmem:v0+s3+$0x0], $0xffff;
	_ =	sdelay $0x5  }
0x573: {  	[tilespmem:s2+$0x1BAA0] =	vst v0;
	v0 =	vld [tilespmem:s2+$0x188C0]  }
0x574: {  	v1 =	vld.idx.msk [tilespmem:v1+s3+$0x0], $0xffff;
	_ =	sdelay $0x5  }
0x575: {  	[tilespmem:s2+$0x1BAB0] =	vst v1;
	v1 =	vld [tilespmem:s2+$0x188D0]  }
0x576: {  	v0 =	vld.idx.msk [tilespmem:v0+s3+$0x0], $0xffff;
	_ =	sdelay $0x5  }
0x577: {  	[tilespmem:s2+$0x1BAC0] =	vst v0;
	v2 =	vld [tilespmem:s2+$0x188E0]  }
0x578: {  	v0 =	vld.idx.msk [tilespmem:v1+s3+$0x0], $0xffff;
	_ =	sdelay $0x5  }
0x579: {  	[tilespmem:s2+$0x1BAD0] =	vst v0;
	v0 =	vld [tilespmem:s2+$0x188F0]  }
0x57a: {  	v1 =	vld.idx.msk [tilespmem:v2+s3+$0x0], $0xffff  }
.Ltmp30:
0x57b: {  	(pc) =	sbr.rel @p0 .LBB2_63-.Ltmp30, $2  }
0x57c: {  	_ =	sdelay $0x2  }
0x57d: {  	s22 =	sshra.s32 s21, $0x2;
	s21 =	sadd.s32 $0x800, s21  }
0x57e: {  	_ =	sdelay $0x1  }
0x57f: {  	v2 =	vld [tilespmem:s22+$0x18780]  }
0x580: {  	[tilespmem:s2+$0x1BAE0] =	vst v1  }
0x581: {  	v0 =	vld.idx.msk [tilespmem:v0+s3+$0x0], $0xffff;
	_ =	sdelay $0x3  }
0x582: {  	v1 =	vld [tilespmem:s22+$0x18790]  }
0x583: {  	[tilespmem:s2+$0x1BAF0] =	vst v0  }
0x584: {  	v0 =	vld.idx.msk [tilespmem:v2+s3+$0x0], $0xffff;
	_ =	sdelay $0x3  }
0x585: {  	v50 =	vld [tilespmem:s22+$0x187A0]  }
0x586: {  	[tilespmem:s22+$0x1B980] =	vst v0  }
0x587: {  	v1 =	vld.idx.msk [tilespmem:v1+s3+$0x0], $0xffff;
	_ =	sdelay $0x3  }
0x588: {  	v51 =	vld [tilespmem:s22+$0x187B0]  }
0x589: {  	[tilespmem:s22+$0x1B990] =	vst v1  }
0x58a: {  	v0 =	vld.idx.msk [tilespmem:v50+s3+$0x0], $0xffff;
	_ =	sdelay $0x3  }
0x58b: {  	v52 =	vld [tilespmem:s22+$0x187C0]  }
0x58c: {  	[tilespmem:s22+$0x1B9A0] =	vst v0  }
0x58d: {  	v1 =	vld.idx.msk [tilespmem:v51+s3+$0x0], $0xffff;
	_ =	sdelay $0x3  }
0x58e: {  	v53 =	vld [tilespmem:s22+$0x187D0]  }
0x58f: {  	[tilespmem:s22+$0x1B9B0] =	vst v1  }
0x590: {  	v0 =	vld.idx.msk [tilespmem:v52+s3+$0x0], $0xffff;
	_ =	sdelay $0x3  }
0x591: {  	v54 =	vld [tilespmem:s22+$0x187E0]  }
0x592: {  	[tilespmem:s22+$0x1B9C0] =	vst v0  }
0x593: {  	v1 =	vld.idx.msk [tilespmem:v53+s3+$0x0], $0xffff;
	_ =	sdelay $0x3  }
0x594: {  	v55 =	vld [tilespmem:s22+$0x187F0]  }
0x595: {  	[tilespmem:s22+$0x1B9D0] =	vst v1  }
0x596: {  	v0 =	vld.idx.msk [tilespmem:v54+s3+$0x0], $0xffff;
	_ =	sdelay $0x3  }
0x597: {  	v56 =	vld [tilespmem:s22+$0x18880]  }
0x598: {  	[tilespmem:s22+$0x1B9E0] =	vst v0  }
0x599: {  	v1 =	vld.idx.msk [tilespmem:v55+s3+$0x0], $0xffff;
	_ =	sdelay $0x3  }
0x59a: {  	v57 =	vld [tilespmem:s22+$0x18890]  }
0x59b: {  	[tilespmem:s22+$0x1B9F0] =	vst v1  }
0x59c: {  	v0 =	vld.idx.msk [tilespmem:v56+s3+$0x0], $0xffff;
	_ =	sdelay $0x3  }
0x59d: {  	v58 =	vld [tilespmem:s22+$0x188A0]  }
0x59e: {  	[tilespmem:s22+$0x1BA80] =	vst v0  }
0x59f: {  	v1 =	vld.idx.msk [tilespmem:v57+s3+$0x0], $0xffff;
	_ =	sdelay $0x3  }
0x5a0: {  	v59 =	vld [tilespmem:s22+$0x188B0]  }
0x5a1: {  	[tilespmem:s22+$0x1BA90] =	vst v1  }
0x5a2: {  	v0 =	vld.idx.msk [tilespmem:v58+s3+$0x0], $0xffff;
	_ =	sdelay $0x3  }
0x5a3: {  	v60 =	vld [tilespmem:s22+$0x188C0]  }
0x5a4: {  	[tilespmem:s22+$0x1BAA0] =	vst v0  }
0x5a5: {  	v1 =	vld.idx.msk [tilespmem:v59+s3+$0x0], $0xffff;
	_ =	sdelay $0x3  }
0x5a6: {  	v61 =	vld [tilespmem:s22+$0x188D0]  }
0x5a7: {  	[tilespmem:s22+$0x1BAB0] =	vst v1  }
0x5a8: {  	v0 =	vld.idx.msk [tilespmem:v60+s3+$0x0], $0xffff;
	_ =	sdelay $0x3  }
0x5a9: {  	v62 =	vld [tilespmem:s22+$0x188E0]  }
0x5aa: {  	[tilespmem:s22+$0x1BAC0] =	vst v0  }
0x5ab: {  	v1 =	vld.idx.msk [tilespmem:v61+s3+$0x0], $0xffff;
	_ =	sdelay $0x3  }
0x5ac: {  	v63 =	vld [tilespmem:s22+$0x188F0]  }
0x5ad: {  	[tilespmem:s22+$0x1BAD0] =	vst v1  }
0x5ae: {  	v0 =	vld.idx.msk [tilespmem:v62+s3+$0x0], $0xffff;
	_ =	sdelay $0x4  }
0x5af: {  	[tilespmem:s22+$0x1BAE0] =	vst v0  }
0x5b0: {  	v0 =	vld.idx.msk [tilespmem:v63+s3+$0x0], $0xffff;
	_ =	sdelay $0x3  }
0x5b1: {  	s21 =	simm.s32 $0x18780;
	s2 =	sadd.s32 $0xFA0, s31  }
0x5b2: {  	s5 =	simm.s32 $0x18880;
	s15 =	sadd.s32 $0x0, s2;
	[tilespmem:s22+$0x1BAF0] =	vst v0;
	s22 =	simm.s32 $0x10  }
.LBB2_65:
0x5b3: {  	[tilespmem:s21], [sflag:$0x2] =	stream.linear.gather [hbm4b:s15+s3], $0x80, $0x38;
	[tilespmem:$0x1EB00] =	vst v63  }
0x5b4: {  	s15 =	smov.u32 s22;
	s21 =	smov.u32 s5;
	p0 =	sne.s32 s22, $0x310  }
.Ltmp31:
0x5b5: {  	s22 =	sadd.s32 $0x10, s22;
	(pc) =	sbr.rel @p0 .LBB2_65-.Ltmp31, $2  }
0x5b6: {  	_ =	sdelay $0x2  }
0x5b7: {  	s5 =	sadd.s32 $0x100, s5;
	s15 =	sadd.s32 s15, s2  }
0x5b8: {  	[tilespmem:s21], [sflag:$0x2] =	stream.linear.gather [hbm4b:s15+s3], $0x80, $0x38;
	[tilespmem:$0x1EB00] =	vst v63  }
0x5b9: {  	s0 =	sadd.s32 $0x3, s0  }
0x5ba: {  	s2 =	sshrl.u32 s0, $0x2  }
0x5bb: {  	s0 =	sand.u32 $0x3, s0;
	s2 =	smul.u32 $0x190000, s2  }
0x5bc: {  	s0 =	smul.u32 $0xC800, s0  }
0x5bd: {  	s2 =	sadd.s32 s2, s13  }
0x5be: {  	s0 =	sadd.s32 s0, s2  }
0x5bf: {  	s0 =	sshrl.u32 s0, $0x3  }
0x5c0: {  	s21 =	simm.s32 $0x80;
	s0 =	sadd.s32 s1, s0  }
0x5c1: {  	s5 =	simm.s32 $0x1BA80;
	s2 =	simm.s32 $0x1B980;
	s15 =	sadd.s32 $0x0, s0  }
.LBB2_67:
0x5c2: {  	[hbm4b:s15+s3] =	stream.linear.scatter [tilespmem:s2], [sflag:$0x4], $0x80, $0x38;
	[tilespmem:$0x1EB00] =	vst v63  }
0x5c3: {  	s15 =	smov.u32 s21;
	s2 =	smov.u32 s5;
	p0 =	sne.s32 s21, $0x1880  }
.Ltmp32:
0x5c4: {  	s21 =	sadd.s32 $0x80, s21;
	(pc) =	sbr.rel @p0 .LBB2_67-.Ltmp32, $2  }
0x5c5: {  	_ =	sdelay $0x2  }
0x5c6: {  	s5 =	sadd.s32 $0x100, s5;
	s15 =	sadd.s32 s15, s0  }
0x5c7: {  	s30 =	sadd.s32 $0x1, s30  }
0x5c8: {  	p0 =	sne.s32 s30, $0xE  }
.Ltmp33:
0x5c9: {  	_ = 	snop;
	(pc) =	sbr.rel @p0 .LBB2_56-.Ltmp33, $2  }
0x5ca: {  	_ =	sdelay $0x2  }
0x5cb: {  	[hbm4b:s15+s3] =	stream.linear.scatter [tilespmem:s2], [sflag:$0x4], $0x80, $0x38;
	[tilespmem:$0x1EB00] =	vst v63  }
0x5cc: {  	_ =	swait.ge [sflag:s24], $0x1900  }
0x5cd: {  	[sflag:s24] =	ssyncset.done $0x0  }
0x5ce: {  	[sflag:s24] =	ssyncadd.s32 $0xFFFFE700  }
0x5cf: {  	_ =	swait.ge [sflag:s26], $0x1900  }
0x5d0: {  	[sflag:s26] =	ssyncset.done $0x0  }
0x5d1: {  	s0 =	simm.s32 $0x0;
	[sflag:s26] =	ssyncadd.s32 $0xFFFFE700  }
0x5d2: {  	v0 =	vld [tilespmem:s0+$0x18700];
	_ =	sdelay $0x5  }
0x5d3: {  	v1 =	vld [tilespmem:s0+$0x18710];
	_ =	sdelay $0x1  }
0x5d4: {  	v0 =	vld.idx.msk [tilespmem:v0+s3+$0x0], $0xffff;
	_ =	sdelay $0x4  }
0x5d5: {  	[tilespmem:s0+$0x1B900] =	vst v0;
	v0 =	vld [tilespmem:s0+$0x18720]  }
0x5d6: {  	v1 =	vld.idx.msk [tilespmem:v1+s3+$0x0], $0xffff;
	_ =	sdelay $0x4  }
0x5d7: {  	[tilespmem:s0+$0x1B910] =	vst v1;
	v1 =	vld [tilespmem:s0+$0x18730];
	_ =	sdelay $0x1  }
0x5d8: {  	v0 =	vld.idx.msk [tilespmem:v0+s3+$0x0], $0xffff;
	_ =	sdelay $0x4  }
0x5d9: {  	[tilespmem:s0+$0x1B920] =	vst v0;
	v0 =	vld [tilespmem:s0+$0x18740]  }
0x5da: {  	v1 =	vld.idx.msk [tilespmem:v1+s3+$0x0], $0xffff;
	_ =	sdelay $0x4  }
0x5db: {  	[tilespmem:s0+$0x1B930] =	vst v1;
	v1 =	vld [tilespmem:s0+$0x18750];
	_ =	sdelay $0x1  }
0x5dc: {  	v0 =	vld.idx.msk [tilespmem:v0+s3+$0x0], $0xffff;
	_ =	sdelay $0x4  }
0x5dd: {  	[tilespmem:s0+$0x1B940] =	vst v0;
	v0 =	vld [tilespmem:s0+$0x18760]  }
0x5de: {  	v1 =	vld.idx.msk [tilespmem:v1+s3+$0x0], $0xffff;
	_ =	sdelay $0x4  }
0x5df: {  	[tilespmem:s0+$0x1B950] =	vst v1;
	v1 =	vld [tilespmem:s0+$0x18770];
	_ =	sdelay $0x1  }
0x5e0: {  	v0 =	vld.idx.msk [tilespmem:v0+s3+$0x0], $0xffff;
	_ =	sdelay $0x4  }
0x5e1: {  	[tilespmem:s0+$0x1B960] =	vst v0;
	v0 =	vld [tilespmem:s0+$0x18800]  }
0x5e2: {  	v1 =	vld.idx.msk [tilespmem:v1+s3+$0x0], $0xffff;
	_ =	sdelay $0x4  }
0x5e3: {  	[tilespmem:s0+$0x1B970] =	vst v1;
	v1 =	vld [tilespmem:s0+$0x18810];
	_ =	sdelay $0x1  }
0x5e4: {  	v0 =	vld.idx.msk [tilespmem:v0+s3+$0x0], $0xffff;
	_ =	sdelay $0x4  }
0x5e5: {  	[tilespmem:s0+$0x1BA00] =	vst v0;
	v0 =	vld [tilespmem:s0+$0x18820]  }
0x5e6: {  	v1 =	vld.idx.msk [tilespmem:v1+s3+$0x0], $0xffff;
	_ =	sdelay $0x4  }
0x5e7: {  	[tilespmem:s0+$0x1BA10] =	vst v1;
	v1 =	vld [tilespmem:s0+$0x18830];
	_ =	sdelay $0x1  }
0x5e8: {  	v0 =	vld.idx.msk [tilespmem:v0+s3+$0x0], $0xffff;
	_ =	sdelay $0x4  }
0x5e9: {  	[tilespmem:s0+$0x1BA20] =	vst v0;
	v0 =	vld [tilespmem:s0+$0x18840]  }
0x5ea: {  	v1 =	vld.idx.msk [tilespmem:v1+s3+$0x0], $0xffff;
	_ =	sdelay $0x4  }
0x5eb: {  	[tilespmem:s0+$0x1BA30] =	vst v1;
	v1 =	vld [tilespmem:s0+$0x18850];
	_ =	sdelay $0x1  }
0x5ec: {  	v0 =	vld.idx.msk [tilespmem:v0+s3+$0x0], $0xffff;
	_ =	sdelay $0x4  }
0x5ed: {  	v2 =	vld [tilespmem:s0+$0x18860];
	[tilespmem:s0+$0x1BA40] =	vst v0  }
0x5ee: {  	v0 =	vld.idx.msk [tilespmem:v1+s3+$0x0], $0xffff;
	_ =	sdelay $0x4  }
0x5ef: {  	[tilespmem:s0+$0x1BA50] =	vst v0;
	v0 =	vld [tilespmem:s0+$0x18870];
	_ =	sdelay $0x1  }
0x5f0: {  	v1 =	vld.idx.msk [tilespmem:v2+s3+$0x0], $0xffff;
	_ =	sdelay $0x3  }
0x5f1: {  	s21 =	simm.s32 $0x200;
	s2 =	simm.s32 $0x1000  }
.LBB2_70:
0x5f2: {  	p0 =	sne.s32 s2, $0xC000;
	v2 =	vld [tilespmem:s21+$0x18700];
	[tilespmem:s0+$0x1BA60] =	vst v1  }
0x5f3: {  	v0 =	vld.idx.msk [tilespmem:v0+s3+$0x0], $0xffff;
	_ =	sdelay $0x5  }
0x5f4: {  	v1 =	vld [tilespmem:s21+$0x18710];
	[tilespmem:s0+$0x1BA70] =	vst v0;
	s0 =	smov.u32 s21  }
0x5f5: {  	v0 =	vld.idx.msk [tilespmem:v2+s3+$0x0], $0xffff;
	_ =	sdelay $0x5  }
0x5f6: {  	[tilespmem:s0+$0x1B900] =	vst v0;
	v0 =	vld [tilespmem:s0+$0x18720]  }
0x5f7: {  	v1 =	vld.idx.msk [tilespmem:v1+s3+$0x0], $0xffff;
	_ =	sdelay $0x5  }
0x5f8: {  	[tilespmem:s0+$0x1B910] =	vst v1;
	v1 =	vld [tilespmem:s0+$0x18730]  }
0x5f9: {  	v0 =	vld.idx.msk [tilespmem:v0+s3+$0x0], $0xffff;
	_ =	sdelay $0x5  }
0x5fa: {  	[tilespmem:s0+$0x1B920] =	vst v0;
	v0 =	vld [tilespmem:s0+$0x18740]  }
0x5fb: {  	v1 =	vld.idx.msk [tilespmem:v1+s3+$0x0], $0xffff;
	_ =	sdelay $0x5  }
0x5fc: {  	[tilespmem:s0+$0x1B930] =	vst v1;
	v1 =	vld [tilespmem:s0+$0x18750]  }
0x5fd: {  	v0 =	vld.idx.msk [tilespmem:v0+s3+$0x0], $0xffff;
	_ =	sdelay $0x5  }
0x5fe: {  	[tilespmem:s0+$0x1B940] =	vst v0;
	v0 =	vld [tilespmem:s0+$0x18760]  }
0x5ff: {  	v1 =	vld.idx.msk [tilespmem:v1+s3+$0x0], $0xffff;
	_ =	sdelay $0x5  }
0x600: {  	[tilespmem:s0+$0x1B950] =	vst v1;
	v1 =	vld [tilespmem:s0+$0x18770]  }
0x601: {  	v0 =	vld.idx.msk [tilespmem:v0+s3+$0x0], $0xffff;
	_ =	sdelay $0x5  }
0x602: {  	[tilespmem:s0+$0x1B960] =	vst v0;
	v0 =	vld [tilespmem:s0+$0x18800]  }
0x603: {  	v1 =	vld.idx.msk [tilespmem:v1+s3+$0x0], $0xffff;
	_ =	sdelay $0x5  }
0x604: {  	[tilespmem:s0+$0x1B970] =	vst v1;
	v1 =	vld [tilespmem:s0+$0x18810]  }
0x605: {  	v0 =	vld.idx.msk [tilespmem:v0+s3+$0x0], $0xffff;
	_ =	sdelay $0x5  }
0x606: {  	[tilespmem:s0+$0x1BA00] =	vst v0;
	v0 =	vld [tilespmem:s0+$0x18820]  }
0x607: {  	v1 =	vld.idx.msk [tilespmem:v1+s3+$0x0], $0xffff;
	_ =	sdelay $0x5  }
0x608: {  	[tilespmem:s0+$0x1BA10] =	vst v1;
	v1 =	vld [tilespmem:s0+$0x18830]  }
0x609: {  	v0 =	vld.idx.msk [tilespmem:v0+s3+$0x0], $0xffff;
	_ =	sdelay $0x5  }
0x60a: {  	[tilespmem:s0+$0x1BA20] =	vst v0;
	v0 =	vld [tilespmem:s0+$0x18840]  }
0x60b: {  	v1 =	vld.idx.msk [tilespmem:v1+s3+$0x0], $0xffff;
	_ =	sdelay $0x5  }
0x60c: {  	[tilespmem:s0+$0x1BA30] =	vst v1;
	v1 =	vld [tilespmem:s0+$0x18850]  }
0x60d: {  	v0 =	vld.idx.msk [tilespmem:v0+s3+$0x0], $0xffff;
	_ =	sdelay $0x5  }
0x60e: {  	[tilespmem:s0+$0x1BA40] =	vst v0;
	v2 =	vld [tilespmem:s0+$0x18860]  }
0x60f: {  	v0 =	vld.idx.msk [tilespmem:v1+s3+$0x0], $0xffff;
	_ =	sdelay $0x5  }
0x610: {  	[tilespmem:s0+$0x1BA50] =	vst v0;
	v0 =	vld [tilespmem:s0+$0x18870]  }
0x611: {  	v1 =	vld.idx.msk [tilespmem:v2+s3+$0x0], $0xffff  }
.Ltmp34:
0x612: {  	(pc) =	sbr.rel @p0 .LBB2_70-.Ltmp34, $2  }
0x613: {  	_ =	sdelay $0x2  }
0x614: {  	s21 =	sshra.s32 s2, $0x2;
	s2 =	sadd.s32 $0x800, s2  }
0x615: {  	_ =	sdelay $0x1  }
0x616: {  	v2 =	vld [tilespmem:s21+$0x18700]  }
0x617: {  	[tilespmem:s0+$0x1BA60] =	vst v1  }
0x618: {  	v0 =	vld.idx.msk [tilespmem:v0+s3+$0x0], $0xffff;
	_ =	sdelay $0x3  }
0x619: {  	v1 =	vld [tilespmem:s21+$0x18710]  }
0x61a: {  	[tilespmem:s0+$0x1BA70] =	vst v0  }
0x61b: {  	v0 =	vld.idx.msk [tilespmem:v2+s3+$0x0], $0xffff;
	_ =	sdelay $0x3  }
0x61c: {  	v50 =	vld [tilespmem:s21+$0x18720]  }
0x61d: {  	[tilespmem:s21+$0x1B900] =	vst v0  }
0x61e: {  	v1 =	vld.idx.msk [tilespmem:v1+s3+$0x0], $0xffff;
	_ =	sdelay $0x3  }
0x61f: {  	v51 =	vld [tilespmem:s21+$0x18730]  }
0x620: {  	[tilespmem:s21+$0x1B910] =	vst v1  }
0x621: {  	v0 =	vld.idx.msk [tilespmem:v50+s3+$0x0], $0xffff;
	_ =	sdelay $0x3  }
0x622: {  	v52 =	vld [tilespmem:s21+$0x18740]  }
0x623: {  	[tilespmem:s21+$0x1B920] =	vst v0  }
0x624: {  	v1 =	vld.idx.msk [tilespmem:v51+s3+$0x0], $0xffff;
	_ =	sdelay $0x3  }
0x625: {  	v53 =	vld [tilespmem:s21+$0x18750]  }
0x626: {  	[tilespmem:s21+$0x1B930] =	vst v1  }
0x627: {  	v0 =	vld.idx.msk [tilespmem:v52+s3+$0x0], $0xffff;
	_ =	sdelay $0x3  }
0x628: {  	v54 =	vld [tilespmem:s21+$0x18760]  }
0x629: {  	[tilespmem:s21+$0x1B940] =	vst v0  }
0x62a: {  	v1 =	vld.idx.msk [tilespmem:v53+s3+$0x0], $0xffff;
	_ =	sdelay $0x3  }
0x62b: {  	v55 =	vld [tilespmem:s21+$0x18770]  }
0x62c: {  	[tilespmem:s21+$0x1B950] =	vst v1  }
0x62d: {  	v0 =	vld.idx.msk [tilespmem:v54+s3+$0x0], $0xffff;
	_ =	sdelay $0x3  }
0x62e: {  	v56 =	vld [tilespmem:s21+$0x18800]  }
0x62f: {  	[tilespmem:s21+$0x1B960] =	vst v0  }
0x630: {  	v1 =	vld.idx.msk [tilespmem:v55+s3+$0x0], $0xffff;
	_ =	sdelay $0x3  }
0x631: {  	v57 =	vld [tilespmem:s21+$0x18810]  }
0x632: {  	[tilespmem:s21+$0x1B970] =	vst v1  }
0x633: {  	v0 =	vld.idx.msk [tilespmem:v56+s3+$0x0], $0xffff;
	_ =	sdelay $0x3  }
0x634: {  	v58 =	vld [tilespmem:s21+$0x18820]  }
0x635: {  	[tilespmem:s21+$0x1BA00] =	vst v0  }
0x636: {  	v1 =	vld.idx.msk [tilespmem:v57+s3+$0x0], $0xffff;
	_ =	sdelay $0x3  }
0x637: {  	v59 =	vld [tilespmem:s21+$0x18830]  }
0x638: {  	[tilespmem:s21+$0x1BA10] =	vst v1  }
0x639: {  	v0 =	vld.idx.msk [tilespmem:v58+s3+$0x0], $0xffff;
	_ =	sdelay $0x3  }
0x63a: {  	v60 =	vld [tilespmem:s21+$0x18840]  }
0x63b: {  	[tilespmem:s21+$0x1BA20] =	vst v0  }
0x63c: {  	v1 =	vld.idx.msk [tilespmem:v59+s3+$0x0], $0xffff;
	_ =	sdelay $0x3  }
0x63d: {  	v61 =	vld [tilespmem:s21+$0x18850]  }
0x63e: {  	[tilespmem:s21+$0x1BA30] =	vst v1  }
0x63f: {  	v0 =	vld.idx.msk [tilespmem:v60+s3+$0x0], $0xffff;
	_ =	sdelay $0x3  }
0x640: {  	v62 =	vld [tilespmem:s21+$0x18860]  }
0x641: {  	[tilespmem:s21+$0x1BA40] =	vst v0  }
0x642: {  	v1 =	vld.idx.msk [tilespmem:v61+s3+$0x0], $0xffff;
	_ =	sdelay $0x3  }
0x643: {  	v63 =	vld [tilespmem:s21+$0x18870]  }
0x644: {  	[tilespmem:s21+$0x1BA50] =	vst v1  }
0x645: {  	v0 =	vld.idx.msk [tilespmem:v62+s3+$0x0], $0xffff;
	_ =	sdelay $0x4  }
0x646: {  	[tilespmem:s21+$0x1BA60] =	vst v0  }
0x647: {  	v0 =	vld.idx.msk [tilespmem:v63+s3+$0x0], $0xffff;
	_ =	sdelay $0x3  }
0x648: {  	s2 =	simm.s32 $0x80  }
0x649: {  	s15 =	sadd.s32 $0x0, s18;
	s5 =	simm.s32 $0x1BA00;
	s0 =	simm.s32 $0x1B900;
	[tilespmem:s21+$0x1BA70] =	vst v0  }
.LBB2_72:
0x64a: {  	[hbm4b:s15+s3] =	stream.linear.scatter [tilespmem:s0], [sflag:$0x3], $0x80, $0x38;
	[tilespmem:$0x1EB00] =	vst v63  }
0x64b: {  	s15 =	smov.u32 s2;
	s0 =	smov.u32 s5;
	p0 =	sne.s32 s2, $0x1880  }
.Ltmp35:
0x64c: {  	s2 =	sadd.s32 $0x80, s2;
	(pc) =	sbr.rel @p0 .LBB2_72-.Ltmp35, $2  }
0x64d: {  	_ =	sdelay $0x2  }
0x64e: {  	s5 =	sadd.s32 $0x100, s5;
	s15 =	sadd.s32 s15, s18  }
0x64f: {  	[hbm4b:s15+s3] =	stream.linear.scatter [tilespmem:s0], [sflag:$0x3], $0x80, $0x38;
	[tilespmem:$0x1EB00] =	vst v63  }
0x650: {  	_ =	swait.ge [sflag:s25], $0x1900  }
0x651: {  	[sflag:s25] =	ssyncset.done $0x0  }
0x652: {  	[sflag:s25] =	ssyncadd.s32 $0xFFFFE700  }
0x653: {  	_ =	swait.ge [sflag:s28], $0x1900  }
0x654: {  	[sflag:s28] =	ssyncset.done $0x0  }
0x655: {  	s0 =	simm.s32 $0x0;
	[sflag:s28] =	ssyncadd.s32 $0xFFFFE700  }
0x656: {  	v0 =	vld [tilespmem:s0+$0x18780];
	_ =	sdelay $0x5  }
0x657: {  	v1 =	vld [tilespmem:s0+$0x18790];
	_ =	sdelay $0x1  }
0x658: {  	v0 =	vld.idx.msk [tilespmem:v0+s3+$0x0], $0xffff;
	_ =	sdelay $0x4  }
0x659: {  	[tilespmem:s0+$0x1B980] =	vst v0;
	v0 =	vld [tilespmem:s0+$0x187A0]  }
0x65a: {  	v1 =	vld.idx.msk [tilespmem:v1+s3+$0x0], $0xffff;
	_ =	sdelay $0x4  }
0x65b: {  	[tilespmem:s0+$0x1B990] =	vst v1;
	v1 =	vld [tilespmem:s0+$0x187B0];
	_ =	sdelay $0x1  }
0x65c: {  	v0 =	vld.idx.msk [tilespmem:v0+s3+$0x0], $0xffff;
	_ =	sdelay $0x4  }
0x65d: {  	[tilespmem:s0+$0x1B9A0] =	vst v0;
	v0 =	vld [tilespmem:s0+$0x187C0]  }
0x65e: {  	v1 =	vld.idx.msk [tilespmem:v1+s3+$0x0], $0xffff;
	_ =	sdelay $0x4  }
0x65f: {  	[tilespmem:s0+$0x1B9B0] =	vst v1;
	v1 =	vld [tilespmem:s0+$0x187D0];
	_ =	sdelay $0x1  }
0x660: {  	v0 =	vld.idx.msk [tilespmem:v0+s3+$0x0], $0xffff;
	_ =	sdelay $0x4  }
0x661: {  	[tilespmem:s0+$0x1B9C0] =	vst v0;
	v0 =	vld [tilespmem:s0+$0x187E0]  }
0x662: {  	v1 =	vld.idx.msk [tilespmem:v1+s3+$0x0], $0xffff;
	_ =	sdelay $0x4  }
0x663: {  	[tilespmem:s0+$0x1B9D0] =	vst v1;
	v1 =	vld [tilespmem:s0+$0x187F0];
	_ =	sdelay $0x1  }
0x664: {  	v0 =	vld.idx.msk [tilespmem:v0+s3+$0x0], $0xffff;
	_ =	sdelay $0x4  }
0x665: {  	[tilespmem:s0+$0x1B9E0] =	vst v0;
	v0 =	vld [tilespmem:s0+$0x18880]  }
0x666: {  	v1 =	vld.idx.msk [tilespmem:v1+s3+$0x0], $0xffff;
	_ =	sdelay $0x4  }
0x667: {  	[tilespmem:s0+$0x1B9F0] =	vst v1;
	v1 =	vld [tilespmem:s0+$0x18890];
	_ =	sdelay $0x1  }
0x668: {  	v0 =	vld.idx.msk [tilespmem:v0+s3+$0x0], $0xffff;
	_ =	sdelay $0x4  }
0x669: {  	[tilespmem:s0+$0x1BA80] =	vst v0;
	v0 =	vld [tilespmem:s0+$0x188A0]  }
0x66a: {  	v1 =	vld.idx.msk [tilespmem:v1+s3+$0x0], $0xffff;
	_ =	sdelay $0x4  }
0x66b: {  	[tilespmem:s0+$0x1BA90] =	vst v1;
	v1 =	vld [tilespmem:s0+$0x188B0];
	_ =	sdelay $0x1  }
0x66c: {  	v0 =	vld.idx.msk [tilespmem:v0+s3+$0x0], $0xffff;
	_ =	sdelay $0x4  }
0x66d: {  	[tilespmem:s0+$0x1BAA0] =	vst v0;
	v0 =	vld [tilespmem:s0+$0x188C0]  }
0x66e: {  	v1 =	vld.idx.msk [tilespmem:v1+s3+$0x0], $0xffff;
	_ =	sdelay $0x4  }
0x66f: {  	[tilespmem:s0+$0x1BAB0] =	vst v1;
	v1 =	vld [tilespmem:s0+$0x188D0];
	_ =	sdelay $0x1  }
0x670: {  	v0 =	vld.idx.msk [tilespmem:v0+s3+$0x0], $0xffff;
	_ =	sdelay $0x4  }
0x671: {  	v2 =	vld [tilespmem:s0+$0x188E0];
	[tilespmem:s0+$0x1BAC0] =	vst v0  }
0x672: {  	v0 =	vld.idx.msk [tilespmem:v1+s3+$0x0], $0xffff;
	_ =	sdelay $0x4  }
0x673: {  	[tilespmem:s0+$0x1BAD0] =	vst v0;
	v0 =	vld [tilespmem:s0+$0x188F0];
	_ =	sdelay $0x1  }
0x674: {  	v1 =	vld.idx.msk [tilespmem:v2+s3+$0x0], $0xffff;
	_ =	sdelay $0x3  }
0x675: {  	s21 =	simm.s32 $0x200;
	s2 =	simm.s32 $0x1000  }
.LBB2_74:
0x676: {  	p0 =	sne.s32 s2, $0xC000;
	v2 =	vld [tilespmem:s21+$0x18780];
	[tilespmem:s0+$0x1BAE0] =	vst v1  }
0x677: {  	v0 =	vld.idx.msk [tilespmem:v0+s3+$0x0], $0xffff;
	_ =	sdelay $0x5  }
0x678: {  	v1 =	vld [tilespmem:s21+$0x18790];
	[tilespmem:s0+$0x1BAF0] =	vst v0;
	s0 =	smov.u32 s21  }
0x679: {  	v0 =	vld.idx.msk [tilespmem:v2+s3+$0x0], $0xffff;
	_ =	sdelay $0x5  }
0x67a: {  	[tilespmem:s0+$0x1B980] =	vst v0;
	v0 =	vld [tilespmem:s0+$0x187A0]  }
0x67b: {  	v1 =	vld.idx.msk [tilespmem:v1+s3+$0x0], $0xffff;
	_ =	sdelay $0x5  }
0x67c: {  	[tilespmem:s0+$0x1B990] =	vst v1;
	v1 =	vld [tilespmem:s0+$0x187B0]  }
0x67d: {  	v0 =	vld.idx.msk [tilespmem:v0+s3+$0x0], $0xffff;
	_ =	sdelay $0x5  }
0x67e: {  	[tilespmem:s0+$0x1B9A0] =	vst v0;
	v0 =	vld [tilespmem:s0+$0x187C0]  }
0x67f: {  	v1 =	vld.idx.msk [tilespmem:v1+s3+$0x0], $0xffff;
	_ =	sdelay $0x5  }
0x680: {  	[tilespmem:s0+$0x1B9B0] =	vst v1;
	v1 =	vld [tilespmem:s0+$0x187D0]  }
0x681: {  	v0 =	vld.idx.msk [tilespmem:v0+s3+$0x0], $0xffff;
	_ =	sdelay $0x5  }
0x682: {  	[tilespmem:s0+$0x1B9C0] =	vst v0;
	v0 =	vld [tilespmem:s0+$0x187E0]  }
0x683: {  	v1 =	vld.idx.msk [tilespmem:v1+s3+$0x0], $0xffff;
	_ =	sdelay $0x5  }
0x684: {  	[tilespmem:s0+$0x1B9D0] =	vst v1;
	v1 =	vld [tilespmem:s0+$0x187F0]  }
0x685: {  	v0 =	vld.idx.msk [tilespmem:v0+s3+$0x0], $0xffff;
	_ =	sdelay $0x5  }
0x686: {  	[tilespmem:s0+$0x1B9E0] =	vst v0;
	v0 =	vld [tilespmem:s0+$0x18880]  }
0x687: {  	v1 =	vld.idx.msk [tilespmem:v1+s3+$0x0], $0xffff;
	_ =	sdelay $0x5  }
0x688: {  	[tilespmem:s0+$0x1B9F0] =	vst v1;
	v1 =	vld [tilespmem:s0+$0x18890]  }
0x689: {  	v0 =	vld.idx.msk [tilespmem:v0+s3+$0x0], $0xffff;
	_ =	sdelay $0x5  }
0x68a: {  	[tilespmem:s0+$0x1BA80] =	vst v0;
	v0 =	vld [tilespmem:s0+$0x188A0]  }
0x68b: {  	v1 =	vld.idx.msk [tilespmem:v1+s3+$0x0], $0xffff;
	_ =	sdelay $0x5  }
0x68c: {  	[tilespmem:s0+$0x1BA90] =	vst v1;
	v1 =	vld [tilespmem:s0+$0x188B0]  }
0x68d: {  	v0 =	vld.idx.msk [tilespmem:v0+s3+$0x0], $0xffff;
	_ =	sdelay $0x5  }
0x68e: {  	[tilespmem:s0+$0x1BAA0] =	vst v0;
	v0 =	vld [tilespmem:s0+$0x188C0]  }
0x68f: {  	v1 =	vld.idx.msk [tilespmem:v1+s3+$0x0], $0xffff;
	_ =	sdelay $0x5  }
0x690: {  	[tilespmem:s0+$0x1BAB0] =	vst v1;
	v1 =	vld [tilespmem:s0+$0x188D0]  }
0x691: {  	v0 =	vld.idx.msk [tilespmem:v0+s3+$0x0], $0xffff;
	_ =	sdelay $0x5  }
0x692: {  	[tilespmem:s0+$0x1BAC0] =	vst v0;
	v2 =	vld [tilespmem:s0+$0x188E0]  }
0x693: {  	v0 =	vld.idx.msk [tilespmem:v1+s3+$0x0], $0xffff;
	_ =	sdelay $0x5  }
0x694: {  	[tilespmem:s0+$0x1BAD0] =	vst v0;
	v0 =	vld [tilespmem:s0+$0x188F0]  }
0x695: {  	v1 =	vld.idx.msk [tilespmem:v2+s3+$0x0], $0xffff  }
.Ltmp36:
0x696: {  	(pc) =	sbr.rel @p0 .LBB2_74-.Ltmp36, $2  }
0x697: {  	_ =	sdelay $0x2  }
0x698: {  	s21 =	sshra.s32 s2, $0x2;
	s2 =	sadd.s32 $0x800, s2  }
0x699: {  	_ =	sdelay $0x1  }
0x69a: {  	v2 =	vld [tilespmem:s21+$0x18780]  }
0x69b: {  	[tilespmem:s0+$0x1BAE0] =	vst v1  }
0x69c: {  	v0 =	vld.idx.msk [tilespmem:v0+s3+$0x0], $0xffff;
	_ =	sdelay $0x3  }
0x69d: {  	v1 =	vld [tilespmem:s21+$0x18790]  }
0x69e: {  	[tilespmem:s0+$0x1BAF0] =	vst v0  }
0x69f: {  	v0 =	vld.idx.msk [tilespmem:v2+s3+$0x0], $0xffff;
	_ =	sdelay $0x3  }
0x6a0: {  	v50 =	vld [tilespmem:s21+$0x187A0]  }
0x6a1: {  	[tilespmem:s21+$0x1B980] =	vst v0  }
0x6a2: {  	v1 =	vld.idx.msk [tilespmem:v1+s3+$0x0], $0xffff;
	_ =	sdelay $0x3  }
0x6a3: {  	v51 =	vld [tilespmem:s21+$0x187B0]  }
0x6a4: {  	[tilespmem:s21+$0x1B990] =	vst v1  }
0x6a5: {  	v0 =	vld.idx.msk [tilespmem:v50+s3+$0x0], $0xffff;
	_ =	sdelay $0x3  }
0x6a6: {  	v52 =	vld [tilespmem:s21+$0x187C0]  }
0x6a7: {  	[tilespmem:s21+$0x1B9A0] =	vst v0  }
0x6a8: {  	v1 =	vld.idx.msk [tilespmem:v51+s3+$0x0], $0xffff;
	_ =	sdelay $0x3  }
0x6a9: {  	v53 =	vld [tilespmem:s21+$0x187D0]  }
0x6aa: {  	[tilespmem:s21+$0x1B9B0] =	vst v1  }
0x6ab: {  	v0 =	vld.idx.msk [tilespmem:v52+s3+$0x0], $0xffff;
	_ =	sdelay $0x3  }
0x6ac: {  	v54 =	vld [tilespmem:s21+$0x187E0]  }
0x6ad: {  	[tilespmem:s21+$0x1B9C0] =	vst v0  }
0x6ae: {  	v1 =	vld.idx.msk [tilespmem:v53+s3+$0x0], $0xffff;
	_ =	sdelay $0x3  }
0x6af: {  	v55 =	vld [tilespmem:s21+$0x187F0]  }
0x6b0: {  	[tilespmem:s21+$0x1B9D0] =	vst v1  }
0x6b1: {  	v0 =	vld.idx.msk [tilespmem:v54+s3+$0x0], $0xffff;
	_ =	sdelay $0x3  }
0x6b2: {  	v56 =	vld [tilespmem:s21+$0x18880]  }
0x6b3: {  	[tilespmem:s21+$0x1B9E0] =	vst v0  }
0x6b4: {  	v1 =	vld.idx.msk [tilespmem:v55+s3+$0x0], $0xffff;
	_ =	sdelay $0x3  }
0x6b5: {  	v57 =	vld [tilespmem:s21+$0x18890]  }
0x6b6: {  	[tilespmem:s21+$0x1B9F0] =	vst v1  }
0x6b7: {  	v0 =	vld.idx.msk [tilespmem:v56+s3+$0x0], $0xffff;
	_ =	sdelay $0x3  }
0x6b8: {  	v58 =	vld [tilespmem:s21+$0x188A0]  }
0x6b9: {  	[tilespmem:s21+$0x1BA80] =	vst v0  }
0x6ba: {  	v1 =	vld.idx.msk [tilespmem:v57+s3+$0x0], $0xffff;
	_ =	sdelay $0x3  }
0x6bb: {  	v59 =	vld [tilespmem:s21+$0x188B0]  }
0x6bc: {  	[tilespmem:s21+$0x1BA90] =	vst v1  }
0x6bd: {  	v0 =	vld.idx.msk [tilespmem:v58+s3+$0x0], $0xffff;
	_ =	sdelay $0x3  }
0x6be: {  	v60 =	vld [tilespmem:s21+$0x188C0]  }
0x6bf: {  	[tilespmem:s21+$0x1BAA0] =	vst v0  }
0x6c0: {  	v1 =	vld.idx.msk [tilespmem:v59+s3+$0x0], $0xffff;
	_ =	sdelay $0x3  }
0x6c1: {  	v61 =	vld [tilespmem:s21+$0x188D0]  }
0x6c2: {  	[tilespmem:s21+$0x1BAB0] =	vst v1  }
0x6c3: {  	v0 =	vld.idx.msk [tilespmem:v60+s3+$0x0], $0xffff;
	_ =	sdelay $0x3  }
0x6c4: {  	v62 =	vld [tilespmem:s21+$0x188E0]  }
0x6c5: {  	[tilespmem:s21+$0x1BAC0] =	vst v0  }
0x6c6: {  	v1 =	vld.idx.msk [tilespmem:v61+s3+$0x0], $0xffff;
	_ =	sdelay $0x3  }
0x6c7: {  	v63 =	vld [tilespmem:s21+$0x188F0]  }
0x6c8: {  	[tilespmem:s21+$0x1BAD0] =	vst v1  }
0x6c9: {  	v0 =	vld.idx.msk [tilespmem:v62+s3+$0x0], $0xffff;
	_ =	sdelay $0x4  }
0x6ca: {  	[tilespmem:s21+$0x1BAE0] =	vst v0  }
0x6cb: {  	v0 =	vld.idx.msk [tilespmem:v63+s3+$0x0], $0xffff;
	_ =	sdelay $0x3  }
0x6cc: {  	s2 =	simm.s32 $0x80  }
0x6cd: {  	s15 =	sadd.s32 $0x0, s19;
	s5 =	simm.s32 $0x1BA80;
	s0 =	simm.s32 $0x1B980;
	[tilespmem:s21+$0x1BAF0] =	vst v0  }
.LBB2_76:
0x6ce: {  	[hbm4b:s15+s3] =	stream.linear.scatter [tilespmem:s0], [sflag:$0x4], $0x80, $0x38;
	[tilespmem:$0x1EB00] =	vst v63  }
0x6cf: {  	s15 =	smov.u32 s2;
	s0 =	smov.u32 s5;
	p0 =	sne.s32 s2, $0x1880  }
.Ltmp37:
0x6d0: {  	s2 =	sadd.s32 $0x80, s2;
	(pc) =	sbr.rel @p0 .LBB2_76-.Ltmp37, $2  }
0x6d1: {  	_ =	sdelay $0x2  }
0x6d2: {  	s5 =	sadd.s32 $0x100, s5;
	s15 =	sadd.s32 s15, s19  }
0x6d3: {  	[hbm4b:s15+s3] =	stream.linear.scatter [tilespmem:s0], [sflag:$0x4], $0x80, $0x38;
	[tilespmem:$0x1EB00] =	vst v63  }
0x6d4: {  	s29 =	sadd.s32 $0x1, s29  }
0x6d5: {  	_ =	swait.ge [sflag:s26], $0x1900;
	p0 =	sne.s32 s29, s20  }
.Ltmp38:
0x6d6: {  	[sflag:s26] =	ssyncset.done $0x0;
	(pc) =	sbr.rel @p0 .LBB2_1-.Ltmp38, $4  }
0x6d7: {  	[sflag:s26] =	ssyncadd.s32 $0xFFFFE700  }
0x6d8: {  	_ =	swait.ge [sflag:s28], $0x1900  }
0x6d9: {  	[sflag:s28] =	ssyncset.done $0x0  }
0x6da: {  	[sflag:s28] =	ssyncadd.s32 $0xFFFFE700  }
0x6db: {  	_ =	sfence.sel $0x180000  }
0x6dc: {  	[bflag:$0x0] =	sbarrier.arrive $0xFFFF  }
0x6dd: {  	_ =	strace $0x90000047  }
0x6de: {  	s0 =	stileid.u32;
	[bflag:$0x2] =	sbarrier.arrive $0xFFFF  }
0x6df: {  	p0 =	sne.s32 s0, $0x0;
	s0 =	rddreg [dreg:$0x3]  }
0x6e0: {  	s0 =	sadd.s32 @!p0 $0x100000, s0  }
0x6e1: {  	[sflag:s0] =	ssyncadd.tile.s32 @!p0 $0x1;
	_ =	shalt  }
.Lfunc_end2:
_tile_overlayer_lowered:
.L_overlay_start_2:
0x6e2: {  	(tag) =	ssettag $0x2  }
0x6e3: {  	s0 =	rddreg [dreg:$0x0];
	s2 =	stileid.u32  }
0x6e4: {  	s1 =	rddreg [dreg:$0x1];
	p0 =	sne.s32 s2, $0x0  }
0x6e5: {  	s3 =	rddreg [dreg:$0x2];
	[bflag:$0x3] =	sbarrier.arrive $0xFFFF;
	s2 =	simm.s32 @!p0 $0x1C05  }
0x6e6: {  	[timem:s3], [sflag:s2] =	dma.local @!p0 [hbm:s0], s1  }
0x6e7: {  	s0 =	simm.s32 @!p0 $0x5  }
0x6e8: {  	_ =	swait.ge @!p0 [sflag:s0], s1  }
0x6e9: {  	s1 =	ssub.s32 @!p0 $0x0, s1;
	[sflag:s0] =	ssyncset.done @!p0 $0x0  }
0x6ea: {  	[sflag:s0] =	ssyncadd.s32 @!p0 s1  }
0x6eb: {  	[bflag:$0x3] =	sbarrier.arrive $0xFFFF  }
0x6ec: {  	_ =	shalt  }

</sc_bundles>
